<compile_context>
chip_gen: v7x
topology: tpu7x:2x2x1
jax: 0.10.2.dev20260603
libtpu: 0.0.44.dev20260713+nightly
codegen_flags: <defaults>
</compile_context>

<pallas_src>
import functools

import jax
import jax.numpy as jnp
from jax import lax
from jax.experimental import pallas as pl
from jax.experimental.pallas import tpu as pltpu
from jax.experimental.pallas import tpu_sc as plsc

_C = 19
_B, _H, _W = 8, 512, 512
_N = _B * _H * _W
_K = _N // 4

_NC, _NS, _L = 2, 16, 16
_NW = _NC * _NS
_PER_TILE = _N // _NW
_CHUNK = 16384

_ROUNDS = (
    dict(nbins=2048, bshift=21, bits=11, pshift=None, valshift=None),
    dict(nbins=2048, bshift=10, bits=11, pshift=21, valshift=10),
    dict(nbins=1024, bshift=0, bits=10, pshift=10, valshift=0),
)


_HB = 256


def _ce_body(lg_ref, tg_ref, out_ref):
    x = lg_ref[0]
    t = tg_ref[0]
    s = jnp.exp(x[0])
    xt = jnp.where(t == 0, x[0], 0.0)
    for c in range(1, _C):
        s = s + jnp.exp(x[c])
        xt = jnp.where(t == c, x[c], xt)
    out_ref[...] = jnp.maximum(jnp.log(s) - xt, 0.0).reshape(_HB * _W)


def _ce_loss(logits, targets):
    grid = (_B, _H // _HB)
    return pl.pallas_call(
        _ce_body,
        grid=grid,
        in_specs=[
            pl.BlockSpec((1, _C, _HB, _W), lambda b, h: (b, 0, h, 0)),
            pl.BlockSpec((1, _HB, _W), lambda b, h: (b, h, 0)),
        ],
        out_specs=pl.BlockSpec((_HB * _W,),
                               lambda b, h: (b * (_H // _HB) + h,)),
        out_shape=jax.ShapeDtypeStruct((_N,), jnp.float32),
    )(logits, targets)


def _hist_round(nbins, bshift, pshift, with_sum):
    mesh = plsc.VectorSubcoreMesh(core_axis_name="c", subcore_axis_name="s")
    masked = pshift is not None

    def body(*refs):
        refs = list(refs)
        loss_hbm = refs.pop(0)
        st_hbm = refs.pop(0) if masked else None
        cnt_out = refs.pop(0)
        sum_out = refs.pop(0) if with_sum else None
        buf = refs.pop(0)
        cnth = refs.pop(0)
        sumh = refs.pop(0) if with_sum else None
        fcnt = refs.pop(0)
        fsum = refs.pop(0) if with_sum else None
        sems = refs.pop(0)
        stv = refs.pop(0) if masked else None

        wid = lax.axis_index("s") * _NC + lax.axis_index("c")
        base = wid * _PER_TILE
        if masked:
            pltpu.sync_copy(st_hbm, stv)
            prefix = stv[pl.ds(0, 16)][0]
        lane = lax.iota(jnp.int32, 16)
        zi = jnp.zeros((16,), jnp.int32)
        zf = jnp.zeros((16,), jnp.float32)
        ones = jnp.ones((16,), jnp.int32)

        def zero_body(i, _):
            for t in range(8):
                cnth[pl.ds(i * 128 + t * 16, 16)] = zi
                if with_sum:
                    sumh[pl.ds(i * 128 + t * 16, 16)] = zf
            return 0
        lax.fori_loop(0, nbins // 8, zero_body, 0)

        nbuf = _PER_TILE // _CHUNK

        def start_copy(cix, slot):
            pltpu.async_copy(
                loss_hbm.at[pl.ds(base + cix * _CHUNK, _CHUNK)],
                buf.at[slot], sems.at[slot])

        start_copy(0, 0)
        start_copy(1, 1)

        def chunk_body(cix, _):
            slot = lax.rem(cix, 2)
            pltpu.make_async_copy(loss_hbm.at[pl.ds(0, _CHUNK)],
                                  buf.at[slot], sems.at[slot]).wait()

            def inner(i, _):
                vs = [buf[slot, pl.ds(i * 128 + t * 16, 16)]
                      for t in range(8)]
                us = [plsc.bitcast(v, jnp.int32) for v in vs]
                idxs = [(jnp.right_shift(u, bshift) & (nbins - 1)) * 16 + lane
                        for u in us]
                if masked:
                    pms = [jnp.right_shift(u, pshift) == prefix for u in us]
                    for t in range(8):
                        plsc.addupdate_scatter(cnth, [idxs[t]], ones,
                                               mask=pms[t])
                        if with_sum:
                            plsc.addupdate_scatter(sumh, [idxs[t]], vs[t],
                                                   mask=pms[t])
                else:
                    for t in range(8):
                        plsc.addupdate_scatter(cnth, [idxs[t]], ones)
                        if with_sum:
                            plsc.addupdate_scatter(sumh, [idxs[t]], vs[t])
                return 0
            lax.fori_loop(0, _CHUNK // 128, inner, 0)

            @pl.when(cix + 2 < nbuf)
            def _():
                start_copy(cix + 2, slot)
            return 0
        lax.fori_loop(0, nbuf, chunk_body, 0)

        def fold_body(j, _):
            gbase = (j * 16 + lane) * 16
            acc_i = plsc.load_gather(cnth, [gbase])
            acc_f = plsc.load_gather(sumh, [gbase]) if with_sum else None
            for u in range(1, 16):
                acc_i = acc_i + plsc.load_gather(cnth, [gbase + u])
                if with_sum:
                    acc_f = acc_f + plsc.load_gather(sumh, [gbase + u])
            fcnt[pl.ds(j * 16, 16)] = acc_i
            if with_sum:
                fsum[pl.ds(j * 16, 16)] = acc_f
            return 0
        lax.fori_loop(0, nbins // 16, fold_body, 0)
        pltpu.sync_copy(fcnt, cnt_out.at[wid])
        if with_sum:
            pltpu.sync_copy(fsum, sum_out.at[wid])

    scratch = [pltpu.VMEM((2, _CHUNK), jnp.float32),
               pltpu.VMEM((16 * nbins,), jnp.int32)]
    if with_sum:
        scratch.append(pltpu.VMEM((16 * nbins,), jnp.float32))
    scratch.append(pltpu.VMEM((nbins,), jnp.int32))
    if with_sum:
        scratch.append(pltpu.VMEM((nbins,), jnp.float32))
    scratch.append(pltpu.SemaphoreType.DMA((2,)))
    if masked:
        scratch.append(pltpu.VMEM((128,), jnp.int32))

    out_type = [jax.ShapeDtypeStruct((_NW, nbins), jnp.int32)]
    if with_sum:
        out_type.append(jax.ShapeDtypeStruct((_NW, nbins), jnp.float32))
    return pl.kernel(
        body,
        out_type=tuple(out_type) if with_sum else out_type[0],
        mesh=mesh,
        scratch_types=scratch,
        compiler_params=pltpu.CompilerParams(needs_layout_passes=False),
    )


def _find_round(nbins, bits, last, valshift):

    nrow = nbins // 128
    with_sum = valshift is None

    def body(*refs):
        if with_sum:
            cnt_ref, sum_ref, si_ref, sf_ref, so_i, so_f = refs
        else:
            cnt_ref, si_ref, sf_ref, so_i, so_f = refs

        prefix = si_ref[0, 0]
        k_rem = si_ref[0, 1]
        a_acc = si_ref[0, 2]
        s_acc = sf_ref[0, 0]

        c2 = jnp.sum(cnt_ref[...], axis=0, keepdims=True).astype(jnp.float32)
        cb = jnp.concatenate(
            [c2[:, r * 128:(r + 1) * 128] for r in range(nrow)], axis=0)
        fiota = (lax.broadcasted_iota(jnp.int32, (nrow, 128), 0) * 128
                 + lax.broadcasted_iota(jnp.int32, (nrow, 128), 1))
        if with_sum:
            s2 = jnp.sum(sum_ref[...], axis=0, keepdims=True)
            sb = jnp.concatenate(
                [s2[:, r * 128:(r + 1) * 128] for r in range(nrow)], axis=0)
        else:
            ubits = jnp.left_shift(
                jnp.bitwise_or(jnp.left_shift(prefix, bits), fiota), valshift)
            sb = cb * lax.bitcast_convert_type(ubits, jnp.float32)
        rr = lax.broadcasted_iota(jnp.int32, (nrow, nrow), 0)
        rc = lax.broadcasted_iota(jnp.int32, (nrow, nrow), 1)
        upr = (rc > rr).astype(jnp.float32)
        jr = lax.broadcasted_iota(jnp.int32, (128, 128), 0)
        jc = lax.broadcasted_iota(jnp.int32, (128, 128), 1)
        vlow = (jr > jc).astype(jnp.float32)
        row_above_c = jnp.dot(upr, jnp.sum(cb, axis=1, keepdims=True),
                              precision=lax.Precision.HIGHEST,
                              preferred_element_type=jnp.float32)
        row_above_s = jnp.dot(upr, jnp.sum(sb, axis=1, keepdims=True),
                              precision=lax.Precision.HIGHEST,
                              preferred_element_type=jnp.float32)
        above_c = row_above_c + jnp.dot(cb, vlow,
                                        precision=lax.Precision.HIGHEST,
                                        preferred_element_type=jnp.float32)
        above_s = row_above_s + jnp.dot(sb, vlow,
                                        precision=lax.Precision.HIGHEST,
                                        preferred_element_type=jnp.float32)

        k_rem_f = k_rem.astype(jnp.float32)
        mask = above_c < k_rem_f
        b_star = nbins - jnp.sum(mask.astype(jnp.int32))
        sel = (fiota == b_star).astype(jnp.float32)
        a_con = jnp.sum(sel * above_c).astype(jnp.int32)
        s_con = jnp.sum(sel * above_s)

        new_prefix = jnp.left_shift(prefix, bits) | b_star
        new_k = k_rem - a_con
        new_a = a_acc + a_con
        new_s = s_acc + s_con

        li = lax.broadcasted_iota(jnp.int32, (1, 128), 1)
        oi = jnp.where(li == 0, new_prefix,
                       jnp.where(li == 1, new_k,
                                 jnp.where(li == 2, new_a, 0)))
        so_i[...] = oi
        if last:
            tau = lax.bitcast_convert_type(new_prefix, jnp.float32)
            res = (new_s + tau * new_k.astype(jnp.float32)) / float(_K)
            so_f[...] = jnp.where(li == 0, res, 0.0)
        else:
            so_f[...] = jnp.where(li == 0, new_s, 0.0)

    return pl.pallas_call(
        body,
        out_shape=(jax.ShapeDtypeStruct((1, 128), jnp.int32),
                   jax.ShapeDtypeStruct((1, 128), jnp.float32)),
    )


def kernel(logits, targets):
    loss = _ce_loss(logits, targets)

    si = jnp.zeros((1, 128), jnp.int32).at[0, 1].set(_K)
    sf = jnp.zeros((1, 128), jnp.float32)
    for r, cfg in enumerate(_ROUNDS):
        with_sum = cfg["valshift"] is None
        hk = _hist_round(cfg["nbins"], cfg["bshift"], cfg["pshift"], with_sum)
        if cfg["pshift"] is None:
            hout = hk(loss)
        else:
            hout = hk(loss, si.reshape(128))
        hists = hout if with_sum else (hout,)
        si, sf = _find_round(cfg["nbins"], cfg["bits"],
                             last=(r == len(_ROUNDS) - 1),
                             valshift=cfg["valshift"])(*hists, si, sf)
    return sf[0, 0]

# --- scband reference (transcript-rebuilt; emitter-appended) ---
"""Pipeline reference for scband-ohemloss-22531398435108 (READ-ONLY COPY).

The authoritative reference and input builder live on the scoring server;
editing this copy changes nothing except your own understanding.
"""

import jax, jax.numpy as jnp
import numpy as np

NUM_CLASSES = 19
IGNORE_INDEX = 255
TOPK = 0.25


def setup_inputs(seed: int = 0) -> dict:
    key = jax.random.key(seed)
    k1, k2 = jax.random.split(key)
    logits = jax.random.normal(k1, (8, NUM_CLASSES, 512, 512), dtype=jnp.float32)
    targets = jax.random.randint(k2, (8, 512, 512), 0, NUM_CLASSES, dtype=jnp.int32)
    return {"logits": logits, "targets": targets}


def reference(logits, targets):
    C = NUM_CLASSES
    # B,C,H,W -> B,H,W,C -> (-1, C)
    l = jnp.transpose(logits, (0, 2, 3, 1)).reshape(-1, C)
    t = targets.reshape(-1)
    valid_mask = t != IGNORE_INDEX
    # per-pixel cross entropy (reduction='none')
    logp = jax.nn.log_softmax(l, axis=-1)
    t_safe = jnp.where(valid_mask, t, 0)
    pixel_loss = -jnp.take_along_axis(logp, t_safe[:, None].astype(jnp.int32), axis=1)[:, 0]
    # masked-out (ignored) pixels are excluded from top-k by setting loss to -inf;
    # with targets in [0, NUM_CLASSES) all pixels are valid, so n_valid == total.
    pixel_loss = jnp.where(valid_mask, pixel_loss, -jnp.inf)
    n_valid = l.shape[0]
    k = int(TOPK * n_valid)
    topk_loss, _ = jax.lax.top_k(pixel_loss, k)
    return jnp.mean(topk_loss)

if __name__ == "__main__":
    import jax
    _d = setup_inputs()
    print(jax.jit(kernel)(*tuple(_d.values())))

</pallas_src>

<mosaic_0001>
#map = affine_map<(d0, d1) -> (0)>
#map1 = affine_map<(d0, d1) -> (0, 0)>
module attributes {stable_mosaic.version = 14 : i64} {
  func.func @body(%arg0: i32, %arg1: i32, %arg2: memref<2097152xf32, #tpu.memory_space<hbm>>, %arg3: memref<128xi32, #tpu.memory_space<hbm>>, %arg4: memref<32x1024xi32, #tpu.memory_space<hbm>>, %arg5: memref<2x16384xf32, #tpu.memory_space<vmem>>, %arg6: memref<16384xi32, #tpu.memory_space<vmem>>, %arg7: memref<1024xi32, #tpu.memory_space<vmem>>, %arg8: memref<2x!tpu.dma_semaphore, #tpu.memory_space<semaphore_mem>>, %arg9: memref<128xi32, #tpu.memory_space<vmem>>) attributes {dimension_semantics = [#tpu.dimension_semantics<core_parallel>, #tpu.dimension_semantics<subcore_parallel>], iteration_bounds = array<i64: 2, 16>, scalar_prefetch = 0 : i64, scratch_operands = 5 : i64, tpu.core_type = #tpu.core_type<sc_vector_subcore>, window_params = [{transform_indices = #map}, {transform_indices = #map}, {transform_indices = #map1}]} {
    %mul3A = arith.constant 2 : i32
    %mul3A_0 = arith.muli %arg1, %mul3A : i32
    %add3A = arith.addi %mul3A_0, %arg0 : i32
    %mul3A_1 = arith.constant 65536 : i32
    %mul3A_2 = arith.muli %add3A, %mul3A_1 : i32
    "tpu.region"() ({
      %run_scoped3A = tpu.sem_alloc : memref<!tpu.dma_semaphore, #tpu.memory_space<semaphore_mem>>
      tpu.enqueue_dma source(%arg3 : memref<128xi32, #tpu.memory_space<hbm>>) target(%arg9 : memref<128xi32, #tpu.memory_space<vmem>>) target_semaphore(%run_scoped3A : memref<!tpu.dma_semaphore, #tpu.memory_space<semaphore_mem>>)
      tpu.wait_dma2 semaphore(%run_scoped3A : memref<!tpu.dma_semaphore, #tpu.memory_space<semaphore_mem>>) src(%arg3 : memref<128xi32, #tpu.memory_space<hbm>>) dst(%arg9 : memref<128xi32, #tpu.memory_space<vmem>>)
      tpu.yield
    }) : () -> ()
    %get3A = arith.constant 0 : index
    %get3A_3 = tpu.vector_load %arg9[%get3A] {strides = array<i32>} : memref<128xi32, #tpu.memory_space<vmem>>, vector<16xi32>,
    %slice3A = vector.extract_strided_slice %get3A_3 {offsets = [0], sizes = [1], strides = [1]} : vector<16xi32> to vector<1xi32>
    %squeeze3A = vector.extract %slice3A[0] : i32 from vector<1xi32>
    %iota3A = tpu.iota {dimensions = array<i32: 0>} : vector<16xi32>
    %broadcast_in_dim3A = arith.constant 0 : i32
    %broadcast_in_dim3A_4 = vector.broadcast %broadcast_in_dim3A : i32 to vector<16xi32>
    %broadcast_in_dim3A_5 = arith.constant 0.000000e+00 : f32
    %broadcast_in_dim3A_6 = vector.broadcast %broadcast_in_dim3A_5 : f32 to vector<16xf32>
    %broadcast_in_dim3A_7 = arith.constant 1 : i32
    %broadcast_in_dim3A_8 = vector.broadcast %broadcast_in_dim3A_7 : i32 to vector<16xi32>
    %scan3A = arith.constant 0 : i32
    %scan3A_9 = arith.constant 0 : i32
    %scan3A_10 = arith.constant 128 : i32
    %scan3A_11 = arith.addi %scan3A_9, %scan3A_10 : i32
    %scan3A_12 = arith.constant 1 : i32
    %scan3A_13 = scf.for %scan3A_56 = %scan3A_9 to %scan3A_11 step %scan3A_12 iter_args(%scan3A_57 = %scan3A) -> (i32)  : i32 {
      %mul3A_58 = arith.constant 128 : i32
      %mul3A_59 = arith.muli %scan3A_56, %mul3A_58 : i32
      %add3A_60 = arith.constant 0 : i32
      %add3A_61 = arith.addi %mul3A_59, %add3A_60 : i32
      %swap3A = arith.index_cast %add3A_61 : i32 to index
      %swap3A_62 = tpu.vector_load %arg6[%swap3A] {strides = array<i32>} : memref<16384xi32, #tpu.memory_space<vmem>>, vector<16xi32>,
      tpu.vector_store %arg6[%swap3A], %broadcast_in_dim3A_4 {strides = array<i32>} : memref<16384xi32, #tpu.memory_space<vmem>>, vector<16xi32>,
      %mul3A_63 = arith.constant 128 : i32
      %mul3A_64 = arith.muli %scan3A_56, %mul3A_63 : i32
      %add3A_65 = arith.constant 16 : i32
      %add3A_66 = arith.addi %mul3A_64, %add3A_65 : i32
      %swap3A_67 = arith.index_cast %add3A_66 : i32 to index
      %swap3A_68 = tpu.vector_load %arg6[%swap3A_67] {strides = array<i32>} : memref<16384xi32, #tpu.memory_space<vmem>>, vector<16xi32>,
      tpu.vector_store %arg6[%swap3A_67], %broadcast_in_dim3A_4 {strides = array<i32>} : memref<16384xi32, #tpu.memory_space<vmem>>, vector<16xi32>,
      %mul3A_69 = arith.constant 128 : i32
      %mul3A_70 = arith.muli %scan3A_56, %mul3A_69 : i32
      %add3A_71 = arith.constant 32 : i32
      %add3A_72 = arith.addi %mul3A_70, %add3A_71 : i32
      %swap3A_73 = arith.index_cast %add3A_72 : i32 to index
      %swap3A_74 = tpu.vector_load %arg6[%swap3A_73] {strides = array<i32>} : memref<16384xi32, #tpu.memory_space<vmem>>, vector<16xi32>,
      tpu.vector_store %arg6[%swap3A_73], %broadcast_in_dim3A_4 {strides = array<i32>} : memref<16384xi32, #tpu.memory_space<vmem>>, vector<16xi32>,
      %mul3A_75 = arith.constant 128 : i32
      %mul3A_76 = arith.muli %scan3A_56, %mul3A_75 : i32
      %add3A_77 = arith.constant 48 : i32
      %add3A_78 = arith.addi %mul3A_76, %add3A_77 : i32
      %swap3A_79 = arith.index_cast %add3A_78 : i32 to index
      %swap3A_80 = tpu.vector_load %arg6[%swap3A_79] {strides = array<i32>} : memref<16384xi32, #tpu.memory_space<vmem>>, vector<16xi32>,
      tpu.vector_store %arg6[%swap3A_79], %broadcast_in_dim3A_4 {strides = array<i32>} : memref<16384xi32, #tpu.memory_space<vmem>>, vector<16xi32>,
      %mul3A_81 = arith.constant 128 : i32
      %mul3A_82 = arith.muli %scan3A_56, %mul3A_81 : i32
      %add3A_83 = arith.constant 64 : i32
      %add3A_84 = arith.addi %mul3A_82, %add3A_83 : i32
      %swap3A_85 = arith.index_cast %add3A_84 : i32 to index
      %swap3A_86 = tpu.vector_load %arg6[%swap3A_85] {strides = array<i32>} : memref<16384xi32, #tpu.memory_space<vmem>>, vector<16xi32>,
      tpu.vector_store %arg6[%swap3A_85], %broadcast_in_dim3A_4 {strides = array<i32>} : memref<16384xi32, #tpu.memory_space<vmem>>, vector<16xi32>,
      %mul3A_87 = arith.constant 128 : i32
      %mul3A_88 = arith.muli %scan3A_56, %mul3A_87 : i32
      %add3A_89 = arith.constant 80 : i32
      %add3A_90 = arith.addi %mul3A_88, %add3A_89 : i32
      %swap3A_91 = arith.index_cast %add3A_90 : i32 to index
      %swap3A_92 = tpu.vector_load %arg6[%swap3A_91] {strides = array<i32>} : memref<16384xi32, #tpu.memory_space<vmem>>, vector<16xi32>,
      tpu.vector_store %arg6[%swap3A_91], %broadcast_in_dim3A_4 {strides = array<i32>} : memref<16384xi32, #tpu.memory_space<vmem>>, vector<16xi32>,
      %mul3A_93 = arith.constant 128 : i32
      %mul3A_94 = arith.muli %scan3A_56, %mul3A_93 : i32
      %add3A_95 = arith.constant 96 : i32
      %add3A_96 = arith.addi %mul3A_94, %add3A_95 : i32
      %swap3A_97 = arith.index_cast %add3A_96 : i32 to index
      %swap3A_98 = tpu.vector_load %arg6[%swap3A_97] {strides = array<i32>} : memref<16384xi32, #tpu.memory_space<vmem>>, vector<16xi32>,
      tpu.vector_store %arg6[%swap3A_97], %broadcast_in_dim3A_4 {strides = array<i32>} : memref<16384xi32, #tpu.memory_space<vmem>>, vector<16xi32>,
      %mul3A_99 = arith.constant 128 : i32
      %mul3A_100 = arith.muli %scan3A_56, %mul3A_99 : i32
      %add3A_101 = arith.constant 112 : i32
      %add3A_102 = arith.addi %mul3A_100, %add3A_101 : i32
      %swap3A_103 = arith.index_cast %add3A_102 : i32 to index
      %swap3A_104 = tpu.vector_load %arg6[%swap3A_103] {strides = array<i32>} : memref<16384xi32, #tpu.memory_space<vmem>>, vector<16xi32>,
      tpu.vector_store %arg6[%swap3A_103], %broadcast_in_dim3A_4 {strides = array<i32>} : memref<16384xi32, #tpu.memory_space<vmem>>, vector<16xi32>,
      %scan3A_105 = arith.constant 0 : i32
      scf.yield %scan3A_105 : i32
    }
    %scan3A_14 = arith.constant 128 : i32
    %add3A_15 = arith.constant 0 : i32
    %add3A_16 = arith.addi %mul3A_2, %add3A_15 : i32
    %dma_start3A = arith.constant 0 : i32
    %dma_start3A_17 = arith.constant 0 : i32
    %dma_start3A_18 = arith.constant 0 : i32
    %dma_start3A_19 = tpu.memref_slice %arg5[%dma_start3A, %dma_start3A_18] : memref<2x16384xf32, #tpu.memory_space<vmem>> -> memref<1x16384xf32, #tpu.memory_space<vmem>>
    %dma_start3A_20 = tpu.memref_squeeze %dma_start3A_19 : memref<1x16384xf32, #tpu.memory_space<vmem>> -> memref<16384xf32, #tpu.memory_space<vmem>>
    %dma_start3A_21 = tpu.memref_slice %arg2[%add3A_16] : memref<2097152xf32, #tpu.memory_space<hbm>> -> memref<16384xf32, #tpu.memory_space<hbm>>
    %dma_start3A_22 = tpu.memref_slice %arg8[%dma_start3A_17] : memref<2x!tpu.dma_semaphore, #tpu.memory_space<semaphore_mem>> -> memref<1x!tpu.dma_semaphore, #tpu.memory_space<semaphore_mem>>
    %dma_start3A_23 = tpu.memref_squeeze %dma_start3A_22 : memref<1x!tpu.dma_semaphore, #tpu.memory_space<semaphore_mem>> -> memref<!tpu.dma_semaphore, #tpu.memory_space<semaphore_mem>>
    %dma_start3A_24 = arith.constant 0 : i32
    %dma_start3A_25 = tpu.memref_slice %arg5[%dma_start3A, %dma_start3A_24] : memref<2x16384xf32, #tpu.memory_space<vmem>> -> memref<1x16384xf32, #tpu.memory_space<vmem>>
    %dma_start3A_26 = tpu.memref_squeeze %dma_start3A_25 : memref<1x16384xf32, #tpu.memory_space<vmem>> -> memref<16384xf32, #tpu.memory_space<vmem>>
    %dma_start3A_27 = tpu.memref_slice %arg2[%add3A_16] : memref<2097152xf32, #tpu.memory_space<hbm>> -> memref<16384xf32, #tpu.memory_space<hbm>>
    tpu.enqueue_dma source(%dma_start3A_27 : memref<16384xf32, #tpu.memory_space<hbm>>) target(%dma_start3A_26 : memref<16384xf32, #tpu.memory_space<vmem>>) target_semaphore(%dma_start3A_23 : memref<!tpu.dma_semaphore, #tpu.memory_space<semaphore_mem>>)
    %add3A_28 = arith.constant 16384 : i32
    %add3A_29 = arith.addi %mul3A_2, %add3A_28 : i32
    %dma_start3A_30 = arith.constant 1 : i32
    %dma_start3A_31 = arith.constant 1 : i32
    %dma_start3A_32 = arith.constant 0 : i32
    %dma_start3A_33 = tpu.memref_slice %arg5[%dma_start3A_30, %dma_start3A_32] : memref<2x16384xf32, #tpu.memory_space<vmem>> -> memref<1x16384xf32, #tpu.memory_space<vmem>>
    %dma_start3A_34 = tpu.memref_squeeze %dma_start3A_33 : memref<1x16384xf32, #tpu.memory_space<vmem>> -> memref<16384xf32, #tpu.memory_space<vmem>>
    %dma_start3A_35 = tpu.memref_slice %arg2[%add3A_29] : memref<2097152xf32, #tpu.memory_space<hbm>> -> memref<16384xf32, #tpu.memory_space<hbm>>
    %dma_start3A_36 = tpu.memref_slice %arg8[%dma_start3A_31] : memref<2x!tpu.dma_semaphore, #tpu.memory_space<semaphore_mem>> -> memref<1x!tpu.dma_semaphore, #tpu.memory_space<semaphore_mem>>
    %dma_start3A_37 = tpu.memref_squeeze %dma_start3A_36 : memref<1x!tpu.dma_semaphore, #tpu.memory_space<semaphore_mem>> -> memref<!tpu.dma_semaphore, #tpu.memory_space<semaphore_mem>>
    %dma_start3A_38 = arith.constant 0 : i32
    %dma_start3A_39 = tpu.memref_slice %arg5[%dma_start3A_30, %dma_start3A_38] : memref<2x16384xf32, #tpu.memory_space<vmem>> -> memref<1x16384xf32, #tpu.memory_space<vmem>>
    %dma_start3A_40 = tpu.memref_squeeze %dma_start3A_39 : memref<1x16384xf32, #tpu.memory_space<vmem>> -> memref<16384xf32, #tpu.memory_space<vmem>>
    %dma_start3A_41 = tpu.memref_slice %arg2[%add3A_29] : memref<2097152xf32, #tpu.memory_space<hbm>> -> memref<16384xf32, #tpu.memory_space<hbm>>
    tpu.enqueue_dma source(%dma_start3A_41 : memref<16384xf32, #tpu.memory_space<hbm>>) target(%dma_start3A_40 : memref<16384xf32, #tpu.memory_space<vmem>>) target_semaphore(%dma_start3A_37 : memref<!tpu.dma_semaphore, #tpu.memory_space<semaphore_mem>>)
    %scan3A_42 = arith.constant 0 : i32
    %scan3A_43 = arith.constant 0 : i32
    %scan3A_44 = arith.constant 4 : i32
    %scan3A_45 = arith.addi %scan3A_43, %scan3A_44 : i32
    %scan3A_46 = arith.constant 1 : i32
    %scan3A_47 = scf.for %scan3A_56 = %scan3A_43 to %scan3A_45 step %scan3A_46 iter_args(%scan3A_57 = %scan3A_42) -> (i32)  : i32 {
      %rem3A = arith.constant 2 : i32
      %rem3A_58 = arith.remsi %scan3A_56, %rem3A : i32
      %dma_wait3A = arith.constant 0 : i32
      %dma_wait3A_59 = tpu.memref_slice %arg5[%rem3A_58, %dma_wait3A] : memref<2x16384xf32, #tpu.memory_space<vmem>> -> memref<1x16384xf32, #tpu.memory_space<vmem>>
      %dma_wait3A_60 = tpu.memref_squeeze %dma_wait3A_59 : memref<1x16384xf32, #tpu.memory_space<vmem>> -> memref<16384xf32, #tpu.memory_space<vmem>>
      %dma_wait3A_61 = arith.constant 0 : i32
      %dma_wait3A_62 = tpu.memref_slice %arg2[%dma_wait3A_61] : memref<2097152xf32, #tpu.memory_space<hbm>> -> memref<16384xf32, #tpu.memory_space<hbm>>
      %dma_wait3A_63 = tpu.memref_slice %arg8[%rem3A_58] : memref<2x!tpu.dma_semaphore, #tpu.memory_space<semaphore_mem>> -> memref<1x!tpu.dma_semaphore, #tpu.memory_space<semaphore_mem>>
      %dma_wait3A_64 = tpu.memref_squeeze %dma_wait3A_63 : memref<1x!tpu.dma_semaphore, #tpu.memory_space<semaphore_mem>> -> memref<!tpu.dma_semaphore, #tpu.memory_space<semaphore_mem>>
      %dma_wait3A_65 = arith.constant 0 : i32
      %dma_wait3A_66 = tpu.memref_slice %arg5[%rem3A_58, %dma_wait3A_65] : memref<2x16384xf32, #tpu.memory_space<vmem>> -> memref<1x16384xf32, #tpu.memory_space<vmem>>
      %dma_wait3A_67 = tpu.memref_squeeze %dma_wait3A_66 : memref<1x16384xf32, #tpu.memory_space<vmem>> -> memref<16384xf32, #tpu.memory_space<vmem>>
      %dma_wait3A_68 = arith.constant 0 : i32
      %dma_wait3A_69 = tpu.memref_slice %arg2[%dma_wait3A_68] : memref<2097152xf32, #tpu.memory_space<hbm>> -> memref<16384xf32, #tpu.memory_space<hbm>>
      tpu.wait_dma2 semaphore(%dma_wait3A_64 : memref<!tpu.dma_semaphore, #tpu.memory_space<semaphore_mem>>) src(%dma_wait3A_69 : memref<16384xf32, #tpu.memory_space<hbm>>) dst(%dma_wait3A_67 : memref<16384xf32, #tpu.memory_space<vmem>>)
      %scan3A_70 = arith.constant 0 : i32
      %scan3A_71 = arith.constant 0 : i32
      %scan3A_72 = arith.constant 128 : i32
      %scan3A_73 = arith.addi %scan3A_71, %scan3A_72 : i32
      %scan3A_74 = arith.constant 1 : i32
      %scan3A_75 = scf.for %scan3A_82 = %scan3A_71 to %scan3A_73 step %scan3A_74 iter_args(%scan3A_83 = %scan3A_70) -> (i32)  : i32 {
        %mul3A_84 = arith.constant 128 : i32
        %mul3A_85 = arith.muli %scan3A_82, %mul3A_84 : i32
        %add3A_86 = arith.constant 0 : i32
        %add3A_87 = arith.addi %mul3A_85, %add3A_86 : i32
        %get3A_88 = arith.index_cast %rem3A_58 : i32 to index
        %get3A_89 = arith.index_cast %add3A_87 : i32 to index
        %get3A_90 = tpu.vector_load %arg5[%get3A_88, %get3A_89] {strides = array<i32>} : memref<2x16384xf32, #tpu.memory_space<vmem>>, vector<16xf32>,
        %mul3A_91 = arith.constant 128 : i32
        %mul3A_92 = arith.muli %scan3A_82, %mul3A_91 : i32
        %add3A_93 = arith.constant 16 : i32
        %add3A_94 = arith.addi %mul3A_92, %add3A_93 : i32
        %get3A_95 = arith.index_cast %rem3A_58 : i32 to index
        %get3A_96 = arith.index_cast %add3A_94 : i32 to index
        %get3A_97 = tpu.vector_load %arg5[%get3A_95, %get3A_96] {strides = array<i32>} : memref<2x16384xf32, #tpu.memory_space<vmem>>, vector<16xf32>,
        %mul3A_98 = arith.constant 128 : i32
        %mul3A_99 = arith.muli %scan3A_82, %mul3A_98 : i32
        %add3A_100 = arith.constant 32 : i32
        %add3A_101 = arith.addi %mul3A_99, %add3A_100 : i32
        %get3A_102 = arith.index_cast %rem3A_58 : i32 to index
        %get3A_103 = arith.index_cast %add3A_101 : i32 to index
        %get3A_104 = tpu.vector_load %arg5[%get3A_102, %get3A_103] {strides = array<i32>} : memref<2x16384xf32, #tpu.memory_space<vmem>>, vector<16xf32>,
        %mul3A_105 = arith.constant 128 : i32
        %mul3A_106 = arith.muli %scan3A_82, %mul3A_105 : i32
        %add3A_107 = arith.constant 48 : i32
        %add3A_108 = arith.addi %mul3A_106, %add3A_107 : i32
        %get3A_109 = arith.index_cast %rem3A_58 : i32 to index
        %get3A_110 = arith.index_cast %add3A_108 : i32 to index
        %get3A_111 = tpu.vector_load %arg5[%get3A_109, %get3A_110] {strides = array<i32>} : memref<2x16384xf32, #tpu.memory_space<vmem>>, vector<16xf32>,
        %mul3A_112 = arith.constant 128 : i32
        %mul3A_113 = arith.muli %scan3A_82, %mul3A_112 : i32
        %add3A_114 = arith.constant 64 : i32
        %add3A_115 = arith.addi %mul3A_113, %add3A_114 : i32
        %get3A_116 = arith.index_cast %rem3A_58 : i32 to index
        %get3A_117 = arith.index_cast %add3A_115 : i32 to index
        %get3A_118 = tpu.vector_load %arg5[%get3A_116, %get3A_117] {strides = array<i32>} : memref<2x16384xf32, #tpu.memory_space<vmem>>, vector<16xf32>,
        %mul3A_119 = arith.constant 128 : i32
        %mul3A_120 = arith.muli %scan3A_82, %mul3A_119 : i32
        %add3A_121 = arith.constant 80 : i32
        %add3A_122 = arith.addi %mul3A_120, %add3A_121 : i32
        %get3A_123 = arith.index_cast %rem3A_58 : i32 to index
        %get3A_124 = arith.index_cast %add3A_122 : i32 to index
        %get3A_125 = tpu.vector_load %arg5[%get3A_123, %get3A_124] {strides = array<i32>} : memref<2x16384xf32, #tpu.memory_space<vmem>>, vector<16xf32>,
        %mul3A_126 = arith.constant 128 : i32
        %mul3A_127 = arith.muli %scan3A_82, %mul3A_126 : i32
        %add3A_128 = arith.constant 96 : i32
        %add3A_129 = arith.addi %mul3A_127, %add3A_128 : i32
        %get3A_130 = arith.index_cast %rem3A_58 : i32 to index
        %get3A_131 = arith.index_cast %add3A_129 : i32 to index
        %get3A_132 = tpu.vector_load %arg5[%get3A_130, %get3A_131] {strides = array<i32>} : memref<2x16384xf32, #tpu.memory_space<vmem>>, vector<16xf32>,
        %mul3A_133 = arith.constant 128 : i32
        %mul3A_134 = arith.muli %scan3A_82, %mul3A_133 : i32
        %add3A_135 = arith.constant 112 : i32
        %add3A_136 = arith.addi %mul3A_134, %add3A_135 : i32
        %get3A_137 = arith.index_cast %rem3A_58 : i32 to index
        %get3A_138 = arith.index_cast %add3A_136 : i32 to index
        %get3A_139 = tpu.vector_load %arg5[%get3A_137, %get3A_138] {strides = array<i32>} : memref<2x16384xf32, #tpu.memory_space<vmem>>, vector<16xf32>,
        %bitcast3A = vector.bitcast %get3A_90 : vector<16xf32> to vector<16xi32>
        %bitcast3A_140 = vector.bitcast %get3A_97 : vector<16xf32> to vector<16xi32>
        %bitcast3A_141 = vector.bitcast %get3A_104 : vector<16xf32> to vector<16xi32>
        %bitcast3A_142 = vector.bitcast %get3A_111 : vector<16xf32> to vector<16xi32>
        %bitcast3A_143 = vector.bitcast %get3A_118 : vector<16xf32> to vector<16xi32>
        %bitcast3A_144 = vector.bitcast %get3A_125 : vector<16xf32> to vector<16xi32>
        %bitcast3A_145 = vector.bitcast %get3A_132 : vector<16xf32> to vector<16xi32>
        %bitcast3A_146 = vector.bitcast %get3A_139 : vector<16xf32> to vector<16xi32>
        %shift_right_arithmetic3A = arith.constant 0 : i32
        %shift_right_arithmetic3A_147 = vector.broadcast %shift_right_arithmetic3A : i32 to vector<16xi32>
        %shift_right_arithmetic3A_148 = arith.shrsi %bitcast3A, %shift_right_arithmetic3A_147 : vector<16xi32>
        %and3A = arith.constant 1023 : i32
        %and3A_149 = vector.broadcast %and3A : i32 to vector<16xi32>
        %and3A_150 = arith.andi %shift_right_arithmetic3A_148, %and3A_149 : vector<16xi32>
        %mul3A_151 = arith.constant 16 : i32
        %mul3A_152 = vector.broadcast %mul3A_151 : i32 to vector<16xi32>
        %mul3A_153 = arith.muli %and3A_150, %mul3A_152 : vector<16xi32>
        %add3A_154 = arith.addi %mul3A_153, %iota3A : vector<16xi32>
        %shift_right_arithmetic3A_155 = arith.constant 0 : i32
        %shift_right_arithmetic3A_156 = vector.broadcast %shift_right_arithmetic3A_155 : i32 to vector<16xi32>
        %shift_right_arithmetic3A_157 = arith.shrsi %bitcast3A_140, %shift_right_arithmetic3A_156 : vector<16xi32>
        %and3A_158 = arith.constant 1023 : i32
        %and3A_159 = vector.broadcast %and3A_158 : i32 to vector<16xi32>
        %and3A_160 = arith.andi %shift_right_arithmetic3A_157, %and3A_159 : vector<16xi32>
        %mul3A_161 = arith.constant 16 : i32
        %mul3A_162 = vector.broadcast %mul3A_161 : i32 to vector<16xi32>
        %mul3A_163 = arith.muli %and3A_160, %mul3A_162 : vector<16xi32>
        %add3A_164 = arith.addi %mul3A_163, %iota3A : vector<16xi32>
        %shift_right_arithmetic3A_165 = arith.constant 0 : i32
        %shift_right_arithmetic3A_166 = vector.broadcast %shift_right_arithmetic3A_165 : i32 to vector<16xi32>
        %shift_right_arithmetic3A_167 = arith.shrsi %bitcast3A_141, %shift_right_arithmetic3A_166 : vector<16xi32>
        %and3A_168 = arith.constant 1023 : i32
        %and3A_169 = vector.broadcast %and3A_168 : i32 to vector<16xi32>
        %and3A_170 = arith.andi %shift_right_arithmetic3A_167, %and3A_169 : vector<16xi32>
        %mul3A_171 = arith.constant 16 : i32
        %mul3A_172 = vector.broadcast %mul3A_171 : i32 to vector<16xi32>
        %mul3A_173 = arith.muli %and3A_170, %mul3A_172 : vector<16xi32>
        %add3A_174 = arith.addi %mul3A_173, %iota3A : vector<16xi32>
        %shift_right_arithmetic3A_175 = arith.constant 0 : i32
        %shift_right_arithmetic3A_176 = vector.broadcast %shift_right_arithmetic3A_175 : i32 to vector<16xi32>
        %shift_right_arithmetic3A_177 = arith.shrsi %bitcast3A_142, %shift_right_arithmetic3A_176 : vector<16xi32>
        %and3A_178 = arith.constant 1023 : i32
        %and3A_179 = vector.broadcast %and3A_178 : i32 to vector<16xi32>
        %and3A_180 = arith.andi %shift_right_arithmetic3A_177, %and3A_179 : vector<16xi32>
        %mul3A_181 = arith.constant 16 : i32
        %mul3A_182 = vector.broadcast %mul3A_181 : i32 to vector<16xi32>
        %mul3A_183 = arith.muli %and3A_180, %mul3A_182 : vector<16xi32>
        %add3A_184 = arith.addi %mul3A_183, %iota3A : vector<16xi32>
        %shift_right_arithmetic3A_185 = arith.constant 0 : i32
        %shift_right_arithmetic3A_186 = vector.broadcast %shift_right_arithmetic3A_185 : i32 to vector<16xi32>
        %shift_right_arithmetic3A_187 = arith.shrsi %bitcast3A_143, %shift_right_arithmetic3A_186 : vector<16xi32>
        %and3A_188 = arith.constant 1023 : i32
        %and3A_189 = vector.broadcast %and3A_188 : i32 to vector<16xi32>
        %and3A_190 = arith.andi %shift_right_arithmetic3A_187, %and3A_189 : vector<16xi32>
        %mul3A_191 = arith.constant 16 : i32
        %mul3A_192 = vector.broadcast %mul3A_191 : i32 to vector<16xi32>
        %mul3A_193 = arith.muli %and3A_190, %mul3A_192 : vector<16xi32>
        %add3A_194 = arith.addi %mul3A_193, %iota3A : vector<16xi32>
        %shift_right_arithmetic3A_195 = arith.constant 0 : i32
        %shift_right_arithmetic3A_196 = vector.broadcast %shift_right_arithmetic3A_195 : i32 to vector<16xi32>
        %shift_right_arithmetic3A_197 = arith.shrsi %bitcast3A_144, %shift_right_arithmetic3A_196 : vector<16xi32>
        %and3A_198 = arith.constant 1023 : i32
        %and3A_199 = vector.broadcast %and3A_198 : i32 to vector<16xi32>
        %and3A_200 = arith.andi %shift_right_arithmetic3A_197, %and3A_199 : vector<16xi32>
        %mul3A_201 = arith.constant 16 : i32
        %mul3A_202 = vector.broadcast %mul3A_201 : i32 to vector<16xi32>
        %mul3A_203 = arith.muli %and3A_200, %mul3A_202 : vector<16xi32>
        %add3A_204 = arith.addi %mul3A_203, %iota3A : vector<16xi32>
        %shift_right_arithmetic3A_205 = arith.constant 0 : i32
        %shift_right_arithmetic3A_206 = vector.broadcast %shift_right_arithmetic3A_205 : i32 to vector<16xi32>
        %shift_right_arithmetic3A_207 = arith.shrsi %bitcast3A_145, %shift_right_arithmetic3A_206 : vector<16xi32>
        %and3A_208 = arith.constant 1023 : i32
        %and3A_209 = vector.broadcast %and3A_208 : i32 to vector<16xi32>
        %and3A_210 = arith.andi %shift_right_arithmetic3A_207, %and3A_209 : vector<16xi32>
        %mul3A_211 = arith.constant 16 : i32
        %mul3A_212 = vector.broadcast %mul3A_211 : i32 to vector<16xi32>
        %mul3A_213 = arith.muli %and3A_210, %mul3A_212 : vector<16xi32>
        %add3A_214 = arith.addi %mul3A_213, %iota3A : vector<16xi32>
        %shift_right_arithmetic3A_215 = arith.constant 0 : i32
        %shift_right_arithmetic3A_216 = vector.broadcast %shift_right_arithmetic3A_215 : i32 to vector<16xi32>
        %shift_right_arithmetic3A_217 = arith.shrsi %bitcast3A_146, %shift_right_arithmetic3A_216 : vector<16xi32>
        %and3A_218 = arith.constant 1023 : i32
        %and3A_219 = vector.broadcast %and3A_218 : i32 to vector<16xi32>
        %and3A_220 = arith.andi %shift_right_arithmetic3A_217, %and3A_219 : vector<16xi32>
        %mul3A_221 = arith.constant 16 : i32
        %mul3A_222 = vector.broadcast %mul3A_221 : i32 to vector<16xi32>
        %mul3A_223 = arith.muli %and3A_220, %mul3A_222 : vector<16xi32>
        %add3A_224 = arith.addi %mul3A_223, %iota3A : vector<16xi32>
        %shift_right_arithmetic3A_225 = arith.constant 10 : i32
        %shift_right_arithmetic3A_226 = vector.broadcast %shift_right_arithmetic3A_225 : i32 to vector<16xi32>
        %shift_right_arithmetic3A_227 = arith.shrsi %bitcast3A, %shift_right_arithmetic3A_226 : vector<16xi32>
        %eq3A = vector.broadcast %squeeze3A : i32 to vector<16xi32>
        %eq3A_228 = arith.cmpi eq, %shift_right_arithmetic3A_227, %eq3A : vector<16xi32>
        %shift_right_arithmetic3A_229 = arith.constant 10 : i32
        %shift_right_arithmetic3A_230 = vector.broadcast %shift_right_arithmetic3A_229 : i32 to vector<16xi32>
        %shift_right_arithmetic3A_231 = arith.shrsi %bitcast3A_140, %shift_right_arithmetic3A_230 : vector<16xi32>
        %eq3A_232 = vector.broadcast %squeeze3A : i32 to vector<16xi32>
        %eq3A_233 = arith.cmpi eq, %shift_right_arithmetic3A_231, %eq3A_232 : vector<16xi32>
        %shift_right_arithmetic3A_234 = arith.constant 10 : i32
        %shift_right_arithmetic3A_235 = vector.broadcast %shift_right_arithmetic3A_234 : i32 to vector<16xi32>
        %shift_right_arithmetic3A_236 = arith.shrsi %bitcast3A_141, %shift_right_arithmetic3A_235 : vector<16xi32>
        %eq3A_237 = vector.broadcast %squeeze3A : i32 to vector<16xi32>
        %eq3A_238 = arith.cmpi eq, %shift_right_arithmetic3A_236, %eq3A_237 : vector<16xi32>
        %shift_right_arithmetic3A_239 = arith.constant 10 : i32
        %shift_right_arithmetic3A_240 = vector.broadcast %shift_right_arithmetic3A_239 : i32 to vector<16xi32>
        %shift_right_arithmetic3A_241 = arith.shrsi %bitcast3A_142, %shift_right_arithmetic3A_240 : vector<16xi32>
        %eq3A_242 = vector.broadcast %squeeze3A : i32 to vector<16xi32>
        %eq3A_243 = arith.cmpi eq, %shift_right_arithmetic3A_241, %eq3A_242 : vector<16xi32>
        %shift_right_arithmetic3A_244 = arith.constant 10 : i32
        %shift_right_arithmetic3A_245 = vector.broadcast %shift_right_arithmetic3A_244 : i32 to vector<16xi32>
        %shift_right_arithmetic3A_246 = arith.shrsi %bitcast3A_143, %shift_right_arithmetic3A_245 : vector<16xi32>
        %eq3A_247 = vector.broadcast %squeeze3A : i32 to vector<16xi32>
        %eq3A_248 = arith.cmpi eq, %shift_right_arithmetic3A_246, %eq3A_247 : vector<16xi32>
        %shift_right_arithmetic3A_249 = arith.constant 10 : i32
        %shift_right_arithmetic3A_250 = vector.broadcast %shift_right_arithmetic3A_249 : i32 to vector<16xi32>
        %shift_right_arithmetic3A_251 = arith.shrsi %bitcast3A_144, %shift_right_arithmetic3A_250 : vector<16xi32>
        %eq3A_252 = vector.broadcast %squeeze3A : i32 to vector<16xi32>
        %eq3A_253 = arith.cmpi eq, %shift_right_arithmetic3A_251, %eq3A_252 : vector<16xi32>
        %shift_right_arithmetic3A_254 = arith.constant 10 : i32
        %shift_right_arithmetic3A_255 = vector.broadcast %shift_right_arithmetic3A_254 : i32 to vector<16xi32>
        %shift_right_arithmetic3A_256 = arith.shrsi %bitcast3A_145, %shift_right_arithmetic3A_255 : vector<16xi32>
        %eq3A_257 = vector.broadcast %squeeze3A : i32 to vector<16xi32>
        %eq3A_258 = arith.cmpi eq, %shift_right_arithmetic3A_256, %eq3A_257 : vector<16xi32>
        %shift_right_arithmetic3A_259 = arith.constant 10 : i32
        %shift_right_arithmetic3A_260 = vector.broadcast %shift_right_arithmetic3A_259 : i32 to vector<16xi32>
        %shift_right_arithmetic3A_261 = arith.shrsi %bitcast3A_146, %shift_right_arithmetic3A_260 : vector<16xi32>
        %eq3A_262 = vector.broadcast %squeeze3A : i32 to vector<16xi32>
        %eq3A_263 = arith.cmpi eq, %shift_right_arithmetic3A_261, %eq3A_262 : vector<16xi32>
        tpu.vector_store_idx %arg6[%add3A_154], %broadcast_in_dim3A_8 masked %eq3A_228 {add = true} : memref<16384xi32, #tpu.memory_space<vmem>>[vector<16xi32>], vector<16xi32>, vector<16xi1>
        tpu.vector_store_idx %arg6[%add3A_164], %broadcast_in_dim3A_8 masked %eq3A_233 {add = true} : memref<16384xi32, #tpu.memory_space<vmem>>[vector<16xi32>], vector<16xi32>, vector<16xi1>
        tpu.vector_store_idx %arg6[%add3A_174], %broadcast_in_dim3A_8 masked %eq3A_238 {add = true} : memref<16384xi32, #tpu.memory_space<vmem>>[vector<16xi32>], vector<16xi32>, vector<16xi1>
        tpu.vector_store_idx %arg6[%add3A_184], %broadcast_in_dim3A_8 masked %eq3A_243 {add = true} : memref<16384xi32, #tpu.memory_space<vmem>>[vector<16xi32>], vector<16xi32>, vector<16xi1>
        tpu.vector_store_idx %arg6[%add3A_194], %broadcast_in_dim3A_8 masked %eq3A_248 {add = true} : memref<16384xi32, #tpu.memory_space<vmem>>[vector<16xi32>], vector<16xi32>, vector<16xi1>
        tpu.vector_store_idx %arg6[%add3A_204], %broadcast_in_dim3A_8 masked %eq3A_253 {add = true} : memref<16384xi32, #tpu.memory_space<vmem>>[vector<16xi32>], vector<16xi32>, vector<16xi1>
        tpu.vector_store_idx %arg6[%add3A_214], %broadcast_in_dim3A_8 masked %eq3A_258 {add = true} : memref<16384xi32, #tpu.memory_space<vmem>>[vector<16xi32>], vector<16xi32>, vector<16xi1>
        tpu.vector_store_idx %arg6[%add3A_224], %broadcast_in_dim3A_8 masked %eq3A_263 {add = true} : memref<16384xi32, #tpu.memory_space<vmem>>[vector<16xi32>], vector<16xi32>, vector<16xi1>
        %scan3A_264 = arith.constant 0 : i32
        scf.yield %scan3A_264 : i32
      }
      %scan3A_76 = arith.constant 128 : i32
      %add3A_77 = arith.constant 2 : i32
      %add3A_78 = arith.addi %scan3A_56, %add3A_77 : i32
      %lt3A = arith.constant 4 : i32
      %lt3A_79 = arith.cmpi slt, %add3A_78, %lt3A : i32
      %convert_element_type3A = arith.extui %lt3A_79 : i1 to i32
      %cond3A = arith.constant 0 : i32
      %cond3A_80 = arith.cmpi ne, %convert_element_type3A, %cond3A : i32
      scf.if %cond3A_80 {
        %add3A_82 = arith.constant 2 : i32
        %add3A_83 = arith.addi %scan3A_56, %add3A_82 : i32
        %mul3A_84 = arith.constant 16384 : i32
        %mul3A_85 = arith.muli %add3A_83, %mul3A_84 : i32
        %add3A_86 = arith.addi %mul3A_2, %mul3A_85 : i32
        %dma_start3A_87 = arith.constant 0 : i32
        %dma_start3A_88 = tpu.memref_slice %arg5[%rem3A_58, %dma_start3A_87] : memref<2x16384xf32, #tpu.memory_space<vmem>> -> memref<1x16384xf32, #tpu.memory_space<vmem>>
        %dma_start3A_89 = tpu.memref_squeeze %dma_start3A_88 : memref<1x16384xf32, #tpu.memory_space<vmem>> -> memref<16384xf32, #tpu.memory_space<vmem>>
        %dma_start3A_90 = tpu.memref_slice %arg2[%add3A_86] : memref<2097152xf32, #tpu.memory_space<hbm>> -> memref<16384xf32, #tpu.memory_space<hbm>>
        %dma_start3A_91 = tpu.memref_slice %arg8[%rem3A_58] : memref<2x!tpu.dma_semaphore, #tpu.memory_space<semaphore_mem>> -> memref<1x!tpu.dma_semaphore, #tpu.memory_space<semaphore_mem>>
        %dma_start3A_92 = tpu.memref_squeeze %dma_start3A_91 : memref<1x!tpu.dma_semaphore, #tpu.memory_space<semaphore_mem>> -> memref<!tpu.dma_semaphore, #tpu.memory_space<semaphore_mem>>
        %dma_start3A_93 = arith.constant 0 : i32
        %dma_start3A_94 = tpu.memref_slice %arg5[%rem3A_58, %dma_start3A_93] : memref<2x16384xf32, #tpu.memory_space<vmem>> -> memref<1x16384xf32, #tpu.memory_space<vmem>>
        %dma_start3A_95 = tpu.memref_squeeze %dma_start3A_94 : memref<1x16384xf32, #tpu.memory_space<vmem>> -> memref<16384xf32, #tpu.memory_space<vmem>>
        %dma_start3A_96 = tpu.memref_slice %arg2[%add3A_86] : memref<2097152xf32, #tpu.memory_space<hbm>> -> memref<16384xf32, #tpu.memory_space<hbm>>
        tpu.enqueue_dma source(%dma_start3A_96 : memref<16384xf32, #tpu.memory_space<hbm>>) target(%dma_start3A_95 : memref<16384xf32, #tpu.memory_space<vmem>>) target_semaphore(%dma_start3A_92 : memref<!tpu.dma_semaphore, #tpu.memory_space<semaphore_mem>>)
      } else {
      }
      %scan3A_81 = arith.constant 0 : i32
      scf.yield %scan3A_81 : i32
    }
    %scan3A_48 = arith.constant 4 : i32
    %scan3A_49 = arith.constant 0 : i32
    %scan3A_50 = arith.constant 0 : i32
    %scan3A_51 = arith.constant 64 : i32
    %scan3A_52 = arith.addi %scan3A_50, %scan3A_51 : i32
    %scan3A_53 = arith.constant 1 : i32
    %scan3A_54 = scf.for %scan3A_56 = %scan3A_50 to %scan3A_52 step %scan3A_53 iter_args(%scan3A_57 = %scan3A_49) -> (i32)  : i32 {
      %mul3A_58 = arith.constant 16 : i32
      %mul3A_59 = arith.muli %scan3A_56, %mul3A_58 : i32
      %add3A_60 = vector.broadcast %mul3A_59 : i32 to vector<16xi32>
      %add3A_61 = arith.addi %add3A_60, %iota3A : vector<16xi32>
      %mul3A_62 = arith.constant 16 : i32
      %mul3A_63 = vector.broadcast %mul3A_62 : i32 to vector<16xi32>
      %mul3A_64 = arith.muli %add3A_61, %mul3A_63 : vector<16xi32>
      %gather3A = tpu.vector_load_idx %arg6[%mul3A_64] : memref<16384xi32, #tpu.memory_space<vmem>>[vector<16xi32>], vector<16xi32>,
      %add3A_65 = arith.constant 1 : i32
      %add3A_66 = vector.broadcast %add3A_65 : i32 to vector<16xi32>
      %add3A_67 = arith.addi %mul3A_64, %add3A_66 : vector<16xi32>
      %gather3A_68 = tpu.vector_load_idx %arg6[%add3A_67] : memref<16384xi32, #tpu.memory_space<vmem>>[vector<16xi32>], vector<16xi32>,
      %add3A_69 = arith.addi %gather3A, %gather3A_68 : vector<16xi32>
      %add3A_70 = arith.constant 2 : i32
      %add3A_71 = vector.broadcast %add3A_70 : i32 to vector<16xi32>
      %add3A_72 = arith.addi %mul3A_64, %add3A_71 : vector<16xi32>
      %gather3A_73 = tpu.vector_load_idx %arg6[%add3A_72] : memref<16384xi32, #tpu.memory_space<vmem>>[vector<16xi32>], vector<16xi32>,
      %add3A_74 = arith.addi %add3A_69, %gather3A_73 : vector<16xi32>
      %add3A_75 = arith.constant 3 : i32
      %add3A_76 = vector.broadcast %add3A_75 : i32 to vector<16xi32>
      %add3A_77 = arith.addi %mul3A_64, %add3A_76 : vector<16xi32>
      %gather3A_78 = tpu.vector_load_idx %arg6[%add3A_77] : memref<16384xi32, #tpu.memory_space<vmem>>[vector<16xi32>], vector<16xi32>,
      %add3A_79 = arith.addi %add3A_74, %gather3A_78 : vector<16xi32>
      %add3A_80 = arith.constant 4 : i32
      %add3A_81 = vector.broadcast %add3A_80 : i32 to vector<16xi32>
      %add3A_82 = arith.addi %mul3A_64, %add3A_81 : vector<16xi32>
      %gather3A_83 = tpu.vector_load_idx %arg6[%add3A_82] : memref<16384xi32, #tpu.memory_space<vmem>>[vector<16xi32>], vector<16xi32>,
      %add3A_84 = arith.addi %add3A_79, %gather3A_83 : vector<16xi32>
      %add3A_85 = arith.constant 5 : i32
      %add3A_86 = vector.broadcast %add3A_85 : i32 to vector<16xi32>
      %add3A_87 = arith.addi %mul3A_64, %add3A_86 : vector<16xi32>
      %gather3A_88 = tpu.vector_load_idx %arg6[%add3A_87] : memref<16384xi32, #tpu.memory_space<vmem>>[vector<16xi32>], vector<16xi32>,
      %add3A_89 = arith.addi %add3A_84, %gather3A_88 : vector<16xi32>
      %add3A_90 = arith.constant 6 : i32
      %add3A_91 = vector.broadcast %add3A_90 : i32 to vector<16xi32>
      %add3A_92 = arith.addi %mul3A_64, %add3A_91 : vector<16xi32>
      %gather3A_93 = tpu.vector_load_idx %arg6[%add3A_92] : memref<16384xi32, #tpu.memory_space<vmem>>[vector<16xi32>], vector<16xi32>,
      %add3A_94 = arith.addi %add3A_89, %gather3A_93 : vector<16xi32>
      %add3A_95 = arith.constant 7 : i32
      %add3A_96 = vector.broadcast %add3A_95 : i32 to vector<16xi32>
      %add3A_97 = arith.addi %mul3A_64, %add3A_96 : vector<16xi32>
      %gather3A_98 = tpu.vector_load_idx %arg6[%add3A_97] : memref<16384xi32, #tpu.memory_space<vmem>>[vector<16xi32>], vector<16xi32>,
      %add3A_99 = arith.addi %add3A_94, %gather3A_98 : vector<16xi32>
      %add3A_100 = arith.constant 8 : i32
      %add3A_101 = vector.broadcast %add3A_100 : i32 to vector<16xi32>
      %add3A_102 = arith.addi %mul3A_64, %add3A_101 : vector<16xi32>
      %gather3A_103 = tpu.vector_load_idx %arg6[%add3A_102] : memref<16384xi32, #tpu.memory_space<vmem>>[vector<16xi32>], vector<16xi32>,
      %add3A_104 = arith.addi %add3A_99, %gather3A_103 : vector<16xi32>
      %add3A_105 = arith.constant 9 : i32
      %add3A_106 = vector.broadcast %add3A_105 : i32 to vector<16xi32>
      %add3A_107 = arith.addi %mul3A_64, %add3A_106 : vector<16xi32>
      %gather3A_108 = tpu.vector_load_idx %arg6[%add3A_107] : memref<16384xi32, #tpu.memory_space<vmem>>[vector<16xi32>], vector<16xi32>,
      %add3A_109 = arith.addi %add3A_104, %gather3A_108 : vector<16xi32>
      %add3A_110 = arith.constant 10 : i32
      %add3A_111 = vector.broadcast %add3A_110 : i32 to vector<16xi32>
      %add3A_112 = arith.addi %mul3A_64, %add3A_111 : vector<16xi32>
      %gather3A_113 = tpu.vector_load_idx %arg6[%add3A_112] : memref<16384xi32, #tpu.memory_space<vmem>>[vector<16xi32>], vector<16xi32>,
      %add3A_114 = arith.addi %add3A_109, %gather3A_113 : vector<16xi32>
      %add3A_115 = arith.constant 11 : i32
      %add3A_116 = vector.broadcast %add3A_115 : i32 to vector<16xi32>
      %add3A_117 = arith.addi %mul3A_64, %add3A_116 : vector<16xi32>
      %gather3A_118 = tpu.vector_load_idx %arg6[%add3A_117] : memref<16384xi32, #tpu.memory_space<vmem>>[vector<16xi32>], vector<16xi32>,
      %add3A_119 = arith.addi %add3A_114, %gather3A_118 : vector<16xi32>
      %add3A_120 = arith.constant 12 : i32
      %add3A_121 = vector.broadcast %add3A_120 : i32 to vector<16xi32>
      %add3A_122 = arith.addi %mul3A_64, %add3A_121 : vector<16xi32>
      %gather3A_123 = tpu.vector_load_idx %arg6[%add3A_122] : memref<16384xi32, #tpu.memory_space<vmem>>[vector<16xi32>], vector<16xi32>,
      %add3A_124 = arith.addi %add3A_119, %gather3A_123 : vector<16xi32>
      %add3A_125 = arith.constant 13 : i32
      %add3A_126 = vector.broadcast %add3A_125 : i32 to vector<16xi32>
      %add3A_127 = arith.addi %mul3A_64, %add3A_126 : vector<16xi32>
      %gather3A_128 = tpu.vector_load_idx %arg6[%add3A_127] : memref<16384xi32, #tpu.memory_space<vmem>>[vector<16xi32>], vector<16xi32>,
      %add3A_129 = arith.addi %add3A_124, %gather3A_128 : vector<16xi32>
      %add3A_130 = arith.constant 14 : i32
      %add3A_131 = vector.broadcast %add3A_130 : i32 to vector<16xi32>
      %add3A_132 = arith.addi %mul3A_64, %add3A_131 : vector<16xi32>
      %gather3A_133 = tpu.vector_load_idx %arg6[%add3A_132] : memref<16384xi32, #tpu.memory_space<vmem>>[vector<16xi32>], vector<16xi32>,
      %add3A_134 = arith.addi %add3A_129, %gather3A_133 : vector<16xi32>
      %add3A_135 = arith.constant 15 : i32
      %add3A_136 = vector.broadcast %add3A_135 : i32 to vector<16xi32>
      %add3A_137 = arith.addi %mul3A_64, %add3A_136 : vector<16xi32>
      %gather3A_138 = tpu.vector_load_idx %arg6[%add3A_137] : memref<16384xi32, #tpu.memory_space<vmem>>[vector<16xi32>], vector<16xi32>,
      %add3A_139 = arith.addi %add3A_134, %gather3A_138 : vector<16xi32>
      %mul3A_140 = arith.constant 16 : i32
      %mul3A_141 = arith.muli %scan3A_56, %mul3A_140 : i32
      %swap3A = arith.index_cast %mul3A_141 : i32 to index
      %swap3A_142 = tpu.vector_load %arg7[%swap3A] {strides = array<i32>} : memref<1024xi32, #tpu.memory_space<vmem>>, vector<16xi32>,
      tpu.vector_store %arg7[%swap3A], %add3A_139 {strides = array<i32>} : memref<1024xi32, #tpu.memory_space<vmem>>, vector<16xi32>,
      %scan3A_143 = arith.constant 0 : i32
      scf.yield %scan3A_143 : i32
    }
    %scan3A_55 = arith.constant 64 : i32
    "tpu.region"() ({
      %run_scoped3A = tpu.sem_alloc : memref<!tpu.dma_semaphore, #tpu.memory_space<semaphore_mem>>
      %dma_start3A_56 = arith.constant 0 : i32
      %dma_start3A_57 = tpu.memref_slice %arg4[%add3A, %dma_start3A_56] : memref<32x1024xi32, #tpu.memory_space<hbm>> -> memref<1x1024xi32, #tpu.memory_space<hbm>>
      %dma_start3A_58 = tpu.memref_squeeze %dma_start3A_57 : memref<1x1024xi32, #tpu.memory_space<hbm>> -> memref<1024xi32, #tpu.memory_space<hbm>>
      %dma_start3A_59 = arith.constant 0 : i32
      %dma_start3A_60 = tpu.memref_slice %arg4[%add3A, %dma_start3A_59] : memref<32x1024xi32, #tpu.memory_space<hbm>> -> memref<1x1024xi32, #tpu.memory_space<hbm>>
      %dma_start3A_61 = tpu.memref_squeeze %dma_start3A_60 : memref<1x1024xi32, #tpu.memory_space<hbm>> -> memref<1024xi32, #tpu.memory_space<hbm>>
      tpu.enqueue_dma source(%arg7 : memref<1024xi32, #tpu.memory_space<vmem>>) target(%dma_start3A_61 : memref<1024xi32, #tpu.memory_space<hbm>>) target_semaphore(%run_scoped3A : memref<!tpu.dma_semaphore, #tpu.memory_space<semaphore_mem>>)
      %dma_wait3A = arith.constant 0 : i32
      %dma_wait3A_62 = tpu.memref_slice %arg4[%add3A, %dma_wait3A] : memref<32x1024xi32, #tpu.memory_space<hbm>> -> memref<1x1024xi32, #tpu.memory_space<hbm>>
      %dma_wait3A_63 = tpu.memref_squeeze %dma_wait3A_62 : memref<1x1024xi32, #tpu.memory_space<hbm>> -> memref<1024xi32, #tpu.memory_space<hbm>>
      %dma_wait3A_64 = arith.constant 0 : i32
      %dma_wait3A_65 = tpu.memref_slice %arg4[%add3A, %dma_wait3A_64] : memref<32x1024xi32, #tpu.memory_space<hbm>> -> memref<1x1024xi32, #tpu.memory_space<hbm>>
      %dma_wait3A_66 = tpu.memref_squeeze %dma_wait3A_65 : memref<1x1024xi32, #tpu.memory_space<hbm>> -> memref<1024xi32, #tpu.memory_space<hbm>>
      tpu.wait_dma2 semaphore(%run_scoped3A : memref<!tpu.dma_semaphore, #tpu.memory_space<semaphore_mem>>) src(%arg7 : memref<1024xi32, #tpu.memory_space<vmem>>) dst(%dma_wait3A_66 : memref<1024xi32, #tpu.memory_space<hbm>>)
      tpu.yield
    }) : () -> ()
    return
  }
}

#map = affine_map<(d0, d1) -> (0)>
#map1 = affine_map<(d0, d1) -> (0, 0)>
module attributes {stable_mosaic.version = 14 : i64} {
  func.func @body(%arg0: i32, %arg1: i32, %arg2: memref<2097152xf32, #tpu.memory_space<hbm>>, %arg3: memref<128xi32, #tpu.memory_space<hbm>>, %arg4: memref<32x2048xi32, #tpu.memory_space<hbm>>, %arg5: memref<2x16384xf32, #tpu.memory_space<vmem>>, %arg6: memref<32768xi32, #tpu.memory_space<vmem>>, %arg7: memref<2048xi32, #tpu.memory_space<vmem>>, %arg8: memref<2x!tpu.dma_semaphore, #tpu.memory_space<semaphore_mem>>, %arg9: memref<128xi32, #tpu.memory_space<vmem>>) attributes {dimension_semantics = [#tpu.dimension_semantics<core_parallel>, #tpu.dimension_semantics<subcore_parallel>], iteration_bounds = array<i64: 2, 16>, scalar_prefetch = 0 : i64, scratch_operands = 5 : i64, tpu.core_type = #tpu.core_type<sc_vector_subcore>, window_params = [{transform_indices = #map}, {transform_indices = #map}, {transform_indices = #map1}]} {
    %mul3A = arith.constant 2 : i32
    %mul3A_0 = arith.muli %arg1, %mul3A : i32
    %add3A = arith.addi %mul3A_0, %arg0 : i32
    %mul3A_1 = arith.constant 65536 : i32
    %mul3A_2 = arith.muli %add3A, %mul3A_1 : i32
    "tpu.region"() ({
      %run_scoped3A = tpu.sem_alloc : memref<!tpu.dma_semaphore, #tpu.memory_space<semaphore_mem>>
      tpu.enqueue_dma source(%arg3 : memref<128xi32, #tpu.memory_space<hbm>>) target(%arg9 : memref<128xi32, #tpu.memory_space<vmem>>) target_semaphore(%run_scoped3A : memref<!tpu.dma_semaphore, #tpu.memory_space<semaphore_mem>>)
      tpu.wait_dma2 semaphore(%run_scoped3A : memref<!tpu.dma_semaphore, #tpu.memory_space<semaphore_mem>>) src(%arg3 : memref<128xi32, #tpu.memory_space<hbm>>) dst(%arg9 : memref<128xi32, #tpu.memory_space<vmem>>)
      tpu.yield
    }) : () -> ()
    %get3A = arith.constant 0 : index
    %get3A_3 = tpu.vector_load %arg9[%get3A] {strides = array<i32>} : memref<128xi32, #tpu.memory_space<vmem>>, vector<16xi32>,
    %slice3A = vector.extract_strided_slice %get3A_3 {offsets = [0], sizes = [1], strides = [1]} : vector<16xi32> to vector<1xi32>
    %squeeze3A = vector.extract %slice3A[0] : i32 from vector<1xi32>
    %iota3A = tpu.iota {dimensions = array<i32: 0>} : vector<16xi32>
    %broadcast_in_dim3A = arith.constant 0 : i32
    %broadcast_in_dim3A_4 = vector.broadcast %broadcast_in_dim3A : i32 to vector<16xi32>
    %broadcast_in_dim3A_5 = arith.constant 0.000000e+00 : f32
    %broadcast_in_dim3A_6 = vector.broadcast %broadcast_in_dim3A_5 : f32 to vector<16xf32>
    %broadcast_in_dim3A_7 = arith.constant 1 : i32
    %broadcast_in_dim3A_8 = vector.broadcast %broadcast_in_dim3A_7 : i32 to vector<16xi32>
    %scan3A = arith.constant 0 : i32
    %scan3A_9 = arith.constant 0 : i32
    %scan3A_10 = arith.constant 256 : i32
    %scan3A_11 = arith.addi %scan3A_9, %scan3A_10 : i32
    %scan3A_12 = arith.constant 1 : i32
    %scan3A_13 = scf.for %scan3A_56 = %scan3A_9 to %scan3A_11 step %scan3A_12 iter_args(%scan3A_57 = %scan3A) -> (i32)  : i32 {
      %mul3A_58 = arith.constant 128 : i32
      %mul3A_59 = arith.muli %scan3A_56, %mul3A_58 : i32
      %add3A_60 = arith.constant 0 : i32
      %add3A_61 = arith.addi %mul3A_59, %add3A_60 : i32
      %swap3A = arith.index_cast %add3A_61 : i32 to index
      %swap3A_62 = tpu.vector_load %arg6[%swap3A] {strides = array<i32>} : memref<32768xi32, #tpu.memory_space<vmem>>, vector<16xi32>,
      tpu.vector_store %arg6[%swap3A], %broadcast_in_dim3A_4 {strides = array<i32>} : memref<32768xi32, #tpu.memory_space<vmem>>, vector<16xi32>,
      %mul3A_63 = arith.constant 128 : i32
      %mul3A_64 = arith.muli %scan3A_56, %mul3A_63 : i32
      %add3A_65 = arith.constant 16 : i32
      %add3A_66 = arith.addi %mul3A_64, %add3A_65 : i32
      %swap3A_67 = arith.index_cast %add3A_66 : i32 to index
      %swap3A_68 = tpu.vector_load %arg6[%swap3A_67] {strides = array<i32>} : memref<32768xi32, #tpu.memory_space<vmem>>, vector<16xi32>,
      tpu.vector_store %arg6[%swap3A_67], %broadcast_in_dim3A_4 {strides = array<i32>} : memref<32768xi32, #tpu.memory_space<vmem>>, vector<16xi32>,
      %mul3A_69 = arith.constant 128 : i32
      %mul3A_70 = arith.muli %scan3A_56, %mul3A_69 : i32
      %add3A_71 = arith.constant 32 : i32
      %add3A_72 = arith.addi %mul3A_70, %add3A_71 : i32
      %swap3A_73 = arith.index_cast %add3A_72 : i32 to index
      %swap3A_74 = tpu.vector_load %arg6[%swap3A_73] {strides = array<i32>} : memref<32768xi32, #tpu.memory_space<vmem>>, vector<16xi32>,
      tpu.vector_store %arg6[%swap3A_73], %broadcast_in_dim3A_4 {strides = array<i32>} : memref<32768xi32, #tpu.memory_space<vmem>>, vector<16xi32>,
      %mul3A_75 = arith.constant 128 : i32
      %mul3A_76 = arith.muli %scan3A_56, %mul3A_75 : i32
      %add3A_77 = arith.constant 48 : i32
      %add3A_78 = arith.addi %mul3A_76, %add3A_77 : i32
      %swap3A_79 = arith.index_cast %add3A_78 : i32 to index
      %swap3A_80 = tpu.vector_load %arg6[%swap3A_79] {strides = array<i32>} : memref<32768xi32, #tpu.memory_space<vmem>>, vector<16xi32>,
      tpu.vector_store %arg6[%swap3A_79], %broadcast_in_dim3A_4 {strides = array<i32>} : memref<32768xi32, #tpu.memory_space<vmem>>, vector<16xi32>,
      %mul3A_81 = arith.constant 128 : i32
      %mul3A_82 = arith.muli %scan3A_56, %mul3A_81 : i32
      %add3A_83 = arith.constant 64 : i32
      %add3A_84 = arith.addi %mul3A_82, %add3A_83 : i32
      %swap3A_85 = arith.index_cast %add3A_84 : i32 to index
      %swap3A_86 = tpu.vector_load %arg6[%swap3A_85] {strides = array<i32>} : memref<32768xi32, #tpu.memory_space<vmem>>, vector<16xi32>,
      tpu.vector_store %arg6[%swap3A_85], %broadcast_in_dim3A_4 {strides = array<i32>} : memref<32768xi32, #tpu.memory_space<vmem>>, vector<16xi32>,
      %mul3A_87 = arith.constant 128 : i32
      %mul3A_88 = arith.muli %scan3A_56, %mul3A_87 : i32
      %add3A_89 = arith.constant 80 : i32
      %add3A_90 = arith.addi %mul3A_88, %add3A_89 : i32
      %swap3A_91 = arith.index_cast %add3A_90 : i32 to index
      %swap3A_92 = tpu.vector_load %arg6[%swap3A_91] {strides = array<i32>} : memref<32768xi32, #tpu.memory_space<vmem>>, vector<16xi32>,
      tpu.vector_store %arg6[%swap3A_91], %broadcast_in_dim3A_4 {strides = array<i32>} : memref<32768xi32, #tpu.memory_space<vmem>>, vector<16xi32>,
      %mul3A_93 = arith.constant 128 : i32
      %mul3A_94 = arith.muli %scan3A_56, %mul3A_93 : i32
      %add3A_95 = arith.constant 96 : i32
      %add3A_96 = arith.addi %mul3A_94, %add3A_95 : i32
      %swap3A_97 = arith.index_cast %add3A_96 : i32 to index
      %swap3A_98 = tpu.vector_load %arg6[%swap3A_97] {strides = array<i32>} : memref<32768xi32, #tpu.memory_space<vmem>>, vector<16xi32>,
      tpu.vector_store %arg6[%swap3A_97], %broadcast_in_dim3A_4 {strides = array<i32>} : memref<32768xi32, #tpu.memory_space<vmem>>, vector<16xi32>,
      %mul3A_99 = arith.constant 128 : i32
      %mul3A_100 = arith.muli %scan3A_56, %mul3A_99 : i32
      %add3A_101 = arith.constant 112 : i32
      %add3A_102 = arith.addi %mul3A_100, %add3A_101 : i32
      %swap3A_103 = arith.index_cast %add3A_102 : i32 to index
      %swap3A_104 = tpu.vector_load %arg6[%swap3A_103] {strides = array<i32>} : memref<32768xi32, #tpu.memory_space<vmem>>, vector<16xi32>,
      tpu.vector_store %arg6[%swap3A_103], %broadcast_in_dim3A_4 {strides = array<i32>} : memref<32768xi32, #tpu.memory_space<vmem>>, vector<16xi32>,
      %scan3A_105 = arith.constant 0 : i32
      scf.yield %scan3A_105 : i32
    }
    %scan3A_14 = arith.constant 256 : i32
    %add3A_15 = arith.constant 0 : i32
    %add3A_16 = arith.addi %mul3A_2, %add3A_15 : i32
    %dma_start3A = arith.constant 0 : i32
    %dma_start3A_17 = arith.constant 0 : i32
    %dma_start3A_18 = arith.constant 0 : i32
    %dma_start3A_19 = tpu.memref_slice %arg5[%dma_start3A, %dma_start3A_18] : memref<2x16384xf32, #tpu.memory_space<vmem>> -> memref<1x16384xf32, #tpu.memory_space<vmem>>
    %dma_start3A_20 = tpu.memref_squeeze %dma_start3A_19 : memref<1x16384xf32, #tpu.memory_space<vmem>> -> memref<16384xf32, #tpu.memory_space<vmem>>
    %dma_start3A_21 = tpu.memref_slice %arg2[%add3A_16] : memref<2097152xf32, #tpu.memory_space<hbm>> -> memref<16384xf32, #tpu.memory_space<hbm>>
    %dma_start3A_22 = tpu.memref_slice %arg8[%dma_start3A_17] : memref<2x!tpu.dma_semaphore, #tpu.memory_space<semaphore_mem>> -> memref<1x!tpu.dma_semaphore, #tpu.memory_space<semaphore_mem>>
    %dma_start3A_23 = tpu.memref_squeeze %dma_start3A_22 : memref<1x!tpu.dma_semaphore, #tpu.memory_space<semaphore_mem>> -> memref<!tpu.dma_semaphore, #tpu.memory_space<semaphore_mem>>
    %dma_start3A_24 = arith.constant 0 : i32
    %dma_start3A_25 = tpu.memref_slice %arg5[%dma_start3A, %dma_start3A_24] : memref<2x16384xf32, #tpu.memory_space<vmem>> -> memref<1x16384xf32, #tpu.memory_space<vmem>>
    %dma_start3A_26 = tpu.memref_squeeze %dma_start3A_25 : memref<1x16384xf32, #tpu.memory_space<vmem>> -> memref<16384xf32, #tpu.memory_space<vmem>>
    %dma_start3A_27 = tpu.memref_slice %arg2[%add3A_16] : memref<2097152xf32, #tpu.memory_space<hbm>> -> memref<16384xf32, #tpu.memory_space<hbm>>
    tpu.enqueue_dma source(%dma_start3A_27 : memref<16384xf32, #tpu.memory_space<hbm>>) target(%dma_start3A_26 : memref<16384xf32, #tpu.memory_space<vmem>>) target_semaphore(%dma_start3A_23 : memref<!tpu.dma_semaphore, #tpu.memory_space<semaphore_mem>>)
    %add3A_28 = arith.constant 16384 : i32
    %add3A_29 = arith.addi %mul3A_2, %add3A_28 : i32
    %dma_start3A_30 = arith.constant 1 : i32
    %dma_start3A_31 = arith.constant 1 : i32
    %dma_start3A_32 = arith.constant 0 : i32
    %dma_start3A_33 = tpu.memref_slice %arg5[%dma_start3A_30, %dma_start3A_32] : memref<2x16384xf32, #tpu.memory_space<vmem>> -> memref<1x16384xf32, #tpu.memory_space<vmem>>
    %dma_start3A_34 = tpu.memref_squeeze %dma_start3A_33 : memref<1x16384xf32, #tpu.memory_space<vmem>> -> memref<16384xf32, #tpu.memory_space<vmem>>
    %dma_start3A_35 = tpu.memref_slice %arg2[%add3A_29] : memref<2097152xf32, #tpu.memory_space<hbm>> -> memref<16384xf32, #tpu.memory_space<hbm>>
    %dma_start3A_36 = tpu.memref_slice %arg8[%dma_start3A_31] : memref<2x!tpu.dma_semaphore, #tpu.memory_space<semaphore_mem>> -> memref<1x!tpu.dma_semaphore, #tpu.memory_space<semaphore_mem>>
    %dma_start3A_37 = tpu.memref_squeeze %dma_start3A_36 : memref<1x!tpu.dma_semaphore, #tpu.memory_space<semaphore_mem>> -> memref<!tpu.dma_semaphore, #tpu.memory_space<semaphore_mem>>
    %dma_start3A_38 = arith.constant 0 : i32
    %dma_start3A_39 = tpu.memref_slice %arg5[%dma_start3A_30, %dma_start3A_38] : memref<2x16384xf32, #tpu.memory_space<vmem>> -> memref<1x16384xf32, #tpu.memory_space<vmem>>
    %dma_start3A_40 = tpu.memref_squeeze %dma_start3A_39 : memref<1x16384xf32, #tpu.memory_space<vmem>> -> memref<16384xf32, #tpu.memory_space<vmem>>
    %dma_start3A_41 = tpu.memref_slice %arg2[%add3A_29] : memref<2097152xf32, #tpu.memory_space<hbm>> -> memref<16384xf32, #tpu.memory_space<hbm>>
    tpu.enqueue_dma source(%dma_start3A_41 : memref<16384xf32, #tpu.memory_space<hbm>>) target(%dma_start3A_40 : memref<16384xf32, #tpu.memory_space<vmem>>) target_semaphore(%dma_start3A_37 : memref<!tpu.dma_semaphore, #tpu.memory_space<semaphore_mem>>)
    %scan3A_42 = arith.constant 0 : i32
    %scan3A_43 = arith.constant 0 : i32
    %scan3A_44 = arith.constant 4 : i32
    %scan3A_45 = arith.addi %scan3A_43, %scan3A_44 : i32
    %scan3A_46 = arith.constant 1 : i32
    %scan3A_47 = scf.for %scan3A_56 = %scan3A_43 to %scan3A_45 step %scan3A_46 iter_args(%scan3A_57 = %scan3A_42) -> (i32)  : i32 {
      %rem3A = arith.constant 2 : i32
      %rem3A_58 = arith.remsi %scan3A_56, %rem3A : i32
      %dma_wait3A = arith.constant 0 : i32
      %dma_wait3A_59 = tpu.memref_slice %arg5[%rem3A_58, %dma_wait3A] : memref<2x16384xf32, #tpu.memory_space<vmem>> -> memref<1x16384xf32, #tpu.memory_space<vmem>>
      %dma_wait3A_60 = tpu.memref_squeeze %dma_wait3A_59 : memref<1x16384xf32, #tpu.memory_space<vmem>> -> memref<16384xf32, #tpu.memory_space<vmem>>
      %dma_wait3A_61 = arith.constant 0 : i32
      %dma_wait3A_62 = tpu.memref_slice %arg2[%dma_wait3A_61] : memref<2097152xf32, #tpu.memory_space<hbm>> -> memref<16384xf32, #tpu.memory_space<hbm>>
      %dma_wait3A_63 = tpu.memref_slice %arg8[%rem3A_58] : memref<2x!tpu.dma_semaphore, #tpu.memory_space<semaphore_mem>> -> memref<1x!tpu.dma_semaphore, #tpu.memory_space<semaphore_mem>>
      %dma_wait3A_64 = tpu.memref_squeeze %dma_wait3A_63 : memref<1x!tpu.dma_semaphore, #tpu.memory_space<semaphore_mem>> -> memref<!tpu.dma_semaphore, #tpu.memory_space<semaphore_mem>>
      %dma_wait3A_65 = arith.constant 0 : i32
      %dma_wait3A_66 = tpu.memref_slice %arg5[%rem3A_58, %dma_wait3A_65] : memref<2x16384xf32, #tpu.memory_space<vmem>> -> memref<1x16384xf32, #tpu.memory_space<vmem>>
      %dma_wait3A_67 = tpu.memref_squeeze %dma_wait3A_66 : memref<1x16384xf32, #tpu.memory_space<vmem>> -> memref<16384xf32, #tpu.memory_space<vmem>>
      %dma_wait3A_68 = arith.constant 0 : i32
      %dma_wait3A_69 = tpu.memref_slice %arg2[%dma_wait3A_68] : memref<2097152xf32, #tpu.memory_space<hbm>> -> memref<16384xf32, #tpu.memory_space<hbm>>
      tpu.wait_dma2 semaphore(%dma_wait3A_64 : memref<!tpu.dma_semaphore, #tpu.memory_space<semaphore_mem>>) src(%dma_wait3A_69 : memref<16384xf32, #tpu.memory_space<hbm>>) dst(%dma_wait3A_67 : memref<16384xf32, #tpu.memory_space<vmem>>)
      %scan3A_70 = arith.constant 0 : i32
      %scan3A_71 = arith.constant 0 : i32
      %scan3A_72 = arith.constant 128 : i32
      %scan3A_73 = arith.addi %scan3A_71, %scan3A_72 : i32
      %scan3A_74 = arith.constant 1 : i32
      %scan3A_75 = scf.for %scan3A_82 = %scan3A_71 to %scan3A_73 step %scan3A_74 iter_args(%scan3A_83 = %scan3A_70) -> (i32)  : i32 {
        %mul3A_84 = arith.constant 128 : i32
        %mul3A_85 = arith.muli %scan3A_82, %mul3A_84 : i32
        %add3A_86 = arith.constant 0 : i32
        %add3A_87 = arith.addi %mul3A_85, %add3A_86 : i32
        %get3A_88 = arith.index_cast %rem3A_58 : i32 to index
        %get3A_89 = arith.index_cast %add3A_87 : i32 to index
        %get3A_90 = tpu.vector_load %arg5[%get3A_88, %get3A_89] {strides = array<i32>} : memref<2x16384xf32, #tpu.memory_space<vmem>>, vector<16xf32>,
        %mul3A_91 = arith.constant 128 : i32
        %mul3A_92 = arith.muli %scan3A_82, %mul3A_91 : i32
        %add3A_93 = arith.constant 16 : i32
        %add3A_94 = arith.addi %mul3A_92, %add3A_93 : i32
        %get3A_95 = arith.index_cast %rem3A_58 : i32 to index
        %get3A_96 = arith.index_cast %add3A_94 : i32 to index
        %get3A_97 = tpu.vector_load %arg5[%get3A_95, %get3A_96] {strides = array<i32>} : memref<2x16384xf32, #tpu.memory_space<vmem>>, vector<16xf32>,
        %mul3A_98 = arith.constant 128 : i32
        %mul3A_99 = arith.muli %scan3A_82, %mul3A_98 : i32
        %add3A_100 = arith.constant 32 : i32
        %add3A_101 = arith.addi %mul3A_99, %add3A_100 : i32
        %get3A_102 = arith.index_cast %rem3A_58 : i32 to index
        %get3A_103 = arith.index_cast %add3A_101 : i32 to index
        %get3A_104 = tpu.vector_load %arg5[%get3A_102, %get3A_103] {strides = array<i32>} : memref<2x16384xf32, #tpu.memory_space<vmem>>, vector<16xf32>,
        %mul3A_105 = arith.constant 128 : i32
        %mul3A_106 = arith.muli %scan3A_82, %mul3A_105 : i32
        %add3A_107 = arith.constant 48 : i32
        %add3A_108 = arith.addi %mul3A_106, %add3A_107 : i32
        %get3A_109 = arith.index_cast %rem3A_58 : i32 to index
        %get3A_110 = arith.index_cast %add3A_108 : i32 to index
        %get3A_111 = tpu.vector_load %arg5[%get3A_109, %get3A_110] {strides = array<i32>} : memref<2x16384xf32, #tpu.memory_space<vmem>>, vector<16xf32>,
        %mul3A_112 = arith.constant 128 : i32
        %mul3A_113 = arith.muli %scan3A_82, %mul3A_112 : i32
        %add3A_114 = arith.constant 64 : i32
        %add3A_115 = arith.addi %mul3A_113, %add3A_114 : i32
        %get3A_116 = arith.index_cast %rem3A_58 : i32 to index
        %get3A_117 = arith.index_cast %add3A_115 : i32 to index
        %get3A_118 = tpu.vector_load %arg5[%get3A_116, %get3A_117] {strides = array<i32>} : memref<2x16384xf32, #tpu.memory_space<vmem>>, vector<16xf32>,
        %mul3A_119 = arith.constant 128 : i32
        %mul3A_120 = arith.muli %scan3A_82, %mul3A_119 : i32
        %add3A_121 = arith.constant 80 : i32
        %add3A_122 = arith.addi %mul3A_120, %add3A_121 : i32
        %get3A_123 = arith.index_cast %rem3A_58 : i32 to index
        %get3A_124 = arith.index_cast %add3A_122 : i32 to index
        %get3A_125 = tpu.vector_load %arg5[%get3A_123, %get3A_124] {strides = array<i32>} : memref<2x16384xf32, #tpu.memory_space<vmem>>, vector<16xf32>,
        %mul3A_126 = arith.constant 128 : i32
        %mul3A_127 = arith.muli %scan3A_82, %mul3A_126 : i32
        %add3A_128 = arith.constant 96 : i32
        %add3A_129 = arith.addi %mul3A_127, %add3A_128 : i32
        %get3A_130 = arith.index_cast %rem3A_58 : i32 to index
        %get3A_131 = arith.index_cast %add3A_129 : i32 to index
        %get3A_132 = tpu.vector_load %arg5[%get3A_130, %get3A_131] {strides = array<i32>} : memref<2x16384xf32, #tpu.memory_space<vmem>>, vector<16xf32>,
        %mul3A_133 = arith.constant 128 : i32
        %mul3A_134 = arith.muli %scan3A_82, %mul3A_133 : i32
        %add3A_135 = arith.constant 112 : i32
        %add3A_136 = arith.addi %mul3A_134, %add3A_135 : i32
        %get3A_137 = arith.index_cast %rem3A_58 : i32 to index
        %get3A_138 = arith.index_cast %add3A_136 : i32 to index
        %get3A_139 = tpu.vector_load %arg5[%get3A_137, %get3A_138] {strides = array<i32>} : memref<2x16384xf32, #tpu.memory_space<vmem>>, vector<16xf32>,
        %bitcast3A = vector.bitcast %get3A_90 : vector<16xf32> to vector<16xi32>
        %bitcast3A_140 = vector.bitcast %get3A_97 : vector<16xf32> to vector<16xi32>
        %bitcast3A_141 = vector.bitcast %get3A_104 : vector<16xf32> to vector<16xi32>
        %bitcast3A_142 = vector.bitcast %get3A_111 : vector<16xf32> to vector<16xi32>
        %bitcast3A_143 = vector.bitcast %get3A_118 : vector<16xf32> to vector<16xi32>
        %bitcast3A_144 = vector.bitcast %get3A_125 : vector<16xf32> to vector<16xi32>
        %bitcast3A_145 = vector.bitcast %get3A_132 : vector<16xf32> to vector<16xi32>
        %bitcast3A_146 = vector.bitcast %get3A_139 : vector<16xf32> to vector<16xi32>
        %shift_right_arithmetic3A = arith.constant 10 : i32
        %shift_right_arithmetic3A_147 = vector.broadcast %shift_right_arithmetic3A : i32 to vector<16xi32>
        %shift_right_arithmetic3A_148 = arith.shrsi %bitcast3A, %shift_right_arithmetic3A_147 : vector<16xi32>
        %and3A = arith.constant 2047 : i32
        %and3A_149 = vector.broadcast %and3A : i32 to vector<16xi32>
        %and3A_150 = arith.andi %shift_right_arithmetic3A_148, %and3A_149 : vector<16xi32>
        %mul3A_151 = arith.constant 16 : i32
        %mul3A_152 = vector.broadcast %mul3A_151 : i32 to vector<16xi32>
        %mul3A_153 = arith.muli %and3A_150, %mul3A_152 : vector<16xi32>
        %add3A_154 = arith.addi %mul3A_153, %iota3A : vector<16xi32>
        %shift_right_arithmetic3A_155 = arith.constant 10 : i32
        %shift_right_arithmetic3A_156 = vector.broadcast %shift_right_arithmetic3A_155 : i32 to vector<16xi32>
        %shift_right_arithmetic3A_157 = arith.shrsi %bitcast3A_140, %shift_right_arithmetic3A_156 : vector<16xi32>
        %and3A_158 = arith.constant 2047 : i32
        %and3A_159 = vector.broadcast %and3A_158 : i32 to vector<16xi32>
        %and3A_160 = arith.andi %shift_right_arithmetic3A_157, %and3A_159 : vector<16xi32>
        %mul3A_161 = arith.constant 16 : i32
        %mul3A_162 = vector.broadcast %mul3A_161 : i32 to vector<16xi32>
        %mul3A_163 = arith.muli %and3A_160, %mul3A_162 : vector<16xi32>
        %add3A_164 = arith.addi %mul3A_163, %iota3A : vector<16xi32>
        %shift_right_arithmetic3A_165 = arith.constant 10 : i32
        %shift_right_arithmetic3A_166 = vector.broadcast %shift_right_arithmetic3A_165 : i32 to vector<16xi32>
        %shift_right_arithmetic3A_167 = arith.shrsi %bitcast3A_141, %shift_right_arithmetic3A_166 : vector<16xi32>
        %and3A_168 = arith.constant 2047 : i32
        %and3A_169 = vector.broadcast %and3A_168 : i32 to vector<16xi32>
        %and3A_170 = arith.andi %shift_right_arithmetic3A_167, %and3A_169 : vector<16xi32>
        %mul3A_171 = arith.constant 16 : i32
        %mul3A_172 = vector.broadcast %mul3A_171 : i32 to vector<16xi32>
        %mul3A_173 = arith.muli %and3A_170, %mul3A_172 : vector<16xi32>
        %add3A_174 = arith.addi %mul3A_173, %iota3A : vector<16xi32>
        %shift_right_arithmetic3A_175 = arith.constant 10 : i32
        %shift_right_arithmetic3A_176 = vector.broadcast %shift_right_arithmetic3A_175 : i32 to vector<16xi32>
        %shift_right_arithmetic3A_177 = arith.shrsi %bitcast3A_142, %shift_right_arithmetic3A_176 : vector<16xi32>
        %and3A_178 = arith.constant 2047 : i32
        %and3A_179 = vector.broadcast %and3A_178 : i32 to vector<16xi32>
        %and3A_180 = arith.andi %shift_right_arithmetic3A_177, %and3A_179 : vector<16xi32>
        %mul3A_181 = arith.constant 16 : i32
        %mul3A_182 = vector.broadcast %mul3A_181 : i32 to vector<16xi32>
        %mul3A_183 = arith.muli %and3A_180, %mul3A_182 : vector<16xi32>
        %add3A_184 = arith.addi %mul3A_183, %iota3A : vector<16xi32>
        %shift_right_arithmetic3A_185 = arith.constant 10 : i32
        %shift_right_arithmetic3A_186 = vector.broadcast %shift_right_arithmetic3A_185 : i32 to vector<16xi32>
        %shift_right_arithmetic3A_187 = arith.shrsi %bitcast3A_143, %shift_right_arithmetic3A_186 : vector<16xi32>
        %and3A_188 = arith.constant 2047 : i32
        %and3A_189 = vector.broadcast %and3A_188 : i32 to vector<16xi32>
        %and3A_190 = arith.andi %shift_right_arithmetic3A_187, %and3A_189 : vector<16xi32>
        %mul3A_191 = arith.constant 16 : i32
        %mul3A_192 = vector.broadcast %mul3A_191 : i32 to vector<16xi32>
        %mul3A_193 = arith.muli %and3A_190, %mul3A_192 : vector<16xi32>
        %add3A_194 = arith.addi %mul3A_193, %iota3A : vector<16xi32>
        %shift_right_arithmetic3A_195 = arith.constant 10 : i32
        %shift_right_arithmetic3A_196 = vector.broadcast %shift_right_arithmetic3A_195 : i32 to vector<16xi32>
        %shift_right_arithmetic3A_197 = arith.shrsi %bitcast3A_144, %shift_right_arithmetic3A_196 : vector<16xi32>
        %and3A_198 = arith.constant 2047 : i32
        %and3A_199 = vector.broadcast %and3A_198 : i32 to vector<16xi32>
        %and3A_200 = arith.andi %shift_right_arithmetic3A_197, %and3A_199 : vector<16xi32>
        %mul3A_201 = arith.constant 16 : i32
        %mul3A_202 = vector.broadcast %mul3A_201 : i32 to vector<16xi32>
        %mul3A_203 = arith.muli %and3A_200, %mul3A_202 : vector<16xi32>
        %add3A_204 = arith.addi %mul3A_203, %iota3A : vector<16xi32>
        %shift_right_arithmetic3A_205 = arith.constant 10 : i32
        %shift_right_arithmetic3A_206 = vector.broadcast %shift_right_arithmetic3A_205 : i32 to vector<16xi32>
        %shift_right_arithmetic3A_207 = arith.shrsi %bitcast3A_145, %shift_right_arithmetic3A_206 : vector<16xi32>
        %and3A_208 = arith.constant 2047 : i32
        %and3A_209 = vector.broadcast %and3A_208 : i32 to vector<16xi32>
        %and3A_210 = arith.andi %shift_right_arithmetic3A_207, %and3A_209 : vector<16xi32>
        %mul3A_211 = arith.constant 16 : i32
        %mul3A_212 = vector.broadcast %mul3A_211 : i32 to vector<16xi32>
        %mul3A_213 = arith.muli %and3A_210, %mul3A_212 : vector<16xi32>
        %add3A_214 = arith.addi %mul3A_213, %iota3A : vector<16xi32>
        %shift_right_arithmetic3A_215 = arith.constant 10 : i32
        %shift_right_arithmetic3A_216 = vector.broadcast %shift_right_arithmetic3A_215 : i32 to vector<16xi32>
        %shift_right_arithmetic3A_217 = arith.shrsi %bitcast3A_146, %shift_right_arithmetic3A_216 : vector<16xi32>
        %and3A_218 = arith.constant 2047 : i32
        %and3A_219 = vector.broadcast %and3A_218 : i32 to vector<16xi32>
        %and3A_220 = arith.andi %shift_right_arithmetic3A_217, %and3A_219 : vector<16xi32>
        %mul3A_221 = arith.constant 16 : i32
        %mul3A_222 = vector.broadcast %mul3A_221 : i32 to vector<16xi32>
        %mul3A_223 = arith.muli %and3A_220, %mul3A_222 : vector<16xi32>
        %add3A_224 = arith.addi %mul3A_223, %iota3A : vector<16xi32>
        %shift_right_arithmetic3A_225 = arith.constant 21 : i32
        %shift_right_arithmetic3A_226 = vector.broadcast %shift_right_arithmetic3A_225 : i32 to vector<16xi32>
        %shift_right_arithmetic3A_227 = arith.shrsi %bitcast3A, %shift_right_arithmetic3A_226 : vector<16xi32>
        %eq3A = vector.broadcast %squeeze3A : i32 to vector<16xi32>
        %eq3A_228 = arith.cmpi eq, %shift_right_arithmetic3A_227, %eq3A : vector<16xi32>
        %shift_right_arithmetic3A_229 = arith.constant 21 : i32
        %shift_right_arithmetic3A_230 = vector.broadcast %shift_right_arithmetic3A_229 : i32 to vector<16xi32>
        %shift_right_arithmetic3A_231 = arith.shrsi %bitcast3A_140, %shift_right_arithmetic3A_230 : vector<16xi32>
        %eq3A_232 = vector.broadcast %squeeze3A : i32 to vector<16xi32>
        %eq3A_233 = arith.cmpi eq, %shift_right_arithmetic3A_231, %eq3A_232 : vector<16xi32>
        %shift_right_arithmetic3A_234 = arith.constant 21 : i32
        %shift_right_arithmetic3A_235 = vector.broadcast %shift_right_arithmetic3A_234 : i32 to vector<16xi32>
        %shift_right_arithmetic3A_236 = arith.shrsi %bitcast3A_141, %shift_right_arithmetic3A_235 : vector<16xi32>
        %eq3A_237 = vector.broadcast %squeeze3A : i32 to vector<16xi32>
        %eq3A_238 = arith.cmpi eq, %shift_right_arithmetic3A_236, %eq3A_237 : vector<16xi32>
        %shift_right_arithmetic3A_239 = arith.constant 21 : i32
        %shift_right_arithmetic3A_240 = vector.broadcast %shift_right_arithmetic3A_239 : i32 to vector<16xi32>
        %shift_right_arithmetic3A_241 = arith.shrsi %bitcast3A_142, %shift_right_arithmetic3A_240 : vector<16xi32>
        %eq3A_242 = vector.broadcast %squeeze3A : i32 to vector<16xi32>
        %eq3A_243 = arith.cmpi eq, %shift_right_arithmetic3A_241, %eq3A_242 : vector<16xi32>
        %shift_right_arithmetic3A_244 = arith.constant 21 : i32
        %shift_right_arithmetic3A_245 = vector.broadcast %shift_right_arithmetic3A_244 : i32 to vector<16xi32>
        %shift_right_arithmetic3A_246 = arith.shrsi %bitcast3A_143, %shift_right_arithmetic3A_245 : vector<16xi32>
        %eq3A_247 = vector.broadcast %squeeze3A : i32 to vector<16xi32>
        %eq3A_248 = arith.cmpi eq, %shift_right_arithmetic3A_246, %eq3A_247 : vector<16xi32>
        %shift_right_arithmetic3A_249 = arith.constant 21 : i32
        %shift_right_arithmetic3A_250 = vector.broadcast %shift_right_arithmetic3A_249 : i32 to vector<16xi32>
        %shift_right_arithmetic3A_251 = arith.shrsi %bitcast3A_144, %shift_right_arithmetic3A_250 : vector<16xi32>
        %eq3A_252 = vector.broadcast %squeeze3A : i32 to vector<16xi32>
        %eq3A_253 = arith.cmpi eq, %shift_right_arithmetic3A_251, %eq3A_252 : vector<16xi32>
        %shift_right_arithmetic3A_254 = arith.constant 21 : i32
        %shift_right_arithmetic3A_255 = vector.broadcast %shift_right_arithmetic3A_254 : i32 to vector<16xi32>
        %shift_right_arithmetic3A_256 = arith.shrsi %bitcast3A_145, %shift_right_arithmetic3A_255 : vector<16xi32>
        %eq3A_257 = vector.broadcast %squeeze3A : i32 to vector<16xi32>
        %eq3A_258 = arith.cmpi eq, %shift_right_arithmetic3A_256, %eq3A_257 : vector<16xi32>
        %shift_right_arithmetic3A_259 = arith.constant 21 : i32
        %shift_right_arithmetic3A_260 = vector.broadcast %shift_right_arithmetic3A_259 : i32 to vector<16xi32>
        %shift_right_arithmetic3A_261 = arith.shrsi %bitcast3A_146, %shift_right_arithmetic3A_260 : vector<16xi32>
        %eq3A_262 = vector.broadcast %squeeze3A : i32 to vector<16xi32>
        %eq3A_263 = arith.cmpi eq, %shift_right_arithmetic3A_261, %eq3A_262 : vector<16xi32>
        tpu.vector_store_idx %arg6[%add3A_154], %broadcast_in_dim3A_8 masked %eq3A_228 {add = true} : memref<32768xi32, #tpu.memory_space<vmem>>[vector<16xi32>], vector<16xi32>, vector<16xi1>
        tpu.vector_store_idx %arg6[%add3A_164], %broadcast_in_dim3A_8 masked %eq3A_233 {add = true} : memref<32768xi32, #tpu.memory_space<vmem>>[vector<16xi32>], vector<16xi32>, vector<16xi1>
        tpu.vector_store_idx %arg6[%add3A_174], %broadcast_in_dim3A_8 masked %eq3A_238 {add = true} : memref<32768xi32, #tpu.memory_space<vmem>>[vector<16xi32>], vector<16xi32>, vector<16xi1>
        tpu.vector_store_idx %arg6[%add3A_184], %broadcast_in_dim3A_8 masked %eq3A_243 {add = true} : memref<32768xi32, #tpu.memory_space<vmem>>[vector<16xi32>], vector<16xi32>, vector<16xi1>
        tpu.vector_store_idx %arg6[%add3A_194], %broadcast_in_dim3A_8 masked %eq3A_248 {add = true} : memref<32768xi32, #tpu.memory_space<vmem>>[vector<16xi32>], vector<16xi32>, vector<16xi1>
        tpu.vector_store_idx %arg6[%add3A_204], %broadcast_in_dim3A_8 masked %eq3A_253 {add = true} : memref<32768xi32, #tpu.memory_space<vmem>>[vector<16xi32>], vector<16xi32>, vector<16xi1>
        tpu.vector_store_idx %arg6[%add3A_214], %broadcast_in_dim3A_8 masked %eq3A_258 {add = true} : memref<32768xi32, #tpu.memory_space<vmem>>[vector<16xi32>], vector<16xi32>, vector<16xi1>
        tpu.vector_store_idx %arg6[%add3A_224], %broadcast_in_dim3A_8 masked %eq3A_263 {add = true} : memref<32768xi32, #tpu.memory_space<vmem>>[vector<16xi32>], vector<16xi32>, vector<16xi1>
        %scan3A_264 = arith.constant 0 : i32
        scf.yield %scan3A_264 : i32
      }
      %scan3A_76 = arith.constant 128 : i32
      %add3A_77 = arith.constant 2 : i32
      %add3A_78 = arith.addi %scan3A_56, %add3A_77 : i32
      %lt3A = arith.constant 4 : i32
      %lt3A_79 = arith.cmpi slt, %add3A_78, %lt3A : i32
      %convert_element_type3A = arith.extui %lt3A_79 : i1 to i32
      %cond3A = arith.constant 0 : i32
      %cond3A_80 = arith.cmpi ne, %convert_element_type3A, %cond3A : i32
      scf.if %cond3A_80 {
        %add3A_82 = arith.constant 2 : i32
        %add3A_83 = arith.addi %scan3A_56, %add3A_82 : i32
        %mul3A_84 = arith.constant 16384 : i32
        %mul3A_85 = arith.muli %add3A_83, %mul3A_84 : i32
        %add3A_86 = arith.addi %mul3A_2, %mul3A_85 : i32
        %dma_start3A_87 = arith.constant 0 : i32
        %dma_start3A_88 = tpu.memref_slice %arg5[%rem3A_58, %dma_start3A_87] : memref<2x16384xf32, #tpu.memory_space<vmem>> -> memref<1x16384xf32, #tpu.memory_space<vmem>>
        %dma_start3A_89 = tpu.memref_squeeze %dma_start3A_88 : memref<1x16384xf32, #tpu.memory_space<vmem>> -> memref<16384xf32, #tpu.memory_space<vmem>>
        %dma_start3A_90 = tpu.memref_slice %arg2[%add3A_86] : memref<2097152xf32, #tpu.memory_space<hbm>> -> memref<16384xf32, #tpu.memory_space<hbm>>
        %dma_start3A_91 = tpu.memref_slice %arg8[%rem3A_58] : memref<2x!tpu.dma_semaphore, #tpu.memory_space<semaphore_mem>> -> memref<1x!tpu.dma_semaphore, #tpu.memory_space<semaphore_mem>>
        %dma_start3A_92 = tpu.memref_squeeze %dma_start3A_91 : memref<1x!tpu.dma_semaphore, #tpu.memory_space<semaphore_mem>> -> memref<!tpu.dma_semaphore, #tpu.memory_space<semaphore_mem>>
        %dma_start3A_93 = arith.constant 0 : i32
        %dma_start3A_94 = tpu.memref_slice %arg5[%rem3A_58, %dma_start3A_93] : memref<2x16384xf32, #tpu.memory_space<vmem>> -> memref<1x16384xf32, #tpu.memory_space<vmem>>
        %dma_start3A_95 = tpu.memref_squeeze %dma_start3A_94 : memref<1x16384xf32, #tpu.memory_space<vmem>> -> memref<16384xf32, #tpu.memory_space<vmem>>
        %dma_start3A_96 = tpu.memref_slice %arg2[%add3A_86] : memref<2097152xf32, #tpu.memory_space<hbm>> -> memref<16384xf32, #tpu.memory_space<hbm>>
        tpu.enqueue_dma source(%dma_start3A_96 : memref<16384xf32, #tpu.memory_space<hbm>>) target(%dma_start3A_95 : memref<16384xf32, #tpu.memory_space<vmem>>) target_semaphore(%dma_start3A_92 : memref<!tpu.dma_semaphore, #tpu.memory_space<semaphore_mem>>)
      } else {
      }
      %scan3A_81 = arith.constant 0 : i32
      scf.yield %scan3A_81 : i32
    }
    %scan3A_48 = arith.constant 4 : i32
    %scan3A_49 = arith.constant 0 : i32
    %scan3A_50 = arith.constant 0 : i32
    %scan3A_51 = arith.constant 128 : i32
    %scan3A_52 = arith.addi %scan3A_50, %scan3A_51 : i32
    %scan3A_53 = arith.constant 1 : i32
    %scan3A_54 = scf.for %scan3A_56 = %scan3A_50 to %scan3A_52 step %scan3A_53 iter_args(%scan3A_57 = %scan3A_49) -> (i32)  : i32 {
      %mul3A_58 = arith.constant 16 : i32
      %mul3A_59 = arith.muli %scan3A_56, %mul3A_58 : i32
      %add3A_60 = vector.broadcast %mul3A_59 : i32 to vector<16xi32>
      %add3A_61 = arith.addi %add3A_60, %iota3A : vector<16xi32>
      %mul3A_62 = arith.constant 16 : i32
      %mul3A_63 = vector.broadcast %mul3A_62 : i32 to vector<16xi32>
      %mul3A_64 = arith.muli %add3A_61, %mul3A_63 : vector<16xi32>
      %gather3A = tpu.vector_load_idx %arg6[%mul3A_64] : memref<32768xi32, #tpu.memory_space<vmem>>[vector<16xi32>], vector<16xi32>,
      %add3A_65 = arith.constant 1 : i32
      %add3A_66 = vector.broadcast %add3A_65 : i32 to vector<16xi32>
      %add3A_67 = arith.addi %mul3A_64, %add3A_66 : vector<16xi32>
      %gather3A_68 = tpu.vector_load_idx %arg6[%add3A_67] : memref<32768xi32, #tpu.memory_space<vmem>>[vector<16xi32>], vector<16xi32>,
      %add3A_69 = arith.addi %gather3A, %gather3A_68 : vector<16xi32>
      %add3A_70 = arith.constant 2 : i32
      %add3A_71 = vector.broadcast %add3A_70 : i32 to vector<16xi32>
      %add3A_72 = arith.addi %mul3A_64, %add3A_71 : vector<16xi32>
      %gather3A_73 = tpu.vector_load_idx %arg6[%add3A_72] : memref<32768xi32, #tpu.memory_space<vmem>>[vector<16xi32>], vector<16xi32>,
      %add3A_74 = arith.addi %add3A_69, %gather3A_73 : vector<16xi32>
      %add3A_75 = arith.constant 3 : i32
      %add3A_76 = vector.broadcast %add3A_75 : i32 to vector<16xi32>
      %add3A_77 = arith.addi %mul3A_64, %add3A_76 : vector<16xi32>
      %gather3A_78 = tpu.vector_load_idx %arg6[%add3A_77] : memref<32768xi32, #tpu.memory_space<vmem>>[vector<16xi32>], vector<16xi32>,
      %add3A_79 = arith.addi %add3A_74, %gather3A_78 : vector<16xi32>
      %add3A_80 = arith.constant 4 : i32
      %add3A_81 = vector.broadcast %add3A_80 : i32 to vector<16xi32>
      %add3A_82 = arith.addi %mul3A_64, %add3A_81 : vector<16xi32>
      %gather3A_83 = tpu.vector_load_idx %arg6[%add3A_82] : memref<32768xi32, #tpu.memory_space<vmem>>[vector<16xi32>], vector<16xi32>,
      %add3A_84 = arith.addi %add3A_79, %gather3A_83 : vector<16xi32>
      %add3A_85 = arith.constant 5 : i32
      %add3A_86 = vector.broadcast %add3A_85 : i32 to vector<16xi32>
      %add3A_87 = arith.addi %mul3A_64, %add3A_86 : vector<16xi32>
      %gather3A_88 = tpu.vector_load_idx %arg6[%add3A_87] : memref<32768xi32, #tpu.memory_space<vmem>>[vector<16xi32>], vector<16xi32>,
      %add3A_89 = arith.addi %add3A_84, %gather3A_88 : vector<16xi32>
      %add3A_90 = arith.constant 6 : i32
      %add3A_91 = vector.broadcast %add3A_90 : i32 to vector<16xi32>
      %add3A_92 = arith.addi %mul3A_64, %add3A_91 : vector<16xi32>
      %gather3A_93 = tpu.vector_load_idx %arg6[%add3A_92] : memref<32768xi32, #tpu.memory_space<vmem>>[vector<16xi32>], vector<16xi32>,
      %add3A_94 = arith.addi %add3A_89, %gather3A_93 : vector<16xi32>
      %add3A_95 = arith.constant 7 : i32
      %add3A_96 = vector.broadcast %add3A_95 : i32 to vector<16xi32>
      %add3A_97 = arith.addi %mul3A_64, %add3A_96 : vector<16xi32>
      %gather3A_98 = tpu.vector_load_idx %arg6[%add3A_97] : memref<32768xi32, #tpu.memory_space<vmem>>[vector<16xi32>], vector<16xi32>,
      %add3A_99 = arith.addi %add3A_94, %gather3A_98 : vector<16xi32>
      %add3A_100 = arith.constant 8 : i32
      %add3A_101 = vector.broadcast %add3A_100 : i32 to vector<16xi32>
      %add3A_102 = arith.addi %mul3A_64, %add3A_101 : vector<16xi32>
      %gather3A_103 = tpu.vector_load_idx %arg6[%add3A_102] : memref<32768xi32, #tpu.memory_space<vmem>>[vector<16xi32>], vector<16xi32>,
      %add3A_104 = arith.addi %add3A_99, %gather3A_103 : vector<16xi32>
      %add3A_105 = arith.constant 9 : i32
      %add3A_106 = vector.broadcast %add3A_105 : i32 to vector<16xi32>
      %add3A_107 = arith.addi %mul3A_64, %add3A_106 : vector<16xi32>
      %gather3A_108 = tpu.vector_load_idx %arg6[%add3A_107] : memref<32768xi32, #tpu.memory_space<vmem>>[vector<16xi32>], vector<16xi32>,
      %add3A_109 = arith.addi %add3A_104, %gather3A_108 : vector<16xi32>
      %add3A_110 = arith.constant 10 : i32
      %add3A_111 = vector.broadcast %add3A_110 : i32 to vector<16xi32>
      %add3A_112 = arith.addi %mul3A_64, %add3A_111 : vector<16xi32>
      %gather3A_113 = tpu.vector_load_idx %arg6[%add3A_112] : memref<32768xi32, #tpu.memory_space<vmem>>[vector<16xi32>], vector<16xi32>,
      %add3A_114 = arith.addi %add3A_109, %gather3A_113 : vector<16xi32>
      %add3A_115 = arith.constant 11 : i32
      %add3A_116 = vector.broadcast %add3A_115 : i32 to vector<16xi32>
      %add3A_117 = arith.addi %mul3A_64, %add3A_116 : vector<16xi32>
      %gather3A_118 = tpu.vector_load_idx %arg6[%add3A_117] : memref<32768xi32, #tpu.memory_space<vmem>>[vector<16xi32>], vector<16xi32>,
      %add3A_119 = arith.addi %add3A_114, %gather3A_118 : vector<16xi32>
      %add3A_120 = arith.constant 12 : i32
      %add3A_121 = vector.broadcast %add3A_120 : i32 to vector<16xi32>
      %add3A_122 = arith.addi %mul3A_64, %add3A_121 : vector<16xi32>
      %gather3A_123 = tpu.vector_load_idx %arg6[%add3A_122] : memref<32768xi32, #tpu.memory_space<vmem>>[vector<16xi32>], vector<16xi32>,
      %add3A_124 = arith.addi %add3A_119, %gather3A_123 : vector<16xi32>
      %add3A_125 = arith.constant 13 : i32
      %add3A_126 = vector.broadcast %add3A_125 : i32 to vector<16xi32>
      %add3A_127 = arith.addi %mul3A_64, %add3A_126 : vector<16xi32>
      %gather3A_128 = tpu.vector_load_idx %arg6[%add3A_127] : memref<32768xi32, #tpu.memory_space<vmem>>[vector<16xi32>], vector<16xi32>,
      %add3A_129 = arith.addi %add3A_124, %gather3A_128 : vector<16xi32>
      %add3A_130 = arith.constant 14 : i32
      %add3A_131 = vector.broadcast %add3A_130 : i32 to vector<16xi32>
      %add3A_132 = arith.addi %mul3A_64, %add3A_131 : vector<16xi32>
      %gather3A_133 = tpu.vector_load_idx %arg6[%add3A_132] : memref<32768xi32, #tpu.memory_space<vmem>>[vector<16xi32>], vector<16xi32>,
      %add3A_134 = arith.addi %add3A_129, %gather3A_133 : vector<16xi32>
      %add3A_135 = arith.constant 15 : i32
      %add3A_136 = vector.broadcast %add3A_135 : i32 to vector<16xi32>
      %add3A_137 = arith.addi %mul3A_64, %add3A_136 : vector<16xi32>
      %gather3A_138 = tpu.vector_load_idx %arg6[%add3A_137] : memref<32768xi32, #tpu.memory_space<vmem>>[vector<16xi32>], vector<16xi32>,
      %add3A_139 = arith.addi %add3A_134, %gather3A_138 : vector<16xi32>
      %mul3A_140 = arith.constant 16 : i32
      %mul3A_141 = arith.muli %scan3A_56, %mul3A_140 : i32
      %swap3A = arith.index_cast %mul3A_141 : i32 to index
      %swap3A_142 = tpu.vector_load %arg7[%swap3A] {strides = array<i32>} : memref<2048xi32, #tpu.memory_space<vmem>>, vector<16xi32>,
      tpu.vector_store %arg7[%swap3A], %add3A_139 {strides = array<i32>} : memref<2048xi32, #tpu.memory_space<vmem>>, vector<16xi32>,
      %scan3A_143 = arith.constant 0 : i32
      scf.yield %scan3A_143 : i32
    }
    %scan3A_55 = arith.constant 128 : i32
    "tpu.region"() ({
      %run_scoped3A = tpu.sem_alloc : memref<!tpu.dma_semaphore, #tpu.memory_space<semaphore_mem>>
      %dma_start3A_56 = arith.constant 0 : i32
      %dma_start3A_57 = tpu.memref_slice %arg4[%add3A, %dma_start3A_56] : memref<32x2048xi32, #tpu.memory_space<hbm>> -> memref<1x2048xi32, #tpu.memory_space<hbm>>
      %dma_start3A_58 = tpu.memref_squeeze %dma_start3A_57 : memref<1x2048xi32, #tpu.memory_space<hbm>> -> memref<2048xi32, #tpu.memory_space<hbm>>
      %dma_start3A_59 = arith.constant 0 : i32
      %dma_start3A_60 = tpu.memref_slice %arg4[%add3A, %dma_start3A_59] : memref<32x2048xi32, #tpu.memory_space<hbm>> -> memref<1x2048xi32, #tpu.memory_space<hbm>>
      %dma_start3A_61 = tpu.memref_squeeze %dma_start3A_60 : memref<1x2048xi32, #tpu.memory_space<hbm>> -> memref<2048xi32, #tpu.memory_space<hbm>>
      tpu.enqueue_dma source(%arg7 : memref<2048xi32, #tpu.memory_space<vmem>>) target(%dma_start3A_61 : memref<2048xi32, #tpu.memory_space<hbm>>) target_semaphore(%run_scoped3A : memref<!tpu.dma_semaphore, #tpu.memory_space<semaphore_mem>>)
      %dma_wait3A = arith.constant 0 : i32
      %dma_wait3A_62 = tpu.memref_slice %arg4[%add3A, %dma_wait3A] : memref<32x2048xi32, #tpu.memory_space<hbm>> -> memref<1x2048xi32, #tpu.memory_space<hbm>>
      %dma_wait3A_63 = tpu.memref_squeeze %dma_wait3A_62 : memref<1x2048xi32, #tpu.memory_space<hbm>> -> memref<2048xi32, #tpu.memory_space<hbm>>
      %dma_wait3A_64 = arith.constant 0 : i32
      %dma_wait3A_65 = tpu.memref_slice %arg4[%add3A, %dma_wait3A_64] : memref<32x2048xi32, #tpu.memory_space<hbm>> -> memref<1x2048xi32, #tpu.memory_space<hbm>>
      %dma_wait3A_66 = tpu.memref_squeeze %dma_wait3A_65 : memref<1x2048xi32, #tpu.memory_space<hbm>> -> memref<2048xi32, #tpu.memory_space<hbm>>
      tpu.wait_dma2 semaphore(%run_scoped3A : memref<!tpu.dma_semaphore, #tpu.memory_space<semaphore_mem>>) src(%arg7 : memref<2048xi32, #tpu.memory_space<vmem>>) dst(%dma_wait3A_66 : memref<2048xi32, #tpu.memory_space<hbm>>)
      tpu.yield
    }) : () -> ()
    return
  }
}

#map = affine_map<(d0, d1) -> (0)>
#map1 = affine_map<(d0, d1) -> (0, 0)>
module attributes {stable_mosaic.version = 14 : i64} {
  func.func @body(%arg0: i32, %arg1: i32, %arg2: memref<2097152xf32, #tpu.memory_space<hbm>>, %arg3: memref<32x2048xi32, #tpu.memory_space<hbm>>, %arg4: memref<32x2048xf32, #tpu.memory_space<hbm>>, %arg5: memref<2x16384xf32, #tpu.memory_space<vmem>>, %arg6: memref<32768xi32, #tpu.memory_space<vmem>>, %arg7: memref<32768xf32, #tpu.memory_space<vmem>>, %arg8: memref<2048xi32, #tpu.memory_space<vmem>>, %arg9: memref<2048xf32, #tpu.memory_space<vmem>>, %arg10: memref<2x!tpu.dma_semaphore, #tpu.memory_space<semaphore_mem>>) attributes {dimension_semantics = [#tpu.dimension_semantics<core_parallel>, #tpu.dimension_semantics<subcore_parallel>], iteration_bounds = array<i64: 2, 16>, scalar_prefetch = 0 : i64, scratch_operands = 6 : i64, tpu.core_type = #tpu.core_type<sc_vector_subcore>, window_params = [{transform_indices = #map}, {transform_indices = #map1}, {transform_indices = #map1}]} {
    %mul3A = arith.constant 2 : i32
    %mul3A_0 = arith.muli %arg1, %mul3A : i32
    %add3A = arith.addi %mul3A_0, %arg0 : i32
    %mul3A_1 = arith.constant 65536 : i32
    %mul3A_2 = arith.muli %add3A, %mul3A_1 : i32
    %iota3A = tpu.iota {dimensions = array<i32: 0>} : vector<16xi32>
    %broadcast_in_dim3A = arith.constant 0 : i32
    %broadcast_in_dim3A_3 = vector.broadcast %broadcast_in_dim3A : i32 to vector<16xi32>
    %broadcast_in_dim3A_4 = arith.constant 0.000000e+00 : f32
    %broadcast_in_dim3A_5 = vector.broadcast %broadcast_in_dim3A_4 : f32 to vector<16xf32>
    %broadcast_in_dim3A_6 = arith.constant 1 : i32
    %broadcast_in_dim3A_7 = vector.broadcast %broadcast_in_dim3A_6 : i32 to vector<16xi32>
    %scan3A = arith.constant 0 : i32
    %scan3A_8 = arith.constant 0 : i32
    %scan3A_9 = arith.constant 256 : i32
    %scan3A_10 = arith.addi %scan3A_8, %scan3A_9 : i32
    %scan3A_11 = arith.constant 1 : i32
    %scan3A_12 = scf.for %scan3A_55 = %scan3A_8 to %scan3A_10 step %scan3A_11 iter_args(%scan3A_56 = %scan3A) -> (i32)  : i32 {
      %mul3A_57 = arith.constant 128 : i32
      %mul3A_58 = arith.muli %scan3A_55, %mul3A_57 : i32
      %add3A_59 = arith.constant 0 : i32
      %add3A_60 = arith.addi %mul3A_58, %add3A_59 : i32
      %swap3A = arith.index_cast %add3A_60 : i32 to index
      %swap3A_61 = tpu.vector_load %arg6[%swap3A] {strides = array<i32>} : memref<32768xi32, #tpu.memory_space<vmem>>, vector<16xi32>,
      tpu.vector_store %arg6[%swap3A], %broadcast_in_dim3A_3 {strides = array<i32>} : memref<32768xi32, #tpu.memory_space<vmem>>, vector<16xi32>,
      %mul3A_62 = arith.constant 128 : i32
      %mul3A_63 = arith.muli %scan3A_55, %mul3A_62 : i32
      %add3A_64 = arith.constant 0 : i32
      %add3A_65 = arith.addi %mul3A_63, %add3A_64 : i32
      %swap3A_66 = arith.index_cast %add3A_65 : i32 to index
      %swap3A_67 = tpu.vector_load %arg7[%swap3A_66] {strides = array<i32>} : memref<32768xf32, #tpu.memory_space<vmem>>, vector<16xf32>,
      tpu.vector_store %arg7[%swap3A_66], %broadcast_in_dim3A_5 {strides = array<i32>} : memref<32768xf32, #tpu.memory_space<vmem>>, vector<16xf32>,
      %mul3A_68 = arith.constant 128 : i32
      %mul3A_69 = arith.muli %scan3A_55, %mul3A_68 : i32
      %add3A_70 = arith.constant 16 : i32
      %add3A_71 = arith.addi %mul3A_69, %add3A_70 : i32
      %swap3A_72 = arith.index_cast %add3A_71 : i32 to index
      %swap3A_73 = tpu.vector_load %arg6[%swap3A_72] {strides = array<i32>} : memref<32768xi32, #tpu.memory_space<vmem>>, vector<16xi32>,
      tpu.vector_store %arg6[%swap3A_72], %broadcast_in_dim3A_3 {strides = array<i32>} : memref<32768xi32, #tpu.memory_space<vmem>>, vector<16xi32>,
      %mul3A_74 = arith.constant 128 : i32
      %mul3A_75 = arith.muli %scan3A_55, %mul3A_74 : i32
      %add3A_76 = arith.constant 16 : i32
      %add3A_77 = arith.addi %mul3A_75, %add3A_76 : i32
      %swap3A_78 = arith.index_cast %add3A_77 : i32 to index
      %swap3A_79 = tpu.vector_load %arg7[%swap3A_78] {strides = array<i32>} : memref<32768xf32, #tpu.memory_space<vmem>>, vector<16xf32>,
      tpu.vector_store %arg7[%swap3A_78], %broadcast_in_dim3A_5 {strides = array<i32>} : memref<32768xf32, #tpu.memory_space<vmem>>, vector<16xf32>,
      %mul3A_80 = arith.constant 128 : i32
      %mul3A_81 = arith.muli %scan3A_55, %mul3A_80 : i32
      %add3A_82 = arith.constant 32 : i32
      %add3A_83 = arith.addi %mul3A_81, %add3A_82 : i32
      %swap3A_84 = arith.index_cast %add3A_83 : i32 to index
      %swap3A_85 = tpu.vector_load %arg6[%swap3A_84] {strides = array<i32>} : memref<32768xi32, #tpu.memory_space<vmem>>, vector<16xi32>,
      tpu.vector_store %arg6[%swap3A_84], %broadcast_in_dim3A_3 {strides = array<i32>} : memref<32768xi32, #tpu.memory_space<vmem>>, vector<16xi32>,
      %mul3A_86 = arith.constant 128 : i32
      %mul3A_87 = arith.muli %scan3A_55, %mul3A_86 : i32
      %add3A_88 = arith.constant 32 : i32
      %add3A_89 = arith.addi %mul3A_87, %add3A_88 : i32
      %swap3A_90 = arith.index_cast %add3A_89 : i32 to index
      %swap3A_91 = tpu.vector_load %arg7[%swap3A_90] {strides = array<i32>} : memref<32768xf32, #tpu.memory_space<vmem>>, vector<16xf32>,
      tpu.vector_store %arg7[%swap3A_90], %broadcast_in_dim3A_5 {strides = array<i32>} : memref<32768xf32, #tpu.memory_space<vmem>>, vector<16xf32>,
      %mul3A_92 = arith.constant 128 : i32
      %mul3A_93 = arith.muli %scan3A_55, %mul3A_92 : i32
      %add3A_94 = arith.constant 48 : i32
      %add3A_95 = arith.addi %mul3A_93, %add3A_94 : i32
      %swap3A_96 = arith.index_cast %add3A_95 : i32 to index
      %swap3A_97 = tpu.vector_load %arg6[%swap3A_96] {strides = array<i32>} : memref<32768xi32, #tpu.memory_space<vmem>>, vector<16xi32>,
      tpu.vector_store %arg6[%swap3A_96], %broadcast_in_dim3A_3 {strides = array<i32>} : memref<32768xi32, #tpu.memory_space<vmem>>, vector<16xi32>,
      %mul3A_98 = arith.constant 128 : i32
      %mul3A_99 = arith.muli %scan3A_55, %mul3A_98 : i32
      %add3A_100 = arith.constant 48 : i32
      %add3A_101 = arith.addi %mul3A_99, %add3A_100 : i32
      %swap3A_102 = arith.index_cast %add3A_101 : i32 to index
      %swap3A_103 = tpu.vector_load %arg7[%swap3A_102] {strides = array<i32>} : memref<32768xf32, #tpu.memory_space<vmem>>, vector<16xf32>,
      tpu.vector_store %arg7[%swap3A_102], %broadcast_in_dim3A_5 {strides = array<i32>} : memref<32768xf32, #tpu.memory_space<vmem>>, vector<16xf32>,
      %mul3A_104 = arith.constant 128 : i32
      %mul3A_105 = arith.muli %scan3A_55, %mul3A_104 : i32
      %add3A_106 = arith.constant 64 : i32
      %add3A_107 = arith.addi %mul3A_105, %add3A_106 : i32
      %swap3A_108 = arith.index_cast %add3A_107 : i32 to index
      %swap3A_109 = tpu.vector_load %arg6[%swap3A_108] {strides = array<i32>} : memref<32768xi32, #tpu.memory_space<vmem>>, vector<16xi32>,
      tpu.vector_store %arg6[%swap3A_108], %broadcast_in_dim3A_3 {strides = array<i32>} : memref<32768xi32, #tpu.memory_space<vmem>>, vector<16xi32>,
      %mul3A_110 = arith.constant 128 : i32
      %mul3A_111 = arith.muli %scan3A_55, %mul3A_110 : i32
      %add3A_112 = arith.constant 64 : i32
      %add3A_113 = arith.addi %mul3A_111, %add3A_112 : i32
      %swap3A_114 = arith.index_cast %add3A_113 : i32 to index
      %swap3A_115 = tpu.vector_load %arg7[%swap3A_114] {strides = array<i32>} : memref<32768xf32, #tpu.memory_space<vmem>>, vector<16xf32>,
      tpu.vector_store %arg7[%swap3A_114], %broadcast_in_dim3A_5 {strides = array<i32>} : memref<32768xf32, #tpu.memory_space<vmem>>, vector<16xf32>,
      %mul3A_116 = arith.constant 128 : i32
      %mul3A_117 = arith.muli %scan3A_55, %mul3A_116 : i32
      %add3A_118 = arith.constant 80 : i32
      %add3A_119 = arith.addi %mul3A_117, %add3A_118 : i32
      %swap3A_120 = arith.index_cast %add3A_119 : i32 to index
      %swap3A_121 = tpu.vector_load %arg6[%swap3A_120] {strides = array<i32>} : memref<32768xi32, #tpu.memory_space<vmem>>, vector<16xi32>,
      tpu.vector_store %arg6[%swap3A_120], %broadcast_in_dim3A_3 {strides = array<i32>} : memref<32768xi32, #tpu.memory_space<vmem>>, vector<16xi32>,
      %mul3A_122 = arith.constant 128 : i32
      %mul3A_123 = arith.muli %scan3A_55, %mul3A_122 : i32
      %add3A_124 = arith.constant 80 : i32
      %add3A_125 = arith.addi %mul3A_123, %add3A_124 : i32
      %swap3A_126 = arith.index_cast %add3A_125 : i32 to index
      %swap3A_127 = tpu.vector_load %arg7[%swap3A_126] {strides = array<i32>} : memref<32768xf32, #tpu.memory_space<vmem>>, vector<16xf32>,
      tpu.vector_store %arg7[%swap3A_126], %broadcast_in_dim3A_5 {strides = array<i32>} : memref<32768xf32, #tpu.memory_space<vmem>>, vector<16xf32>,
      %mul3A_128 = arith.constant 128 : i32
      %mul3A_129 = arith.muli %scan3A_55, %mul3A_128 : i32
      %add3A_130 = arith.constant 96 : i32
      %add3A_131 = arith.addi %mul3A_129, %add3A_130 : i32
      %swap3A_132 = arith.index_cast %add3A_131 : i32 to index
      %swap3A_133 = tpu.vector_load %arg6[%swap3A_132] {strides = array<i32>} : memref<32768xi32, #tpu.memory_space<vmem>>, vector<16xi32>,
      tpu.vector_store %arg6[%swap3A_132], %broadcast_in_dim3A_3 {strides = array<i32>} : memref<32768xi32, #tpu.memory_space<vmem>>, vector<16xi32>,
      %mul3A_134 = arith.constant 128 : i32
      %mul3A_135 = arith.muli %scan3A_55, %mul3A_134 : i32
      %add3A_136 = arith.constant 96 : i32
      %add3A_137 = arith.addi %mul3A_135, %add3A_136 : i32
      %swap3A_138 = arith.index_cast %add3A_137 : i32 to index
      %swap3A_139 = tpu.vector_load %arg7[%swap3A_138] {strides = array<i32>} : memref<32768xf32, #tpu.memory_space<vmem>>, vector<16xf32>,
      tpu.vector_store %arg7[%swap3A_138], %broadcast_in_dim3A_5 {strides = array<i32>} : memref<32768xf32, #tpu.memory_space<vmem>>, vector<16xf32>,
      %mul3A_140 = arith.constant 128 : i32
      %mul3A_141 = arith.muli %scan3A_55, %mul3A_140 : i32
      %add3A_142 = arith.constant 112 : i32
      %add3A_143 = arith.addi %mul3A_141, %add3A_142 : i32
      %swap3A_144 = arith.index_cast %add3A_143 : i32 to index
      %swap3A_145 = tpu.vector_load %arg6[%swap3A_144] {strides = array<i32>} : memref<32768xi32, #tpu.memory_space<vmem>>, vector<16xi32>,
      tpu.vector_store %arg6[%swap3A_144], %broadcast_in_dim3A_3 {strides = array<i32>} : memref<32768xi32, #tpu.memory_space<vmem>>, vector<16xi32>,
      %mul3A_146 = arith.constant 128 : i32
      %mul3A_147 = arith.muli %scan3A_55, %mul3A_146 : i32
      %add3A_148 = arith.constant 112 : i32
      %add3A_149 = arith.addi %mul3A_147, %add3A_148 : i32
      %swap3A_150 = arith.index_cast %add3A_149 : i32 to index
      %swap3A_151 = tpu.vector_load %arg7[%swap3A_150] {strides = array<i32>} : memref<32768xf32, #tpu.memory_space<vmem>>, vector<16xf32>,
      tpu.vector_store %arg7[%swap3A_150], %broadcast_in_dim3A_5 {strides = array<i32>} : memref<32768xf32, #tpu.memory_space<vmem>>, vector<16xf32>,
      %scan3A_152 = arith.constant 0 : i32
      scf.yield %scan3A_152 : i32
    }
    %scan3A_13 = arith.constant 256 : i32
    %add3A_14 = arith.constant 0 : i32
    %add3A_15 = arith.addi %mul3A_2, %add3A_14 : i32
    %dma_start3A = arith.constant 0 : i32
    %dma_start3A_16 = arith.constant 0 : i32
    %dma_start3A_17 = arith.constant 0 : i32
    %dma_start3A_18 = tpu.memref_slice %arg5[%dma_start3A, %dma_start3A_17] : memref<2x16384xf32, #tpu.memory_space<vmem>> -> memref<1x16384xf32, #tpu.memory_space<vmem>>
    %dma_start3A_19 = tpu.memref_squeeze %dma_start3A_18 : memref<1x16384xf32, #tpu.memory_space<vmem>> -> memref<16384xf32, #tpu.memory_space<vmem>>
    %dma_start3A_20 = tpu.memref_slice %arg2[%add3A_15] : memref<2097152xf32, #tpu.memory_space<hbm>> -> memref<16384xf32, #tpu.memory_space<hbm>>
    %dma_start3A_21 = tpu.memref_slice %arg10[%dma_start3A_16] : memref<2x!tpu.dma_semaphore, #tpu.memory_space<semaphore_mem>> -> memref<1x!tpu.dma_semaphore, #tpu.memory_space<semaphore_mem>>
    %dma_start3A_22 = tpu.memref_squeeze %dma_start3A_21 : memref<1x!tpu.dma_semaphore, #tpu.memory_space<semaphore_mem>> -> memref<!tpu.dma_semaphore, #tpu.memory_space<semaphore_mem>>
    %dma_start3A_23 = arith.constant 0 : i32
    %dma_start3A_24 = tpu.memref_slice %arg5[%dma_start3A, %dma_start3A_23] : memref<2x16384xf32, #tpu.memory_space<vmem>> -> memref<1x16384xf32, #tpu.memory_space<vmem>>
    %dma_start3A_25 = tpu.memref_squeeze %dma_start3A_24 : memref<1x16384xf32, #tpu.memory_space<vmem>> -> memref<16384xf32, #tpu.memory_space<vmem>>
    %dma_start3A_26 = tpu.memref_slice %arg2[%add3A_15] : memref<2097152xf32, #tpu.memory_space<hbm>> -> memref<16384xf32, #tpu.memory_space<hbm>>
    tpu.enqueue_dma source(%dma_start3A_26 : memref<16384xf32, #tpu.memory_space<hbm>>) target(%dma_start3A_25 : memref<16384xf32, #tpu.memory_space<vmem>>) target_semaphore(%dma_start3A_22 : memref<!tpu.dma_semaphore, #tpu.memory_space<semaphore_mem>>)
    %add3A_27 = arith.constant 16384 : i32
    %add3A_28 = arith.addi %mul3A_2, %add3A_27 : i32
    %dma_start3A_29 = arith.constant 1 : i32
    %dma_start3A_30 = arith.constant 1 : i32
    %dma_start3A_31 = arith.constant 0 : i32
    %dma_start3A_32 = tpu.memref_slice %arg5[%dma_start3A_29, %dma_start3A_31] : memref<2x16384xf32, #tpu.memory_space<vmem>> -> memref<1x16384xf32, #tpu.memory_space<vmem>>
    %dma_start3A_33 = tpu.memref_squeeze %dma_start3A_32 : memref<1x16384xf32, #tpu.memory_space<vmem>> -> memref<16384xf32, #tpu.memory_space<vmem>>
    %dma_start3A_34 = tpu.memref_slice %arg2[%add3A_28] : memref<2097152xf32, #tpu.memory_space<hbm>> -> memref<16384xf32, #tpu.memory_space<hbm>>
    %dma_start3A_35 = tpu.memref_slice %arg10[%dma_start3A_30] : memref<2x!tpu.dma_semaphore, #tpu.memory_space<semaphore_mem>> -> memref<1x!tpu.dma_semaphore, #tpu.memory_space<semaphore_mem>>
    %dma_start3A_36 = tpu.memref_squeeze %dma_start3A_35 : memref<1x!tpu.dma_semaphore, #tpu.memory_space<semaphore_mem>> -> memref<!tpu.dma_semaphore, #tpu.memory_space<semaphore_mem>>
    %dma_start3A_37 = arith.constant 0 : i32
    %dma_start3A_38 = tpu.memref_slice %arg5[%dma_start3A_29, %dma_start3A_37] : memref<2x16384xf32, #tpu.memory_space<vmem>> -> memref<1x16384xf32, #tpu.memory_space<vmem>>
    %dma_start3A_39 = tpu.memref_squeeze %dma_start3A_38 : memref<1x16384xf32, #tpu.memory_space<vmem>> -> memref<16384xf32, #tpu.memory_space<vmem>>
    %dma_start3A_40 = tpu.memref_slice %arg2[%add3A_28] : memref<2097152xf32, #tpu.memory_space<hbm>> -> memref<16384xf32, #tpu.memory_space<hbm>>
    tpu.enqueue_dma source(%dma_start3A_40 : memref<16384xf32, #tpu.memory_space<hbm>>) target(%dma_start3A_39 : memref<16384xf32, #tpu.memory_space<vmem>>) target_semaphore(%dma_start3A_36 : memref<!tpu.dma_semaphore, #tpu.memory_space<semaphore_mem>>)
    %scan3A_41 = arith.constant 0 : i32
    %scan3A_42 = arith.constant 0 : i32
    %scan3A_43 = arith.constant 4 : i32
    %scan3A_44 = arith.addi %scan3A_42, %scan3A_43 : i32
    %scan3A_45 = arith.constant 1 : i32
    %scan3A_46 = scf.for %scan3A_55 = %scan3A_42 to %scan3A_44 step %scan3A_45 iter_args(%scan3A_56 = %scan3A_41) -> (i32)  : i32 {
      %rem3A = arith.constant 2 : i32
      %rem3A_57 = arith.remsi %scan3A_55, %rem3A : i32
      %dma_wait3A = arith.constant 0 : i32
      %dma_wait3A_58 = tpu.memref_slice %arg5[%rem3A_57, %dma_wait3A] : memref<2x16384xf32, #tpu.memory_space<vmem>> -> memref<1x16384xf32, #tpu.memory_space<vmem>>
      %dma_wait3A_59 = tpu.memref_squeeze %dma_wait3A_58 : memref<1x16384xf32, #tpu.memory_space<vmem>> -> memref<16384xf32, #tpu.memory_space<vmem>>
      %dma_wait3A_60 = arith.constant 0 : i32
      %dma_wait3A_61 = tpu.memref_slice %arg2[%dma_wait3A_60] : memref<2097152xf32, #tpu.memory_space<hbm>> -> memref<16384xf32, #tpu.memory_space<hbm>>
      %dma_wait3A_62 = tpu.memref_slice %arg10[%rem3A_57] : memref<2x!tpu.dma_semaphore, #tpu.memory_space<semaphore_mem>> -> memref<1x!tpu.dma_semaphore, #tpu.memory_space<semaphore_mem>>
      %dma_wait3A_63 = tpu.memref_squeeze %dma_wait3A_62 : memref<1x!tpu.dma_semaphore, #tpu.memory_space<semaphore_mem>> -> memref<!tpu.dma_semaphore, #tpu.memory_space<semaphore_mem>>
      %dma_wait3A_64 = arith.constant 0 : i32
      %dma_wait3A_65 = tpu.memref_slice %arg5[%rem3A_57, %dma_wait3A_64] : memref<2x16384xf32, #tpu.memory_space<vmem>> -> memref<1x16384xf32, #tpu.memory_space<vmem>>
      %dma_wait3A_66 = tpu.memref_squeeze %dma_wait3A_65 : memref<1x16384xf32, #tpu.memory_space<vmem>> -> memref<16384xf32, #tpu.memory_space<vmem>>
      %dma_wait3A_67 = arith.constant 0 : i32
      %dma_wait3A_68 = tpu.memref_slice %arg2[%dma_wait3A_67] : memref<2097152xf32, #tpu.memory_space<hbm>> -> memref<16384xf32, #tpu.memory_space<hbm>>
      tpu.wait_dma2 semaphore(%dma_wait3A_63 : memref<!tpu.dma_semaphore, #tpu.memory_space<semaphore_mem>>) src(%dma_wait3A_68 : memref<16384xf32, #tpu.memory_space<hbm>>) dst(%dma_wait3A_66 : memref<16384xf32, #tpu.memory_space<vmem>>)
      %scan3A_69 = arith.constant 0 : i32
      %scan3A_70 = arith.constant 0 : i32
      %scan3A_71 = arith.constant 128 : i32
      %scan3A_72 = arith.addi %scan3A_70, %scan3A_71 : i32
      %scan3A_73 = arith.constant 1 : i32
      %scan3A_74 = scf.for %scan3A_81 = %scan3A_70 to %scan3A_72 step %scan3A_73 iter_args(%scan3A_82 = %scan3A_69) -> (i32)  : i32 {
        %mul3A_83 = arith.constant 128 : i32
        %mul3A_84 = arith.muli %scan3A_81, %mul3A_83 : i32
        %add3A_85 = arith.constant 0 : i32
        %add3A_86 = arith.addi %mul3A_84, %add3A_85 : i32
        %get3A = arith.index_cast %rem3A_57 : i32 to index
        %get3A_87 = arith.index_cast %add3A_86 : i32 to index
        %get3A_88 = tpu.vector_load %arg5[%get3A, %get3A_87] {strides = array<i32>} : memref<2x16384xf32, #tpu.memory_space<vmem>>, vector<16xf32>,
        %mul3A_89 = arith.constant 128 : i32
        %mul3A_90 = arith.muli %scan3A_81, %mul3A_89 : i32
        %add3A_91 = arith.constant 16 : i32
        %add3A_92 = arith.addi %mul3A_90, %add3A_91 : i32
        %get3A_93 = arith.index_cast %rem3A_57 : i32 to index
        %get3A_94 = arith.index_cast %add3A_92 : i32 to index
        %get3A_95 = tpu.vector_load %arg5[%get3A_93, %get3A_94] {strides = array<i32>} : memref<2x16384xf32, #tpu.memory_space<vmem>>, vector<16xf32>,
        %mul3A_96 = arith.constant 128 : i32
        %mul3A_97 = arith.muli %scan3A_81, %mul3A_96 : i32
        %add3A_98 = arith.constant 32 : i32
        %add3A_99 = arith.addi %mul3A_97, %add3A_98 : i32
        %get3A_100 = arith.index_cast %rem3A_57 : i32 to index
        %get3A_101 = arith.index_cast %add3A_99 : i32 to index
        %get3A_102 = tpu.vector_load %arg5[%get3A_100, %get3A_101] {strides = array<i32>} : memref<2x16384xf32, #tpu.memory_space<vmem>>, vector<16xf32>,
        %mul3A_103 = arith.constant 128 : i32
        %mul3A_104 = arith.muli %scan3A_81, %mul3A_103 : i32
        %add3A_105 = arith.constant 48 : i32
        %add3A_106 = arith.addi %mul3A_104, %add3A_105 : i32
        %get3A_107 = arith.index_cast %rem3A_57 : i32 to index
        %get3A_108 = arith.index_cast %add3A_106 : i32 to index
        %get3A_109 = tpu.vector_load %arg5[%get3A_107, %get3A_108] {strides = array<i32>} : memref<2x16384xf32, #tpu.memory_space<vmem>>, vector<16xf32>,
        %mul3A_110 = arith.constant 128 : i32
        %mul3A_111 = arith.muli %scan3A_81, %mul3A_110 : i32
        %add3A_112 = arith.constant 64 : i32
        %add3A_113 = arith.addi %mul3A_111, %add3A_112 : i32
        %get3A_114 = arith.index_cast %rem3A_57 : i32 to index
        %get3A_115 = arith.index_cast %add3A_113 : i32 to index
        %get3A_116 = tpu.vector_load %arg5[%get3A_114, %get3A_115] {strides = array<i32>} : memref<2x16384xf32, #tpu.memory_space<vmem>>, vector<16xf32>,
        %mul3A_117 = arith.constant 128 : i32
        %mul3A_118 = arith.muli %scan3A_81, %mul3A_117 : i32
        %add3A_119 = arith.constant 80 : i32
        %add3A_120 = arith.addi %mul3A_118, %add3A_119 : i32
        %get3A_121 = arith.index_cast %rem3A_57 : i32 to index
        %get3A_122 = arith.index_cast %add3A_120 : i32 to index
        %get3A_123 = tpu.vector_load %arg5[%get3A_121, %get3A_122] {strides = array<i32>} : memref<2x16384xf32, #tpu.memory_space<vmem>>, vector<16xf32>,
        %mul3A_124 = arith.constant 128 : i32
        %mul3A_125 = arith.muli %scan3A_81, %mul3A_124 : i32
        %add3A_126 = arith.constant 96 : i32
        %add3A_127 = arith.addi %mul3A_125, %add3A_126 : i32
        %get3A_128 = arith.index_cast %rem3A_57 : i32 to index
        %get3A_129 = arith.index_cast %add3A_127 : i32 to index
        %get3A_130 = tpu.vector_load %arg5[%get3A_128, %get3A_129] {strides = array<i32>} : memref<2x16384xf32, #tpu.memory_space<vmem>>, vector<16xf32>,
        %mul3A_131 = arith.constant 128 : i32
        %mul3A_132 = arith.muli %scan3A_81, %mul3A_131 : i32
        %add3A_133 = arith.constant 112 : i32
        %add3A_134 = arith.addi %mul3A_132, %add3A_133 : i32
        %get3A_135 = arith.index_cast %rem3A_57 : i32 to index
        %get3A_136 = arith.index_cast %add3A_134 : i32 to index
        %get3A_137 = tpu.vector_load %arg5[%get3A_135, %get3A_136] {strides = array<i32>} : memref<2x16384xf32, #tpu.memory_space<vmem>>, vector<16xf32>,
        %bitcast3A = vector.bitcast %get3A_88 : vector<16xf32> to vector<16xi32>
        %bitcast3A_138 = vector.bitcast %get3A_95 : vector<16xf32> to vector<16xi32>
        %bitcast3A_139 = vector.bitcast %get3A_102 : vector<16xf32> to vector<16xi32>
        %bitcast3A_140 = vector.bitcast %get3A_109 : vector<16xf32> to vector<16xi32>
        %bitcast3A_141 = vector.bitcast %get3A_116 : vector<16xf32> to vector<16xi32>
        %bitcast3A_142 = vector.bitcast %get3A_123 : vector<16xf32> to vector<16xi32>
        %bitcast3A_143 = vector.bitcast %get3A_130 : vector<16xf32> to vector<16xi32>
        %bitcast3A_144 = vector.bitcast %get3A_137 : vector<16xf32> to vector<16xi32>
        %shift_right_arithmetic3A = arith.constant 21 : i32
        %shift_right_arithmetic3A_145 = vector.broadcast %shift_right_arithmetic3A : i32 to vector<16xi32>
        %shift_right_arithmetic3A_146 = arith.shrsi %bitcast3A, %shift_right_arithmetic3A_145 : vector<16xi32>
        %and3A = arith.constant 2047 : i32
        %and3A_147 = vector.broadcast %and3A : i32 to vector<16xi32>
        %and3A_148 = arith.andi %shift_right_arithmetic3A_146, %and3A_147 : vector<16xi32>
        %mul3A_149 = arith.constant 16 : i32
        %mul3A_150 = vector.broadcast %mul3A_149 : i32 to vector<16xi32>
        %mul3A_151 = arith.muli %and3A_148, %mul3A_150 : vector<16xi32>
        %add3A_152 = arith.addi %mul3A_151, %iota3A : vector<16xi32>
        %shift_right_arithmetic3A_153 = arith.constant 21 : i32
        %shift_right_arithmetic3A_154 = vector.broadcast %shift_right_arithmetic3A_153 : i32 to vector<16xi32>
        %shift_right_arithmetic3A_155 = arith.shrsi %bitcast3A_138, %shift_right_arithmetic3A_154 : vector<16xi32>
        %and3A_156 = arith.constant 2047 : i32
        %and3A_157 = vector.broadcast %and3A_156 : i32 to vector<16xi32>
        %and3A_158 = arith.andi %shift_right_arithmetic3A_155, %and3A_157 : vector<16xi32>
        %mul3A_159 = arith.constant 16 : i32
        %mul3A_160 = vector.broadcast %mul3A_159 : i32 to vector<16xi32>
        %mul3A_161 = arith.muli %and3A_158, %mul3A_160 : vector<16xi32>
        %add3A_162 = arith.addi %mul3A_161, %iota3A : vector<16xi32>
        %shift_right_arithmetic3A_163 = arith.constant 21 : i32
        %shift_right_arithmetic3A_164 = vector.broadcast %shift_right_arithmetic3A_163 : i32 to vector<16xi32>
        %shift_right_arithmetic3A_165 = arith.shrsi %bitcast3A_139, %shift_right_arithmetic3A_164 : vector<16xi32>
        %and3A_166 = arith.constant 2047 : i32
        %and3A_167 = vector.broadcast %and3A_166 : i32 to vector<16xi32>
        %and3A_168 = arith.andi %shift_right_arithmetic3A_165, %and3A_167 : vector<16xi32>
        %mul3A_169 = arith.constant 16 : i32
        %mul3A_170 = vector.broadcast %mul3A_169 : i32 to vector<16xi32>
        %mul3A_171 = arith.muli %and3A_168, %mul3A_170 : vector<16xi32>
        %add3A_172 = arith.addi %mul3A_171, %iota3A : vector<16xi32>
        %shift_right_arithmetic3A_173 = arith.constant 21 : i32
        %shift_right_arithmetic3A_174 = vector.broadcast %shift_right_arithmetic3A_173 : i32 to vector<16xi32>
        %shift_right_arithmetic3A_175 = arith.shrsi %bitcast3A_140, %shift_right_arithmetic3A_174 : vector<16xi32>
        %and3A_176 = arith.constant 2047 : i32
        %and3A_177 = vector.broadcast %and3A_176 : i32 to vector<16xi32>
        %and3A_178 = arith.andi %shift_right_arithmetic3A_175, %and3A_177 : vector<16xi32>
        %mul3A_179 = arith.constant 16 : i32
        %mul3A_180 = vector.broadcast %mul3A_179 : i32 to vector<16xi32>
        %mul3A_181 = arith.muli %and3A_178, %mul3A_180 : vector<16xi32>
        %add3A_182 = arith.addi %mul3A_181, %iota3A : vector<16xi32>
        %shift_right_arithmetic3A_183 = arith.constant 21 : i32
        %shift_right_arithmetic3A_184 = vector.broadcast %shift_right_arithmetic3A_183 : i32 to vector<16xi32>
        %shift_right_arithmetic3A_185 = arith.shrsi %bitcast3A_141, %shift_right_arithmetic3A_184 : vector<16xi32>
        %and3A_186 = arith.constant 2047 : i32
        %and3A_187 = vector.broadcast %and3A_186 : i32 to vector<16xi32>
        %and3A_188 = arith.andi %shift_right_arithmetic3A_185, %and3A_187 : vector<16xi32>
        %mul3A_189 = arith.constant 16 : i32
        %mul3A_190 = vector.broadcast %mul3A_189 : i32 to vector<16xi32>
        %mul3A_191 = arith.muli %and3A_188, %mul3A_190 : vector<16xi32>
        %add3A_192 = arith.addi %mul3A_191, %iota3A : vector<16xi32>
        %shift_right_arithmetic3A_193 = arith.constant 21 : i32
        %shift_right_arithmetic3A_194 = vector.broadcast %shift_right_arithmetic3A_193 : i32 to vector<16xi32>
        %shift_right_arithmetic3A_195 = arith.shrsi %bitcast3A_142, %shift_right_arithmetic3A_194 : vector<16xi32>
        %and3A_196 = arith.constant 2047 : i32
        %and3A_197 = vector.broadcast %and3A_196 : i32 to vector<16xi32>
        %and3A_198 = arith.andi %shift_right_arithmetic3A_195, %and3A_197 : vector<16xi32>
        %mul3A_199 = arith.constant 16 : i32
        %mul3A_200 = vector.broadcast %mul3A_199 : i32 to vector<16xi32>
        %mul3A_201 = arith.muli %and3A_198, %mul3A_200 : vector<16xi32>
        %add3A_202 = arith.addi %mul3A_201, %iota3A : vector<16xi32>
        %shift_right_arithmetic3A_203 = arith.constant 21 : i32
        %shift_right_arithmetic3A_204 = vector.broadcast %shift_right_arithmetic3A_203 : i32 to vector<16xi32>
        %shift_right_arithmetic3A_205 = arith.shrsi %bitcast3A_143, %shift_right_arithmetic3A_204 : vector<16xi32>
        %and3A_206 = arith.constant 2047 : i32
        %and3A_207 = vector.broadcast %and3A_206 : i32 to vector<16xi32>
        %and3A_208 = arith.andi %shift_right_arithmetic3A_205, %and3A_207 : vector<16xi32>
        %mul3A_209 = arith.constant 16 : i32
        %mul3A_210 = vector.broadcast %mul3A_209 : i32 to vector<16xi32>
        %mul3A_211 = arith.muli %and3A_208, %mul3A_210 : vector<16xi32>
        %add3A_212 = arith.addi %mul3A_211, %iota3A : vector<16xi32>
        %shift_right_arithmetic3A_213 = arith.constant 21 : i32
        %shift_right_arithmetic3A_214 = vector.broadcast %shift_right_arithmetic3A_213 : i32 to vector<16xi32>
        %shift_right_arithmetic3A_215 = arith.shrsi %bitcast3A_144, %shift_right_arithmetic3A_214 : vector<16xi32>
        %and3A_216 = arith.constant 2047 : i32
        %and3A_217 = vector.broadcast %and3A_216 : i32 to vector<16xi32>
        %and3A_218 = arith.andi %shift_right_arithmetic3A_215, %and3A_217 : vector<16xi32>
        %mul3A_219 = arith.constant 16 : i32
        %mul3A_220 = vector.broadcast %mul3A_219 : i32 to vector<16xi32>
        %mul3A_221 = arith.muli %and3A_218, %mul3A_220 : vector<16xi32>
        %add3A_222 = arith.addi %mul3A_221, %iota3A : vector<16xi32>
        tpu.vector_store_idx %arg6[%add3A_152], %broadcast_in_dim3A_7 {add = true} : memref<32768xi32, #tpu.memory_space<vmem>>[vector<16xi32>], vector<16xi32>,
        tpu.vector_store_idx %arg7[%add3A_152], %get3A_88 {add = true} : memref<32768xf32, #tpu.memory_space<vmem>>[vector<16xi32>], vector<16xf32>,
        tpu.vector_store_idx %arg6[%add3A_162], %broadcast_in_dim3A_7 {add = true} : memref<32768xi32, #tpu.memory_space<vmem>>[vector<16xi32>], vector<16xi32>,
        tpu.vector_store_idx %arg7[%add3A_162], %get3A_95 {add = true} : memref<32768xf32, #tpu.memory_space<vmem>>[vector<16xi32>], vector<16xf32>,
        tpu.vector_store_idx %arg6[%add3A_172], %broadcast_in_dim3A_7 {add = true} : memref<32768xi32, #tpu.memory_space<vmem>>[vector<16xi32>], vector<16xi32>,
        tpu.vector_store_idx %arg7[%add3A_172], %get3A_102 {add = true} : memref<32768xf32, #tpu.memory_space<vmem>>[vector<16xi32>], vector<16xf32>,
        tpu.vector_store_idx %arg6[%add3A_182], %broadcast_in_dim3A_7 {add = true} : memref<32768xi32, #tpu.memory_space<vmem>>[vector<16xi32>], vector<16xi32>,
        tpu.vector_store_idx %arg7[%add3A_182], %get3A_109 {add = true} : memref<32768xf32, #tpu.memory_space<vmem>>[vector<16xi32>], vector<16xf32>,
        tpu.vector_store_idx %arg6[%add3A_192], %broadcast_in_dim3A_7 {add = true} : memref<32768xi32, #tpu.memory_space<vmem>>[vector<16xi32>], vector<16xi32>,
        tpu.vector_store_idx %arg7[%add3A_192], %get3A_116 {add = true} : memref<32768xf32, #tpu.memory_space<vmem>>[vector<16xi32>], vector<16xf32>,
        tpu.vector_store_idx %arg6[%add3A_202], %broadcast_in_dim3A_7 {add = true} : memref<32768xi32, #tpu.memory_space<vmem>>[vector<16xi32>], vector<16xi32>,
        tpu.vector_store_idx %arg7[%add3A_202], %get3A_123 {add = true} : memref<32768xf32, #tpu.memory_space<vmem>>[vector<16xi32>], vector<16xf32>,
        tpu.vector_store_idx %arg6[%add3A_212], %broadcast_in_dim3A_7 {add = true} : memref<32768xi32, #tpu.memory_space<vmem>>[vector<16xi32>], vector<16xi32>,
        tpu.vector_store_idx %arg7[%add3A_212], %get3A_130 {add = true} : memref<32768xf32, #tpu.memory_space<vmem>>[vector<16xi32>], vector<16xf32>,
        tpu.vector_store_idx %arg6[%add3A_222], %broadcast_in_dim3A_7 {add = true} : memref<32768xi32, #tpu.memory_space<vmem>>[vector<16xi32>], vector<16xi32>,
        tpu.vector_store_idx %arg7[%add3A_222], %get3A_137 {add = true} : memref<32768xf32, #tpu.memory_space<vmem>>[vector<16xi32>], vector<16xf32>,
        %scan3A_223 = arith.constant 0 : i32
        scf.yield %scan3A_223 : i32
      }
      %scan3A_75 = arith.constant 128 : i32
      %add3A_76 = arith.constant 2 : i32
      %add3A_77 = arith.addi %scan3A_55, %add3A_76 : i32
      %lt3A = arith.constant 4 : i32
      %lt3A_78 = arith.cmpi slt, %add3A_77, %lt3A : i32
      %convert_element_type3A = arith.extui %lt3A_78 : i1 to i32
      %cond3A = arith.constant 0 : i32
      %cond3A_79 = arith.cmpi ne, %convert_element_type3A, %cond3A : i32
      scf.if %cond3A_79 {
        %add3A_81 = arith.constant 2 : i32
        %add3A_82 = arith.addi %scan3A_55, %add3A_81 : i32
        %mul3A_83 = arith.constant 16384 : i32
        %mul3A_84 = arith.muli %add3A_82, %mul3A_83 : i32
        %add3A_85 = arith.addi %mul3A_2, %mul3A_84 : i32
        %dma_start3A_86 = arith.constant 0 : i32
        %dma_start3A_87 = tpu.memref_slice %arg5[%rem3A_57, %dma_start3A_86] : memref<2x16384xf32, #tpu.memory_space<vmem>> -> memref<1x16384xf32, #tpu.memory_space<vmem>>
        %dma_start3A_88 = tpu.memref_squeeze %dma_start3A_87 : memref<1x16384xf32, #tpu.memory_space<vmem>> -> memref<16384xf32, #tpu.memory_space<vmem>>
        %dma_start3A_89 = tpu.memref_slice %arg2[%add3A_85] : memref<2097152xf32, #tpu.memory_space<hbm>> -> memref<16384xf32, #tpu.memory_space<hbm>>
        %dma_start3A_90 = tpu.memref_slice %arg10[%rem3A_57] : memref<2x!tpu.dma_semaphore, #tpu.memory_space<semaphore_mem>> -> memref<1x!tpu.dma_semaphore, #tpu.memory_space<semaphore_mem>>
        %dma_start3A_91 = tpu.memref_squeeze %dma_start3A_90 : memref<1x!tpu.dma_semaphore, #tpu.memory_space<semaphore_mem>> -> memref<!tpu.dma_semaphore, #tpu.memory_space<semaphore_mem>>
        %dma_start3A_92 = arith.constant 0 : i32
        %dma_start3A_93 = tpu.memref_slice %arg5[%rem3A_57, %dma_start3A_92] : memref<2x16384xf32, #tpu.memory_space<vmem>> -> memref<1x16384xf32, #tpu.memory_space<vmem>>
        %dma_start3A_94 = tpu.memref_squeeze %dma_start3A_93 : memref<1x16384xf32, #tpu.memory_space<vmem>> -> memref<16384xf32, #tpu.memory_space<vmem>>
        %dma_start3A_95 = tpu.memref_slice %arg2[%add3A_85] : memref<2097152xf32, #tpu.memory_space<hbm>> -> memref<16384xf32, #tpu.memory_space<hbm>>
        tpu.enqueue_dma source(%dma_start3A_95 : memref<16384xf32, #tpu.memory_space<hbm>>) target(%dma_start3A_94 : memref<16384xf32, #tpu.memory_space<vmem>>) target_semaphore(%dma_start3A_91 : memref<!tpu.dma_semaphore, #tpu.memory_space<semaphore_mem>>)
      } else {
      }
      %scan3A_80 = arith.constant 0 : i32
      scf.yield %scan3A_80 : i32
    }
    %scan3A_47 = arith.constant 4 : i32
    %scan3A_48 = arith.constant 0 : i32
    %scan3A_49 = arith.constant 0 : i32
    %scan3A_50 = arith.constant 128 : i32
    %scan3A_51 = arith.addi %scan3A_49, %scan3A_50 : i32
    %scan3A_52 = arith.constant 1 : i32
    %scan3A_53 = scf.for %scan3A_55 = %scan3A_49 to %scan3A_51 step %scan3A_52 iter_args(%scan3A_56 = %scan3A_48) -> (i32)  : i32 {
      %mul3A_57 = arith.constant 16 : i32
      %mul3A_58 = arith.muli %scan3A_55, %mul3A_57 : i32
      %add3A_59 = vector.broadcast %mul3A_58 : i32 to vector<16xi32>
      %add3A_60 = arith.addi %add3A_59, %iota3A : vector<16xi32>
      %mul3A_61 = arith.constant 16 : i32
      %mul3A_62 = vector.broadcast %mul3A_61 : i32 to vector<16xi32>
      %mul3A_63 = arith.muli %add3A_60, %mul3A_62 : vector<16xi32>
      %gather3A = tpu.vector_load_idx %arg6[%mul3A_63] : memref<32768xi32, #tpu.memory_space<vmem>>[vector<16xi32>], vector<16xi32>,
      %gather3A_64 = tpu.vector_load_idx %arg7[%mul3A_63] : memref<32768xf32, #tpu.memory_space<vmem>>[vector<16xi32>], vector<16xf32>,
      %add3A_65 = arith.constant 1 : i32
      %add3A_66 = vector.broadcast %add3A_65 : i32 to vector<16xi32>
      %add3A_67 = arith.addi %mul3A_63, %add3A_66 : vector<16xi32>
      %gather3A_68 = tpu.vector_load_idx %arg6[%add3A_67] : memref<32768xi32, #tpu.memory_space<vmem>>[vector<16xi32>], vector<16xi32>,
      %add3A_69 = arith.addi %gather3A, %gather3A_68 : vector<16xi32>
      %add3A_70 = arith.constant 1 : i32
      %add3A_71 = vector.broadcast %add3A_70 : i32 to vector<16xi32>
      %add3A_72 = arith.addi %mul3A_63, %add3A_71 : vector<16xi32>
      %gather3A_73 = tpu.vector_load_idx %arg7[%add3A_72] : memref<32768xf32, #tpu.memory_space<vmem>>[vector<16xi32>], vector<16xf32>,
      %add3A_74 = arith.addf %gather3A_64, %gather3A_73 : vector<16xf32>
      %add3A_75 = arith.constant 2 : i32
      %add3A_76 = vector.broadcast %add3A_75 : i32 to vector<16xi32>
      %add3A_77 = arith.addi %mul3A_63, %add3A_76 : vector<16xi32>
      %gather3A_78 = tpu.vector_load_idx %arg6[%add3A_77] : memref<32768xi32, #tpu.memory_space<vmem>>[vector<16xi32>], vector<16xi32>,
      %add3A_79 = arith.addi %add3A_69, %gather3A_78 : vector<16xi32>
      %add3A_80 = arith.constant 2 : i32
      %add3A_81 = vector.broadcast %add3A_80 : i32 to vector<16xi32>
      %add3A_82 = arith.addi %mul3A_63, %add3A_81 : vector<16xi32>
      %gather3A_83 = tpu.vector_load_idx %arg7[%add3A_82] : memref<32768xf32, #tpu.memory_space<vmem>>[vector<16xi32>], vector<16xf32>,
      %add3A_84 = arith.addf %add3A_74, %gather3A_83 : vector<16xf32>
      %add3A_85 = arith.constant 3 : i32
      %add3A_86 = vector.broadcast %add3A_85 : i32 to vector<16xi32>
      %add3A_87 = arith.addi %mul3A_63, %add3A_86 : vector<16xi32>
      %gather3A_88 = tpu.vector_load_idx %arg6[%add3A_87] : memref<32768xi32, #tpu.memory_space<vmem>>[vector<16xi32>], vector<16xi32>,
      %add3A_89 = arith.addi %add3A_79, %gather3A_88 : vector<16xi32>
      %add3A_90 = arith.constant 3 : i32
      %add3A_91 = vector.broadcast %add3A_90 : i32 to vector<16xi32>
      %add3A_92 = arith.addi %mul3A_63, %add3A_91 : vector<16xi32>
      %gather3A_93 = tpu.vector_load_idx %arg7[%add3A_92] : memref<32768xf32, #tpu.memory_space<vmem>>[vector<16xi32>], vector<16xf32>,
      %add3A_94 = arith.addf %add3A_84, %gather3A_93 : vector<16xf32>
      %add3A_95 = arith.constant 4 : i32
      %add3A_96 = vector.broadcast %add3A_95 : i32 to vector<16xi32>
      %add3A_97 = arith.addi %mul3A_63, %add3A_96 : vector<16xi32>
      %gather3A_98 = tpu.vector_load_idx %arg6[%add3A_97] : memref<32768xi32, #tpu.memory_space<vmem>>[vector<16xi32>], vector<16xi32>,
      %add3A_99 = arith.addi %add3A_89, %gather3A_98 : vector<16xi32>
      %add3A_100 = arith.constant 4 : i32
      %add3A_101 = vector.broadcast %add3A_100 : i32 to vector<16xi32>
      %add3A_102 = arith.addi %mul3A_63, %add3A_101 : vector<16xi32>
      %gather3A_103 = tpu.vector_load_idx %arg7[%add3A_102] : memref<32768xf32, #tpu.memory_space<vmem>>[vector<16xi32>], vector<16xf32>,
      %add3A_104 = arith.addf %add3A_94, %gather3A_103 : vector<16xf32>
      %add3A_105 = arith.constant 5 : i32
      %add3A_106 = vector.broadcast %add3A_105 : i32 to vector<16xi32>
      %add3A_107 = arith.addi %mul3A_63, %add3A_106 : vector<16xi32>
      %gather3A_108 = tpu.vector_load_idx %arg6[%add3A_107] : memref<32768xi32, #tpu.memory_space<vmem>>[vector<16xi32>], vector<16xi32>,
      %add3A_109 = arith.addi %add3A_99, %gather3A_108 : vector<16xi32>
      %add3A_110 = arith.constant 5 : i32
      %add3A_111 = vector.broadcast %add3A_110 : i32 to vector<16xi32>
      %add3A_112 = arith.addi %mul3A_63, %add3A_111 : vector<16xi32>
      %gather3A_113 = tpu.vector_load_idx %arg7[%add3A_112] : memref<32768xf32, #tpu.memory_space<vmem>>[vector<16xi32>], vector<16xf32>,
      %add3A_114 = arith.addf %add3A_104, %gather3A_113 : vector<16xf32>
      %add3A_115 = arith.constant 6 : i32
      %add3A_116 = vector.broadcast %add3A_115 : i32 to vector<16xi32>
      %add3A_117 = arith.addi %mul3A_63, %add3A_116 : vector<16xi32>
      %gather3A_118 = tpu.vector_load_idx %arg6[%add3A_117] : memref<32768xi32, #tpu.memory_space<vmem>>[vector<16xi32>], vector<16xi32>,
      %add3A_119 = arith.addi %add3A_109, %gather3A_118 : vector<16xi32>
      %add3A_120 = arith.constant 6 : i32
      %add3A_121 = vector.broadcast %add3A_120 : i32 to vector<16xi32>
      %add3A_122 = arith.addi %mul3A_63, %add3A_121 : vector<16xi32>
      %gather3A_123 = tpu.vector_load_idx %arg7[%add3A_122] : memref<32768xf32, #tpu.memory_space<vmem>>[vector<16xi32>], vector<16xf32>,
      %add3A_124 = arith.addf %add3A_114, %gather3A_123 : vector<16xf32>
      %add3A_125 = arith.constant 7 : i32
      %add3A_126 = vector.broadcast %add3A_125 : i32 to vector<16xi32>
      %add3A_127 = arith.addi %mul3A_63, %add3A_126 : vector<16xi32>
      %gather3A_128 = tpu.vector_load_idx %arg6[%add3A_127] : memref<32768xi32, #tpu.memory_space<vmem>>[vector<16xi32>], vector<16xi32>,
      %add3A_129 = arith.addi %add3A_119, %gather3A_128 : vector<16xi32>
      %add3A_130 = arith.constant 7 : i32
      %add3A_131 = vector.broadcast %add3A_130 : i32 to vector<16xi32>
      %add3A_132 = arith.addi %mul3A_63, %add3A_131 : vector<16xi32>
      %gather3A_133 = tpu.vector_load_idx %arg7[%add3A_132] : memref<32768xf32, #tpu.memory_space<vmem>>[vector<16xi32>], vector<16xf32>,
      %add3A_134 = arith.addf %add3A_124, %gather3A_133 : vector<16xf32>
      %add3A_135 = arith.constant 8 : i32
      %add3A_136 = vector.broadcast %add3A_135 : i32 to vector<16xi32>
      %add3A_137 = arith.addi %mul3A_63, %add3A_136 : vector<16xi32>
      %gather3A_138 = tpu.vector_load_idx %arg6[%add3A_137] : memref<32768xi32, #tpu.memory_space<vmem>>[vector<16xi32>], vector<16xi32>,
      %add3A_139 = arith.addi %add3A_129, %gather3A_138 : vector<16xi32>
      %add3A_140 = arith.constant 8 : i32
      %add3A_141 = vector.broadcast %add3A_140 : i32 to vector<16xi32>
      %add3A_142 = arith.addi %mul3A_63, %add3A_141 : vector<16xi32>
      %gather3A_143 = tpu.vector_load_idx %arg7[%add3A_142] : memref<32768xf32, #tpu.memory_space<vmem>>[vector<16xi32>], vector<16xf32>,
      %add3A_144 = arith.addf %add3A_134, %gather3A_143 : vector<16xf32>
      %add3A_145 = arith.constant 9 : i32
      %add3A_146 = vector.broadcast %add3A_145 : i32 to vector<16xi32>
      %add3A_147 = arith.addi %mul3A_63, %add3A_146 : vector<16xi32>
      %gather3A_148 = tpu.vector_load_idx %arg6[%add3A_147] : memref<32768xi32, #tpu.memory_space<vmem>>[vector<16xi32>], vector<16xi32>,
      %add3A_149 = arith.addi %add3A_139, %gather3A_148 : vector<16xi32>
      %add3A_150 = arith.constant 9 : i32
      %add3A_151 = vector.broadcast %add3A_150 : i32 to vector<16xi32>
      %add3A_152 = arith.addi %mul3A_63, %add3A_151 : vector<16xi32>
      %gather3A_153 = tpu.vector_load_idx %arg7[%add3A_152] : memref<32768xf32, #tpu.memory_space<vmem>>[vector<16xi32>], vector<16xf32>,
      %add3A_154 = arith.addf %add3A_144, %gather3A_153 : vector<16xf32>
      %add3A_155 = arith.constant 10 : i32
      %add3A_156 = vector.broadcast %add3A_155 : i32 to vector<16xi32>
      %add3A_157 = arith.addi %mul3A_63, %add3A_156 : vector<16xi32>
      %gather3A_158 = tpu.vector_load_idx %arg6[%add3A_157] : memref<32768xi32, #tpu.memory_space<vmem>>[vector<16xi32>], vector<16xi32>,
      %add3A_159 = arith.addi %add3A_149, %gather3A_158 : vector<16xi32>
      %add3A_160 = arith.constant 10 : i32
      %add3A_161 = vector.broadcast %add3A_160 : i32 to vector<16xi32>
      %add3A_162 = arith.addi %mul3A_63, %add3A_161 : vector<16xi32>
      %gather3A_163 = tpu.vector_load_idx %arg7[%add3A_162] : memref<32768xf32, #tpu.memory_space<vmem>>[vector<16xi32>], vector<16xf32>,
      %add3A_164 = arith.addf %add3A_154, %gather3A_163 : vector<16xf32>
      %add3A_165 = arith.constant 11 : i32
      %add3A_166 = vector.broadcast %add3A_165 : i32 to vector<16xi32>
      %add3A_167 = arith.addi %mul3A_63, %add3A_166 : vector<16xi32>
      %gather3A_168 = tpu.vector_load_idx %arg6[%add3A_167] : memref<32768xi32, #tpu.memory_space<vmem>>[vector<16xi32>], vector<16xi32>,
      %add3A_169 = arith.addi %add3A_159, %gather3A_168 : vector<16xi32>
      %add3A_170 = arith.constant 11 : i32
      %add3A_171 = vector.broadcast %add3A_170 : i32 to vector<16xi32>
      %add3A_172 = arith.addi %mul3A_63, %add3A_171 : vector<16xi32>
      %gather3A_173 = tpu.vector_load_idx %arg7[%add3A_172] : memref<32768xf32, #tpu.memory_space<vmem>>[vector<16xi32>], vector<16xf32>,
      %add3A_174 = arith.addf %add3A_164, %gather3A_173 : vector<16xf32>
      %add3A_175 = arith.constant 12 : i32
      %add3A_176 = vector.broadcast %add3A_175 : i32 to vector<16xi32>
      %add3A_177 = arith.addi %mul3A_63, %add3A_176 : vector<16xi32>
      %gather3A_178 = tpu.vector_load_idx %arg6[%add3A_177] : memref<32768xi32, #tpu.memory_space<vmem>>[vector<16xi32>], vector<16xi32>,
      %add3A_179 = arith.addi %add3A_169, %gather3A_178 : vector<16xi32>
      %add3A_180 = arith.constant 12 : i32
      %add3A_181 = vector.broadcast %add3A_180 : i32 to vector<16xi32>
      %add3A_182 = arith.addi %mul3A_63, %add3A_181 : vector<16xi32>
      %gather3A_183 = tpu.vector_load_idx %arg7[%add3A_182] : memref<32768xf32, #tpu.memory_space<vmem>>[vector<16xi32>], vector<16xf32>,
      %add3A_184 = arith.addf %add3A_174, %gather3A_183 : vector<16xf32>
      %add3A_185 = arith.constant 13 : i32
      %add3A_186 = vector.broadcast %add3A_185 : i32 to vector<16xi32>
      %add3A_187 = arith.addi %mul3A_63, %add3A_186 : vector<16xi32>
      %gather3A_188 = tpu.vector_load_idx %arg6[%add3A_187] : memref<32768xi32, #tpu.memory_space<vmem>>[vector<16xi32>], vector<16xi32>,
      %add3A_189 = arith.addi %add3A_179, %gather3A_188 : vector<16xi32>
      %add3A_190 = arith.constant 13 : i32
      %add3A_191 = vector.broadcast %add3A_190 : i32 to vector<16xi32>
      %add3A_192 = arith.addi %mul3A_63, %add3A_191 : vector<16xi32>
      %gather3A_193 = tpu.vector_load_idx %arg7[%add3A_192] : memref<32768xf32, #tpu.memory_space<vmem>>[vector<16xi32>], vector<16xf32>,
      %add3A_194 = arith.addf %add3A_184, %gather3A_193 : vector<16xf32>
      %add3A_195 = arith.constant 14 : i32
      %add3A_196 = vector.broadcast %add3A_195 : i32 to vector<16xi32>
      %add3A_197 = arith.addi %mul3A_63, %add3A_196 : vector<16xi32>
      %gather3A_198 = tpu.vector_load_idx %arg6[%add3A_197] : memref<32768xi32, #tpu.memory_space<vmem>>[vector<16xi32>], vector<16xi32>,
      %add3A_199 = arith.addi %add3A_189, %gather3A_198 : vector<16xi32>
      %add3A_200 = arith.constant 14 : i32
      %add3A_201 = vector.broadcast %add3A_200 : i32 to vector<16xi32>
      %add3A_202 = arith.addi %mul3A_63, %add3A_201 : vector<16xi32>
      %gather3A_203 = tpu.vector_load_idx %arg7[%add3A_202] : memref<32768xf32, #tpu.memory_space<vmem>>[vector<16xi32>], vector<16xf32>,
      %add3A_204 = arith.addf %add3A_194, %gather3A_203 : vector<16xf32>
      %add3A_205 = arith.constant 15 : i32
      %add3A_206 = vector.broadcast %add3A_205 : i32 to vector<16xi32>
      %add3A_207 = arith.addi %mul3A_63, %add3A_206 : vector<16xi32>
      %gather3A_208 = tpu.vector_load_idx %arg6[%add3A_207] : memref<32768xi32, #tpu.memory_space<vmem>>[vector<16xi32>], vector<16xi32>,
      %add3A_209 = arith.addi %add3A_199, %gather3A_208 : vector<16xi32>
      %add3A_210 = arith.constant 15 : i32
      %add3A_211 = vector.broadcast %add3A_210 : i32 to vector<16xi32>
      %add3A_212 = arith.addi %mul3A_63, %add3A_211 : vector<16xi32>
      %gather3A_213 = tpu.vector_load_idx %arg7[%add3A_212] : memref<32768xf32, #tpu.memory_space<vmem>>[vector<16xi32>], vector<16xf32>,
      %add3A_214 = arith.addf %add3A_204, %gather3A_213 : vector<16xf32>
      %mul3A_215 = arith.constant 16 : i32
      %mul3A_216 = arith.muli %scan3A_55, %mul3A_215 : i32
      %swap3A = arith.index_cast %mul3A_216 : i32 to index
      %swap3A_217 = tpu.vector_load %arg8[%swap3A] {strides = array<i32>} : memref<2048xi32, #tpu.memory_space<vmem>>, vector<16xi32>,
      tpu.vector_store %arg8[%swap3A], %add3A_209 {strides = array<i32>} : memref<2048xi32, #tpu.memory_space<vmem>>, vector<16xi32>,
      %mul3A_218 = arith.constant 16 : i32
      %mul3A_219 = arith.muli %scan3A_55, %mul3A_218 : i32
      %swap3A_220 = arith.index_cast %mul3A_219 : i32 to index
      %swap3A_221 = tpu.vector_load %arg9[%swap3A_220] {strides = array<i32>} : memref<2048xf32, #tpu.memory_space<vmem>>, vector<16xf32>,
      tpu.vector_store %arg9[%swap3A_220], %add3A_214 {strides = array<i32>} : memref<2048xf32, #tpu.memory_space<vmem>>, vector<16xf32>,
      %scan3A_222 = arith.constant 0 : i32
      scf.yield %scan3A_222 : i32
    }
    %scan3A_54 = arith.constant 128 : i32
    "tpu.region"() ({
      %run_scoped3A = tpu.sem_alloc : memref<!tpu.dma_semaphore, #tpu.memory_space<semaphore_mem>>
      %dma_start3A_55 = arith.constant 0 : i32
      %dma_start3A_56 = tpu.memref_slice %arg3[%add3A, %dma_start3A_55] : memref<32x2048xi32, #tpu.memory_space<hbm>> -> memref<1x2048xi32, #tpu.memory_space<hbm>>
      %dma_start3A_57 = tpu.memref_squeeze %dma_start3A_56 : memref<1x2048xi32, #tpu.memory_space<hbm>> -> memref<2048xi32, #tpu.memory_space<hbm>>
      %dma_start3A_58 = arith.constant 0 : i32
      %dma_start3A_59 = tpu.memref_slice %arg3[%add3A, %dma_start3A_58] : memref<32x2048xi32, #tpu.memory_space<hbm>> -> memref<1x2048xi32, #tpu.memory_space<hbm>>
      %dma_start3A_60 = tpu.memref_squeeze %dma_start3A_59 : memref<1x2048xi32, #tpu.memory_space<hbm>> -> memref<2048xi32, #tpu.memory_space<hbm>>
      tpu.enqueue_dma source(%arg8 : memref<2048xi32, #tpu.memory_space<vmem>>) target(%dma_start3A_60 : memref<2048xi32, #tpu.memory_space<hbm>>) target_semaphore(%run_scoped3A : memref<!tpu.dma_semaphore, #tpu.memory_space<semaphore_mem>>)
      %dma_wait3A = arith.constant 0 : i32
      %dma_wait3A_61 = tpu.memref_slice %arg3[%add3A, %dma_wait3A] : memref<32x2048xi32, #tpu.memory_space<hbm>> -> memref<1x2048xi32, #tpu.memory_space<hbm>>
      %dma_wait3A_62 = tpu.memref_squeeze %dma_wait3A_61 : memref<1x2048xi32, #tpu.memory_space<hbm>> -> memref<2048xi32, #tpu.memory_space<hbm>>
      %dma_wait3A_63 = arith.constant 0 : i32
      %dma_wait3A_64 = tpu.memref_slice %arg3[%add3A, %dma_wait3A_63] : memref<32x2048xi32, #tpu.memory_space<hbm>> -> memref<1x2048xi32, #tpu.memory_space<hbm>>
      %dma_wait3A_65 = tpu.memref_squeeze %dma_wait3A_64 : memref<1x2048xi32, #tpu.memory_space<hbm>> -> memref<2048xi32, #tpu.memory_space<hbm>>
      tpu.wait_dma2 semaphore(%run_scoped3A : memref<!tpu.dma_semaphore, #tpu.memory_space<semaphore_mem>>) src(%arg8 : memref<2048xi32, #tpu.memory_space<vmem>>) dst(%dma_wait3A_65 : memref<2048xi32, #tpu.memory_space<hbm>>)
      tpu.yield
    }) : () -> ()
    "tpu.region"() ({
      %run_scoped3A = tpu.sem_alloc : memref<!tpu.dma_semaphore, #tpu.memory_space<semaphore_mem>>
      %dma_start3A_55 = arith.constant 0 : i32
      %dma_start3A_56 = tpu.memref_slice %arg4[%add3A, %dma_start3A_55] : memref<32x2048xf32, #tpu.memory_space<hbm>> -> memref<1x2048xf32, #tpu.memory_space<hbm>>
      %dma_start3A_57 = tpu.memref_squeeze %dma_start3A_56 : memref<1x2048xf32, #tpu.memory_space<hbm>> -> memref<2048xf32, #tpu.memory_space<hbm>>
      %dma_start3A_58 = arith.constant 0 : i32
      %dma_start3A_59 = tpu.memref_slice %arg4[%add3A, %dma_start3A_58] : memref<32x2048xf32, #tpu.memory_space<hbm>> -> memref<1x2048xf32, #tpu.memory_space<hbm>>
      %dma_start3A_60 = tpu.memref_squeeze %dma_start3A_59 : memref<1x2048xf32, #tpu.memory_space<hbm>> -> memref<2048xf32, #tpu.memory_space<hbm>>
      tpu.enqueue_dma source(%arg9 : memref<2048xf32, #tpu.memory_space<vmem>>) target(%dma_start3A_60 : memref<2048xf32, #tpu.memory_space<hbm>>) target_semaphore(%run_scoped3A : memref<!tpu.dma_semaphore, #tpu.memory_space<semaphore_mem>>)
      %dma_wait3A = arith.constant 0 : i32
      %dma_wait3A_61 = tpu.memref_slice %arg4[%add3A, %dma_wait3A] : memref<32x2048xf32, #tpu.memory_space<hbm>> -> memref<1x2048xf32, #tpu.memory_space<hbm>>
      %dma_wait3A_62 = tpu.memref_squeeze %dma_wait3A_61 : memref<1x2048xf32, #tpu.memory_space<hbm>> -> memref<2048xf32, #tpu.memory_space<hbm>>
      %dma_wait3A_63 = arith.constant 0 : i32
      %dma_wait3A_64 = tpu.memref_slice %arg4[%add3A, %dma_wait3A_63] : memref<32x2048xf32, #tpu.memory_space<hbm>> -> memref<1x2048xf32, #tpu.memory_space<hbm>>
      %dma_wait3A_65 = tpu.memref_squeeze %dma_wait3A_64 : memref<1x2048xf32, #tpu.memory_space<hbm>> -> memref<2048xf32, #tpu.memory_space<hbm>>
      tpu.wait_dma2 semaphore(%run_scoped3A : memref<!tpu.dma_semaphore, #tpu.memory_space<semaphore_mem>>) src(%arg9 : memref<2048xf32, #tpu.memory_space<vmem>>) dst(%dma_wait3A_65 : memref<2048xf32, #tpu.memory_space<hbm>>)
      tpu.yield
    }) : () -> ()
    return
  }
}

module attributes {stable_mosaic.version = 14 : i64} {
  func.func @_ce_body(%arg0: i32, %arg1: i32, %arg2: memref<1x19x256x512xf32, #tpu.memory_space<vmem>>, %arg3: memref<1x256x512xi32, #tpu.memory_space<vmem>>, %arg4: memref<131072xf32, #tpu.memory_space<vmem>>) attributes {dimension_semantics = [#tpu.dimension_semantics<arbitrary>, #tpu.dimension_semantics<arbitrary>], iteration_bounds = array<i64: 8, 2>, scalar_prefetch = 0 : i64, scratch_operands = 0 : i64, tpu.core_type = #tpu.core_type<tc>, window_params = [{transform_indices = @transform_0, window_bounds = array<i64: 1, 19, 256, 512>}, {transform_indices = @transform_1, window_bounds = array<i64: 1, 256, 512>}, {transform_indices = @transform_2, window_bounds = array<i64: 131072>}]} {
    %get3A = arith.constant 0 : index
    %get3A_0 = arith.constant 0 : index
    %get3A_1 = arith.constant 0 : index
    %get3A_2 = arith.constant 0 : index
    %get3A_3 = vector.load %arg2[%get3A, %get3A_0, %get3A_1, %get3A_2] : memref<1x19x256x512xf32, #tpu.memory_space<vmem>>, vector<1x19x256x512xf32>
    %get3A_4 = vector.shape_cast %get3A_3 : vector<1x19x256x512xf32> to vector<19x256x512xf32>
    %get3A_5 = arith.constant 0 : index
    %get3A_6 = arith.constant 0 : index
    %get3A_7 = arith.constant 0 : index
    %get3A_8 = vector.load %arg3[%get3A_5, %get3A_6, %get3A_7] : memref<1x256x512xi32, #tpu.memory_space<vmem>>, vector<1x256x512xi32>
    %get3A_9 = vector.shape_cast %get3A_8 : vector<1x256x512xi32> to vector<256x512xi32>
    %slice3A = vector.extract_strided_slice %get3A_4 {offsets = [0, 0, 0], sizes = [1, 256, 512], strides = [1, 1, 1]} : vector<19x256x512xf32> to vector<1x256x512xf32>
    %squeeze3A = vector.shape_cast %slice3A : vector<1x256x512xf32> to vector<256x512xf32>
    %exp3A = math.exp %squeeze3A : vector<256x512xf32>
    %eq3A = arith.constant 0 : i32
    %eq3A_10 = vector.broadcast %eq3A : i32 to vector<256x512xi32>
    %eq3A_11 = arith.cmpi eq, %get3A_9, %eq3A_10 : vector<256x512xi32>
    %slice3A_12 = vector.extract_strided_slice %get3A_4 {offsets = [0, 0, 0], sizes = [1, 256, 512], strides = [1, 1, 1]} : vector<19x256x512xf32> to vector<1x256x512xf32>
    %squeeze3A_13 = vector.shape_cast %slice3A_12 : vector<1x256x512xf32> to vector<256x512xf32>
    %jit3A = arith.constant 0.000000e+00 : f32
    %broadcast_in_dim3A = vector.broadcast %jit3A : f32 to vector<256x512xf32>
    %select_n3A = arith.select %eq3A_11, %squeeze3A_13, %broadcast_in_dim3A : vector<256x512xi1>, vector<256x512xf32>
    %slice3A_14 = vector.extract_strided_slice %get3A_4 {offsets = [1, 0, 0], sizes = [1, 256, 512], strides = [1, 1, 1]} : vector<19x256x512xf32> to vector<1x256x512xf32>
    %squeeze3A_15 = vector.shape_cast %slice3A_14 : vector<1x256x512xf32> to vector<256x512xf32>
    %exp3A_16 = math.exp %squeeze3A_15 : vector<256x512xf32>
    %add3A = arith.addf %exp3A, %exp3A_16 : vector<256x512xf32>
    %eq3A_17 = arith.constant 1 : i32
    %eq3A_18 = vector.broadcast %eq3A_17 : i32 to vector<256x512xi32>
    %eq3A_19 = arith.cmpi eq, %get3A_9, %eq3A_18 : vector<256x512xi32>
    %slice3A_20 = vector.extract_strided_slice %get3A_4 {offsets = [1, 0, 0], sizes = [1, 256, 512], strides = [1, 1, 1]} : vector<19x256x512xf32> to vector<1x256x512xf32>
    %squeeze3A_21 = vector.shape_cast %slice3A_20 : vector<1x256x512xf32> to vector<256x512xf32>
    %select_n3A_22 = arith.select %eq3A_19, %squeeze3A_21, %select_n3A : vector<256x512xi1>, vector<256x512xf32>
    %slice3A_23 = vector.extract_strided_slice %get3A_4 {offsets = [2, 0, 0], sizes = [1, 256, 512], strides = [1, 1, 1]} : vector<19x256x512xf32> to vector<1x256x512xf32>
    %squeeze3A_24 = vector.shape_cast %slice3A_23 : vector<1x256x512xf32> to vector<256x512xf32>
    %exp3A_25 = math.exp %squeeze3A_24 : vector<256x512xf32>
    %add3A_26 = arith.addf %add3A, %exp3A_25 : vector<256x512xf32>
    %eq3A_27 = arith.constant 2 : i32
    %eq3A_28 = vector.broadcast %eq3A_27 : i32 to vector<256x512xi32>
    %eq3A_29 = arith.cmpi eq, %get3A_9, %eq3A_28 : vector<256x512xi32>
    %slice3A_30 = vector.extract_strided_slice %get3A_4 {offsets = [2, 0, 0], sizes = [1, 256, 512], strides = [1, 1, 1]} : vector<19x256x512xf32> to vector<1x256x512xf32>
    %squeeze3A_31 = vector.shape_cast %slice3A_30 : vector<1x256x512xf32> to vector<256x512xf32>
    %select_n3A_32 = arith.select %eq3A_29, %squeeze3A_31, %select_n3A_22 : vector<256x512xi1>, vector<256x512xf32>
    %slice3A_33 = vector.extract_strided_slice %get3A_4 {offsets = [3, 0, 0], sizes = [1, 256, 512], strides = [1, 1, 1]} : vector<19x256x512xf32> to vector<1x256x512xf32>
    %squeeze3A_34 = vector.shape_cast %slice3A_33 : vector<1x256x512xf32> to vector<256x512xf32>
    %exp3A_35 = math.exp %squeeze3A_34 : vector<256x512xf32>
    %add3A_36 = arith.addf %add3A_26, %exp3A_35 : vector<256x512xf32>
    %eq3A_37 = arith.constant 3 : i32
    %eq3A_38 = vector.broadcast %eq3A_37 : i32 to vector<256x512xi32>
    %eq3A_39 = arith.cmpi eq, %get3A_9, %eq3A_38 : vector<256x512xi32>
    %slice3A_40 = vector.extract_strided_slice %get3A_4 {offsets = [3, 0, 0], sizes = [1, 256, 512], strides = [1, 1, 1]} : vector<19x256x512xf32> to vector<1x256x512xf32>
    %squeeze3A_41 = vector.shape_cast %slice3A_40 : vector<1x256x512xf32> to vector<256x512xf32>
    %select_n3A_42 = arith.select %eq3A_39, %squeeze3A_41, %select_n3A_32 : vector<256x512xi1>, vector<256x512xf32>
    %slice3A_43 = vector.extract_strided_slice %get3A_4 {offsets = [4, 0, 0], sizes = [1, 256, 512], strides = [1, 1, 1]} : vector<19x256x512xf32> to vector<1x256x512xf32>
    %squeeze3A_44 = vector.shape_cast %slice3A_43 : vector<1x256x512xf32> to vector<256x512xf32>
    %exp3A_45 = math.exp %squeeze3A_44 : vector<256x512xf32>
    %add3A_46 = arith.addf %add3A_36, %exp3A_45 : vector<256x512xf32>
    %eq3A_47 = arith.constant 4 : i32
    %eq3A_48 = vector.broadcast %eq3A_47 : i32 to vector<256x512xi32>
    %eq3A_49 = arith.cmpi eq, %get3A_9, %eq3A_48 : vector<256x512xi32>
    %slice3A_50 = vector.extract_strided_slice %get3A_4 {offsets = [4, 0, 0], sizes = [1, 256, 512], strides = [1, 1, 1]} : vector<19x256x512xf32> to vector<1x256x512xf32>
    %squeeze3A_51 = vector.shape_cast %slice3A_50 : vector<1x256x512xf32> to vector<256x512xf32>
    %select_n3A_52 = arith.select %eq3A_49, %squeeze3A_51, %select_n3A_42 : vector<256x512xi1>, vector<256x512xf32>
    %slice3A_53 = vector.extract_strided_slice %get3A_4 {offsets = [5, 0, 0], sizes = [1, 256, 512], strides = [1, 1, 1]} : vector<19x256x512xf32> to vector<1x256x512xf32>
    %squeeze3A_54 = vector.shape_cast %slice3A_53 : vector<1x256x512xf32> to vector<256x512xf32>
    %exp3A_55 = math.exp %squeeze3A_54 : vector<256x512xf32>
    %add3A_56 = arith.addf %add3A_46, %exp3A_55 : vector<256x512xf32>
    %eq3A_57 = arith.constant 5 : i32
    %eq3A_58 = vector.broadcast %eq3A_57 : i32 to vector<256x512xi32>
    %eq3A_59 = arith.cmpi eq, %get3A_9, %eq3A_58 : vector<256x512xi32>
    %slice3A_60 = vector.extract_strided_slice %get3A_4 {offsets = [5, 0, 0], sizes = [1, 256, 512], strides = [1, 1, 1]} : vector<19x256x512xf32> to vector<1x256x512xf32>
    %squeeze3A_61 = vector.shape_cast %slice3A_60 : vector<1x256x512xf32> to vector<256x512xf32>
    %select_n3A_62 = arith.select %eq3A_59, %squeeze3A_61, %select_n3A_52 : vector<256x512xi1>, vector<256x512xf32>
    %slice3A_63 = vector.extract_strided_slice %get3A_4 {offsets = [6, 0, 0], sizes = [1, 256, 512], strides = [1, 1, 1]} : vector<19x256x512xf32> to vector<1x256x512xf32>
    %squeeze3A_64 = vector.shape_cast %slice3A_63 : vector<1x256x512xf32> to vector<256x512xf32>
    %exp3A_65 = math.exp %squeeze3A_64 : vector<256x512xf32>
    %add3A_66 = arith.addf %add3A_56, %exp3A_65 : vector<256x512xf32>
    %eq3A_67 = arith.constant 6 : i32
    %eq3A_68 = vector.broadcast %eq3A_67 : i32 to vector<256x512xi32>
    %eq3A_69 = arith.cmpi eq, %get3A_9, %eq3A_68 : vector<256x512xi32>
    %slice3A_70 = vector.extract_strided_slice %get3A_4 {offsets = [6, 0, 0], sizes = [1, 256, 512], strides = [1, 1, 1]} : vector<19x256x512xf32> to vector<1x256x512xf32>
    %squeeze3A_71 = vector.shape_cast %slice3A_70 : vector<1x256x512xf32> to vector<256x512xf32>
    %select_n3A_72 = arith.select %eq3A_69, %squeeze3A_71, %select_n3A_62 : vector<256x512xi1>, vector<256x512xf32>
    %slice3A_73 = vector.extract_strided_slice %get3A_4 {offsets = [7, 0, 0], sizes = [1, 256, 512], strides = [1, 1, 1]} : vector<19x256x512xf32> to vector<1x256x512xf32>
    %squeeze3A_74 = vector.shape_cast %slice3A_73 : vector<1x256x512xf32> to vector<256x512xf32>
    %exp3A_75 = math.exp %squeeze3A_74 : vector<256x512xf32>
    %add3A_76 = arith.addf %add3A_66, %exp3A_75 : vector<256x512xf32>
    %eq3A_77 = arith.constant 7 : i32
    %eq3A_78 = vector.broadcast %eq3A_77 : i32 to vector<256x512xi32>
    %eq3A_79 = arith.cmpi eq, %get3A_9, %eq3A_78 : vector<256x512xi32>
    %slice3A_80 = vector.extract_strided_slice %get3A_4 {offsets = [7, 0, 0], sizes = [1, 256, 512], strides = [1, 1, 1]} : vector<19x256x512xf32> to vector<1x256x512xf32>
    %squeeze3A_81 = vector.shape_cast %slice3A_80 : vector<1x256x512xf32> to vector<256x512xf32>
    %select_n3A_82 = arith.select %eq3A_79, %squeeze3A_81, %select_n3A_72 : vector<256x512xi1>, vector<256x512xf32>
    %slice3A_83 = vector.extract_strided_slice %get3A_4 {offsets = [8, 0, 0], sizes = [1, 256, 512], strides = [1, 1, 1]} : vector<19x256x512xf32> to vector<1x256x512xf32>
    %squeeze3A_84 = vector.shape_cast %slice3A_83 : vector<1x256x512xf32> to vector<256x512xf32>
    %exp3A_85 = math.exp %squeeze3A_84 : vector<256x512xf32>
    %add3A_86 = arith.addf %add3A_76, %exp3A_85 : vector<256x512xf32>
    %eq3A_87 = arith.constant 8 : i32
    %eq3A_88 = vector.broadcast %eq3A_87 : i32 to vector<256x512xi32>
    %eq3A_89 = arith.cmpi eq, %get3A_9, %eq3A_88 : vector<256x512xi32>
    %slice3A_90 = vector.extract_strided_slice %get3A_4 {offsets = [8, 0, 0], sizes = [1, 256, 512], strides = [1, 1, 1]} : vector<19x256x512xf32> to vector<1x256x512xf32>
    %squeeze3A_91 = vector.shape_cast %slice3A_90 : vector<1x256x512xf32> to vector<256x512xf32>
    %select_n3A_92 = arith.select %eq3A_89, %squeeze3A_91, %select_n3A_82 : vector<256x512xi1>, vector<256x512xf32>
    %slice3A_93 = vector.extract_strided_slice %get3A_4 {offsets = [9, 0, 0], sizes = [1, 256, 512], strides = [1, 1, 1]} : vector<19x256x512xf32> to vector<1x256x512xf32>
    %squeeze3A_94 = vector.shape_cast %slice3A_93 : vector<1x256x512xf32> to vector<256x512xf32>
    %exp3A_95 = math.exp %squeeze3A_94 : vector<256x512xf32>
    %add3A_96 = arith.addf %add3A_86, %exp3A_95 : vector<256x512xf32>
    %eq3A_97 = arith.constant 9 : i32
    %eq3A_98 = vector.broadcast %eq3A_97 : i32 to vector<256x512xi32>
    %eq3A_99 = arith.cmpi eq, %get3A_9, %eq3A_98 : vector<256x512xi32>
    %slice3A_100 = vector.extract_strided_slice %get3A_4 {offsets = [9, 0, 0], sizes = [1, 256, 512], strides = [1, 1, 1]} : vector<19x256x512xf32> to vector<1x256x512xf32>
    %squeeze3A_101 = vector.shape_cast %slice3A_100 : vector<1x256x512xf32> to vector<256x512xf32>
    %select_n3A_102 = arith.select %eq3A_99, %squeeze3A_101, %select_n3A_92 : vector<256x512xi1>, vector<256x512xf32>
    %slice3A_103 = vector.extract_strided_slice %get3A_4 {offsets = [10, 0, 0], sizes = [1, 256, 512], strides = [1, 1, 1]} : vector<19x256x512xf32> to vector<1x256x512xf32>
    %squeeze3A_104 = vector.shape_cast %slice3A_103 : vector<1x256x512xf32> to vector<256x512xf32>
    %exp3A_105 = math.exp %squeeze3A_104 : vector<256x512xf32>
    %add3A_106 = arith.addf %add3A_96, %exp3A_105 : vector<256x512xf32>
    %eq3A_107 = arith.constant 10 : i32
    %eq3A_108 = vector.broadcast %eq3A_107 : i32 to vector<256x512xi32>
    %eq3A_109 = arith.cmpi eq, %get3A_9, %eq3A_108 : vector<256x512xi32>
    %slice3A_110 = vector.extract_strided_slice %get3A_4 {offsets = [10, 0, 0], sizes = [1, 256, 512], strides = [1, 1, 1]} : vector<19x256x512xf32> to vector<1x256x512xf32>
    %squeeze3A_111 = vector.shape_cast %slice3A_110 : vector<1x256x512xf32> to vector<256x512xf32>
    %select_n3A_112 = arith.select %eq3A_109, %squeeze3A_111, %select_n3A_102 : vector<256x512xi1>, vector<256x512xf32>
    %slice3A_113 = vector.extract_strided_slice %get3A_4 {offsets = [11, 0, 0], sizes = [1, 256, 512], strides = [1, 1, 1]} : vector<19x256x512xf32> to vector<1x256x512xf32>
    %squeeze3A_114 = vector.shape_cast %slice3A_113 : vector<1x256x512xf32> to vector<256x512xf32>
    %exp3A_115 = math.exp %squeeze3A_114 : vector<256x512xf32>
    %add3A_116 = arith.addf %add3A_106, %exp3A_115 : vector<256x512xf32>
    %eq3A_117 = arith.constant 11 : i32
    %eq3A_118 = vector.broadcast %eq3A_117 : i32 to vector<256x512xi32>
    %eq3A_119 = arith.cmpi eq, %get3A_9, %eq3A_118 : vector<256x512xi32>
    %slice3A_120 = vector.extract_strided_slice %get3A_4 {offsets = [11, 0, 0], sizes = [1, 256, 512], strides = [1, 1, 1]} : vector<19x256x512xf32> to vector<1x256x512xf32>
    %squeeze3A_121 = vector.shape_cast %slice3A_120 : vector<1x256x512xf32> to vector<256x512xf32>
    %select_n3A_122 = arith.select %eq3A_119, %squeeze3A_121, %select_n3A_112 : vector<256x512xi1>, vector<256x512xf32>
    %slice3A_123 = vector.extract_strided_slice %get3A_4 {offsets = [12, 0, 0], sizes = [1, 256, 512], strides = [1, 1, 1]} : vector<19x256x512xf32> to vector<1x256x512xf32>
    %squeeze3A_124 = vector.shape_cast %slice3A_123 : vector<1x256x512xf32> to vector<256x512xf32>
    %exp3A_125 = math.exp %squeeze3A_124 : vector<256x512xf32>
    %add3A_126 = arith.addf %add3A_116, %exp3A_125 : vector<256x512xf32>
    %eq3A_127 = arith.constant 12 : i32
    %eq3A_128 = vector.broadcast %eq3A_127 : i32 to vector<256x512xi32>
    %eq3A_129 = arith.cmpi eq, %get3A_9, %eq3A_128 : vector<256x512xi32>
    %slice3A_130 = vector.extract_strided_slice %get3A_4 {offsets = [12, 0, 0], sizes = [1, 256, 512], strides = [1, 1, 1]} : vector<19x256x512xf32> to vector<1x256x512xf32>
    %squeeze3A_131 = vector.shape_cast %slice3A_130 : vector<1x256x512xf32> to vector<256x512xf32>
    %select_n3A_132 = arith.select %eq3A_129, %squeeze3A_131, %select_n3A_122 : vector<256x512xi1>, vector<256x512xf32>
    %slice3A_133 = vector.extract_strided_slice %get3A_4 {offsets = [13, 0, 0], sizes = [1, 256, 512], strides = [1, 1, 1]} : vector<19x256x512xf32> to vector<1x256x512xf32>
    %squeeze3A_134 = vector.shape_cast %slice3A_133 : vector<1x256x512xf32> to vector<256x512xf32>
    %exp3A_135 = math.exp %squeeze3A_134 : vector<256x512xf32>
    %add3A_136 = arith.addf %add3A_126, %exp3A_135 : vector<256x512xf32>
    %eq3A_137 = arith.constant 13 : i32
    %eq3A_138 = vector.broadcast %eq3A_137 : i32 to vector<256x512xi32>
    %eq3A_139 = arith.cmpi eq, %get3A_9, %eq3A_138 : vector<256x512xi32>
    %slice3A_140 = vector.extract_strided_slice %get3A_4 {offsets = [13, 0, 0], sizes = [1, 256, 512], strides = [1, 1, 1]} : vector<19x256x512xf32> to vector<1x256x512xf32>
    %squeeze3A_141 = vector.shape_cast %slice3A_140 : vector<1x256x512xf32> to vector<256x512xf32>
    %select_n3A_142 = arith.select %eq3A_139, %squeeze3A_141, %select_n3A_132 : vector<256x512xi1>, vector<256x512xf32>
    %slice3A_143 = vector.extract_strided_slice %get3A_4 {offsets = [14, 0, 0], sizes = [1, 256, 512], strides = [1, 1, 1]} : vector<19x256x512xf32> to vector<1x256x512xf32>
    %squeeze3A_144 = vector.shape_cast %slice3A_143 : vector<1x256x512xf32> to vector<256x512xf32>
    %exp3A_145 = math.exp %squeeze3A_144 : vector<256x512xf32>
    %add3A_146 = arith.addf %add3A_136, %exp3A_145 : vector<256x512xf32>
    %eq3A_147 = arith.constant 14 : i32
    %eq3A_148 = vector.broadcast %eq3A_147 : i32 to vector<256x512xi32>
    %eq3A_149 = arith.cmpi eq, %get3A_9, %eq3A_148 : vector<256x512xi32>
    %slice3A_150 = vector.extract_strided_slice %get3A_4 {offsets = [14, 0, 0], sizes = [1, 256, 512], strides = [1, 1, 1]} : vector<19x256x512xf32> to vector<1x256x512xf32>
    %squeeze3A_151 = vector.shape_cast %slice3A_150 : vector<1x256x512xf32> to vector<256x512xf32>
    %select_n3A_152 = arith.select %eq3A_149, %squeeze3A_151, %select_n3A_142 : vector<256x512xi1>, vector<256x512xf32>
    %slice3A_153 = vector.extract_strided_slice %get3A_4 {offsets = [15, 0, 0], sizes = [1, 256, 512], strides = [1, 1, 1]} : vector<19x256x512xf32> to vector<1x256x512xf32>
    %squeeze3A_154 = vector.shape_cast %slice3A_153 : vector<1x256x512xf32> to vector<256x512xf32>
    %exp3A_155 = math.exp %squeeze3A_154 : vector<256x512xf32>
    %add3A_156 = arith.addf %add3A_146, %exp3A_155 : vector<256x512xf32>
    %eq3A_157 = arith.constant 15 : i32
    %eq3A_158 = vector.broadcast %eq3A_157 : i32 to vector<256x512xi32>
    %eq3A_159 = arith.cmpi eq, %get3A_9, %eq3A_158 : vector<256x512xi32>
    %slice3A_160 = vector.extract_strided_slice %get3A_4 {offsets = [15, 0, 0], sizes = [1, 256, 512], strides = [1, 1, 1]} : vector<19x256x512xf32> to vector<1x256x512xf32>
    %squeeze3A_161 = vector.shape_cast %slice3A_160 : vector<1x256x512xf32> to vector<256x512xf32>
    %select_n3A_162 = arith.select %eq3A_159, %squeeze3A_161, %select_n3A_152 : vector<256x512xi1>, vector<256x512xf32>
    %slice3A_163 = vector.extract_strided_slice %get3A_4 {offsets = [16, 0, 0], sizes = [1, 256, 512], strides = [1, 1, 1]} : vector<19x256x512xf32> to vector<1x256x512xf32>
    %squeeze3A_164 = vector.shape_cast %slice3A_163 : vector<1x256x512xf32> to vector<256x512xf32>
    %exp3A_165 = math.exp %squeeze3A_164 : vector<256x512xf32>
    %add3A_166 = arith.addf %add3A_156, %exp3A_165 : vector<256x512xf32>
    %eq3A_167 = arith.constant 16 : i32
    %eq3A_168 = vector.broadcast %eq3A_167 : i32 to vector<256x512xi32>
    %eq3A_169 = arith.cmpi eq, %get3A_9, %eq3A_168 : vector<256x512xi32>
    %slice3A_170 = vector.extract_strided_slice %get3A_4 {offsets = [16, 0, 0], sizes = [1, 256, 512], strides = [1, 1, 1]} : vector<19x256x512xf32> to vector<1x256x512xf32>
    %squeeze3A_171 = vector.shape_cast %slice3A_170 : vector<1x256x512xf32> to vector<256x512xf32>
    %select_n3A_172 = arith.select %eq3A_169, %squeeze3A_171, %select_n3A_162 : vector<256x512xi1>, vector<256x512xf32>
    %slice3A_173 = vector.extract_strided_slice %get3A_4 {offsets = [17, 0, 0], sizes = [1, 256, 512], strides = [1, 1, 1]} : vector<19x256x512xf32> to vector<1x256x512xf32>
    %squeeze3A_174 = vector.shape_cast %slice3A_173 : vector<1x256x512xf32> to vector<256x512xf32>
    %exp3A_175 = math.exp %squeeze3A_174 : vector<256x512xf32>
    %add3A_176 = arith.addf %add3A_166, %exp3A_175 : vector<256x512xf32>
    %eq3A_177 = arith.constant 17 : i32
    %eq3A_178 = vector.broadcast %eq3A_177 : i32 to vector<256x512xi32>
    %eq3A_179 = arith.cmpi eq, %get3A_9, %eq3A_178 : vector<256x512xi32>
    %slice3A_180 = vector.extract_strided_slice %get3A_4 {offsets = [17, 0, 0], sizes = [1, 256, 512], strides = [1, 1, 1]} : vector<19x256x512xf32> to vector<1x256x512xf32>
    %squeeze3A_181 = vector.shape_cast %slice3A_180 : vector<1x256x512xf32> to vector<256x512xf32>
    %select_n3A_182 = arith.select %eq3A_179, %squeeze3A_181, %select_n3A_172 : vector<256x512xi1>, vector<256x512xf32>
    %slice3A_183 = vector.extract_strided_slice %get3A_4 {offsets = [18, 0, 0], sizes = [1, 256, 512], strides = [1, 1, 1]} : vector<19x256x512xf32> to vector<1x256x512xf32>
    %squeeze3A_184 = vector.shape_cast %slice3A_183 : vector<1x256x512xf32> to vector<256x512xf32>
    %exp3A_185 = math.exp %squeeze3A_184 : vector<256x512xf32>
    %add3A_186 = arith.addf %add3A_176, %exp3A_185 : vector<256x512xf32>
    %eq3A_187 = arith.constant 18 : i32
    %eq3A_188 = vector.broadcast %eq3A_187 : i32 to vector<256x512xi32>
    %eq3A_189 = arith.cmpi eq, %get3A_9, %eq3A_188 : vector<256x512xi32>
    %slice3A_190 = vector.extract_strided_slice %get3A_4 {offsets = [18, 0, 0], sizes = [1, 256, 512], strides = [1, 1, 1]} : vector<19x256x512xf32> to vector<1x256x512xf32>
    %squeeze3A_191 = vector.shape_cast %slice3A_190 : vector<1x256x512xf32> to vector<256x512xf32>
    %select_n3A_192 = arith.select %eq3A_189, %squeeze3A_191, %select_n3A_182 : vector<256x512xi1>, vector<256x512xf32>
    %log3A = math.log %add3A_186 : vector<256x512xf32>
    %sub3A = arith.subf %log3A, %select_n3A_192 : vector<256x512xf32>
    %max3A = arith.constant 0.000000e+00 : f32
    %max3A_193 = vector.broadcast %max3A : f32 to vector<256x512xf32>
    %max3A_194 = arith.maximumf %sub3A, %max3A_193 : vector<256x512xf32>
    %reshape3A = vector.shape_cast %max3A_194 : vector<256x512xf32> to vector<131072xf32>
    %swap3A = arith.constant 0 : index
    %swap3A_195 = vector.load %arg4[%swap3A] : memref<131072xf32, #tpu.memory_space<vmem>>, vector<131072xf32>
    tpu.vector_store %arg4[%swap3A], %reshape3A {strides = array<i32>} : memref<131072xf32, #tpu.memory_space<vmem>>, vector<131072xf32>,
    return
  }
  func.func @transform_0(%arg0: i32, %arg1: i32) -> (i32, i32, i32, i32) {
    %c0_i32 = arith.constant 0 : i32
    %c0_i32_0 = arith.constant 0 : i32
    %c0_i32_1 = arith.constant 0 : i32
    return %arg0, %c0_i32, %arg1, %c0_i32_0 : i32, i32, i32, i32
  }
  func.func @transform_1(%arg0: i32, %arg1: i32) -> (i32, i32, i32) {
    %c0_i32 = arith.constant 0 : i32
    %c0_i32_0 = arith.constant 0 : i32
    return %arg0, %arg1, %c0_i32 : i32, i32, i32
  }
  func.func @transform_2(%arg0: i32, %arg1: i32) -> i32 {
    %mul3A = arith.constant 2 : i32
    %mul3A_0 = arith.muli %arg0, %mul3A : i32
    %add3A = arith.addi %mul3A_0, %arg1 : i32
    %c0_i32 = arith.constant 0 : i32
    return %add3A : i32
  }
}

module attributes {stable_mosaic.version = 14 : i64} {
  func.func @body(%arg0: memref<32x2048xi32, #tpu.memory_space<vmem>>, %arg1: memref<32x2048xf32, #tpu.memory_space<vmem>>, %arg2: memref<1x128xi32, #tpu.memory_space<vmem>>, %arg3: memref<1x128xf32, #tpu.memory_space<vmem>>, %arg4: memref<1x128xi32, #tpu.memory_space<vmem>>, %arg5: memref<1x128xf32, #tpu.memory_space<vmem>>) attributes {dimension_semantics = [], scalar_prefetch = 0 : i64, scratch_operands = 0 : i64, tpu.core_type = #tpu.core_type<tc>} {
    %get3A = arith.constant 0 : index
    %get3A_0 = arith.constant 0 : index
    %get3A_1 = vector.load %arg2[%get3A, %get3A_0] : memref<1x128xi32, #tpu.memory_space<vmem>>, vector<1x1xi32>
    %get3A_2 = vector.extract %get3A_1[0, 0] : i32 from vector<1x1xi32>
    %get3A_3 = arith.constant 0 : index
    %get3A_4 = arith.constant 1 : index
    %get3A_5 = vector.load %arg2[%get3A_3, %get3A_4] : memref<1x128xi32, #tpu.memory_space<vmem>>, vector<1x1xi32>
    %get3A_6 = vector.extract %get3A_5[0, 0] : i32 from vector<1x1xi32>
    %get3A_7 = arith.constant 0 : index
    %get3A_8 = arith.constant 2 : index
    %get3A_9 = vector.load %arg2[%get3A_7, %get3A_8] : memref<1x128xi32, #tpu.memory_space<vmem>>, vector<1x1xi32>
    %get3A_10 = vector.extract %get3A_9[0, 0] : i32 from vector<1x1xi32>
    %get3A_11 = arith.constant 0 : index
    %get3A_12 = arith.constant 0 : index
    %get3A_13 = vector.load %arg3[%get3A_11, %get3A_12] : memref<1x128xf32, #tpu.memory_space<vmem>>, vector<1x1xf32>
    %get3A_14 = vector.extract %get3A_13[0, 0] : f32 from vector<1x1xf32>
    %get3A_15 = arith.constant 0 : index
    %get3A_16 = arith.constant 0 : index
    %get3A_17 = vector.load %arg0[%get3A_15, %get3A_16] : memref<32x2048xi32, #tpu.memory_space<vmem>>, vector<32x2048xi32>
    %reduce_sum3A = arith.constant dense<0> : vector<2048xi32>
    %reduce_sum3A_18 = vector.multi_reduction <add>, %get3A_17, %reduce_sum3A [0] : vector<32x2048xi32> to vector<2048xi32>
    %broadcast_in_dim3A = vector.shape_cast %reduce_sum3A_18 : vector<2048xi32> to vector<1x2048xi32>
    %convert_element_type3A = arith.sitofp %broadcast_in_dim3A : vector<1x2048xi32> to vector<1x2048xf32>
    %slice3A = vector.extract_strided_slice %convert_element_type3A {offsets = [0, 0], sizes = [1, 128], strides = [1, 1]} : vector<1x2048xf32> to vector<1x128xf32>
    %slice3A_19 = vector.extract_strided_slice %convert_element_type3A {offsets = [0, 128], sizes = [1, 128], strides = [1, 1]} : vector<1x2048xf32> to vector<1x128xf32>
    %slice3A_20 = vector.extract_strided_slice %convert_element_type3A {offsets = [0, 256], sizes = [1, 128], strides = [1, 1]} : vector<1x2048xf32> to vector<1x128xf32>
    %slice3A_21 = vector.extract_strided_slice %convert_element_type3A {offsets = [0, 384], sizes = [1, 128], strides = [1, 1]} : vector<1x2048xf32> to vector<1x128xf32>
    %slice3A_22 = vector.extract_strided_slice %convert_element_type3A {offsets = [0, 512], sizes = [1, 128], strides = [1, 1]} : vector<1x2048xf32> to vector<1x128xf32>
    %slice3A_23 = vector.extract_strided_slice %convert_element_type3A {offsets = [0, 640], sizes = [1, 128], strides = [1, 1]} : vector<1x2048xf32> to vector<1x128xf32>
    %slice3A_24 = vector.extract_strided_slice %convert_element_type3A {offsets = [0, 768], sizes = [1, 128], strides = [1, 1]} : vector<1x2048xf32> to vector<1x128xf32>
    %slice3A_25 = vector.extract_strided_slice %convert_element_type3A {offsets = [0, 896], sizes = [1, 128], strides = [1, 1]} : vector<1x2048xf32> to vector<1x128xf32>
    %slice3A_26 = vector.extract_strided_slice %convert_element_type3A {offsets = [0, 1024], sizes = [1, 128], strides = [1, 1]} : vector<1x2048xf32> to vector<1x128xf32>
    %slice3A_27 = vector.extract_strided_slice %convert_element_type3A {offsets = [0, 1152], sizes = [1, 128], strides = [1, 1]} : vector<1x2048xf32> to vector<1x128xf32>
    %slice3A_28 = vector.extract_strided_slice %convert_element_type3A {offsets = [0, 1280], sizes = [1, 128], strides = [1, 1]} : vector<1x2048xf32> to vector<1x128xf32>
    %slice3A_29 = vector.extract_strided_slice %convert_element_type3A {offsets = [0, 1408], sizes = [1, 128], strides = [1, 1]} : vector<1x2048xf32> to vector<1x128xf32>
    %slice3A_30 = vector.extract_strided_slice %convert_element_type3A {offsets = [0, 1536], sizes = [1, 128], strides = [1, 1]} : vector<1x2048xf32> to vector<1x128xf32>
    %slice3A_31 = vector.extract_strided_slice %convert_element_type3A {offsets = [0, 1664], sizes = [1, 128], strides = [1, 1]} : vector<1x2048xf32> to vector<1x128xf32>
    %slice3A_32 = vector.extract_strided_slice %convert_element_type3A {offsets = [0, 1792], sizes = [1, 128], strides = [1, 1]} : vector<1x2048xf32> to vector<1x128xf32>
    %slice3A_33 = vector.extract_strided_slice %convert_element_type3A {offsets = [0, 1920], sizes = [1, 128], strides = [1, 1]} : vector<1x2048xf32> to vector<1x128xf32>
    %concatenate3A = tpu.concatenate %slice3A, %slice3A_19, %slice3A_20, %slice3A_21, %slice3A_22, %slice3A_23, %slice3A_24, %slice3A_25, %slice3A_26, %slice3A_27, %slice3A_28, %slice3A_29, %slice3A_30, %slice3A_31, %slice3A_32, %slice3A_33 in 0 : vector<1x128xf32>, vector<1x128xf32>, vector<1x128xf32>, vector<1x128xf32>, vector<1x128xf32>, vector<1x128xf32>, vector<1x128xf32>, vector<1x128xf32>, vector<1x128xf32>, vector<1x128xf32>, vector<1x128xf32>, vector<1x128xf32>, vector<1x128xf32>, vector<1x128xf32>, vector<1x128xf32>, vector<1x128xf32> -> vector<16x128xf32>
    %iota3A = tpu.iota {dimensions = array<i32: 0>} : vector<16x128xi32>
    %mul3A = arith.constant 128 : i32
    %mul3A_34 = vector.broadcast %mul3A : i32 to vector<16x128xi32>
    %mul3A_35 = arith.muli %iota3A, %mul3A_34 : vector<16x128xi32>
    %iota3A_36 = tpu.iota {dimensions = array<i32: 1>} : vector<16x128xi32>
    %add3A = arith.addi %mul3A_35, %iota3A_36 : vector<16x128xi32>
    %get3A_37 = arith.constant 0 : index
    %get3A_38 = arith.constant 0 : index
    %get3A_39 = vector.load %arg1[%get3A_37, %get3A_38] : memref<32x2048xf32, #tpu.memory_space<vmem>>, vector<32x2048xf32>
    %reduce_sum3A_40 = arith.constant dense<0.000000e+00> : vector<2048xf32>
    %reduce_sum3A_41 = vector.multi_reduction <add>, %get3A_39, %reduce_sum3A_40 [0] : vector<32x2048xf32> to vector<2048xf32>
    %broadcast_in_dim3A_42 = vector.shape_cast %reduce_sum3A_41 : vector<2048xf32> to vector<1x2048xf32>
    %slice3A_43 = vector.extract_strided_slice %broadcast_in_dim3A_42 {offsets = [0, 0], sizes = [1, 128], strides = [1, 1]} : vector<1x2048xf32> to vector<1x128xf32>
    %slice3A_44 = vector.extract_strided_slice %broadcast_in_dim3A_42 {offsets = [0, 128], sizes = [1, 128], strides = [1, 1]} : vector<1x2048xf32> to vector<1x128xf32>
    %slice3A_45 = vector.extract_strided_slice %broadcast_in_dim3A_42 {offsets = [0, 256], sizes = [1, 128], strides = [1, 1]} : vector<1x2048xf32> to vector<1x128xf32>
    %slice3A_46 = vector.extract_strided_slice %broadcast_in_dim3A_42 {offsets = [0, 384], sizes = [1, 128], strides = [1, 1]} : vector<1x2048xf32> to vector<1x128xf32>
    %slice3A_47 = vector.extract_strided_slice %broadcast_in_dim3A_42 {offsets = [0, 512], sizes = [1, 128], strides = [1, 1]} : vector<1x2048xf32> to vector<1x128xf32>
    %slice3A_48 = vector.extract_strided_slice %broadcast_in_dim3A_42 {offsets = [0, 640], sizes = [1, 128], strides = [1, 1]} : vector<1x2048xf32> to vector<1x128xf32>
    %slice3A_49 = vector.extract_strided_slice %broadcast_in_dim3A_42 {offsets = [0, 768], sizes = [1, 128], strides = [1, 1]} : vector<1x2048xf32> to vector<1x128xf32>
    %slice3A_50 = vector.extract_strided_slice %broadcast_in_dim3A_42 {offsets = [0, 896], sizes = [1, 128], strides = [1, 1]} : vector<1x2048xf32> to vector<1x128xf32>
    %slice3A_51 = vector.extract_strided_slice %broadcast_in_dim3A_42 {offsets = [0, 1024], sizes = [1, 128], strides = [1, 1]} : vector<1x2048xf32> to vector<1x128xf32>
    %slice3A_52 = vector.extract_strided_slice %broadcast_in_dim3A_42 {offsets = [0, 1152], sizes = [1, 128], strides = [1, 1]} : vector<1x2048xf32> to vector<1x128xf32>
    %slice3A_53 = vector.extract_strided_slice %broadcast_in_dim3A_42 {offsets = [0, 1280], sizes = [1, 128], strides = [1, 1]} : vector<1x2048xf32> to vector<1x128xf32>
    %slice3A_54 = vector.extract_strided_slice %broadcast_in_dim3A_42 {offsets = [0, 1408], sizes = [1, 128], strides = [1, 1]} : vector<1x2048xf32> to vector<1x128xf32>
    %slice3A_55 = vector.extract_strided_slice %broadcast_in_dim3A_42 {offsets = [0, 1536], sizes = [1, 128], strides = [1, 1]} : vector<1x2048xf32> to vector<1x128xf32>
    %slice3A_56 = vector.extract_strided_slice %broadcast_in_dim3A_42 {offsets = [0, 1664], sizes = [1, 128], strides = [1, 1]} : vector<1x2048xf32> to vector<1x128xf32>
    %slice3A_57 = vector.extract_strided_slice %broadcast_in_dim3A_42 {offsets = [0, 1792], sizes = [1, 128], strides = [1, 1]} : vector<1x2048xf32> to vector<1x128xf32>
    %slice3A_58 = vector.extract_strided_slice %broadcast_in_dim3A_42 {offsets = [0, 1920], sizes = [1, 128], strides = [1, 1]} : vector<1x2048xf32> to vector<1x128xf32>
    %concatenate3A_59 = tpu.concatenate %slice3A_43, %slice3A_44, %slice3A_45, %slice3A_46, %slice3A_47, %slice3A_48, %slice3A_49, %slice3A_50, %slice3A_51, %slice3A_52, %slice3A_53, %slice3A_54, %slice3A_55, %slice3A_56, %slice3A_57, %slice3A_58 in 0 : vector<1x128xf32>, vector<1x128xf32>, vector<1x128xf32>, vector<1x128xf32>, vector<1x128xf32>, vector<1x128xf32>, vector<1x128xf32>, vector<1x128xf32>, vector<1x128xf32>, vector<1x128xf32>, vector<1x128xf32>, vector<1x128xf32>, vector<1x128xf32>, vector<1x128xf32>, vector<1x128xf32>, vector<1x128xf32> -> vector<16x128xf32>
    %iota3A_60 = tpu.iota {dimensions = array<i32: 0>} : vector<16x16xi32>
    %iota3A_61 = tpu.iota {dimensions = array<i32: 1>} : vector<16x16xi32>
    %gt3A = arith.cmpi sgt, %iota3A_61, %iota3A_60 : vector<16x16xi32>
    %convert_element_type3A_62 = arith.extui %gt3A : vector<16x16xi1> to vector<16x16xi32>
    %convert_element_type3A_63 = arith.sitofp %convert_element_type3A_62 : vector<16x16xi32> to vector<16x16xf32>
    %iota3A_64 = tpu.iota {dimensions = array<i32: 0>} : vector<128x128xi32>
    %iota3A_65 = tpu.iota {dimensions = array<i32: 1>} : vector<128x128xi32>
    %gt3A_66 = arith.cmpi sgt, %iota3A_64, %iota3A_65 : vector<128x128xi32>
    %convert_element_type3A_67 = arith.extui %gt3A_66 : vector<128x128xi1> to vector<128x128xi32>
    %convert_element_type3A_68 = arith.sitofp %convert_element_type3A_67 : vector<128x128xi32> to vector<128x128xf32>
    %reduce_sum3A_69 = arith.constant dense<0.000000e+00> : vector<16xf32>
    %reduce_sum3A_70 = vector.multi_reduction <add>, %concatenate3A, %reduce_sum3A_69 [1] : vector<16x128xf32> to vector<16xf32>
    %broadcast_in_dim3A_71 = vector.shape_cast %reduce_sum3A_70 : vector<16xf32> to vector<16x1xf32>
    %dot_general3A = arith.constant dense<0.000000e+00> : vector<16x1xf32>
    %dot_general3A_72 = tpu.matmul %convert_element_type3A_63, %broadcast_in_dim3A_71, %dot_general3A {dimension_numbers = #tpu.dot_dimension_numbers<[1], [0], [0], [1], [0, 0, 1, 1], [], []>, precision = #tpu.contract_precision<fp32>, transpose_lhs_hint = false} : vector<16x16xf32>, vector<16x1xf32>, vector<16x1xf32> -> vector<16x1xf32>
    %reduce_sum3A_73 = arith.constant dense<0.000000e+00> : vector<16xf32>
    %reduce_sum3A_74 = vector.multi_reduction <add>, %concatenate3A_59, %reduce_sum3A_73 [1] : vector<16x128xf32> to vector<16xf32>
    %broadcast_in_dim3A_75 = vector.shape_cast %reduce_sum3A_74 : vector<16xf32> to vector<16x1xf32>
    %dot_general3A_76 = arith.constant dense<0.000000e+00> : vector<16x1xf32>
    %dot_general3A_77 = tpu.matmul %convert_element_type3A_63, %broadcast_in_dim3A_75, %dot_general3A_76 {dimension_numbers = #tpu.dot_dimension_numbers<[1], [0], [0], [1], [0, 0, 1, 1], [], []>, precision = #tpu.contract_precision<fp32>, transpose_lhs_hint = false} : vector<16x16xf32>, vector<16x1xf32>, vector<16x1xf32> -> vector<16x1xf32>
    %dot_general3A_78 = arith.constant dense<0.000000e+00> : vector<16x128xf32>
    %dot_general3A_79 = tpu.matmul %concatenate3A, %convert_element_type3A_68, %dot_general3A_78 {dimension_numbers = #tpu.dot_dimension_numbers<[1], [0], [0], [1], [0, 0, 1, 1], [], []>, precision = #tpu.contract_precision<fp32>, transpose_lhs_hint = false} : vector<16x128xf32>, vector<128x128xf32>, vector<16x128xf32> -> vector<16x128xf32>
    %add3A_80 = vector.broadcast %dot_general3A_72 : vector<16x1xf32> to vector<16x128xf32>
    %add3A_81 = arith.addf %add3A_80, %dot_general3A_79 : vector<16x128xf32>
    %dot_general3A_82 = arith.constant dense<0.000000e+00> : vector<16x128xf32>
    %dot_general3A_83 = tpu.matmul %concatenate3A_59, %convert_element_type3A_68, %dot_general3A_82 {dimension_numbers = #tpu.dot_dimension_numbers<[1], [0], [0], [1], [0, 0, 1, 1], [], []>, precision = #tpu.contract_precision<fp32>, transpose_lhs_hint = false} : vector<16x128xf32>, vector<128x128xf32>, vector<16x128xf32> -> vector<16x128xf32>
    %add3A_84 = vector.broadcast %dot_general3A_77 : vector<16x1xf32> to vector<16x128xf32>
    %add3A_85 = arith.addf %add3A_84, %dot_general3A_83 : vector<16x128xf32>
    %convert_element_type3A_86 = arith.sitofp %get3A_6 : i32 to f32
    %lt3A = vector.broadcast %convert_element_type3A_86 : f32 to vector<16x128xf32>
    %lt3A_87 = arith.cmpf olt, %add3A_81, %lt3A : vector<16x128xf32>
    %convert_element_type3A_88 = arith.extui %lt3A_87 : vector<16x128xi1> to vector<16x128xi32>
    %reduce_sum3A_89 = vector.shape_cast %convert_element_type3A_88 : vector<16x128xi32> to vector<1x16x128xi32>
    %reduce_sum3A_90 = arith.constant dense<0> : vector<1xi32>
    %reduce_sum3A_91 = vector.multi_reduction <add>, %reduce_sum3A_89, %reduce_sum3A_90 [1, 2] : vector<1x16x128xi32> to vector<1xi32>
    %reduce_sum3A_92 = vector.shape_cast %reduce_sum3A_91 : vector<1xi32> to vector<1x1x1xi32>
    %reduce_sum3A_93 = vector.extract %reduce_sum3A_92[0, 0, 0] : i32 from vector<1x1x1xi32>
    %sub3A = arith.constant 2048 : i32
    %sub3A_94 = arith.subi %sub3A, %reduce_sum3A_93 : i32
    %eq3A = vector.broadcast %sub3A_94 : i32 to vector<16x128xi32>
    %eq3A_95 = arith.cmpi eq, %add3A, %eq3A : vector<16x128xi32>
    %convert_element_type3A_96 = arith.extui %eq3A_95 : vector<16x128xi1> to vector<16x128xi32>
    %convert_element_type3A_97 = arith.sitofp %convert_element_type3A_96 : vector<16x128xi32> to vector<16x128xf32>
    %mul3A_98 = arith.mulf %convert_element_type3A_97, %add3A_81 : vector<16x128xf32>
    %reduce_sum3A_99 = vector.shape_cast %mul3A_98 : vector<16x128xf32> to vector<1x16x128xf32>
    %reduce_sum3A_100 = arith.constant dense<0.000000e+00> : vector<1xf32>
    %reduce_sum3A_101 = vector.multi_reduction <add>, %reduce_sum3A_99, %reduce_sum3A_100 [1, 2] : vector<1x16x128xf32> to vector<1xf32>
    %reduce_sum3A_102 = vector.shape_cast %reduce_sum3A_101 : vector<1xf32> to vector<1x1x1xf32>
    %reduce_sum3A_103 = vector.extract %reduce_sum3A_102[0, 0, 0] : f32 from vector<1x1x1xf32>
    %convert_element_type3A_104 = arith.fptosi %reduce_sum3A_103 : f32 to i32
    %mul3A_105 = arith.mulf %convert_element_type3A_97, %add3A_85 : vector<16x128xf32>
    %reduce_sum3A_106 = vector.shape_cast %mul3A_105 : vector<16x128xf32> to vector<1x16x128xf32>
    %reduce_sum3A_107 = arith.constant dense<0.000000e+00> : vector<1xf32>
    %reduce_sum3A_108 = vector.multi_reduction <add>, %reduce_sum3A_106, %reduce_sum3A_107 [1, 2] : vector<1x16x128xf32> to vector<1xf32>
    %reduce_sum3A_109 = vector.shape_cast %reduce_sum3A_108 : vector<1xf32> to vector<1x1x1xf32>
    %reduce_sum3A_110 = vector.extract %reduce_sum3A_109[0, 0, 0] : f32 from vector<1x1x1xf32>
    %shift_left3A = arith.constant 11 : i32
    %shift_left3A_111 = arith.shli %get3A_2, %shift_left3A : i32
    %or3A = arith.ori %shift_left3A_111, %sub3A_94 : i32
    %sub3A_112 = arith.subi %get3A_6, %convert_element_type3A_104 : i32
    %add3A_113 = arith.addi %get3A_10, %convert_element_type3A_104 : i32
    %add3A_114 = arith.addf %get3A_14, %reduce_sum3A_110 : f32
    %iota3A_115 = tpu.iota {dimensions = array<i32: 1>} : vector<1x128xi32>
    %eq3A_116 = arith.constant 0 : i32
    %eq3A_117 = vector.broadcast %eq3A_116 : i32 to vector<1x128xi32>
    %eq3A_118 = arith.cmpi eq, %iota3A_115, %eq3A_117 : vector<1x128xi32>
    %eq3A_119 = arith.constant 1 : i32
    %eq3A_120 = vector.broadcast %eq3A_119 : i32 to vector<1x128xi32>
    %eq3A_121 = arith.cmpi eq, %iota3A_115, %eq3A_120 : vector<1x128xi32>
    %eq3A_122 = arith.constant 2 : i32
    %eq3A_123 = vector.broadcast %eq3A_122 : i32 to vector<1x128xi32>
    %eq3A_124 = arith.cmpi eq, %iota3A_115, %eq3A_123 : vector<1x128xi32>
    %jit3A = arith.constant 0 : i32
    %broadcast_in_dim3A_125 = vector.broadcast %add3A_113 : i32 to vector<1x128xi32>
    %broadcast_in_dim3A_126 = vector.broadcast %jit3A : i32 to vector<1x128xi32>
    %select_n3A = arith.select %eq3A_124, %broadcast_in_dim3A_125, %broadcast_in_dim3A_126 : vector<1x128xi1>, vector<1x128xi32>
    %broadcast_in_dim3A_127 = vector.broadcast %sub3A_112 : i32 to vector<1x128xi32>
    %select_n3A_128 = arith.select %eq3A_121, %broadcast_in_dim3A_127, %select_n3A : vector<1x128xi1>, vector<1x128xi32>
    %broadcast_in_dim3A_129 = vector.broadcast %or3A : i32 to vector<1x128xi32>
    %select_n3A_130 = arith.select %eq3A_118, %broadcast_in_dim3A_129, %select_n3A_128 : vector<1x128xi1>, vector<1x128xi32>
    %swap3A = arith.constant 0 : index
    %swap3A_131 = arith.constant 0 : index
    %swap3A_132 = vector.load %arg4[%swap3A, %swap3A_131] : memref<1x128xi32, #tpu.memory_space<vmem>>, vector<1x128xi32>
    tpu.vector_store %arg4[%swap3A, %swap3A_131], %select_n3A_130 {strides = array<i32>} : memref<1x128xi32, #tpu.memory_space<vmem>>, vector<1x128xi32>,
    %eq3A_133 = arith.constant 0 : i32
    %eq3A_134 = vector.broadcast %eq3A_133 : i32 to vector<1x128xi32>
    %eq3A_135 = arith.cmpi eq, %iota3A_115, %eq3A_134 : vector<1x128xi32>
    %jit3A_136 = arith.constant 0.000000e+00 : f32
    %broadcast_in_dim3A_137 = vector.broadcast %add3A_114 : f32 to vector<1x128xf32>
    %broadcast_in_dim3A_138 = vector.broadcast %jit3A_136 : f32 to vector<1x128xf32>
    %select_n3A_139 = arith.select %eq3A_135, %broadcast_in_dim3A_137, %broadcast_in_dim3A_138 : vector<1x128xi1>, vector<1x128xf32>
    %swap3A_140 = arith.constant 0 : index
    %swap3A_141 = arith.constant 0 : index
    %swap3A_142 = vector.load %arg5[%swap3A_140, %swap3A_141] : memref<1x128xf32, #tpu.memory_space<vmem>>, vector<1x128xf32>
    tpu.vector_store %arg5[%swap3A_140, %swap3A_141], %select_n3A_139 {strides = array<i32>} : memref<1x128xf32, #tpu.memory_space<vmem>>, vector<1x128xf32>,
    return
  }
}

module attributes {stable_mosaic.version = 14 : i64} {
  func.func @body(%arg0: memref<32x2048xi32, #tpu.memory_space<vmem>>, %arg1: memref<1x128xi32, #tpu.memory_space<vmem>>, %arg2: memref<1x128xf32, #tpu.memory_space<vmem>>, %arg3: memref<1x128xi32, #tpu.memory_space<vmem>>, %arg4: memref<1x128xf32, #tpu.memory_space<vmem>>) attributes {dimension_semantics = [], scalar_prefetch = 0 : i64, scratch_operands = 0 : i64, tpu.core_type = #tpu.core_type<tc>} {
    %get3A = arith.constant 0 : index
    %get3A_0 = arith.constant 0 : index
    %get3A_1 = vector.load %arg1[%get3A, %get3A_0] : memref<1x128xi32, #tpu.memory_space<vmem>>, vector<1x1xi32>
    %get3A_2 = vector.extract %get3A_1[0, 0] : i32 from vector<1x1xi32>
    %get3A_3 = arith.constant 0 : index
    %get3A_4 = arith.constant 1 : index
    %get3A_5 = vector.load %arg1[%get3A_3, %get3A_4] : memref<1x128xi32, #tpu.memory_space<vmem>>, vector<1x1xi32>
    %get3A_6 = vector.extract %get3A_5[0, 0] : i32 from vector<1x1xi32>
    %get3A_7 = arith.constant 0 : index
    %get3A_8 = arith.constant 2 : index
    %get3A_9 = vector.load %arg1[%get3A_7, %get3A_8] : memref<1x128xi32, #tpu.memory_space<vmem>>, vector<1x1xi32>
    %get3A_10 = vector.extract %get3A_9[0, 0] : i32 from vector<1x1xi32>
    %get3A_11 = arith.constant 0 : index
    %get3A_12 = arith.constant 0 : index
    %get3A_13 = vector.load %arg2[%get3A_11, %get3A_12] : memref<1x128xf32, #tpu.memory_space<vmem>>, vector<1x1xf32>
    %get3A_14 = vector.extract %get3A_13[0, 0] : f32 from vector<1x1xf32>
    %get3A_15 = arith.constant 0 : index
    %get3A_16 = arith.constant 0 : index
    %get3A_17 = vector.load %arg0[%get3A_15, %get3A_16] : memref<32x2048xi32, #tpu.memory_space<vmem>>, vector<32x2048xi32>
    %reduce_sum3A = arith.constant dense<0> : vector<2048xi32>
    %reduce_sum3A_18 = vector.multi_reduction <add>, %get3A_17, %reduce_sum3A [0] : vector<32x2048xi32> to vector<2048xi32>
    %broadcast_in_dim3A = vector.shape_cast %reduce_sum3A_18 : vector<2048xi32> to vector<1x2048xi32>
    %convert_element_type3A = arith.sitofp %broadcast_in_dim3A : vector<1x2048xi32> to vector<1x2048xf32>
    %slice3A = vector.extract_strided_slice %convert_element_type3A {offsets = [0, 0], sizes = [1, 128], strides = [1, 1]} : vector<1x2048xf32> to vector<1x128xf32>
    %slice3A_19 = vector.extract_strided_slice %convert_element_type3A {offsets = [0, 128], sizes = [1, 128], strides = [1, 1]} : vector<1x2048xf32> to vector<1x128xf32>
    %slice3A_20 = vector.extract_strided_slice %convert_element_type3A {offsets = [0, 256], sizes = [1, 128], strides = [1, 1]} : vector<1x2048xf32> to vector<1x128xf32>
    %slice3A_21 = vector.extract_strided_slice %convert_element_type3A {offsets = [0, 384], sizes = [1, 128], strides = [1, 1]} : vector<1x2048xf32> to vector<1x128xf32>
    %slice3A_22 = vector.extract_strided_slice %convert_element_type3A {offsets = [0, 512], sizes = [1, 128], strides = [1, 1]} : vector<1x2048xf32> to vector<1x128xf32>
    %slice3A_23 = vector.extract_strided_slice %convert_element_type3A {offsets = [0, 640], sizes = [1, 128], strides = [1, 1]} : vector<1x2048xf32> to vector<1x128xf32>
    %slice3A_24 = vector.extract_strided_slice %convert_element_type3A {offsets = [0, 768], sizes = [1, 128], strides = [1, 1]} : vector<1x2048xf32> to vector<1x128xf32>
    %slice3A_25 = vector.extract_strided_slice %convert_element_type3A {offsets = [0, 896], sizes = [1, 128], strides = [1, 1]} : vector<1x2048xf32> to vector<1x128xf32>
    %slice3A_26 = vector.extract_strided_slice %convert_element_type3A {offsets = [0, 1024], sizes = [1, 128], strides = [1, 1]} : vector<1x2048xf32> to vector<1x128xf32>
    %slice3A_27 = vector.extract_strided_slice %convert_element_type3A {offsets = [0, 1152], sizes = [1, 128], strides = [1, 1]} : vector<1x2048xf32> to vector<1x128xf32>
    %slice3A_28 = vector.extract_strided_slice %convert_element_type3A {offsets = [0, 1280], sizes = [1, 128], strides = [1, 1]} : vector<1x2048xf32> to vector<1x128xf32>
    %slice3A_29 = vector.extract_strided_slice %convert_element_type3A {offsets = [0, 1408], sizes = [1, 128], strides = [1, 1]} : vector<1x2048xf32> to vector<1x128xf32>
    %slice3A_30 = vector.extract_strided_slice %convert_element_type3A {offsets = [0, 1536], sizes = [1, 128], strides = [1, 1]} : vector<1x2048xf32> to vector<1x128xf32>
    %slice3A_31 = vector.extract_strided_slice %convert_element_type3A {offsets = [0, 1664], sizes = [1, 128], strides = [1, 1]} : vector<1x2048xf32> to vector<1x128xf32>
    %slice3A_32 = vector.extract_strided_slice %convert_element_type3A {offsets = [0, 1792], sizes = [1, 128], strides = [1, 1]} : vector<1x2048xf32> to vector<1x128xf32>
    %slice3A_33 = vector.extract_strided_slice %convert_element_type3A {offsets = [0, 1920], sizes = [1, 128], strides = [1, 1]} : vector<1x2048xf32> to vector<1x128xf32>
    %concatenate3A = tpu.concatenate %slice3A, %slice3A_19, %slice3A_20, %slice3A_21, %slice3A_22, %slice3A_23, %slice3A_24, %slice3A_25, %slice3A_26, %slice3A_27, %slice3A_28, %slice3A_29, %slice3A_30, %slice3A_31, %slice3A_32, %slice3A_33 in 0 : vector<1x128xf32>, vector<1x128xf32>, vector<1x128xf32>, vector<1x128xf32>, vector<1x128xf32>, vector<1x128xf32>, vector<1x128xf32>, vector<1x128xf32>, vector<1x128xf32>, vector<1x128xf32>, vector<1x128xf32>, vector<1x128xf32>, vector<1x128xf32>, vector<1x128xf32>, vector<1x128xf32>, vector<1x128xf32> -> vector<16x128xf32>
    %iota3A = tpu.iota {dimensions = array<i32: 0>} : vector<16x128xi32>
    %mul3A = arith.constant 128 : i32
    %mul3A_34 = vector.broadcast %mul3A : i32 to vector<16x128xi32>
    %mul3A_35 = arith.muli %iota3A, %mul3A_34 : vector<16x128xi32>
    %iota3A_36 = tpu.iota {dimensions = array<i32: 1>} : vector<16x128xi32>
    %add3A = arith.addi %mul3A_35, %iota3A_36 : vector<16x128xi32>
    %shift_left3A = arith.constant 11 : i32
    %shift_left3A_37 = arith.shli %get3A_2, %shift_left3A : i32
    %or3A = vector.broadcast %shift_left3A_37 : i32 to vector<16x128xi32>
    %or3A_38 = arith.ori %or3A, %add3A : vector<16x128xi32>
    %shift_left3A_39 = arith.constant 10 : i32
    %shift_left3A_40 = vector.broadcast %shift_left3A_39 : i32 to vector<16x128xi32>
    %shift_left3A_41 = arith.shli %or3A_38, %shift_left3A_40 : vector<16x128xi32>
    %bitcast_convert_type3A = tpu.bitcast %shift_left3A_41 : vector<16x128xi32> -> vector<16x128xf32>
    %mul3A_42 = arith.mulf %concatenate3A, %bitcast_convert_type3A : vector<16x128xf32>
    %iota3A_43 = tpu.iota {dimensions = array<i32: 0>} : vector<16x16xi32>
    %iota3A_44 = tpu.iota {dimensions = array<i32: 1>} : vector<16x16xi32>
    %gt3A = arith.cmpi sgt, %iota3A_44, %iota3A_43 : vector<16x16xi32>
    %convert_element_type3A_45 = arith.extui %gt3A : vector<16x16xi1> to vector<16x16xi32>
    %convert_element_type3A_46 = arith.sitofp %convert_element_type3A_45 : vector<16x16xi32> to vector<16x16xf32>
    %iota3A_47 = tpu.iota {dimensions = array<i32: 0>} : vector<128x128xi32>
    %iota3A_48 = tpu.iota {dimensions = array<i32: 1>} : vector<128x128xi32>
    %gt3A_49 = arith.cmpi sgt, %iota3A_47, %iota3A_48 : vector<128x128xi32>
    %convert_element_type3A_50 = arith.extui %gt3A_49 : vector<128x128xi1> to vector<128x128xi32>
    %convert_element_type3A_51 = arith.sitofp %convert_element_type3A_50 : vector<128x128xi32> to vector<128x128xf32>
    %reduce_sum3A_52 = arith.constant dense<0.000000e+00> : vector<16xf32>
    %reduce_sum3A_53 = vector.multi_reduction <add>, %concatenate3A, %reduce_sum3A_52 [1] : vector<16x128xf32> to vector<16xf32>
    %broadcast_in_dim3A_54 = vector.shape_cast %reduce_sum3A_53 : vector<16xf32> to vector<16x1xf32>
    %dot_general3A = arith.constant dense<0.000000e+00> : vector<16x1xf32>
    %dot_general3A_55 = tpu.matmul %convert_element_type3A_46, %broadcast_in_dim3A_54, %dot_general3A {dimension_numbers = #tpu.dot_dimension_numbers<[1], [0], [0], [1], [0, 0, 1, 1], [], []>, precision = #tpu.contract_precision<fp32>, transpose_lhs_hint = false} : vector<16x16xf32>, vector<16x1xf32>, vector<16x1xf32> -> vector<16x1xf32>
    %reduce_sum3A_56 = arith.constant dense<0.000000e+00> : vector<16xf32>
    %reduce_sum3A_57 = vector.multi_reduction <add>, %mul3A_42, %reduce_sum3A_56 [1] : vector<16x128xf32> to vector<16xf32>
    %broadcast_in_dim3A_58 = vector.shape_cast %reduce_sum3A_57 : vector<16xf32> to vector<16x1xf32>
    %dot_general3A_59 = arith.constant dense<0.000000e+00> : vector<16x1xf32>
    %dot_general3A_60 = tpu.matmul %convert_element_type3A_46, %broadcast_in_dim3A_58, %dot_general3A_59 {dimension_numbers = #tpu.dot_dimension_numbers<[1], [0], [0], [1], [0, 0, 1, 1], [], []>, precision = #tpu.contract_precision<fp32>, transpose_lhs_hint = false} : vector<16x16xf32>, vector<16x1xf32>, vector<16x1xf32> -> vector<16x1xf32>
    %dot_general3A_61 = arith.constant dense<0.000000e+00> : vector<16x128xf32>
    %dot_general3A_62 = tpu.matmul %concatenate3A, %convert_element_type3A_51, %dot_general3A_61 {dimension_numbers = #tpu.dot_dimension_numbers<[1], [0], [0], [1], [0, 0, 1, 1], [], []>, precision = #tpu.contract_precision<fp32>, transpose_lhs_hint = false} : vector<16x128xf32>, vector<128x128xf32>, vector<16x128xf32> -> vector<16x128xf32>
    %add3A_63 = vector.broadcast %dot_general3A_55 : vector<16x1xf32> to vector<16x128xf32>
    %add3A_64 = arith.addf %add3A_63, %dot_general3A_62 : vector<16x128xf32>
    %dot_general3A_65 = arith.constant dense<0.000000e+00> : vector<16x128xf32>
    %dot_general3A_66 = tpu.matmul %mul3A_42, %convert_element_type3A_51, %dot_general3A_65 {dimension_numbers = #tpu.dot_dimension_numbers<[1], [0], [0], [1], [0, 0, 1, 1], [], []>, precision = #tpu.contract_precision<fp32>, transpose_lhs_hint = false} : vector<16x128xf32>, vector<128x128xf32>, vector<16x128xf32> -> vector<16x128xf32>
    %add3A_67 = vector.broadcast %dot_general3A_60 : vector<16x1xf32> to vector<16x128xf32>
    %add3A_68 = arith.addf %add3A_67, %dot_general3A_66 : vector<16x128xf32>
    %convert_element_type3A_69 = arith.sitofp %get3A_6 : i32 to f32
    %lt3A = vector.broadcast %convert_element_type3A_69 : f32 to vector<16x128xf32>
    %lt3A_70 = arith.cmpf olt, %add3A_64, %lt3A : vector<16x128xf32>
    %convert_element_type3A_71 = arith.extui %lt3A_70 : vector<16x128xi1> to vector<16x128xi32>
    %reduce_sum3A_72 = vector.shape_cast %convert_element_type3A_71 : vector<16x128xi32> to vector<1x16x128xi32>
    %reduce_sum3A_73 = arith.constant dense<0> : vector<1xi32>
    %reduce_sum3A_74 = vector.multi_reduction <add>, %reduce_sum3A_72, %reduce_sum3A_73 [1, 2] : vector<1x16x128xi32> to vector<1xi32>
    %reduce_sum3A_75 = vector.shape_cast %reduce_sum3A_74 : vector<1xi32> to vector<1x1x1xi32>
    %reduce_sum3A_76 = vector.extract %reduce_sum3A_75[0, 0, 0] : i32 from vector<1x1x1xi32>
    %sub3A = arith.constant 2048 : i32
    %sub3A_77 = arith.subi %sub3A, %reduce_sum3A_76 : i32
    %eq3A = vector.broadcast %sub3A_77 : i32 to vector<16x128xi32>
    %eq3A_78 = arith.cmpi eq, %add3A, %eq3A : vector<16x128xi32>
    %convert_element_type3A_79 = arith.extui %eq3A_78 : vector<16x128xi1> to vector<16x128xi32>
    %convert_element_type3A_80 = arith.sitofp %convert_element_type3A_79 : vector<16x128xi32> to vector<16x128xf32>
    %mul3A_81 = arith.mulf %convert_element_type3A_80, %add3A_64 : vector<16x128xf32>
    %reduce_sum3A_82 = vector.shape_cast %mul3A_81 : vector<16x128xf32> to vector<1x16x128xf32>
    %reduce_sum3A_83 = arith.constant dense<0.000000e+00> : vector<1xf32>
    %reduce_sum3A_84 = vector.multi_reduction <add>, %reduce_sum3A_82, %reduce_sum3A_83 [1, 2] : vector<1x16x128xf32> to vector<1xf32>
    %reduce_sum3A_85 = vector.shape_cast %reduce_sum3A_84 : vector<1xf32> to vector<1x1x1xf32>
    %reduce_sum3A_86 = vector.extract %reduce_sum3A_85[0, 0, 0] : f32 from vector<1x1x1xf32>
    %convert_element_type3A_87 = arith.fptosi %reduce_sum3A_86 : f32 to i32
    %mul3A_88 = arith.mulf %convert_element_type3A_80, %add3A_68 : vector<16x128xf32>
    %reduce_sum3A_89 = vector.shape_cast %mul3A_88 : vector<16x128xf32> to vector<1x16x128xf32>
    %reduce_sum3A_90 = arith.constant dense<0.000000e+00> : vector<1xf32>
    %reduce_sum3A_91 = vector.multi_reduction <add>, %reduce_sum3A_89, %reduce_sum3A_90 [1, 2] : vector<1x16x128xf32> to vector<1xf32>
    %reduce_sum3A_92 = vector.shape_cast %reduce_sum3A_91 : vector<1xf32> to vector<1x1x1xf32>
    %reduce_sum3A_93 = vector.extract %reduce_sum3A_92[0, 0, 0] : f32 from vector<1x1x1xf32>
    %shift_left3A_94 = arith.constant 11 : i32
    %shift_left3A_95 = arith.shli %get3A_2, %shift_left3A_94 : i32
    %or3A_96 = arith.ori %shift_left3A_95, %sub3A_77 : i32
    %sub3A_97 = arith.subi %get3A_6, %convert_element_type3A_87 : i32
    %add3A_98 = arith.addi %get3A_10, %convert_element_type3A_87 : i32
    %add3A_99 = arith.addf %get3A_14, %reduce_sum3A_93 : f32
    %iota3A_100 = tpu.iota {dimensions = array<i32: 1>} : vector<1x128xi32>
    %eq3A_101 = arith.constant 0 : i32
    %eq3A_102 = vector.broadcast %eq3A_101 : i32 to vector<1x128xi32>
    %eq3A_103 = arith.cmpi eq, %iota3A_100, %eq3A_102 : vector<1x128xi32>
    %eq3A_104 = arith.constant 1 : i32
    %eq3A_105 = vector.broadcast %eq3A_104 : i32 to vector<1x128xi32>
    %eq3A_106 = arith.cmpi eq, %iota3A_100, %eq3A_105 : vector<1x128xi32>
    %eq3A_107 = arith.constant 2 : i32
    %eq3A_108 = vector.broadcast %eq3A_107 : i32 to vector<1x128xi32>
    %eq3A_109 = arith.cmpi eq, %iota3A_100, %eq3A_108 : vector<1x128xi32>
    %jit3A = arith.constant 0 : i32
    %broadcast_in_dim3A_110 = vector.broadcast %add3A_98 : i32 to vector<1x128xi32>
    %broadcast_in_dim3A_111 = vector.broadcast %jit3A : i32 to vector<1x128xi32>
    %select_n3A = arith.select %eq3A_109, %broadcast_in_dim3A_110, %broadcast_in_dim3A_111 : vector<1x128xi1>, vector<1x128xi32>
    %broadcast_in_dim3A_112 = vector.broadcast %sub3A_97 : i32 to vector<1x128xi32>
    %select_n3A_113 = arith.select %eq3A_106, %broadcast_in_dim3A_112, %select_n3A : vector<1x128xi1>, vector<1x128xi32>
    %broadcast_in_dim3A_114 = vector.broadcast %or3A_96 : i32 to vector<1x128xi32>
    %select_n3A_115 = arith.select %eq3A_103, %broadcast_in_dim3A_114, %select_n3A_113 : vector<1x128xi1>, vector<1x128xi32>
    %swap3A = arith.constant 0 : index
    %swap3A_116 = arith.constant 0 : index
    %swap3A_117 = vector.load %arg3[%swap3A, %swap3A_116] : memref<1x128xi32, #tpu.memory_space<vmem>>, vector<1x128xi32>
    tpu.vector_store %arg3[%swap3A, %swap3A_116], %select_n3A_115 {strides = array<i32>} : memref<1x128xi32, #tpu.memory_space<vmem>>, vector<1x128xi32>,
    %eq3A_118 = arith.constant 0 : i32
    %eq3A_119 = vector.broadcast %eq3A_118 : i32 to vector<1x128xi32>
    %eq3A_120 = arith.cmpi eq, %iota3A_100, %eq3A_119 : vector<1x128xi32>
    %jit3A_121 = arith.constant 0.000000e+00 : f32
    %broadcast_in_dim3A_122 = vector.broadcast %add3A_99 : f32 to vector<1x128xf32>
    %broadcast_in_dim3A_123 = vector.broadcast %jit3A_121 : f32 to vector<1x128xf32>
    %select_n3A_124 = arith.select %eq3A_120, %broadcast_in_dim3A_122, %broadcast_in_dim3A_123 : vector<1x128xi1>, vector<1x128xf32>
    %swap3A_125 = arith.constant 0 : index
    %swap3A_126 = arith.constant 0 : index
    %swap3A_127 = vector.load %arg4[%swap3A_125, %swap3A_126] : memref<1x128xf32, #tpu.memory_space<vmem>>, vector<1x128xf32>
    tpu.vector_store %arg4[%swap3A_125, %swap3A_126], %select_n3A_124 {strides = array<i32>} : memref<1x128xf32, #tpu.memory_space<vmem>>, vector<1x128xf32>,
    return
  }
}

module attributes {stable_mosaic.version = 14 : i64} {
  func.func @body(%arg0: memref<32x1024xi32, #tpu.memory_space<vmem>>, %arg1: memref<1x128xi32, #tpu.memory_space<vmem>>, %arg2: memref<1x128xf32, #tpu.memory_space<vmem>>, %arg3: memref<1x128xi32, #tpu.memory_space<vmem>>, %arg4: memref<1x128xf32, #tpu.memory_space<vmem>>) attributes {dimension_semantics = [], scalar_prefetch = 0 : i64, scratch_operands = 0 : i64, tpu.core_type = #tpu.core_type<tc>} {
    %get3A = arith.constant 0 : index
    %get3A_0 = arith.constant 0 : index
    %get3A_1 = vector.load %arg1[%get3A, %get3A_0] : memref<1x128xi32, #tpu.memory_space<vmem>>, vector<1x1xi32>
    %get3A_2 = vector.extract %get3A_1[0, 0] : i32 from vector<1x1xi32>
    %get3A_3 = arith.constant 0 : index
    %get3A_4 = arith.constant 1 : index
    %get3A_5 = vector.load %arg1[%get3A_3, %get3A_4] : memref<1x128xi32, #tpu.memory_space<vmem>>, vector<1x1xi32>
    %get3A_6 = vector.extract %get3A_5[0, 0] : i32 from vector<1x1xi32>
    %get3A_7 = arith.constant 0 : index
    %get3A_8 = arith.constant 2 : index
    %get3A_9 = vector.load %arg1[%get3A_7, %get3A_8] : memref<1x128xi32, #tpu.memory_space<vmem>>, vector<1x1xi32>
    %get3A_10 = vector.extract %get3A_9[0, 0] : i32 from vector<1x1xi32>
    %get3A_11 = arith.constant 0 : index
    %get3A_12 = arith.constant 0 : index
    %get3A_13 = vector.load %arg2[%get3A_11, %get3A_12] : memref<1x128xf32, #tpu.memory_space<vmem>>, vector<1x1xf32>
    %get3A_14 = vector.extract %get3A_13[0, 0] : f32 from vector<1x1xf32>
    %get3A_15 = arith.constant 0 : index
    %get3A_16 = arith.constant 0 : index
    %get3A_17 = vector.load %arg0[%get3A_15, %get3A_16] : memref<32x1024xi32, #tpu.memory_space<vmem>>, vector<32x1024xi32>
    %reduce_sum3A = arith.constant dense<0> : vector<1024xi32>
    %reduce_sum3A_18 = vector.multi_reduction <add>, %get3A_17, %reduce_sum3A [0] : vector<32x1024xi32> to vector<1024xi32>
    %broadcast_in_dim3A = vector.shape_cast %reduce_sum3A_18 : vector<1024xi32> to vector<1x1024xi32>
    %convert_element_type3A = arith.sitofp %broadcast_in_dim3A : vector<1x1024xi32> to vector<1x1024xf32>
    %slice3A = vector.extract_strided_slice %convert_element_type3A {offsets = [0, 0], sizes = [1, 128], strides = [1, 1]} : vector<1x1024xf32> to vector<1x128xf32>
    %slice3A_19 = vector.extract_strided_slice %convert_element_type3A {offsets = [0, 128], sizes = [1, 128], strides = [1, 1]} : vector<1x1024xf32> to vector<1x128xf32>
    %slice3A_20 = vector.extract_strided_slice %convert_element_type3A {offsets = [0, 256], sizes = [1, 128], strides = [1, 1]} : vector<1x1024xf32> to vector<1x128xf32>
    %slice3A_21 = vector.extract_strided_slice %convert_element_type3A {offsets = [0, 384], sizes = [1, 128], strides = [1, 1]} : vector<1x1024xf32> to vector<1x128xf32>
    %slice3A_22 = vector.extract_strided_slice %convert_element_type3A {offsets = [0, 512], sizes = [1, 128], strides = [1, 1]} : vector<1x1024xf32> to vector<1x128xf32>
    %slice3A_23 = vector.extract_strided_slice %convert_element_type3A {offsets = [0, 640], sizes = [1, 128], strides = [1, 1]} : vector<1x1024xf32> to vector<1x128xf32>
    %slice3A_24 = vector.extract_strided_slice %convert_element_type3A {offsets = [0, 768], sizes = [1, 128], strides = [1, 1]} : vector<1x1024xf32> to vector<1x128xf32>
    %slice3A_25 = vector.extract_strided_slice %convert_element_type3A {offsets = [0, 896], sizes = [1, 128], strides = [1, 1]} : vector<1x1024xf32> to vector<1x128xf32>
    %concatenate3A = tpu.concatenate %slice3A, %slice3A_19, %slice3A_20, %slice3A_21, %slice3A_22, %slice3A_23, %slice3A_24, %slice3A_25 in 0 : vector<1x128xf32>, vector<1x128xf32>, vector<1x128xf32>, vector<1x128xf32>, vector<1x128xf32>, vector<1x128xf32>, vector<1x128xf32>, vector<1x128xf32> -> vector<8x128xf32>
    %iota3A = tpu.iota {dimensions = array<i32: 0>} : vector<8x128xi32>
    %mul3A = arith.constant 128 : i32
    %mul3A_26 = vector.broadcast %mul3A : i32 to vector<8x128xi32>
    %mul3A_27 = arith.muli %iota3A, %mul3A_26 : vector<8x128xi32>
    %iota3A_28 = tpu.iota {dimensions = array<i32: 1>} : vector<8x128xi32>
    %add3A = arith.addi %mul3A_27, %iota3A_28 : vector<8x128xi32>
    %shift_left3A = arith.constant 10 : i32
    %shift_left3A_29 = arith.shli %get3A_2, %shift_left3A : i32
    %or3A = vector.broadcast %shift_left3A_29 : i32 to vector<8x128xi32>
    %or3A_30 = arith.ori %or3A, %add3A : vector<8x128xi32>
    %shift_left3A_31 = arith.constant 0 : i32
    %shift_left3A_32 = vector.broadcast %shift_left3A_31 : i32 to vector<8x128xi32>
    %shift_left3A_33 = arith.shli %or3A_30, %shift_left3A_32 : vector<8x128xi32>
    %bitcast_convert_type3A = tpu.bitcast %shift_left3A_33 : vector<8x128xi32> -> vector<8x128xf32>
    %mul3A_34 = arith.mulf %concatenate3A, %bitcast_convert_type3A : vector<8x128xf32>
    %iota3A_35 = tpu.iota {dimensions = array<i32: 0>} : vector<8x8xi32>
    %iota3A_36 = tpu.iota {dimensions = array<i32: 1>} : vector<8x8xi32>
    %gt3A = arith.cmpi sgt, %iota3A_36, %iota3A_35 : vector<8x8xi32>
    %convert_element_type3A_37 = arith.extui %gt3A : vector<8x8xi1> to vector<8x8xi32>
    %convert_element_type3A_38 = arith.sitofp %convert_element_type3A_37 : vector<8x8xi32> to vector<8x8xf32>
    %iota3A_39 = tpu.iota {dimensions = array<i32: 0>} : vector<128x128xi32>
    %iota3A_40 = tpu.iota {dimensions = array<i32: 1>} : vector<128x128xi32>
    %gt3A_41 = arith.cmpi sgt, %iota3A_39, %iota3A_40 : vector<128x128xi32>
    %convert_element_type3A_42 = arith.extui %gt3A_41 : vector<128x128xi1> to vector<128x128xi32>
    %convert_element_type3A_43 = arith.sitofp %convert_element_type3A_42 : vector<128x128xi32> to vector<128x128xf32>
    %reduce_sum3A_44 = arith.constant dense<0.000000e+00> : vector<8xf32>
    %reduce_sum3A_45 = vector.multi_reduction <add>, %concatenate3A, %reduce_sum3A_44 [1] : vector<8x128xf32> to vector<8xf32>
    %broadcast_in_dim3A_46 = vector.shape_cast %reduce_sum3A_45 : vector<8xf32> to vector<8x1xf32>
    %dot_general3A = arith.constant dense<0.000000e+00> : vector<8x1xf32>
    %dot_general3A_47 = tpu.matmul %convert_element_type3A_38, %broadcast_in_dim3A_46, %dot_general3A {dimension_numbers = #tpu.dot_dimension_numbers<[1], [0], [0], [1], [0, 0, 1, 1], [], []>, precision = #tpu.contract_precision<fp32>, transpose_lhs_hint = false} : vector<8x8xf32>, vector<8x1xf32>, vector<8x1xf32> -> vector<8x1xf32>
    %reduce_sum3A_48 = arith.constant dense<0.000000e+00> : vector<8xf32>
    %reduce_sum3A_49 = vector.multi_reduction <add>, %mul3A_34, %reduce_sum3A_48 [1] : vector<8x128xf32> to vector<8xf32>
    %broadcast_in_dim3A_50 = vector.shape_cast %reduce_sum3A_49 : vector<8xf32> to vector<8x1xf32>
    %dot_general3A_51 = arith.constant dense<0.000000e+00> : vector<8x1xf32>
    %dot_general3A_52 = tpu.matmul %convert_element_type3A_38, %broadcast_in_dim3A_50, %dot_general3A_51 {dimension_numbers = #tpu.dot_dimension_numbers<[1], [0], [0], [1], [0, 0, 1, 1], [], []>, precision = #tpu.contract_precision<fp32>, transpose_lhs_hint = false} : vector<8x8xf32>, vector<8x1xf32>, vector<8x1xf32> -> vector<8x1xf32>
    %dot_general3A_53 = arith.constant dense<0.000000e+00> : vector<8x128xf32>
    %dot_general3A_54 = tpu.matmul %concatenate3A, %convert_element_type3A_43, %dot_general3A_53 {dimension_numbers = #tpu.dot_dimension_numbers<[1], [0], [0], [1], [0, 0, 1, 1], [], []>, precision = #tpu.contract_precision<fp32>, transpose_lhs_hint = false} : vector<8x128xf32>, vector<128x128xf32>, vector<8x128xf32> -> vector<8x128xf32>
    %add3A_55 = vector.broadcast %dot_general3A_47 : vector<8x1xf32> to vector<8x128xf32>
    %add3A_56 = arith.addf %add3A_55, %dot_general3A_54 : vector<8x128xf32>
    %dot_general3A_57 = arith.constant dense<0.000000e+00> : vector<8x128xf32>
    %dot_general3A_58 = tpu.matmul %mul3A_34, %convert_element_type3A_43, %dot_general3A_57 {dimension_numbers = #tpu.dot_dimension_numbers<[1], [0], [0], [1], [0, 0, 1, 1], [], []>, precision = #tpu.contract_precision<fp32>, transpose_lhs_hint = false} : vector<8x128xf32>, vector<128x128xf32>, vector<8x128xf32> -> vector<8x128xf32>
    %add3A_59 = vector.broadcast %dot_general3A_52 : vector<8x1xf32> to vector<8x128xf32>
    %add3A_60 = arith.addf %add3A_59, %dot_general3A_58 : vector<8x128xf32>
    %convert_element_type3A_61 = arith.sitofp %get3A_6 : i32 to f32
    %lt3A = vector.broadcast %convert_element_type3A_61 : f32 to vector<8x128xf32>
    %lt3A_62 = arith.cmpf olt, %add3A_56, %lt3A : vector<8x128xf32>
    %convert_element_type3A_63 = arith.extui %lt3A_62 : vector<8x128xi1> to vector<8x128xi32>
    %reduce_sum3A_64 = vector.shape_cast %convert_element_type3A_63 : vector<8x128xi32> to vector<1x8x128xi32>
    %reduce_sum3A_65 = arith.constant dense<0> : vector<1xi32>
    %reduce_sum3A_66 = vector.multi_reduction <add>, %reduce_sum3A_64, %reduce_sum3A_65 [1, 2] : vector<1x8x128xi32> to vector<1xi32>
    %reduce_sum3A_67 = vector.shape_cast %reduce_sum3A_66 : vector<1xi32> to vector<1x1x1xi32>
    %reduce_sum3A_68 = vector.extract %reduce_sum3A_67[0, 0, 0] : i32 from vector<1x1x1xi32>
    %sub3A = arith.constant 1024 : i32
    %sub3A_69 = arith.subi %sub3A, %reduce_sum3A_68 : i32
    %eq3A = vector.broadcast %sub3A_69 : i32 to vector<8x128xi32>
    %eq3A_70 = arith.cmpi eq, %add3A, %eq3A : vector<8x128xi32>
    %convert_element_type3A_71 = arith.extui %eq3A_70 : vector<8x128xi1> to vector<8x128xi32>
    %convert_element_type3A_72 = arith.sitofp %convert_element_type3A_71 : vector<8x128xi32> to vector<8x128xf32>
    %mul3A_73 = arith.mulf %convert_element_type3A_72, %add3A_56 : vector<8x128xf32>
    %reduce_sum3A_74 = vector.shape_cast %mul3A_73 : vector<8x128xf32> to vector<1x8x128xf32>
    %reduce_sum3A_75 = arith.constant dense<0.000000e+00> : vector<1xf32>
    %reduce_sum3A_76 = vector.multi_reduction <add>, %reduce_sum3A_74, %reduce_sum3A_75 [1, 2] : vector<1x8x128xf32> to vector<1xf32>
    %reduce_sum3A_77 = vector.shape_cast %reduce_sum3A_76 : vector<1xf32> to vector<1x1x1xf32>
    %reduce_sum3A_78 = vector.extract %reduce_sum3A_77[0, 0, 0] : f32 from vector<1x1x1xf32>
    %convert_element_type3A_79 = arith.fptosi %reduce_sum3A_78 : f32 to i32
    %mul3A_80 = arith.mulf %convert_element_type3A_72, %add3A_60 : vector<8x128xf32>
    %reduce_sum3A_81 = vector.shape_cast %mul3A_80 : vector<8x128xf32> to vector<1x8x128xf32>
    %reduce_sum3A_82 = arith.constant dense<0.000000e+00> : vector<1xf32>
    %reduce_sum3A_83 = vector.multi_reduction <add>, %reduce_sum3A_81, %reduce_sum3A_82 [1, 2] : vector<1x8x128xf32> to vector<1xf32>
    %reduce_sum3A_84 = vector.shape_cast %reduce_sum3A_83 : vector<1xf32> to vector<1x1x1xf32>
    %reduce_sum3A_85 = vector.extract %reduce_sum3A_84[0, 0, 0] : f32 from vector<1x1x1xf32>
    %shift_left3A_86 = arith.constant 10 : i32
    %shift_left3A_87 = arith.shli %get3A_2, %shift_left3A_86 : i32
    %or3A_88 = arith.ori %shift_left3A_87, %sub3A_69 : i32
    %sub3A_89 = arith.subi %get3A_6, %convert_element_type3A_79 : i32
    %add3A_90 = arith.addi %get3A_10, %convert_element_type3A_79 : i32
    %add3A_91 = arith.addf %get3A_14, %reduce_sum3A_85 : f32
    %iota3A_92 = tpu.iota {dimensions = array<i32: 1>} : vector<1x128xi32>
    %eq3A_93 = arith.constant 0 : i32
    %eq3A_94 = vector.broadcast %eq3A_93 : i32 to vector<1x128xi32>
    %eq3A_95 = arith.cmpi eq, %iota3A_92, %eq3A_94 : vector<1x128xi32>
    %eq3A_96 = arith.constant 1 : i32
    %eq3A_97 = vector.broadcast %eq3A_96 : i32 to vector<1x128xi32>
    %eq3A_98 = arith.cmpi eq, %iota3A_92, %eq3A_97 : vector<1x128xi32>
    %eq3A_99 = arith.constant 2 : i32
    %eq3A_100 = vector.broadcast %eq3A_99 : i32 to vector<1x128xi32>
    %eq3A_101 = arith.cmpi eq, %iota3A_92, %eq3A_100 : vector<1x128xi32>
    %jit3A = arith.constant 0 : i32
    %broadcast_in_dim3A_102 = vector.broadcast %add3A_90 : i32 to vector<1x128xi32>
    %broadcast_in_dim3A_103 = vector.broadcast %jit3A : i32 to vector<1x128xi32>
    %select_n3A = arith.select %eq3A_101, %broadcast_in_dim3A_102, %broadcast_in_dim3A_103 : vector<1x128xi1>, vector<1x128xi32>
    %broadcast_in_dim3A_104 = vector.broadcast %sub3A_89 : i32 to vector<1x128xi32>
    %select_n3A_105 = arith.select %eq3A_98, %broadcast_in_dim3A_104, %select_n3A : vector<1x128xi1>, vector<1x128xi32>
    %broadcast_in_dim3A_106 = vector.broadcast %or3A_88 : i32 to vector<1x128xi32>
    %select_n3A_107 = arith.select %eq3A_95, %broadcast_in_dim3A_106, %select_n3A_105 : vector<1x128xi1>, vector<1x128xi32>
    %swap3A = arith.constant 0 : index
    %swap3A_108 = arith.constant 0 : index
    %swap3A_109 = vector.load %arg3[%swap3A, %swap3A_108] : memref<1x128xi32, #tpu.memory_space<vmem>>, vector<1x128xi32>
    tpu.vector_store %arg3[%swap3A, %swap3A_108], %select_n3A_107 {strides = array<i32>} : memref<1x128xi32, #tpu.memory_space<vmem>>, vector<1x128xi32>,
    %bitcast_convert_type3A_110 = arith.bitcast %or3A_88 : i32 to f32
    %convert_element_type3A_111 = arith.sitofp %sub3A_89 : i32 to f32
    %mul3A_112 = arith.mulf %bitcast_convert_type3A_110, %convert_element_type3A_111 : f32
    %add3A_113 = arith.addf %add3A_91, %mul3A_112 : f32
    %div3A = arith.constant 5.242880e+05 : f32
    %div3A_114 = arith.divf %add3A_113, %div3A : f32
    %eq3A_115 = arith.constant 0 : i32
    %eq3A_116 = vector.broadcast %eq3A_115 : i32 to vector<1x128xi32>
    %eq3A_117 = arith.cmpi eq, %iota3A_92, %eq3A_116 : vector<1x128xi32>
    %jit3A_118 = arith.constant 0.000000e+00 : f32
    %broadcast_in_dim3A_119 = vector.broadcast %div3A_114 : f32 to vector<1x128xf32>
    %broadcast_in_dim3A_120 = vector.broadcast %jit3A_118 : f32 to vector<1x128xf32>
    %select_n3A_121 = arith.select %eq3A_117, %broadcast_in_dim3A_119, %broadcast_in_dim3A_120 : vector<1x128xi1>, vector<1x128xf32>
    %swap3A_122 = arith.constant 0 : index
    %swap3A_123 = arith.constant 0 : index
    %swap3A_124 = vector.load %arg4[%swap3A_122, %swap3A_123] : memref<1x128xf32, #tpu.memory_space<vmem>>, vector<1x128xf32>
    tpu.vector_store %arg4[%swap3A_122, %swap3A_123], %select_n3A_121 {strides = array<i32>} : memref<1x128xf32, #tpu.memory_space<vmem>>, vector<1x128xf32>,
    return
  }
}

</mosaic_0001>

<sc_bundles>
// kernel: kernel.12.cloned.1.call-start
scs
__scs_entry_jumppad:
0x0: {  	(pc) =	sbr.rel $0x88, $3  }
0x1: {  	(tag) =	ssettag $0x0;
	lr =	simm.s32 $0x1  }
0x2: {  	[smem:$0x3F9F] =	sst lr;
	_ =	strace $0xD0000000  }
0x3: {  	_ = 	snop  }
0x4: {  	_ = 	snop  }
0x5: {  	_ = 	snop  }
0x6: {  	_ = 	snop  }
0x7: {  	_ = 	snop  }
__scs_overlays_trampoline_lowered:
0x8: {  	[smem:$0x3FAE] =	sst s0  }
0x9: {  	[smem:$0x3FAF] =	sst s1  }
0xa: {  	[smem:$0x3FB0] =	sst s2  }
0xb: {  	[smem:$0x3FB1] =	sst s3  }
0xc: {  	[smem:$0x3FB2] =	sst s4  }
0xd: {  	[smem:$0x3FB3] =	sst s5  }
0xe: {  	[smem:$0x3FB4] =	sst s6  }
0xf: {  	[smem:$0x3FB5] =	sst s7  }
0x10: {  	[smem:$0x3FB6] =	sst s8  }
0x11: {  	[smem:$0x3FB7] =	sst s9;
	s0 =	simm.s32 @!p0 $0x0  }
0x12: {  	s1 =	sld [smem:$0x3F9D];
	s0 =	simm.s32 @p0 $0x1  }
0x13: {  	[smem:$0x3FB8] =	sst s0;
	s0 =	simm.s32 @!p1 $0x0  }
0x14: {  	s2 =	sld [smem:$0x3F9C];
	s0 =	simm.s32 @p1 $0x1  }
0x15: {  	[smem:$0x3FB9] =	sst s0;
	s0 =	simm.s32 @!p2 $0x0  }
0x16: {  	s3 =	sld [smem:$0x3FDB];
	s0 =	simm.s32 @p2 $0x1  }
0x17: {  	s4 =	simm.s32 $0x1BF5;
	[smem:$0x3FBB] =	sst s0  }
0x18: {  	s0 =	sld [smem:$0x3F9E];
	_ =	swait.ge [sflag:s4], $0x0  }
0x19: {  	s7 =	sld [smem:$0x3F9F]  }
0x1a: {  	s8 =	sadd.s32 $0xFFFFE003, lr  }
0x1b: {  	s9 =	sadd.s32 $0xFFFFFEF7, lr;
	s5 =	simm.s32 $0xFFFFFFFF;
	p2 =	slt.u32 s8, $0xFFFFF086  }
0x1c: {  	p1 =	slt.u32 s9, $0xF7A;
	s5 =	simm.s32 @!p2 $0x0  }
0x1d: {  	s5 =	simm.s32 @p1 $0x1;
	p0 =	seq.s32 s7, s2  }
0x1e: {  	s7 =	smul.u32 @!p0 $0xF7A, s2;
	p2 =	seq.s32 @!p0 s5, $0x0  }
0x1f: {  	s9 =	smul.u32 $0xF7A, s1;
	s8 =	simm.s32 @!p0 $0x1BF5;
	p2 =	por !p2, p0  }
0x20: {  	[sflag:s8] =	ssyncset.s32 @!p0 $0xFFFFF086;
	s6 =	sadd.s32 @!p0 s3, s7;
	s7 =	simm.s32 @!p0 $0x108  }
0x21: {  	s3 =	sadd.s32 s3, s9;
	s6 =	sadd.s32 @!p0 $0x88, s6;
	s7 =	simm.s32 @p2 $0x1082  }
0x22: {  	[simem:s7], [sflag:s8] =	dma.local @!p0 [hbm:s6], $0xF7A  }
0x23: {  	s9 =	sor.u32 $0xD0000000, s2;
	s6 =	simm.s32 $0x108;
	_ =	swait.ge @!p0 [sflag:s8], $0x0  }
0x24: {  	s3 =	sadd.s32 $0x88, s3;
	s6 =	simm.s32 @!p1 $0x1082;
	[sflag:s4] =	ssyncset.s32 $0xFFFFF086  }
0x25: {  	[simem:s6], [sflag:s4] =	dma.local [hbm:s3], $0xF7A  }
0x26: {  	[smem:$0x3F9F] =	sst s1;
	(tag) =	ssettag s2;
	_ =	strace s9  }
0x27: {  	s1 =	sld [smem:$0x3FAF]  }
0x28: {  	s2 =	sld [smem:$0x3FB0]  }
0x29: {  	s4 =	sld [smem:$0x3FB2]  }
0x2a: {  	p0 =	seq.s32 s5, $0x0;
	s5 =	sld [smem:$0x3FB3]  }
0x2b: {  	s6 =	sld [smem:$0x3FB4]  }
0x2c: {  	s7 =	sld [smem:$0x3FB5]  }
0x2d: {  	s3 =	simm.s32 $0x108;
	s8 =	sld [smem:$0x3FB6]  }
0x2e: {  	s3 =	simm.s32 @!p0 $0x1082;
	s9 =	sld [smem:$0x3FB7]  }
0x2f: {  	lr =	sadd.s32 s0, s3;
	s0 =	sld [smem:$0x3FAE]  }
0x30: {  	s3 =	sld [smem:$0x3FB1]  }
0x31: {  	[smem:$0x3FBA] =	sst s10  }
0x32: {  	s10 =	sld [smem:$0x3FB8];
	_ =	sdelay $0x3  }
0x33: {  	p0 =	seq.s32 s10, $0x1;
	s10 =	sld [smem:$0x3FBA];
	_ =	sdelay $0x3  }
0x34: {  	[smem:$0x3FBA] =	sst s10  }
0x35: {  	s10 =	sld [smem:$0x3FB9];
	_ =	sdelay $0x3  }
0x36: {  	p1 =	seq.s32 s10, $0x1;
	s10 =	sld [smem:$0x3FBA];
	_ =	sdelay $0x3  }
0x37: {  	[smem:$0x3FBA] =	sst s10  }
0x38: {  	s10 =	sld [smem:$0x3FBB]  }
0x39: {  	_ = 	snop;
	(pc) =	sbr.ind lr, $3  }
0x3a: {  	_ = 	snop  }
0x3b: {  	_ = 	snop  }
0x3c: {  	p2 =	seq.s32 s10, $0x1;
	s10 =	sld [smem:$0x3FBA]  }
0x3d: {  	_ =	shalt  }
0x3e: {  	_ =	shalt  }
0x3f: {  	_ =	shalt  }
0x40: {  	_ =	shalt  }
0x41: {  	_ =	shalt  }
0x42: {  	_ =	shalt  }
0x43: {  	_ =	shalt  }
0x44: {  	_ =	shalt  }
0x45: {  	_ =	shalt  }
0x46: {  	_ =	shalt  }
0x47: {  	_ =	shalt  }
0x48: {  	_ =	shalt  }
0x49: {  	_ =	shalt  }
0x4a: {  	_ =	shalt  }
0x4b: {  	_ =	shalt  }
0x4c: {  	_ =	shalt  }
0x4d: {  	_ =	shalt  }
0x4e: {  	_ =	shalt  }
0x4f: {  	_ =	shalt  }
0x50: {  	_ =	shalt  }
0x51: {  	_ =	shalt  }
0x52: {  	_ =	shalt  }
0x53: {  	_ =	shalt  }
0x54: {  	_ =	shalt  }
0x55: {  	_ =	shalt  }
0x56: {  	_ =	shalt  }
0x57: {  	_ =	shalt  }
0x58: {  	_ =	shalt  }
0x59: {  	_ =	shalt  }
0x5a: {  	_ =	shalt  }
0x5b: {  	_ =	shalt  }
0x5c: {  	_ =	shalt  }
0x5d: {  	_ =	shalt  }
0x5e: {  	_ =	shalt  }
0x5f: {  	_ =	shalt  }
0x60: {  	_ =	shalt  }
0x61: {  	_ =	shalt  }
0x62: {  	_ =	shalt  }
0x63: {  	_ =	shalt  }
0x64: {  	_ =	shalt  }
0x65: {  	_ =	shalt  }
0x66: {  	_ =	shalt  }
0x67: {  	_ =	shalt  }
0x68: {  	_ =	shalt  }
0x69: {  	_ =	shalt  }
0x6a: {  	_ =	shalt  }
0x6b: {  	_ =	shalt  }
0x6c: {  	_ =	shalt  }
0x6d: {  	_ =	shalt  }
0x6e: {  	_ =	shalt  }
0x6f: {  	_ =	shalt  }
0x70: {  	_ =	shalt  }
0x71: {  	_ =	shalt  }
0x72: {  	_ =	shalt  }
0x73: {  	_ =	shalt  }
0x74: {  	_ =	shalt  }
0x75: {  	_ =	shalt  }
0x76: {  	_ =	shalt  }
0x77: {  	_ =	shalt  }
0x78: {  	_ =	shalt  }
0x79: {  	_ =	shalt  }
0x7a: {  	_ =	shalt  }
0x7b: {  	_ =	shalt  }
0x7c: {  	_ =	shalt  }
0x7d: {  	_ =	shalt  }
0x7e: {  	_ =	shalt  }
0x7f: {  	_ =	shalt  }
0x80: {  	_ =	shalt  }
0x81: {  	_ =	shalt  }
0x82: {  	_ =	shalt  }
0x83: {  	_ =	shalt  }
0x84: {  	_ =	shalt  }
0x85: {  	_ =	shalt  }
0x86: {  	_ =	shalt  }
0x87: {  	_ =	shalt  }
.Lfunc_end0:
.L_simem_size_0:
called_computation.1_lowered:
.L_overlay_start_0:
0x88: {  	s2 =	sld [smem:$0x3FD9]  }
0x89: {  	s3 =	sld [smem:$0x3FFE];
	_ =	sdelay $0x1  }
0x8a: {  	s1 =	srdreg.scid  }
0x8b: {  	s0 =	sand.u32 $0x1, s1  }
0x8c: {  	s17 =	sshll.u32 s0, $0xA;
	s2 =	sadd.s32 s3, s2  }
0x8d: {  	s2 =	sadd.s32 s2, s17  }
0x8e: {  	[smem:$0x3FC6] =	sst s2  }
0x8f: {  	_ = 	snop  }
0x90: {  	s2 =	sld [smem:$0x3FD0];
	(tm) =	ssettm $0x1  }
0x91: {  	s18 =	sld [smem:$0x3FFB];
	_ =	sdelay $0x3  }
0x92: {  	_ =	strace s18  }
0x93: {  	s3 =	sld [smem:$0x3FFC];
	_ =	sdelay $0x3  }
0x94: {  	_ =	strace s3  }
0x95: {  	s3 =	sld [smem:$0x3FFD];
	_ =	sdelay $0x3  }
0x96: {  	_ =	strace s3  }
0x97: {  	_ =	strace $0x8FFFFFFF  }
0x98: {  	s19 =	sld [smem:$0x3FDB];
	_ =	sdelay $0x1  }
0x99: {  	s4 =	simm.s32 $_scs_section_size  }
0x9a: {  	s5 =	simm.s32 $_size__tile_overlayer_lowered;
	s6 =	simm.s32 $_tile_overlayer_lowered  }
0x9b: {  	s22 =	simm.s32 $0x1BFF;
	s21 =	sshll.u32 s6, $0x1;
	s3 =	sadd.s32 s4, s19  }
0x9c: {  	s7 =	simm.s32 $0x0;
	s20 =	sshll.u32 s5, $0x1;
	s5 =	sadd.s32 s21, s3  }
0x9d: {  	[timem:s7], [sflag:s22] =	dma.local [hbm:s5], s20  }
0x9e: {  	_ =	swait.ge [sflag:s22], s20  }
0x9f: {  	s4 =	ssub.s32 $0x0, s20;
	[sflag:s22] =	ssyncset.done $0x0  }
0xa0: {  	[sflag:s22] =	ssyncadd.s32 s4;
	_ =	sdelay $0x1  }
0xa1: {  	s23 =	simm.s32 $0x1B8B  }
0xa2: {  	_ =	swait.ge [sflag:s23], $0x1  }
0xa3: {  	[sflag:s23] =	ssyncset.done $0x0  }
0xa4: {  	s25 =	simm.s32 $0x1B8E;
	s24 =	sld [smem:$0x3FFE];
	[sflag:s23] =	ssyncadd.s32 $0xFFFFFFFF  }
0xa5: {  	s26 =	simm.s32 $execute0_lowered;
	[smem:$0x3FD2] =	sst s25  }
0xa6: {  	s5 =	sshll.u32 s26, $0x1;
	_ =	strace $0x80000049;
	[dreg:$0x1] =	wrdreg $0xFFFFFFFF  }
0xa7: {  	s28 =	simm.s32 $_size_execute0_lowered;
	s3 =	sadd.s32 s3, s5;
	[dreg:$0x0] =	wrdreg $0x0  }
0xa8: {  	s5 =	sshll.u32 s28, $0x1;
	[dreg:$0x2] =	wrdreg s3  }
0xa9: {  	[dreg:$0x3] =	wrdreg s5  }
0xaa: {  	[dreg:$0x4] =	wrdreg $0xC0  }
0xab: {  	_ =	task [dreg:s7], $0x5FFFF  }
0xac: {  	[dreg:$0x1] =	wrdreg $0xFFFFFFFF  }
0xad: {  	[dreg:$0x0] =	wrdreg $0x60  }
0xae: {  	[dreg:$0x2] =	wrdreg s24  }
0xaf: {  	[dreg:$0x3] =	wrdreg s2  }
0xb0: {  	[dreg:$0x4] =	wrdreg $0x9  }
0xb1: {  	_ =	task.clear_ibuf [dreg:s7], $0x5FFFF;
	_ =	strace $0x90000049  }
0xb2: {  	s29 =	simm.s32 $0x9;
	_ =	strace $0x8000004B  }
0xb3: {  	_ =	swait.ge [sflag:s29], $0x1  }
0xb4: {  	[sflag:s29] =	ssyncadd.s32 $0xFFFFFFFF  }
0xb5: {  	_ =	strace $0x9000004B  }
0xb6: {  	_ =	sfence  }
0xb7: {  	s30 =	sld [smem:$0x0];
	_ =	sdelay $0x2  }
0xb8: {  	s31 =	sshll.u32 s1, $0xD;
	s1 =	sshrl.u32 s1, $0x2  }
0xb9: {  	s3 =	sand.u32 $0x4000, s31;
	s1 =	sadd.s32 s1, s30  }
0xba: {  	s0 =	sor.u32 s3, s0;
	s1 =	sshll.u32 s1, $0x11  }
0xbb: {  	s0 =	sor.u32 s1, s0  }
0xbc: {  	s0 =	sadd.s32 $0x8F2B, s0  }
0xbd: {  	[sflag:s0] =	ssyncadd.remote.s32 $0x1  }
0xbe: {  	_ =	sfence.sel $0xFFFF  }
0xbf: {  	[dreg:$0x0] =	wrdreg $0xFFFFFFFF;
	(pc) =	sbr.abs _section_cstart, $3  }
0xc0: {  	[dreg:$0x1] =	wrdreg $0xFFFFFFFF  }
0xc1: {  	_ =	task.clear_ibuf [dreg:s7], $0x2FFFF;
	_ =	strace $0x9FFFFFFF  }
0xc2: {  	(tm) =	ssettm $0x7FFFFFFF  }
0xc3: {  	_ =	shalt  }
tec
execute0_lowered:
.L_overlay_start_1:
0x0: {  	(tag) =	ssettag $0x1  }
0x1: {  	s4 =	rddreg [dreg:$0x0]  }
0x2: {  	s2 =	rddreg [dreg:$0x1]  }
0x3: {  	s0 =	rddreg [dreg:$0x2];
	s5 =	srdreg.scid  }
0x4: {  	s1 =	stileid.u32;
	s3 =	simm.s32 $0x0;
	s11 =	simm.s32 $0x8000  }
0x5: {  	s12 =	simm.s32 $0x80;
	s13 =	simm.s32 $0x400;
	s14 =	simm.s32 $0x10000  }
0x6: {  	s15 =	simm.s32 $0x0;
	s5 =	sand.u32 $0x1, s5;
	s6 =	sshll.u32 s1, $0x1  }
0x7: {  	[smem:$0x7FF] =	sst s3;
	s8 =	sshll.u32 s1, $0x9;
	s6 =	sor.u32 s5, s6  }
0x8: {  	_ =	strace $0x8000004A;
	s8 =	sand.u32 $0x1800, s8;
	s5 =	ssub.s32 $0x2, s5  }
0x9: {  	s7 =	sshll.u32 s6, $0xD;
	s8 =	sadd.s32 s8, s4;
	s30 =	sshrl.u32 s5, $0x1  }
0xa: {  	s6 =	sshll.u32 s6, $0x4;
	s7 =	sadd.s32 s7, s4;
	s9 =	ssub.s32 s5, s30  }
0xb: {  	v0 =	vlaneseq.u32;
	s10 =	sand.u32 $0x70, s6;
	s4 =	sadd.s32 $0x2600, s7;
	s5 =	sadd.s32 $0x2E00, s7  }
0xc: {  	v3 =	vmul.u32 $0x10, v0;
	s6 =	sadd.s32 $0x3600, s7;
	s31 =	sadd.s32 s10, s8;
	s8 =	smax.u32 s9, $0x1  }
0xd: {  	v1 =	vimm.s32 $0x0;
	v2 =	vimm.s32 $0x1;
	s9 =	simm.s32 $0x10800;
	s10 =	simm.s32 $0x3;
	s7 =	sadd.s32 $0x42600, s31  }
.LBB2_1:
0xe: {  	[tilespmem:s9], [sflag:$0x3] =	stream.linear.gather [hbm4b:s2+s3], $0x80, $0x38;
	[tilespmem:$0x10880] =	vst v63  }
0xf: {  	_ =	swait.ge [sflag:s10], $0x80  }
0x10: {  	[sflag:s10] =	ssyncset.done $0x0  }
0x11: {  	[sflag:s10] =	ssyncadd.s32 $0xFFFFFF80  }
0x12: {  	s16 =	simm.s32 $0x0;
	s17 =	simm.s32 $0x200;
	v4 =	vld [tilespmem:$0x10800]  }
.LBB2_2:
0x13: {  	p0 =	sne.s32 s17, $0x1FE00;
	[tilespmem:s16+$0x8070] =	vst v1  }
0x14: {  	[tilespmem:s16+$0x8000] =	vst v1  }
0x15: {  	[tilespmem:s16+$0x8010] =	vst v1  }
.Ltmp0:
0x16: {  	[tilespmem:s16+$0x8020] =	vst v1;
	(pc) =	sbr.rel @p0 .LBB2_2-.Ltmp0, $4  }
0x17: {  	[tilespmem:s16+$0x8030] =	vst v1  }
0x18: {  	[tilespmem:s16+$0x8040] =	vst v1  }
0x19: {  	[tilespmem:s16+$0x8050] =	vst v1  }
0x1a: {  	[tilespmem:s16+$0x8060] =	vst v1;
	s16 =	sshra.s32 s17, $0x2;
	s17 =	sadd.s32 $0x200, s17  }
0x1b: {  	[tilespmem:s16+$0x8070] =	vst v1  }
0x1c: {  	[tilespmem:s16+$0x8000] =	vst v1  }
0x1d: {  	[tilespmem:s16+$0x8010] =	vst v1  }
0x1e: {  	[tilespmem:s16+$0x8020] =	vst v1  }
0x1f: {  	[tilespmem:s16+$0x8030] =	vst v1  }
0x20: {  	[tilespmem:s16+$0x8040] =	vst v1  }
0x21: {  	[tilespmem:s16+$0x8050] =	vst v1;
	s17 =	simm.s32 $0x0  }
0x22: {  	[tilespmem:s16+$0x8060] =	vst v1;
	s16 =	simm.s32 $0x10;
	s19 =	sadd.s32 $0x0, s4;
	s18 =	simm.s32 $0x100  }
.LBB2_4:
0x23: {  	[tilespmem:s17], [sflag:$0x1] =	stream.linear.gather [hbm4b:s19+s3], $0x80, $0x38;
	[tilespmem:$0x10880] =	vst v63  }
0x24: {  	s19 =	smov.u32 s16;
	s17 =	smov.u32 s18;
	p0 =	sne.s32 s16, $0x7F0  }
.Ltmp1:
0x25: {  	s16 =	sadd.s32 $0x10, s16;
	(pc) =	sbr.rel @p0 .LBB2_4-.Ltmp1, $2  }
0x26: {  	_ =	sdelay $0x2  }
0x27: {  	s18 =	sadd.s32 $0x100, s18;
	s19 =	sadd.s32 s19, s4  }
0x28: {  	[tilespmem:s17], [sflag:$0x1] =	stream.linear.gather [hbm4b:s19+s3], $0x80, $0x38;
	[tilespmem:$0x10880] =	vst v63  }
0x29: {  	s16 =	simm.s32 $0x80  }
0x2a: {  	s17 =	simm.s32 $0x10;
	s19 =	sadd.s32 $0x0, s5;
	s18 =	simm.s32 $0x180  }
.LBB2_6:
0x2b: {  	[tilespmem:s16], [sflag:$0x2] =	stream.linear.gather [hbm4b:s19+s3], $0x80, $0x38;
	[tilespmem:$0x10880] =	vst v63  }
0x2c: {  	s19 =	smov.u32 s17;
	s16 =	smov.u32 s18;
	p0 =	seq.s32 s17, $0x7F0  }
.Ltmp2:
0x2d: {  	s17 =	sadd.s32 $0x10, s17;
	(pc) =	sbr.rel @!p0 .LBB2_6-.Ltmp2, $2  }
0x2e: {  	_ =	sdelay $0x2  }
0x2f: {  	s18 =	sadd.s32 $0x100, s18;
	s19 =	sadd.s32 s19, s5  }
.Ltmp3:
0x30: {  	(pc) =	sbr.rel .LBB2_8-.Ltmp3, $3  }
0x31: {  	_ =	sdelay $0x1  }
0x32: {  	[tilespmem:s16], [sflag:$0x2] =	stream.linear.gather [hbm4b:s19+s3], $0x80, $0x38;
	[tilespmem:$0x10880] =	vst v63  }
0x33: {  	v4 =	vbroadcast v4, $0x0;
	s16 =	simm.s32 $0x0;
	p0 =	por $0x0, $0x0  }
.LBB2_14:
0x34: {  	s16 =	sadd.s32 $0x1, s16  }
0x35: {  	p1 =	sne.s32 s16, $0x4  }
.Ltmp4:
0x36: {  	_ = 	snop;
	(pc) =	sbr.rel @!p1 .LBB2_15-.Ltmp4, $2  }
0x37: {  	_ =	sdelay $0x2  }
0x38: {  	p0 =	por !p0, !p0  }
.LBB2_8:
0x39: {  	s17 =	simm.s32 $0x1  }
0x3a: {  	s17 =	simm.s32 @!p0 $0x0  }
0x3b: {  	s17 =	sshll.u32 s17, $0x7  }
0x3c: {  	s18 =	sor.u32 $0x40, s17  }
0x3d: {  	s19 =	sand.u32 $0x1, s16;
	v5 =	vmov s18  }
0x3e: {  	s18 =	sadd.s32 $0x1, s19  }
0x3f: {  	_ =	swait.ge [sflag:s18], $0x4000  }
0x40: {  	[sflag:s18] =	ssyncset.done $0x0  }
0x41: {  	s31 =	simm.s32 $0x0;
	[sflag:s18] =	ssyncadd.s32 $0xFFFFC000  }
0x42: {  	v6 =	vld.idx.msk [tilespmem:v5+s31+$0xFFFFFFD0 ss:$0x1], $0xffff  }
0x43: {  	v7 =	vld.idx.msk [tilespmem:v5+s31+$0xFFFFFFC0 ss:$0x1], $0xffff  }
0x44: {  	v8 =	vld.idx.msk [tilespmem:v5+s31+$0xFFFFFFE0 ss:$0x1], $0xffff  }
0x45: {  	v9 =	vld.idx.msk [tilespmem:v5+s31+$0xFFFFFFF0 ss:$0x1], $0xffff  }
0x46: {  	v11 =	vld.idx.msk [tilespmem:v5+s31+$0x0 ss:$0x1], $0xffff  }
0x47: {  	v59 =	vld.idx.msk [tilespmem:v5+s31+$0x10 ss:$0x1], $0xffff;
	_ =	sdelay $0x1  }
0x48: {  	v10 =	vshrl.u32 v6, $0x6;
	v6 =	vshra.s32 v6, $0x15  }
0x49: {  	v12 =	vshrl.u32 v7, $0x6;
	v7 =	vshra.s32 v7, $0x15;
	v14 =	vshrl.u32 v9, $0x6  }
0x4a: {  	v9 =	vshra.s32 v9, $0x15;
	v60 =	vshrl.u32 v11, $0x6;
	v11 =	vshra.s32 v11, $0x15  }
0x4b: {  	v13 =	vld.idx.msk [tilespmem:v5+s31+$0x20 ss:$0x1], $0xffff;
	v61 =	vshrl.u32 v59, $0x6;
	vm1 =	veq.s32 v6, v4;
	v6 =	vshrl.u32 v8, $0x6  }
0x4c: {  	vm2 =	veq.s32 v7, v4;
	v7 =	vand.u32 $0x7FF0, v12;
	v8 =	vshra.s32 v8, $0x15  }
0x4d: {  	v10 =	vand.u32 $0x7FF0, v10;
	vm5 =	veq.s32 v9, v4;
	v7 =	vor.u32 v0, v7  }
0x4e: {  	v9 =	vld.idx.msk [tilespmem:v5+s31+$0x30 ss:$0x1], $0xffff;
	v6 =	vand.u32 $0x7FF0, v6;
	vm4 =	veq.s32 v8, v4;
	v10 =	vor.u32 v0, v10  }
0x4f: {  	vm0 =	veq.s32 v11, v4;
	v8 =	vand.u32 $0x7FF0, v14;
	v11 =	vor.u32 v0, v6  }
0x50: {  	v62 =	vshra.s32 v13, $0x15;
	v6 =	vand.u32 $0x7FF0, v60;
	v15 =	vor.u32 v0, v8  }
0x51: {  	v12 =	vshra.s32 v59, $0x15;
	vm3 =	veq.s32 v62, v4;
	v6 =	vor.u32 v0, v6  }
0x52: {  	v14 =	vand.u32 $0x7FF0, v61;
	v8 =	vshrl.u32 v13, $0x6;
	[tilespmem:v7+s11+$0x0] =	vst.idx.add.s32.msk vm2, v2;
	vm2 =	veq.s32 v12, v4  }
0x53: {  	v8 =	vand.u32 $0x7FF0, v8;
	v63 =	vshrl.u32 v9, $0x6;
	v7 =	vor.u32 v0, v14;
	[tilespmem:v10+s11+$0x0] =	vst.idx.add.s32.msk vm1, v2  }
0x54: {  	v8 =	vor.u32 v0, v8;
	v9 =	vshra.s32 v9, $0x15;
	v10 =	vand.u32 $0x7FF0, v63;
	[tilespmem:v11+s11+$0x0] =	vst.idx.add.s32.msk vm4, v2  }
0x55: {  	s19 =	simm.s32 $0x400;
	vm1 =	veq.s32 v9, v4;
	v9 =	vor.u32 v0, v10;
	[tilespmem:v15+s11+$0x0] =	vst.idx.add.s32.msk vm5, v2  }
.LBB2_9:
0x56: {  	p1 =	sne.s32 s19, $0x1FC00;
	[tilespmem:v6+s11+$0x0] =	vst.idx.add.s32.msk vm0, v2;
	s20 =	smov.u32 s19;
	s19 =	sadd.s32 $0x400, s19  }
0x57: {  	_ = 	snop  }
0x58: {  	[tilespmem:v7+s11+$0x0] =	vst.idx.add.s32.msk vm2, v2  }
0x59: {  	[tilespmem:v8+s11+$0x0] =	vst.idx.add.s32.msk vm3, v2;
	_ =	sdelay $0x1  }
0x5a: {  	s20 =	sshra.s32 s20, $0x2;
	[tilespmem:v9+s11+$0x0] =	vst.idx.add.s32.msk vm1, v2  }
0x5b: {  	v6 =	vld.idx.msk [tilespmem:v5+s20+$0xFFFFFFD0 ss:$0x1], $0xffff  }
0x5c: {  	v7 =	vld.idx.msk [tilespmem:v5+s20+$0xFFFFFFC0 ss:$0x1], $0xffff  }
0x5d: {  	v8 =	vld.idx.msk [tilespmem:v5+s20+$0xFFFFFFE0 ss:$0x1], $0xffff;
	_ =	sdelay $0x1  }
0x5e: {  	v9 =	vld.idx.msk [tilespmem:v5+s20+$0xFFFFFFF0 ss:$0x1], $0xffff;
	_ =	sdelay $0x1  }
0x5f: {  	v11 =	vshrl.u32 v6, $0x6;
	v6 =	vshra.s32 v6, $0x15;
	v10 =	vld.idx.msk [tilespmem:v5+s20+$0x0 ss:$0x1], $0xffff  }
0x60: {  	v12 =	vshrl.u32 v7, $0x6;
	v7 =	vshra.s32 v7, $0x15;
	vm1 =	veq.s32 v6, v4  }
0x61: {  	v6 =	vshrl.u32 v8, $0x6;
	vm2 =	veq.s32 v7, v4;
	v7 =	vand.u32 $0x7FF0, v12;
	v13 =	vld.idx.msk [tilespmem:v5+s20+$0x10 ss:$0x1], $0xffff  }
0x62: {  	v11 =	vand.u32 $0x7FF0, v11;
	v8 =	vshra.s32 v8, $0x15;
	v7 =	vor.u32 v0, v7;
	v12 =	vld.idx.msk [tilespmem:v5+s20+$0x20 ss:$0x1], $0xffff  }
0x63: {  	v6 =	vand.u32 $0x7FF0, v6;
	v14 =	vshrl.u32 v9, $0x6;
	v9 =	vshra.s32 v9, $0x15  }
0x64: {  	vm5 =	veq.s32 v8, v4;
	vm4 =	veq.s32 v9, v4;
	v8 =	vand.u32 $0x7FF0, v14;
	v15 =	vld.idx.msk [tilespmem:v5+s20+$0x30 ss:$0x1], $0xffff  }
0x65: {  	v11 =	vor.u32 v0, v11;
	v9 =	vshrl.u32 v10, $0x6;
	v10 =	vshra.s32 v10, $0x15  }
0x66: {  	vm0 =	veq.s32 v10, v4;
	v10 =	vor.u32 v0, v6;
	v6 =	vand.u32 $0x7FF0, v9  }
0x67: {  	v14 =	vor.u32 v0, v8;
	v9 =	vshrl.u32 v13, $0x6;
	v6 =	vor.u32 v0, v6;
	[tilespmem:v7+s11+$0x0] =	vst.idx.add.s32.msk vm2, v2  }
.Ltmp5:
0x68: {  	v8 =	vshrl.u32 v12, $0x6;
	v7 =	vshra.s32 v13, $0x15;
	v9 =	vand.u32 $0x7FF0, v9;
	(pc) =	sbr.rel @p1 .LBB2_9-.Ltmp5, $4  }
0x69: {  	v12 =	vshra.s32 v12, $0x15;
	vm2 =	veq.s32 v7, v4;
	v7 =	vor.u32 v0, v9  }
0x6a: {  	vm3 =	veq.s32 v12, v4;
	v8 =	vand.u32 $0x7FF0, v8;
	v9 =	vshrl.u32 v15, $0x6;
	[tilespmem:v11+s11+$0x0] =	vst.idx.add.s32.msk vm1, v2  }
0x6b: {  	v8 =	vor.u32 v0, v8;
	v11 =	vshra.s32 v15, $0x15;
	v9 =	vand.u32 $0x7FF0, v9;
	[tilespmem:v10+s11+$0x0] =	vst.idx.add.s32.msk vm5, v2  }
0x6c: {  	vm1 =	veq.s32 v11, v4;
	v9 =	vor.u32 v0, v9;
	[tilespmem:v14+s11+$0x0] =	vst.idx.add.s32.msk vm4, v2  }
0x6d: {  	_ =	sdelay $0x2  }
0x6e: {  	p1 =	sgt.u32 s16, $0x1  }
.Ltmp6:
0x6f: {  	_ = 	snop;
	(pc) =	sbr.rel @p1 .LBB2_14-.Ltmp6, $4  }
0x70: {  	[tilespmem:v6+s11+$0x0] =	vst.idx.add.s32.msk vm0, v2  }
0x71: {  	[tilespmem:v7+s11+$0x0] =	vst.idx.add.s32.msk vm2, v2  }
0x72: {  	[tilespmem:v8+s11+$0x0] =	vst.idx.add.s32.msk vm3, v2  }
0x73: {  	[tilespmem:v9+s11+$0x0] =	vst.idx.add.s32.msk vm1, v2  }
0x74: {  	s19 =	sshll.u32 s16, $0xB  }
0x75: {  	s19 =	sadd.s32 s19, s6  }
0x76: {  	s20 =	simm.s32 $0x10;
	s21 =	sadd.s32 $0x100, s17;
	s22 =	sadd.s32 $0x0, s19  }
.LBB2_12:
0x77: {  	[tilespmem:s17], [sflag:s18] =	stream.linear.gather [hbm4b:s22+s3], $0x80, $0x38;
	[tilespmem:$0x10880] =	vst v63  }
0x78: {  	s22 =	smov.u32 s20;
	s17 =	smov.u32 s21;
	p1 =	sne.s32 s20, $0x7F0  }
.Ltmp7:
0x79: {  	s20 =	sadd.s32 $0x10, s20;
	(pc) =	sbr.rel @p1 .LBB2_12-.Ltmp7, $2  }
0x7a: {  	_ =	sdelay $0x2  }
0x7b: {  	s21 =	sadd.s32 $0x100, s21;
	s22 =	sadd.s32 s22, s19  }
.Ltmp8:
0x7c: {  	(pc) =	sbr.rel .LBB2_14-.Ltmp8, $2  }
0x7d: {  	_ =	sdelay $0x2  }
0x7e: {  	[tilespmem:s17], [sflag:s18] =	stream.linear.gather [hbm4b:s22+s3], $0x80, $0x38;
	[tilespmem:$0x10880] =	vst v63  }
.LBB2_15:
0x7f: {  	s16 =	simm.s32 $0x0  }
0x80: {  	v4 =	vmov s16  }
0x81: {  	v4 =	vshll.u32 v4, $0x4  }
0x82: {  	v4 =	vor.u32 v3, v4  }
0x83: {  	v5 =	vor.u32 $0x1, v4  }
0x84: {  	v6 =	vor.u32 $0x2, v4  }
0x85: {  	v7 =	vor.u32 $0x3, v4  }
0x86: {  	v8 =	vor.u32 $0x4, v4  }
0x87: {  	v9 =	vor.u32 $0x5, v4;
	v10 =	vld.idx.msk [tilespmem:v4+s11+$0x0], $0xffff  }
0x88: {  	v11 =	vor.u32 $0x6, v4;
	v5 =	vld.idx.msk [tilespmem:v5+s11+$0x0], $0xffff  }
0x89: {  	v12 =	vor.u32 $0x7, v4;
	v6 =	vld.idx.msk [tilespmem:v6+s11+$0x0], $0xffff  }
0x8a: {  	v13 =	vor.u32 $0x8, v4;
	v7 =	vld.idx.msk [tilespmem:v7+s11+$0x0], $0xffff  }
0x8b: {  	v14 =	vor.u32 $0x9, v4;
	v8 =	vld.idx.msk [tilespmem:v8+s11+$0x0], $0xffff  }
0x8c: {  	v15 =	vor.u32 $0xA, v4;
	v9 =	vld.idx.msk [tilespmem:v9+s11+$0x0], $0xffff  }
0x8d: {  	v16 =	vor.u32 $0xB, v4;
	v11 =	vld.idx.msk [tilespmem:v11+s11+$0x0], $0xffff;
	v5 =	vadd.s32 v10, v5  }
0x8e: {  	v53 =	vor.u32 $0xC, v4;
	v10 =	vld.idx.msk [tilespmem:v12+s11+$0x0], $0xffff;
	v5 =	vadd.s32 v6, v5  }
0x8f: {  	v54 =	vor.u32 $0xD, v4;
	v6 =	vld.idx.msk [tilespmem:v13+s11+$0x0], $0xffff;
	v5 =	vadd.s32 v7, v5  }
0x90: {  	v55 =	vor.u32 $0xE, v4;
	v7 =	vld.idx.msk [tilespmem:v14+s11+$0x0], $0xffff;
	v5 =	vadd.s32 v8, v5  }
0x91: {  	v4 =	vor.u32 $0xF, v4;
	v8 =	vld.idx.msk [tilespmem:v15+s11+$0x0], $0xffff;
	v5 =	vadd.s32 v9, v5  }
0x92: {  	v9 =	vld.idx.msk [tilespmem:v16+s11+$0x0], $0xffff;
	v5 =	vadd.s32 v11, v5  }
0x93: {  	v11 =	vld.idx.msk [tilespmem:v53+s11+$0x0], $0xffff;
	v5 =	vadd.s32 v10, v5  }
0x94: {  	s31 =	simm.s32 $0x10;
	v10 =	vld.idx.msk [tilespmem:v54+s11+$0x0], $0xffff;
	v5 =	vadd.s32 v6, v5  }
0x95: {  	v56 =	vmov s31;
	v6 =	vld.idx.msk [tilespmem:v55+s11+$0x0], $0xffff;
	v5 =	vadd.s32 v7, v5  }
0x96: {  	v4 =	vld.idx.msk [tilespmem:v4+s11+$0x0], $0xffff;
	v7 =	vshll.u32 v56, $0x4;
	v5 =	vadd.s32 v8, v5  }
0x97: {  	v7 =	vor.u32 v3, v7;
	v5 =	vadd.s32 v9, v5  }
0x98: {  	v8 =	vor.u32 $0x1, v7;
	v5 =	vadd.s32 v11, v5  }
0x99: {  	v5 =	vadd.s32 v10, v5  }
0x9a: {  	v9 =	vor.u32 $0x2, v7;
	v5 =	vadd.s32 v6, v5  }
0x9b: {  	s16 =	simm.s32 $0x10000;
	v6 =	vor.u32 $0x3, v7;
	v4 =	vadd.s32 v4, v5  }
0x9c: {  	v5 =	vor.u32 $0x4, v7;
	[tilespmem:s16+$0x0] =	vst v4  }
0x9d: {  	v4 =	vld.idx.msk [tilespmem:v8+s11+$0x0], $0xffff;
	v8 =	vor.u32 $0x5, v7  }
0x9e: {  	v11 =	vor.u32 $0x6, v7;
	v10 =	vld.idx.msk [tilespmem:v7+s11+$0x0], $0xffff  }
0x9f: {  	v57 =	vor.u32 $0x7, v7;
	v9 =	vld.idx.msk [tilespmem:v9+s11+$0x0], $0xffff  }
0xa0: {  	v58 =	vor.u32 $0x8, v7;
	v6 =	vld.idx.msk [tilespmem:v6+s11+$0x0], $0xffff  }
0xa1: {  	v59 =	vor.u32 $0x9, v7;
	v5 =	vld.idx.msk [tilespmem:v5+s11+$0x0], $0xffff  }
0xa2: {  	v60 =	vor.u32 $0xA, v7;
	v8 =	vld.idx.msk [tilespmem:v8+s11+$0x0], $0xffff  }
0xa3: {  	v61 =	vor.u32 $0xB, v7;
	v11 =	vld.idx.msk [tilespmem:v11+s11+$0x0], $0xffff;
	v4 =	vadd.s32 v10, v4  }
0xa4: {  	v62 =	vor.u32 $0xC, v7;
	v10 =	vld.idx.msk [tilespmem:v57+s11+$0x0], $0xffff;
	v4 =	vadd.s32 v9, v4  }
0xa5: {  	v63 =	vor.u32 $0xD, v7;
	v9 =	vld.idx.msk [tilespmem:v58+s11+$0x0], $0xffff;
	v4 =	vadd.s32 v6, v4  }
0xa6: {  	v17 =	vor.u32 $0xE, v7;
	v14 =	vld.idx.msk [tilespmem:v59+s11+$0x0], $0xffff;
	v4 =	vadd.s32 v5, v4  }
0xa7: {  	v18 =	vor.u32 $0xF, v7;
	v15 =	vld.idx.msk [tilespmem:v60+s11+$0x0], $0xffff;
	v5 =	vadd.s32 v8, v4  }
0xa8: {  	v4 =	vld.idx.msk [tilespmem:v61+s11+$0x0], $0xffff;
	v6 =	vadd.s32 v11, v5  }
0xa9: {  	v5 =	vld.idx.msk [tilespmem:v62+s11+$0x0], $0xffff;
	v7 =	vadd.s32 v10, v6  }
0xaa: {  	s17 =	simm.s32 $0x20;
	v6 =	vld.idx.msk [tilespmem:v63+s11+$0x0], $0xffff;
	v8 =	vadd.s32 v9, v7  }
0xab: {  	v7 =	vld.idx.msk [tilespmem:v17+s11+$0x0], $0xffff;
	v9 =	vmov s17;
	v10 =	vadd.s32 v14, v8  }
0xac: {  	s17 =	simm.s32 $0x30;
	v8 =	vld.idx.msk [tilespmem:v18+s11+$0x0], $0xffff;
	v9 =	vshll.u32 v9, $0x4;
	v10 =	vadd.s32 v15, v10  }
.LBB2_16:
0xad: {  	p0 =	sne.s32 s17, $0x7F0;
	v9 =	vor.u32 v3, v9;
	v4 =	vadd.s32 v4, v10  }
0xae: {  	v10 =	vor.u32 $0x1, v9;
	v4 =	vadd.s32 v5, v4  }
0xaf: {  	v4 =	vadd.s32 v6, v4  }
0xb0: {  	v5 =	vor.u32 $0x2, v9;
	v4 =	vadd.s32 v7, v4  }
0xb1: {  	s16 =	sadd.s32 $0x10, s16;
	v6 =	vor.u32 $0x3, v9;
	v4 =	vadd.s32 v8, v4  }
0xb2: {  	v7 =	vor.u32 $0x4, v9;
	[tilespmem:s16+$0x0] =	vst v4  }
0xb3: {  	v8 =	vor.u32 $0x5, v9;
	v4 =	vld.idx.msk [tilespmem:v10+s11+$0x0], $0xffff  }
0xb4: {  	v11 =	vor.u32 $0x6, v9;
	v10 =	vld.idx.msk [tilespmem:v9+s11+$0x0], $0xffff  }
0xb5: {  	v12 =	vor.u32 $0x7, v9;
	v5 =	vld.idx.msk [tilespmem:v5+s11+$0x0], $0xffff  }
0xb6: {  	v13 =	vor.u32 $0x8, v9;
	v6 =	vld.idx.msk [tilespmem:v6+s11+$0x0], $0xffff  }
0xb7: {  	v14 =	vor.u32 $0x9, v9;
	v7 =	vld.idx.msk [tilespmem:v7+s11+$0x0], $0xffff  }
0xb8: {  	v15 =	vor.u32 $0xA, v9;
	v8 =	vld.idx.msk [tilespmem:v8+s11+$0x0], $0xffff  }
0xb9: {  	v16 =	vor.u32 $0xB, v9;
	v11 =	vld.idx.msk [tilespmem:v11+s11+$0x0], $0xffff  }
0xba: {  	v4 =	vadd.s32 v10, v4;
	v10 =	vld.idx.msk [tilespmem:v12+s11+$0x0], $0xffff;
	v12 =	vor.u32 $0xC, v9  }
0xbb: {  	v17 =	vor.u32 $0xD, v9;
	v4 =	vadd.s32 v5, v4;
	v13 =	vld.idx.msk [tilespmem:v13+s11+$0x0], $0xffff  }
0xbc: {  	v18 =	vor.u32 $0xE, v9;
	v4 =	vadd.s32 v6, v4;
	v14 =	vld.idx.msk [tilespmem:v14+s11+$0x0], $0xffff  }
0xbd: {  	v9 =	vor.u32 $0xF, v9;
	v4 =	vadd.s32 v7, v4;
	v15 =	vld.idx.msk [tilespmem:v15+s11+$0x0], $0xffff  }
0xbe: {  	v5 =	vadd.s32 v8, v4;
	v4 =	vld.idx.msk [tilespmem:v16+s11+$0x0], $0xffff  }
.Ltmp9:
0xbf: {  	v6 =	vadd.s32 v11, v5;
	v5 =	vld.idx.msk [tilespmem:v12+s11+$0x0], $0xffff;
	(pc) =	sbr.rel @p0 .LBB2_16-.Ltmp9, $4  }
0xc0: {  	v7 =	vadd.s32 v10, v6;
	v6 =	vld.idx.msk [tilespmem:v17+s11+$0x0], $0xffff  }
0xc1: {  	v8 =	vadd.s32 v13, v7;
	v7 =	vld.idx.msk [tilespmem:v18+s11+$0x0], $0xffff  }
0xc2: {  	v10 =	vmov s17;
	v11 =	vadd.s32 v14, v8;
	v8 =	vld.idx.msk [tilespmem:v9+s11+$0x0], $0xffff  }
0xc3: {  	s17 =	sadd.s32 $0x10, s17;
	v9 =	vshll.u32 v10, $0x4;
	v10 =	vadd.s32 v15, v11  }
0xc4: {  	v9 =	vor.u32 v3, v9;
	v4 =	vadd.s32 v4, v10  }
0xc5: {  	v49 =	vor.u32 $0x1, v9;
	v4 =	vadd.s32 v5, v4  }
0xc6: {  	v4 =	vadd.s32 v6, v4  }
0xc7: {  	v5 =	vor.u32 $0x2, v9;
	v4 =	vadd.s32 v7, v4  }
0xc8: {  	s16 =	sadd.s32 $0x10, s16;
	v50 =	vor.u32 $0x3, v9;
	v4 =	vadd.s32 v8, v4  }
0xc9: {  	v51 =	vor.u32 $0x4, v9;
	[tilespmem:s16+$0x0] =	vst v4  }
0xca: {  	v52 =	vor.u32 $0x5, v9;
	v4 =	vld.idx.msk [tilespmem:v49+s11+$0x0], $0xffff  }
0xcb: {  	v11 =	vor.u32 $0x6, v9;
	v53 =	vld.idx.msk [tilespmem:v9+s11+$0x0], $0xffff  }
0xcc: {  	v12 =	vor.u32 $0x7, v9;
	v5 =	vld.idx.msk [tilespmem:v5+s11+$0x0], $0xffff  }
0xcd: {  	v13 =	vor.u32 $0x8, v9;
	v6 =	vld.idx.msk [tilespmem:v50+s11+$0x0], $0xffff  }
0xce: {  	v14 =	vor.u32 $0x9, v9;
	v7 =	vld.idx.msk [tilespmem:v51+s11+$0x0], $0xffff  }
0xcf: {  	v15 =	vor.u32 $0xA, v9;
	v8 =	vld.idx.msk [tilespmem:v52+s11+$0x0], $0xffff  }
0xd0: {  	v16 =	vor.u32 $0xB, v9;
	v11 =	vld.idx.msk [tilespmem:v11+s11+$0x0], $0xffff;
	v4 =	vadd.s32 v53, v4  }
0xd1: {  	v55 =	vor.u32 $0xC, v9;
	v54 =	vld.idx.msk [tilespmem:v12+s11+$0x0], $0xffff;
	v4 =	vadd.s32 v5, v4  }
0xd2: {  	v56 =	vor.u32 $0xD, v9;
	v5 =	vld.idx.msk [tilespmem:v13+s11+$0x0], $0xffff;
	v4 =	vadd.s32 v6, v4  }
0xd3: {  	v58 =	vor.u32 $0xE, v9;
	v57 =	vld.idx.msk [tilespmem:v14+s11+$0x0], $0xffff;
	v4 =	vadd.s32 v7, v4  }
0xd4: {  	v59 =	vld.idx.msk [tilespmem:v15+s11+$0x0], $0xffff;
	v9 =	vor.u32 $0xF, v9;
	v4 =	vadd.s32 v8, v4  }
0xd5: {  	v60 =	vld.idx.msk [tilespmem:v16+s11+$0x0], $0xffff;
	v4 =	vadd.s32 v11, v4  }
0xd6: {  	v61 =	vld.idx.msk [tilespmem:v55+s11+$0x0], $0xffff;
	v4 =	vadd.s32 v54, v4  }
0xd7: {  	v62 =	vld.idx.msk [tilespmem:v56+s11+$0x0], $0xffff;
	v4 =	vadd.s32 v5, v4  }
0xd8: {  	v5 =	vld.idx.msk [tilespmem:v58+s11+$0x0], $0xffff;
	v4 =	vadd.s32 v57, v4  }
0xd9: {  	v63 =	vld.idx.msk [tilespmem:v9+s11+$0x0], $0xffff;
	v4 =	vadd.s32 v59, v4  }
0xda: {  	v4 =	vadd.s32 v60, v4  }
0xdb: {  	v4 =	vadd.s32 v61, v4  }
0xdc: {  	v4 =	vadd.s32 v62, v4  }
0xdd: {  	s15 =	sadd.s32 $0x1, s15;
	v4 =	vadd.s32 v5, v4  }
0xde: {  	p0 =	sne.s32 s15, s8;
	s16 =	sadd.s32 $0x10, s16;
	v4 =	vadd.s32 v63, v4  }
.Ltmp10:
0xdf: {  	[tilespmem:s16+$0x0] =	vst v4;
	(pc) =	sbr.rel @p0 .LBB2_1-.Ltmp10, $4  }
0xe0: {  	[hbm4b:s7+s12] =	stream.strided.scatter [tilespmem:s14], [sflag:$0x3], $0x800, s13, s12, $0x38;
	[tilespmem:$0x10880] =	vst v63  }
0xe1: {  	_ =	swait.ge [sflag:s10], $0x800  }
0xe2: {  	[sflag:s10] =	ssyncset.done $0x0  }
0xe3: {  	[sflag:s10] =	ssyncadd.s32 $0xFFFFF800  }
0xe4: {  	_ =	sfence.sel $0x180000  }
0xe5: {  	[bflag:$0x0] =	sbarrier.arrive $0xFFFF  }
0xe6: {  	p0 =	sne.s32 s1, $0x0;
	_ =	strace $0x9000004A  }
0xe7: {  	s0 =	sadd.s32 @!p0 $0x100000, s0;
	[bflag:$0x2] =	sbarrier.arrive $0xFFFF  }
0xe8: {  	[sflag:s0] =	ssyncadd.tile.s32 @!p0 $0x1;
	_ =	shalt  }
.Lfunc_end2:
_tile_overlayer_lowered:
.L_overlay_start_2:
0xe9: {  	(tag) =	ssettag $0x2  }
0xea: {  	s0 =	rddreg [dreg:$0x0];
	s2 =	stileid.u32  }
0xeb: {  	s1 =	rddreg [dreg:$0x1];
	p0 =	sne.s32 s2, $0x0  }
0xec: {  	s3 =	rddreg [dreg:$0x2];
	[bflag:$0x3] =	sbarrier.arrive $0xFFFF;
	s2 =	simm.s32 @!p0 $0x1C03  }
0xed: {  	[timem:s3], [sflag:s2] =	dma.local @!p0 [hbm:s0], s1  }
0xee: {  	s0 =	simm.s32 @!p0 $0x3  }
0xef: {  	_ =	swait.ge @!p0 [sflag:s0], s1  }
0xf0: {  	s1 =	ssub.s32 @!p0 $0x0, s1;
	[sflag:s0] =	ssyncset.done @!p0 $0x0  }
0xf1: {  	[sflag:s0] =	ssyncadd.s32 @!p0 s1  }
0xf2: {  	[bflag:$0x3] =	sbarrier.arrive $0xFFFF  }
0xf3: {  	_ =	shalt  }

// kernel: kernel.15.cloned.1.call-start
scs
__scs_entry_jumppad:
0x0: {  	(pc) =	sbr.rel $0x88, $3  }
0x1: {  	(tag) =	ssettag $0x0;
	lr =	simm.s32 $0x1  }
0x2: {  	[smem:$0x3F9F] =	sst lr;
	_ =	strace $0xD0000000  }
0x3: {  	_ = 	snop  }
0x4: {  	_ = 	snop  }
0x5: {  	_ = 	snop  }
0x6: {  	_ = 	snop  }
0x7: {  	_ = 	snop  }
__scs_overlays_trampoline_lowered:
0x8: {  	[smem:$0x3FAE] =	sst s0  }
0x9: {  	[smem:$0x3FAF] =	sst s1  }
0xa: {  	[smem:$0x3FB0] =	sst s2  }
0xb: {  	[smem:$0x3FB1] =	sst s3  }
0xc: {  	[smem:$0x3FB2] =	sst s4  }
0xd: {  	[smem:$0x3FB3] =	sst s5  }
0xe: {  	[smem:$0x3FB4] =	sst s6  }
0xf: {  	[smem:$0x3FB5] =	sst s7  }
0x10: {  	[smem:$0x3FB6] =	sst s8  }
0x11: {  	[smem:$0x3FB7] =	sst s9;
	s0 =	simm.s32 @!p0 $0x0  }
0x12: {  	s1 =	sld [smem:$0x3F9D];
	s0 =	simm.s32 @p0 $0x1  }
0x13: {  	[smem:$0x3FB8] =	sst s0;
	s0 =	simm.s32 @!p1 $0x0  }
0x14: {  	s2 =	sld [smem:$0x3F9C];
	s0 =	simm.s32 @p1 $0x1  }
0x15: {  	[smem:$0x3FB9] =	sst s0;
	s0 =	simm.s32 @!p2 $0x0  }
0x16: {  	s3 =	sld [smem:$0x3FDB];
	s0 =	simm.s32 @p2 $0x1  }
0x17: {  	s4 =	simm.s32 $0x1BF5;
	[smem:$0x3FBB] =	sst s0  }
0x18: {  	s0 =	sld [smem:$0x3F9E];
	_ =	swait.ge [sflag:s4], $0x0  }
0x19: {  	s7 =	sld [smem:$0x3F9F]  }
0x1a: {  	s8 =	sadd.s32 $0xFFFFE003, lr  }
0x1b: {  	s9 =	sadd.s32 $0xFFFFFEF7, lr;
	s5 =	simm.s32 $0xFFFFFFFF;
	p2 =	slt.u32 s8, $0xFFFFF086  }
0x1c: {  	p1 =	slt.u32 s9, $0xF7A;
	s5 =	simm.s32 @!p2 $0x0  }
0x1d: {  	s5 =	simm.s32 @p1 $0x1;
	p0 =	seq.s32 s7, s2  }
0x1e: {  	s7 =	smul.u32 @!p0 $0xF7A, s2;
	p2 =	seq.s32 @!p0 s5, $0x0  }
0x1f: {  	s9 =	smul.u32 $0xF7A, s1;
	s8 =	simm.s32 @!p0 $0x1BF5;
	p2 =	por !p2, p0  }
0x20: {  	[sflag:s8] =	ssyncset.s32 @!p0 $0xFFFFF086;
	s6 =	sadd.s32 @!p0 s3, s7;
	s7 =	simm.s32 @!p0 $0x108  }
0x21: {  	s3 =	sadd.s32 s3, s9;
	s6 =	sadd.s32 @!p0 $0x88, s6;
	s7 =	simm.s32 @p2 $0x1082  }
0x22: {  	[simem:s7], [sflag:s8] =	dma.local @!p0 [hbm:s6], $0xF7A  }
0x23: {  	s9 =	sor.u32 $0xD0000000, s2;
	s6 =	simm.s32 $0x108;
	_ =	swait.ge @!p0 [sflag:s8], $0x0  }
0x24: {  	s3 =	sadd.s32 $0x88, s3;
	s6 =	simm.s32 @!p1 $0x1082;
	[sflag:s4] =	ssyncset.s32 $0xFFFFF086  }
0x25: {  	[simem:s6], [sflag:s4] =	dma.local [hbm:s3], $0xF7A  }
0x26: {  	[smem:$0x3F9F] =	sst s1;
	(tag) =	ssettag s2;
	_ =	strace s9  }
0x27: {  	s1 =	sld [smem:$0x3FAF]  }
0x28: {  	s2 =	sld [smem:$0x3FB0]  }
0x29: {  	s4 =	sld [smem:$0x3FB2]  }
0x2a: {  	p0 =	seq.s32 s5, $0x0;
	s5 =	sld [smem:$0x3FB3]  }
0x2b: {  	s6 =	sld [smem:$0x3FB4]  }
0x2c: {  	s7 =	sld [smem:$0x3FB5]  }
0x2d: {  	s3 =	simm.s32 $0x108;
	s8 =	sld [smem:$0x3FB6]  }
0x2e: {  	s3 =	simm.s32 @!p0 $0x1082;
	s9 =	sld [smem:$0x3FB7]  }
0x2f: {  	lr =	sadd.s32 s0, s3;
	s0 =	sld [smem:$0x3FAE]  }
0x30: {  	s3 =	sld [smem:$0x3FB1]  }
0x31: {  	[smem:$0x3FBA] =	sst s10  }
0x32: {  	s10 =	sld [smem:$0x3FB8];
	_ =	sdelay $0x3  }
0x33: {  	p0 =	seq.s32 s10, $0x1;
	s10 =	sld [smem:$0x3FBA];
	_ =	sdelay $0x3  }
0x34: {  	[smem:$0x3FBA] =	sst s10  }
0x35: {  	s10 =	sld [smem:$0x3FB9];
	_ =	sdelay $0x3  }
0x36: {  	p1 =	seq.s32 s10, $0x1;
	s10 =	sld [smem:$0x3FBA];
	_ =	sdelay $0x3  }
0x37: {  	[smem:$0x3FBA] =	sst s10  }
0x38: {  	s10 =	sld [smem:$0x3FBB]  }
0x39: {  	_ = 	snop;
	(pc) =	sbr.ind lr, $3  }
0x3a: {  	_ = 	snop  }
0x3b: {  	_ = 	snop  }
0x3c: {  	p2 =	seq.s32 s10, $0x1;
	s10 =	sld [smem:$0x3FBA]  }
0x3d: {  	_ =	shalt  }
0x3e: {  	_ =	shalt  }
0x3f: {  	_ =	shalt  }
0x40: {  	_ =	shalt  }
0x41: {  	_ =	shalt  }
0x42: {  	_ =	shalt  }
0x43: {  	_ =	shalt  }
0x44: {  	_ =	shalt  }
0x45: {  	_ =	shalt  }
0x46: {  	_ =	shalt  }
0x47: {  	_ =	shalt  }
0x48: {  	_ =	shalt  }
0x49: {  	_ =	shalt  }
0x4a: {  	_ =	shalt  }
0x4b: {  	_ =	shalt  }
0x4c: {  	_ =	shalt  }
0x4d: {  	_ =	shalt  }
0x4e: {  	_ =	shalt  }
0x4f: {  	_ =	shalt  }
0x50: {  	_ =	shalt  }
0x51: {  	_ =	shalt  }
0x52: {  	_ =	shalt  }
0x53: {  	_ =	shalt  }
0x54: {  	_ =	shalt  }
0x55: {  	_ =	shalt  }
0x56: {  	_ =	shalt  }
0x57: {  	_ =	shalt  }
0x58: {  	_ =	shalt  }
0x59: {  	_ =	shalt  }
0x5a: {  	_ =	shalt  }
0x5b: {  	_ =	shalt  }
0x5c: {  	_ =	shalt  }
0x5d: {  	_ =	shalt  }
0x5e: {  	_ =	shalt  }
0x5f: {  	_ =	shalt  }
0x60: {  	_ =	shalt  }
0x61: {  	_ =	shalt  }
0x62: {  	_ =	shalt  }
0x63: {  	_ =	shalt  }
0x64: {  	_ =	shalt  }
0x65: {  	_ =	shalt  }
0x66: {  	_ =	shalt  }
0x67: {  	_ =	shalt  }
0x68: {  	_ =	shalt  }
0x69: {  	_ =	shalt  }
0x6a: {  	_ =	shalt  }
0x6b: {  	_ =	shalt  }
0x6c: {  	_ =	shalt  }
0x6d: {  	_ =	shalt  }
0x6e: {  	_ =	shalt  }
0x6f: {  	_ =	shalt  }
0x70: {  	_ =	shalt  }
0x71: {  	_ =	shalt  }
0x72: {  	_ =	shalt  }
0x73: {  	_ =	shalt  }
0x74: {  	_ =	shalt  }
0x75: {  	_ =	shalt  }
0x76: {  	_ =	shalt  }
0x77: {  	_ =	shalt  }
0x78: {  	_ =	shalt  }
0x79: {  	_ =	shalt  }
0x7a: {  	_ =	shalt  }
0x7b: {  	_ =	shalt  }
0x7c: {  	_ =	shalt  }
0x7d: {  	_ =	shalt  }
0x7e: {  	_ =	shalt  }
0x7f: {  	_ =	shalt  }
0x80: {  	_ =	shalt  }
0x81: {  	_ =	shalt  }
0x82: {  	_ =	shalt  }
0x83: {  	_ =	shalt  }
0x84: {  	_ =	shalt  }
0x85: {  	_ =	shalt  }
0x86: {  	_ =	shalt  }
0x87: {  	_ =	shalt  }
.Lfunc_end0:
.L_simem_size_0:
called_computation.2_lowered:
.L_overlay_start_0:
0x88: {  	s2 =	sld [smem:$0x3FD9]  }
0x89: {  	s3 =	sld [smem:$0x3FFE];
	_ =	sdelay $0x1  }
0x8a: {  	s1 =	srdreg.scid  }
0x8b: {  	s0 =	sand.u32 $0x1, s1  }
0x8c: {  	s17 =	sshll.u32 s0, $0xA;
	s2 =	sadd.s32 s3, s2  }
0x8d: {  	s2 =	sadd.s32 s2, s17  }
0x8e: {  	[smem:$0x3FC6] =	sst s2  }
0x8f: {  	_ = 	snop  }
0x90: {  	s2 =	sld [smem:$0x3FD0];
	(tm) =	ssettm $0x1  }
0x91: {  	s18 =	sld [smem:$0x3FFB];
	_ =	sdelay $0x3  }
0x92: {  	_ =	strace s18  }
0x93: {  	s3 =	sld [smem:$0x3FFC];
	_ =	sdelay $0x3  }
0x94: {  	_ =	strace s3  }
0x95: {  	s3 =	sld [smem:$0x3FFD];
	_ =	sdelay $0x3  }
0x96: {  	_ =	strace s3  }
0x97: {  	_ =	strace $0x8FFFFFFF  }
0x98: {  	s19 =	sld [smem:$0x3FDB];
	_ =	sdelay $0x1  }
0x99: {  	s4 =	simm.s32 $_scs_section_size  }
0x9a: {  	s5 =	simm.s32 $_size__tile_overlayer_lowered;
	s6 =	simm.s32 $_tile_overlayer_lowered  }
0x9b: {  	s22 =	simm.s32 $0x1BFF;
	s21 =	sshll.u32 s6, $0x1;
	s3 =	sadd.s32 s4, s19  }
0x9c: {  	s7 =	simm.s32 $0x0;
	s20 =	sshll.u32 s5, $0x1;
	s5 =	sadd.s32 s21, s3  }
0x9d: {  	[timem:s7], [sflag:s22] =	dma.local [hbm:s5], s20  }
0x9e: {  	_ =	swait.ge [sflag:s22], s20  }
0x9f: {  	s4 =	ssub.s32 $0x0, s20;
	[sflag:s22] =	ssyncset.done $0x0  }
0xa0: {  	[sflag:s22] =	ssyncadd.s32 s4;
	_ =	sdelay $0x1  }
0xa1: {  	s23 =	simm.s32 $0x1B8B  }
0xa2: {  	_ =	swait.ge [sflag:s23], $0x1  }
0xa3: {  	[sflag:s23] =	ssyncset.done $0x0  }
0xa4: {  	s25 =	simm.s32 $0x1B8E;
	s24 =	sld [smem:$0x3FFE];
	[sflag:s23] =	ssyncadd.s32 $0xFFFFFFFF  }
0xa5: {  	s26 =	simm.s32 $execute0_lowered;
	[smem:$0x3FD2] =	sst s25  }
0xa6: {  	s5 =	sshll.u32 s26, $0x1;
	_ =	strace $0x8000004C;
	[dreg:$0x1] =	wrdreg $0xFFFFFFFF  }
0xa7: {  	s28 =	simm.s32 $_size_execute0_lowered;
	s3 =	sadd.s32 s3, s5;
	[dreg:$0x0] =	wrdreg $0x0  }
0xa8: {  	s5 =	sshll.u32 s28, $0x1;
	[dreg:$0x2] =	wrdreg s3  }
0xa9: {  	[dreg:$0x3] =	wrdreg s5  }
0xaa: {  	[dreg:$0x4] =	wrdreg $0xC0  }
0xab: {  	_ =	task [dreg:s7], $0x5FFFF  }
0xac: {  	[dreg:$0x1] =	wrdreg $0xFFFFFFFF  }
0xad: {  	[dreg:$0x0] =	wrdreg $0x60  }
0xae: {  	[dreg:$0x2] =	wrdreg s24  }
0xaf: {  	[dreg:$0x3] =	wrdreg s2  }
0xb0: {  	[dreg:$0x4] =	wrdreg $0x9  }
0xb1: {  	_ =	task.clear_ibuf [dreg:s7], $0x5FFFF;
	_ =	strace $0x9000004C  }
0xb2: {  	s29 =	simm.s32 $0x9;
	_ =	strace $0x8000004E  }
0xb3: {  	_ =	swait.ge [sflag:s29], $0x1  }
0xb4: {  	[sflag:s29] =	ssyncadd.s32 $0xFFFFFFFF  }
0xb5: {  	_ =	strace $0x9000004E  }
0xb6: {  	_ =	sfence  }
0xb7: {  	s30 =	sld [smem:$0x0];
	_ =	sdelay $0x2  }
0xb8: {  	s31 =	sshll.u32 s1, $0xD;
	s1 =	sshrl.u32 s1, $0x2  }
0xb9: {  	s3 =	sand.u32 $0x4000, s31;
	s1 =	sadd.s32 s1, s30  }
0xba: {  	s0 =	sor.u32 s3, s0;
	s1 =	sshll.u32 s1, $0x11  }
0xbb: {  	s0 =	sor.u32 s1, s0  }
0xbc: {  	s0 =	sadd.s32 $0x8F2B, s0  }
0xbd: {  	[sflag:s0] =	ssyncadd.remote.s32 $0x1  }
0xbe: {  	_ =	sfence.sel $0xFFFF  }
0xbf: {  	[dreg:$0x0] =	wrdreg $0xFFFFFFFF;
	(pc) =	sbr.abs _section_cstart, $3  }
0xc0: {  	[dreg:$0x1] =	wrdreg $0xFFFFFFFF  }
0xc1: {  	_ =	task.clear_ibuf [dreg:s7], $0x2FFFF;
	_ =	strace $0x9FFFFFFF  }
0xc2: {  	(tm) =	ssettm $0x7FFFFFFF  }
0xc3: {  	_ =	shalt  }
tec
execute0_lowered:
.L_overlay_start_1:
0x0: {  	(tag) =	ssettag $0x1  }
0x1: {  	s4 =	rddreg [dreg:$0x0]  }
0x2: {  	s2 =	rddreg [dreg:$0x1]  }
0x3: {  	s0 =	rddreg [dreg:$0x2];
	s5 =	srdreg.scid  }
0x4: {  	s1 =	stileid.u32;
	s3 =	simm.s32 $0x0;
	s11 =	simm.s32 $0x8000  }
0x5: {  	s12 =	simm.s32 $0x80;
	s13 =	simm.s32 $0x400;
	s14 =	simm.s32 $0xC000  }
0x6: {  	s15 =	simm.s32 $0x0;
	s5 =	sand.u32 $0x1, s5;
	s6 =	sshll.u32 s1, $0x1  }
0x7: {  	[smem:$0x7FF] =	sst s3;
	s8 =	sshll.u32 s1, $0x8;
	s6 =	sor.u32 s5, s6  }
0x8: {  	_ =	strace $0x8000004D;
	s8 =	sand.u32 $0xC00, s8;
	s5 =	ssub.s32 $0x2, s5  }
0x9: {  	s7 =	sshll.u32 s6, $0xD;
	s8 =	sadd.s32 s8, s4;
	s30 =	sshrl.u32 s5, $0x1  }
0xa: {  	s6 =	sshll.u32 s6, $0x4;
	s7 =	sadd.s32 s7, s4;
	s9 =	ssub.s32 s5, s30  }
0xb: {  	v0 =	vlaneseq.u32;
	s10 =	sand.u32 $0x70, s6;
	s4 =	sadd.s32 $0x2600, s7;
	s5 =	sadd.s32 $0x2E00, s7  }
0xc: {  	v3 =	vmul.u32 $0x10, v0;
	s6 =	sadd.s32 $0x3600, s7;
	s31 =	sadd.s32 s10, s8;
	s8 =	smax.u32 s9, $0x1  }
0xd: {  	v1 =	vimm.s32 $0x0;
	v2 =	vimm.s32 $0x1;
	s9 =	simm.s32 $0xC400;
	s10 =	simm.s32 $0x3;
	s7 =	sadd.s32 $0x42600, s31  }
.LBB2_1:
0xe: {  	[tilespmem:s9], [sflag:$0x3] =	stream.linear.gather [hbm4b:s2+s3], $0x80, $0x38;
	[tilespmem:$0xC480] =	vst v63  }
0xf: {  	_ =	swait.ge [sflag:s10], $0x80  }
0x10: {  	[sflag:s10] =	ssyncset.done $0x0  }
0x11: {  	[sflag:s10] =	ssyncadd.s32 $0xFFFFFF80  }
0x12: {  	s16 =	simm.s32 $0x0;
	s17 =	simm.s32 $0x200;
	v4 =	vld [tilespmem:$0xC400]  }
.LBB2_2:
0x13: {  	p0 =	sne.s32 s17, $0xFE00;
	[tilespmem:s16+$0x8070] =	vst v1  }
0x14: {  	[tilespmem:s16+$0x8000] =	vst v1  }
0x15: {  	[tilespmem:s16+$0x8010] =	vst v1  }
.Ltmp0:
0x16: {  	[tilespmem:s16+$0x8020] =	vst v1;
	(pc) =	sbr.rel @p0 .LBB2_2-.Ltmp0, $4  }
0x17: {  	[tilespmem:s16+$0x8030] =	vst v1  }
0x18: {  	[tilespmem:s16+$0x8040] =	vst v1  }
0x19: {  	[tilespmem:s16+$0x8050] =	vst v1  }
0x1a: {  	[tilespmem:s16+$0x8060] =	vst v1;
	s16 =	sshra.s32 s17, $0x2;
	s17 =	sadd.s32 $0x200, s17  }
0x1b: {  	[tilespmem:s16+$0x8070] =	vst v1  }
0x1c: {  	[tilespmem:s16+$0x8000] =	vst v1  }
0x1d: {  	[tilespmem:s16+$0x8010] =	vst v1  }
0x1e: {  	[tilespmem:s16+$0x8020] =	vst v1  }
0x1f: {  	[tilespmem:s16+$0x8030] =	vst v1  }
0x20: {  	[tilespmem:s16+$0x8040] =	vst v1  }
0x21: {  	[tilespmem:s16+$0x8050] =	vst v1;
	s17 =	simm.s32 $0x0  }
0x22: {  	[tilespmem:s16+$0x8060] =	vst v1;
	s16 =	simm.s32 $0x10;
	s19 =	sadd.s32 $0x0, s4;
	s18 =	simm.s32 $0x100  }
.LBB2_4:
0x23: {  	[tilespmem:s17], [sflag:$0x1] =	stream.linear.gather [hbm4b:s19+s3], $0x80, $0x38;
	[tilespmem:$0xC480] =	vst v63  }
0x24: {  	s19 =	smov.u32 s16;
	s17 =	smov.u32 s18;
	p0 =	sne.s32 s16, $0x7F0  }
.Ltmp1:
0x25: {  	s16 =	sadd.s32 $0x10, s16;
	(pc) =	sbr.rel @p0 .LBB2_4-.Ltmp1, $2  }
0x26: {  	_ =	sdelay $0x2  }
0x27: {  	s18 =	sadd.s32 $0x100, s18;
	s19 =	sadd.s32 s19, s4  }
0x28: {  	[tilespmem:s17], [sflag:$0x1] =	stream.linear.gather [hbm4b:s19+s3], $0x80, $0x38;
	[tilespmem:$0xC480] =	vst v63  }
0x29: {  	s16 =	simm.s32 $0x80  }
0x2a: {  	s17 =	simm.s32 $0x10;
	s19 =	sadd.s32 $0x0, s5;
	s18 =	simm.s32 $0x180  }
.LBB2_6:
0x2b: {  	[tilespmem:s16], [sflag:$0x2] =	stream.linear.gather [hbm4b:s19+s3], $0x80, $0x38;
	[tilespmem:$0xC480] =	vst v63  }
0x2c: {  	s19 =	smov.u32 s17;
	s16 =	smov.u32 s18;
	p0 =	seq.s32 s17, $0x7F0  }
.Ltmp2:
0x2d: {  	s17 =	sadd.s32 $0x10, s17;
	(pc) =	sbr.rel @!p0 .LBB2_6-.Ltmp2, $2  }
0x2e: {  	_ =	sdelay $0x2  }
0x2f: {  	s18 =	sadd.s32 $0x100, s18;
	s19 =	sadd.s32 s19, s5  }
.Ltmp3:
0x30: {  	(pc) =	sbr.rel .LBB2_8-.Ltmp3, $3  }
0x31: {  	_ =	sdelay $0x1  }
0x32: {  	[tilespmem:s16], [sflag:$0x2] =	stream.linear.gather [hbm4b:s19+s3], $0x80, $0x38;
	[tilespmem:$0xC480] =	vst v63  }
0x33: {  	v4 =	vbroadcast v4, $0x0;
	s16 =	simm.s32 $0x0;
	p0 =	por $0x0, $0x0  }
.LBB2_14:
0x34: {  	s16 =	sadd.s32 $0x1, s16  }
0x35: {  	p1 =	sne.s32 s16, $0x4  }
.Ltmp4:
0x36: {  	_ = 	snop;
	(pc) =	sbr.rel @!p1 .LBB2_15-.Ltmp4, $2  }
0x37: {  	_ =	sdelay $0x2  }
0x38: {  	p0 =	por !p0, !p0  }
.LBB2_8:
0x39: {  	s17 =	simm.s32 $0x1  }
0x3a: {  	s17 =	simm.s32 @!p0 $0x0  }
0x3b: {  	s17 =	sshll.u32 s17, $0x7  }
0x3c: {  	s18 =	sor.u32 $0x40, s17  }
0x3d: {  	s19 =	sand.u32 $0x1, s16;
	v5 =	vmov s18  }
0x3e: {  	s18 =	sadd.s32 $0x1, s19  }
0x3f: {  	_ =	swait.ge [sflag:s18], $0x4000  }
0x40: {  	[sflag:s18] =	ssyncset.done $0x0  }
0x41: {  	s31 =	simm.s32 $0x0;
	[sflag:s18] =	ssyncadd.s32 $0xFFFFC000  }
0x42: {  	v6 =	vld.idx.msk [tilespmem:v5+s31+$0xFFFFFFC0 ss:$0x1], $0xffff  }
0x43: {  	v7 =	vld.idx.msk [tilespmem:v5+s31+$0xFFFFFFD0 ss:$0x1], $0xffff  }
0x44: {  	v9 =	vld.idx.msk [tilespmem:v5+s31+$0xFFFFFFF0 ss:$0x1], $0xffff  }
0x45: {  	v11 =	vld.idx.msk [tilespmem:v5+s31+$0x0 ss:$0x1], $0xffff  }
0x46: {  	v8 =	vld.idx.msk [tilespmem:v5+s31+$0xFFFFFFE0 ss:$0x1], $0xffff;
	_ =	sdelay $0x1  }
0x47: {  	v10 =	vshll.u32 v6, $0x4;
	v6 =	vshra.s32 v6, $0xA  }
0x48: {  	v13 =	vld.idx.msk [tilespmem:v5+s31+$0x10 ss:$0x1], $0xffff;
	v12 =	vshll.u32 v7, $0x4;
	v61 =	vshll.u32 v9, $0x4;
	v9 =	vshra.s32 v9, $0xA  }
0x49: {  	v62 =	vshll.u32 v11, $0x4;
	v10 =	vor.u32 v0, v10;
	vm2 =	veq.s32 v6, v4  }
0x4a: {  	v6 =	vshra.s32 v7, $0xA;
	v7 =	vshra.s32 v8, $0xA;
	v12 =	vor.u32 v0, v12  }
0x4b: {  	v14 =	vld.idx.msk [tilespmem:v5+s31+$0x30 ss:$0x1], $0xffff;
	v8 =	vshll.u32 v8, $0x4;
	vm5 =	veq.s32 v9, v4;
	v9 =	vshra.s32 v11, $0xA  }
0x4c: {  	v10 =	vand.u32 $0x3FFF, v10;
	vm3 =	veq.s32 v6, v4;
	vm4 =	veq.s32 v7, v4;
	v7 =	vld.idx.msk [tilespmem:v5+s31+$0x20 ss:$0x1], $0xffff  }
0x4d: {  	v11 =	vshra.s32 v13, $0xA;
	v6 =	vor.u32 v0, v8;
	v8 =	vand.u32 $0x3FFF, v12  }
0x4e: {  	vm1 =	veq.s32 v9, v4;
	v15 =	vand.u32 $0x3FFF, v6;
	v6 =	vor.u32 v0, v61  }
0x4f: {  	v9 =	vor.u32 v0, v62;
	v16 =	vand.u32 $0x3FFF, v6;
	v6 =	vshll.u32 v13, $0x4  }
0x50: {  	vm0 =	veq.s32 v11, v4;
	v11 =	vor.u32 v0, v6;
	v6 =	vand.u32 $0x3FFF, v9  }
0x51: {  	v9 =	vshll.u32 v14, $0x4;
	[tilespmem:v10+s11+$0x0] =	vst.idx.add.s32.msk vm2, v2;
	v10 =	vshra.s32 v7, $0xA;
	v63 =	vshll.u32 v7, $0x4  }
0x52: {  	v7 =	vand.u32 $0x3FFF, v11;
	[tilespmem:v8+s11+$0x0] =	vst.idx.add.s32.msk vm3, v2;
	v8 =	vor.u32 v0, v63;
	vm2 =	veq.s32 v10, v4  }
0x53: {  	v11 =	vshra.s32 v14, $0xA;
	v10 =	vor.u32 v0, v9;
	[tilespmem:v15+s11+$0x0] =	vst.idx.add.s32.msk vm4, v2;
	v9 =	vand.u32 $0x3FFF, v8  }
0x54: {  	s19 =	simm.s32 $0x400;
	vm3 =	veq.s32 v11, v4;
	v8 =	vand.u32 $0x3FFF, v10;
	[tilespmem:v16+s11+$0x0] =	vst.idx.add.s32.msk vm5, v2  }
.LBB2_9:
0x55: {  	p1 =	sne.s32 s19, $0x1FC00;
	s20 =	smov.u32 s19;
	s19 =	sadd.s32 $0x400, s19  }
0x56: {  	[tilespmem:v6+s11+$0x0] =	vst.idx.add.s32.msk vm1, v2  }
0x57: {  	[tilespmem:v7+s11+$0x0] =	vst.idx.add.s32.msk vm0, v2  }
0x58: {  	[tilespmem:v9+s11+$0x0] =	vst.idx.add.s32.msk vm2, v2;
	_ =	sdelay $0x1  }
0x59: {  	s20 =	sshra.s32 s20, $0x2;
	[tilespmem:v8+s11+$0x0] =	vst.idx.add.s32.msk vm3, v2  }
0x5a: {  	v6 =	vld.idx.msk [tilespmem:v5+s20+$0xFFFFFFC0 ss:$0x1], $0xffff  }
0x5b: {  	v7 =	vld.idx.msk [tilespmem:v5+s20+$0xFFFFFFD0 ss:$0x1], $0xffff  }
0x5c: {  	v8 =	vld.idx.msk [tilespmem:v5+s20+$0xFFFFFFE0 ss:$0x1], $0xffff;
	_ =	sdelay $0x1  }
0x5d: {  	v9 =	vld.idx.msk [tilespmem:v5+s20+$0xFFFFFFF0 ss:$0x1], $0xffff;
	_ =	sdelay $0x1  }
0x5e: {  	v11 =	vshll.u32 v6, $0x4;
	v6 =	vshra.s32 v6, $0xA;
	v10 =	vld.idx.msk [tilespmem:v5+s20+$0x0 ss:$0x1], $0xffff  }
0x5f: {  	v11 =	vor.u32 v0, v11;
	v13 =	vshll.u32 v7, $0x4;
	vm2 =	veq.s32 v6, v4;
	v12 =	vld.idx.msk [tilespmem:v5+s20+$0x10 ss:$0x1], $0xffff  }
0x60: {  	v6 =	vshra.s32 v7, $0xA;
	v7 =	vshra.s32 v8, $0xA;
	v11 =	vand.u32 $0x3FFF, v11  }
0x61: {  	v13 =	vor.u32 v0, v13;
	v8 =	vshll.u32 v8, $0x4;
	vm3 =	veq.s32 v6, v4;
	v14 =	vld.idx.msk [tilespmem:v5+s20+$0x20 ss:$0x1], $0xffff  }
0x62: {  	v6 =	vor.u32 v0, v8;
	vm4 =	veq.s32 v7, v4;
	v7 =	vand.u32 $0x3FFF, v13  }
0x63: {  	v13 =	vshll.u32 v9, $0x4;
	v9 =	vshra.s32 v9, $0xA;
	v6 =	vand.u32 $0x3FFF, v6;
	v8 =	vld.idx.msk [tilespmem:v5+s20+$0x30 ss:$0x1], $0xffff  }
0x64: {  	v13 =	vor.u32 v0, v13;
	vm5 =	veq.s32 v9, v4;
	v15 =	vshll.u32 v10, $0x4  }
0x65: {  	v9 =	vshra.s32 v10, $0xA;
	v13 =	vand.u32 $0x3FFF, v13;
	v10 =	vshra.s32 v12, $0xA  }
0x66: {  	v12 =	vshll.u32 v12, $0x4;
	vm1 =	veq.s32 v9, v4;
	vm0 =	veq.s32 v10, v4;
	[tilespmem:v11+s11+$0x0] =	vst.idx.add.s32.msk vm2, v2  }
.Ltmp5:
0x67: {  	v9 =	vor.u32 v0, v15;
	v10 =	vor.u32 v0, v12;
	v11 =	vshra.s32 v14, $0xA;
	[tilespmem:v7+s11+$0x0] =	vst.idx.add.s32.msk vm3, v2;
	(pc) =	sbr.rel @p1 .LBB2_9-.Ltmp5, $4  }
0x68: {  	v12 =	vshll.u32 v14, $0x4;
	v7 =	vand.u32 $0x3FFF, v10;
	[tilespmem:v6+s11+$0x0] =	vst.idx.add.s32.msk vm4, v2;
	v6 =	vand.u32 $0x3FFF, v9  }
0x69: {  	vm2 =	veq.s32 v11, v4;
	v9 =	vor.u32 v0, v12;
	v10 =	vshll.u32 v8, $0x4  }
0x6a: {  	v8 =	vshra.s32 v8, $0xA;
	v10 =	vor.u32 v0, v10;
	v9 =	vand.u32 $0x3FFF, v9;
	[tilespmem:v13+s11+$0x0] =	vst.idx.add.s32.msk vm5, v2  }
0x6b: {  	vm3 =	veq.s32 v8, v4;
	v8 =	vand.u32 $0x3FFF, v10  }
0x6c: {  	_ =	sdelay $0x2  }
0x6d: {  	p1 =	sgt.u32 s16, $0x1  }
.Ltmp6:
0x6e: {  	_ = 	snop;
	(pc) =	sbr.rel @p1 .LBB2_14-.Ltmp6, $4  }
0x6f: {  	[tilespmem:v6+s11+$0x0] =	vst.idx.add.s32.msk vm1, v2  }
0x70: {  	[tilespmem:v7+s11+$0x0] =	vst.idx.add.s32.msk vm0, v2  }
0x71: {  	[tilespmem:v9+s11+$0x0] =	vst.idx.add.s32.msk vm2, v2  }
0x72: {  	[tilespmem:v8+s11+$0x0] =	vst.idx.add.s32.msk vm3, v2  }
0x73: {  	s19 =	sshll.u32 s16, $0xB  }
0x74: {  	s19 =	sadd.s32 s19, s6  }
0x75: {  	s20 =	simm.s32 $0x10;
	s21 =	sadd.s32 $0x100, s17;
	s22 =	sadd.s32 $0x0, s19  }
.LBB2_12:
0x76: {  	[tilespmem:s17], [sflag:s18] =	stream.linear.gather [hbm4b:s22+s3], $0x80, $0x38;
	[tilespmem:$0xC480] =	vst v63  }
0x77: {  	s22 =	smov.u32 s20;
	s17 =	smov.u32 s21;
	p1 =	sne.s32 s20, $0x7F0  }
.Ltmp7:
0x78: {  	s20 =	sadd.s32 $0x10, s20;
	(pc) =	sbr.rel @p1 .LBB2_12-.Ltmp7, $2  }
0x79: {  	_ =	sdelay $0x2  }
0x7a: {  	s21 =	sadd.s32 $0x100, s21;
	s22 =	sadd.s32 s22, s19  }
.Ltmp8:
0x7b: {  	(pc) =	sbr.rel .LBB2_14-.Ltmp8, $2  }
0x7c: {  	_ =	sdelay $0x2  }
0x7d: {  	[tilespmem:s17], [sflag:s18] =	stream.linear.gather [hbm4b:s22+s3], $0x80, $0x38;
	[tilespmem:$0xC480] =	vst v63  }
.LBB2_15:
0x7e: {  	s16 =	simm.s32 $0x0  }
0x7f: {  	v4 =	vmov s16  }
0x80: {  	v4 =	vshll.u32 v4, $0x4  }
0x81: {  	v4 =	vor.u32 v3, v4  }
0x82: {  	v5 =	vor.u32 $0x1, v4  }
0x83: {  	v6 =	vor.u32 $0x2, v4  }
0x84: {  	v7 =	vor.u32 $0x3, v4  }
0x85: {  	v8 =	vor.u32 $0x4, v4  }
0x86: {  	v9 =	vor.u32 $0x5, v4;
	v10 =	vld.idx.msk [tilespmem:v4+s11+$0x0], $0xffff  }
0x87: {  	v11 =	vor.u32 $0x6, v4;
	v5 =	vld.idx.msk [tilespmem:v5+s11+$0x0], $0xffff  }
0x88: {  	v12 =	vor.u32 $0x7, v4;
	v6 =	vld.idx.msk [tilespmem:v6+s11+$0x0], $0xffff  }
0x89: {  	v13 =	vor.u32 $0x8, v4;
	v7 =	vld.idx.msk [tilespmem:v7+s11+$0x0], $0xffff  }
0x8a: {  	v14 =	vor.u32 $0x9, v4;
	v8 =	vld.idx.msk [tilespmem:v8+s11+$0x0], $0xffff  }
0x8b: {  	v15 =	vor.u32 $0xA, v4;
	v9 =	vld.idx.msk [tilespmem:v9+s11+$0x0], $0xffff  }
0x8c: {  	v16 =	vor.u32 $0xB, v4;
	v11 =	vld.idx.msk [tilespmem:v11+s11+$0x0], $0xffff;
	v5 =	vadd.s32 v10, v5  }
0x8d: {  	v53 =	vor.u32 $0xC, v4;
	v10 =	vld.idx.msk [tilespmem:v12+s11+$0x0], $0xffff;
	v5 =	vadd.s32 v6, v5  }
0x8e: {  	v54 =	vor.u32 $0xD, v4;
	v6 =	vld.idx.msk [tilespmem:v13+s11+$0x0], $0xffff;
	v5 =	vadd.s32 v7, v5  }
0x8f: {  	v55 =	vor.u32 $0xE, v4;
	v7 =	vld.idx.msk [tilespmem:v14+s11+$0x0], $0xffff;
	v5 =	vadd.s32 v8, v5  }
0x90: {  	v4 =	vor.u32 $0xF, v4;
	v8 =	vld.idx.msk [tilespmem:v15+s11+$0x0], $0xffff;
	v5 =	vadd.s32 v9, v5  }
0x91: {  	v9 =	vld.idx.msk [tilespmem:v16+s11+$0x0], $0xffff;
	v5 =	vadd.s32 v11, v5  }
0x92: {  	v11 =	vld.idx.msk [tilespmem:v53+s11+$0x0], $0xffff;
	v5 =	vadd.s32 v10, v5  }
0x93: {  	s31 =	simm.s32 $0x10;
	v10 =	vld.idx.msk [tilespmem:v54+s11+$0x0], $0xffff;
	v5 =	vadd.s32 v6, v5  }
0x94: {  	v56 =	vmov s31;
	v6 =	vld.idx.msk [tilespmem:v55+s11+$0x0], $0xffff;
	v5 =	vadd.s32 v7, v5  }
0x95: {  	v4 =	vld.idx.msk [tilespmem:v4+s11+$0x0], $0xffff;
	v7 =	vshll.u32 v56, $0x4;
	v5 =	vadd.s32 v8, v5  }
0x96: {  	v7 =	vor.u32 v3, v7;
	v5 =	vadd.s32 v9, v5  }
0x97: {  	v8 =	vor.u32 $0x1, v7;
	v5 =	vadd.s32 v11, v5  }
0x98: {  	v5 =	vadd.s32 v10, v5  }
0x99: {  	v9 =	vor.u32 $0x2, v7;
	v5 =	vadd.s32 v6, v5  }
0x9a: {  	s16 =	simm.s32 $0xC000;
	v6 =	vor.u32 $0x3, v7;
	v4 =	vadd.s32 v4, v5  }
0x9b: {  	v5 =	vor.u32 $0x4, v7;
	[tilespmem:s16+$0x0] =	vst v4  }
0x9c: {  	v4 =	vld.idx.msk [tilespmem:v8+s11+$0x0], $0xffff;
	v8 =	vor.u32 $0x5, v7  }
0x9d: {  	v11 =	vor.u32 $0x6, v7;
	v10 =	vld.idx.msk [tilespmem:v7+s11+$0x0], $0xffff  }
0x9e: {  	v57 =	vor.u32 $0x7, v7;
	v9 =	vld.idx.msk [tilespmem:v9+s11+$0x0], $0xffff  }
0x9f: {  	v58 =	vor.u32 $0x8, v7;
	v6 =	vld.idx.msk [tilespmem:v6+s11+$0x0], $0xffff  }
0xa0: {  	v59 =	vor.u32 $0x9, v7;
	v5 =	vld.idx.msk [tilespmem:v5+s11+$0x0], $0xffff  }
0xa1: {  	v60 =	vor.u32 $0xA, v7;
	v8 =	vld.idx.msk [tilespmem:v8+s11+$0x0], $0xffff  }
0xa2: {  	v61 =	vor.u32 $0xB, v7;
	v11 =	vld.idx.msk [tilespmem:v11+s11+$0x0], $0xffff;
	v4 =	vadd.s32 v10, v4  }
0xa3: {  	v62 =	vor.u32 $0xC, v7;
	v10 =	vld.idx.msk [tilespmem:v57+s11+$0x0], $0xffff;
	v4 =	vadd.s32 v9, v4  }
0xa4: {  	v63 =	vor.u32 $0xD, v7;
	v9 =	vld.idx.msk [tilespmem:v58+s11+$0x0], $0xffff;
	v4 =	vadd.s32 v6, v4  }
0xa5: {  	v17 =	vor.u32 $0xE, v7;
	v14 =	vld.idx.msk [tilespmem:v59+s11+$0x0], $0xffff;
	v4 =	vadd.s32 v5, v4  }
0xa6: {  	v18 =	vor.u32 $0xF, v7;
	v15 =	vld.idx.msk [tilespmem:v60+s11+$0x0], $0xffff;
	v5 =	vadd.s32 v8, v4  }
0xa7: {  	v4 =	vld.idx.msk [tilespmem:v61+s11+$0x0], $0xffff;
	v6 =	vadd.s32 v11, v5  }
0xa8: {  	v5 =	vld.idx.msk [tilespmem:v62+s11+$0x0], $0xffff;
	v7 =	vadd.s32 v10, v6  }
0xa9: {  	s17 =	simm.s32 $0x20;
	v6 =	vld.idx.msk [tilespmem:v63+s11+$0x0], $0xffff;
	v8 =	vadd.s32 v9, v7  }
0xaa: {  	v7 =	vld.idx.msk [tilespmem:v17+s11+$0x0], $0xffff;
	v9 =	vmov s17;
	v10 =	vadd.s32 v14, v8  }
0xab: {  	s17 =	simm.s32 $0x30;
	v8 =	vld.idx.msk [tilespmem:v18+s11+$0x0], $0xffff;
	v9 =	vshll.u32 v9, $0x4;
	v10 =	vadd.s32 v15, v10  }
.LBB2_16:
0xac: {  	p0 =	sne.s32 s17, $0x3F0;
	v9 =	vor.u32 v3, v9;
	v4 =	vadd.s32 v4, v10  }
0xad: {  	v10 =	vor.u32 $0x1, v9;
	v4 =	vadd.s32 v5, v4  }
0xae: {  	v4 =	vadd.s32 v6, v4  }
0xaf: {  	v5 =	vor.u32 $0x2, v9;
	v4 =	vadd.s32 v7, v4  }
0xb0: {  	s16 =	sadd.s32 $0x10, s16;
	v6 =	vor.u32 $0x3, v9;
	v4 =	vadd.s32 v8, v4  }
0xb1: {  	v7 =	vor.u32 $0x4, v9;
	[tilespmem:s16+$0x0] =	vst v4  }
0xb2: {  	v8 =	vor.u32 $0x5, v9;
	v4 =	vld.idx.msk [tilespmem:v10+s11+$0x0], $0xffff  }
0xb3: {  	v11 =	vor.u32 $0x6, v9;
	v10 =	vld.idx.msk [tilespmem:v9+s11+$0x0], $0xffff  }
0xb4: {  	v12 =	vor.u32 $0x7, v9;
	v5 =	vld.idx.msk [tilespmem:v5+s11+$0x0], $0xffff  }
0xb5: {  	v13 =	vor.u32 $0x8, v9;
	v6 =	vld.idx.msk [tilespmem:v6+s11+$0x0], $0xffff  }
0xb6: {  	v14 =	vor.u32 $0x9, v9;
	v7 =	vld.idx.msk [tilespmem:v7+s11+$0x0], $0xffff  }
0xb7: {  	v15 =	vor.u32 $0xA, v9;
	v8 =	vld.idx.msk [tilespmem:v8+s11+$0x0], $0xffff  }
0xb8: {  	v16 =	vor.u32 $0xB, v9;
	v11 =	vld.idx.msk [tilespmem:v11+s11+$0x0], $0xffff  }
0xb9: {  	v4 =	vadd.s32 v10, v4;
	v10 =	vld.idx.msk [tilespmem:v12+s11+$0x0], $0xffff;
	v12 =	vor.u32 $0xC, v9  }
0xba: {  	v17 =	vor.u32 $0xD, v9;
	v4 =	vadd.s32 v5, v4;
	v13 =	vld.idx.msk [tilespmem:v13+s11+$0x0], $0xffff  }
0xbb: {  	v18 =	vor.u32 $0xE, v9;
	v4 =	vadd.s32 v6, v4;
	v14 =	vld.idx.msk [tilespmem:v14+s11+$0x0], $0xffff  }
0xbc: {  	v9 =	vor.u32 $0xF, v9;
	v4 =	vadd.s32 v7, v4;
	v15 =	vld.idx.msk [tilespmem:v15+s11+$0x0], $0xffff  }
0xbd: {  	v5 =	vadd.s32 v8, v4;
	v4 =	vld.idx.msk [tilespmem:v16+s11+$0x0], $0xffff  }
.Ltmp9:
0xbe: {  	v6 =	vadd.s32 v11, v5;
	v5 =	vld.idx.msk [tilespmem:v12+s11+$0x0], $0xffff;
	(pc) =	sbr.rel @p0 .LBB2_16-.Ltmp9, $4  }
0xbf: {  	v7 =	vadd.s32 v10, v6;
	v6 =	vld.idx.msk [tilespmem:v17+s11+$0x0], $0xffff  }
0xc0: {  	v8 =	vadd.s32 v13, v7;
	v7 =	vld.idx.msk [tilespmem:v18+s11+$0x0], $0xffff  }
0xc1: {  	v10 =	vmov s17;
	v11 =	vadd.s32 v14, v8;
	v8 =	vld.idx.msk [tilespmem:v9+s11+$0x0], $0xffff  }
0xc2: {  	s17 =	sadd.s32 $0x10, s17;
	v9 =	vshll.u32 v10, $0x4;
	v10 =	vadd.s32 v15, v11  }
0xc3: {  	v9 =	vor.u32 v3, v9;
	v4 =	vadd.s32 v4, v10  }
0xc4: {  	v49 =	vor.u32 $0x1, v9;
	v4 =	vadd.s32 v5, v4  }
0xc5: {  	v4 =	vadd.s32 v6, v4  }
0xc6: {  	v5 =	vor.u32 $0x2, v9;
	v4 =	vadd.s32 v7, v4  }
0xc7: {  	s16 =	sadd.s32 $0x10, s16;
	v50 =	vor.u32 $0x3, v9;
	v4 =	vadd.s32 v8, v4  }
0xc8: {  	v51 =	vor.u32 $0x4, v9;
	[tilespmem:s16+$0x0] =	vst v4  }
0xc9: {  	v52 =	vor.u32 $0x5, v9;
	v4 =	vld.idx.msk [tilespmem:v49+s11+$0x0], $0xffff  }
0xca: {  	v11 =	vor.u32 $0x6, v9;
	v53 =	vld.idx.msk [tilespmem:v9+s11+$0x0], $0xffff  }
0xcb: {  	v12 =	vor.u32 $0x7, v9;
	v5 =	vld.idx.msk [tilespmem:v5+s11+$0x0], $0xffff  }
0xcc: {  	v13 =	vor.u32 $0x8, v9;
	v6 =	vld.idx.msk [tilespmem:v50+s11+$0x0], $0xffff  }
0xcd: {  	v14 =	vor.u32 $0x9, v9;
	v7 =	vld.idx.msk [tilespmem:v51+s11+$0x0], $0xffff  }
0xce: {  	v15 =	vor.u32 $0xA, v9;
	v8 =	vld.idx.msk [tilespmem:v52+s11+$0x0], $0xffff  }
0xcf: {  	v16 =	vor.u32 $0xB, v9;
	v11 =	vld.idx.msk [tilespmem:v11+s11+$0x0], $0xffff;
	v4 =	vadd.s32 v53, v4  }
0xd0: {  	v55 =	vor.u32 $0xC, v9;
	v54 =	vld.idx.msk [tilespmem:v12+s11+$0x0], $0xffff;
	v4 =	vadd.s32 v5, v4  }
0xd1: {  	v56 =	vor.u32 $0xD, v9;
	v5 =	vld.idx.msk [tilespmem:v13+s11+$0x0], $0xffff;
	v4 =	vadd.s32 v6, v4  }
0xd2: {  	v58 =	vor.u32 $0xE, v9;
	v57 =	vld.idx.msk [tilespmem:v14+s11+$0x0], $0xffff;
	v4 =	vadd.s32 v7, v4  }
0xd3: {  	v59 =	vld.idx.msk [tilespmem:v15+s11+$0x0], $0xffff;
	v9 =	vor.u32 $0xF, v9;
	v4 =	vadd.s32 v8, v4  }
0xd4: {  	v60 =	vld.idx.msk [tilespmem:v16+s11+$0x0], $0xffff;
	v4 =	vadd.s32 v11, v4  }
0xd5: {  	v61 =	vld.idx.msk [tilespmem:v55+s11+$0x0], $0xffff;
	v4 =	vadd.s32 v54, v4  }
0xd6: {  	v62 =	vld.idx.msk [tilespmem:v56+s11+$0x0], $0xffff;
	v4 =	vadd.s32 v5, v4  }
0xd7: {  	v5 =	vld.idx.msk [tilespmem:v58+s11+$0x0], $0xffff;
	v4 =	vadd.s32 v57, v4  }
0xd8: {  	v63 =	vld.idx.msk [tilespmem:v9+s11+$0x0], $0xffff;
	v4 =	vadd.s32 v59, v4  }
0xd9: {  	v4 =	vadd.s32 v60, v4  }
0xda: {  	v4 =	vadd.s32 v61, v4  }
0xdb: {  	v4 =	vadd.s32 v62, v4  }
0xdc: {  	s15 =	sadd.s32 $0x1, s15;
	v4 =	vadd.s32 v5, v4  }
0xdd: {  	p0 =	sne.s32 s15, s8;
	s16 =	sadd.s32 $0x10, s16;
	v4 =	vadd.s32 v63, v4  }
.Ltmp10:
0xde: {  	[tilespmem:s16+$0x0] =	vst v4;
	(pc) =	sbr.rel @p0 .LBB2_1-.Ltmp10, $4  }
0xdf: {  	[hbm4b:s7+s12] =	stream.strided.scatter [tilespmem:s14], [sflag:$0x3], $0x400, s13, s12, $0x38;
	[tilespmem:$0xC480] =	vst v63  }
0xe0: {  	_ =	swait.ge [sflag:s10], $0x400  }
0xe1: {  	[sflag:s10] =	ssyncset.done $0x0  }
0xe2: {  	[sflag:s10] =	ssyncadd.s32 $0xFFFFFC00  }
0xe3: {  	_ =	sfence.sel $0x180000  }
0xe4: {  	[bflag:$0x0] =	sbarrier.arrive $0xFFFF  }
0xe5: {  	p0 =	sne.s32 s1, $0x0;
	_ =	strace $0x9000004D  }
0xe6: {  	s0 =	sadd.s32 @!p0 $0x100000, s0;
	[bflag:$0x2] =	sbarrier.arrive $0xFFFF  }
0xe7: {  	[sflag:s0] =	ssyncadd.tile.s32 @!p0 $0x1;
	_ =	shalt  }
.Lfunc_end2:
_tile_overlayer_lowered:
.L_overlay_start_2:
0xe8: {  	(tag) =	ssettag $0x2  }
0xe9: {  	s0 =	rddreg [dreg:$0x0];
	s2 =	stileid.u32  }
0xea: {  	s1 =	rddreg [dreg:$0x1];
	p0 =	sne.s32 s2, $0x0  }
0xeb: {  	s3 =	rddreg [dreg:$0x2];
	[bflag:$0x3] =	sbarrier.arrive $0xFFFF;
	s2 =	simm.s32 @!p0 $0x1C03  }
0xec: {  	[timem:s3], [sflag:s2] =	dma.local @!p0 [hbm:s0], s1  }
0xed: {  	s0 =	simm.s32 @!p0 $0x3  }
0xee: {  	_ =	swait.ge @!p0 [sflag:s0], s1  }
0xef: {  	s1 =	ssub.s32 @!p0 $0x0, s1;
	[sflag:s0] =	ssyncset.done @!p0 $0x0  }
0xf0: {  	[sflag:s0] =	ssyncadd.s32 @!p0 s1  }
0xf1: {  	[bflag:$0x3] =	sbarrier.arrive $0xFFFF  }
0xf2: {  	_ =	shalt  }

// kernel: kernel.9.cloned.1.call-start
scs
__scs_entry_jumppad:
0x0: {  	(pc) =	sbr.rel $0x88, $3  }
0x1: {  	(tag) =	ssettag $0x0;
	lr =	simm.s32 $0x1  }
0x2: {  	[smem:$0x3F9F] =	sst lr;
	_ =	strace $0xD0000000  }
0x3: {  	_ = 	snop  }
0x4: {  	_ = 	snop  }
0x5: {  	_ = 	snop  }
0x6: {  	_ = 	snop  }
0x7: {  	_ = 	snop  }
__scs_overlays_trampoline_lowered:
0x8: {  	[smem:$0x3FAE] =	sst s0  }
0x9: {  	[smem:$0x3FAF] =	sst s1  }
0xa: {  	[smem:$0x3FB0] =	sst s2  }
0xb: {  	[smem:$0x3FB1] =	sst s3  }
0xc: {  	[smem:$0x3FB2] =	sst s4  }
0xd: {  	[smem:$0x3FB3] =	sst s5  }
0xe: {  	[smem:$0x3FB4] =	sst s6  }
0xf: {  	[smem:$0x3FB5] =	sst s7  }
0x10: {  	[smem:$0x3FB6] =	sst s8  }
0x11: {  	[smem:$0x3FB7] =	sst s9;
	s0 =	simm.s32 @!p0 $0x0  }
0x12: {  	s1 =	sld [smem:$0x3F9D];
	s0 =	simm.s32 @p0 $0x1  }
0x13: {  	[smem:$0x3FB8] =	sst s0;
	s0 =	simm.s32 @!p1 $0x0  }
0x14: {  	s2 =	sld [smem:$0x3F9C];
	s0 =	simm.s32 @p1 $0x1  }
0x15: {  	[smem:$0x3FB9] =	sst s0;
	s0 =	simm.s32 @!p2 $0x0  }
0x16: {  	s3 =	sld [smem:$0x3FDB];
	s0 =	simm.s32 @p2 $0x1  }
0x17: {  	s4 =	simm.s32 $0x1BF5;
	[smem:$0x3FBB] =	sst s0  }
0x18: {  	s0 =	sld [smem:$0x3F9E];
	_ =	swait.ge [sflag:s4], $0x0  }
0x19: {  	s7 =	sld [smem:$0x3F9F]  }
0x1a: {  	s8 =	sadd.s32 $0xFFFFE003, lr  }
0x1b: {  	s9 =	sadd.s32 $0xFFFFFEF7, lr;
	s5 =	simm.s32 $0xFFFFFFFF;
	p2 =	slt.u32 s8, $0xFFFFF086  }
0x1c: {  	p1 =	slt.u32 s9, $0xF7A;
	s5 =	simm.s32 @!p2 $0x0  }
0x1d: {  	s5 =	simm.s32 @p1 $0x1;
	p0 =	seq.s32 s7, s2  }
0x1e: {  	s7 =	smul.u32 @!p0 $0xF7A, s2;
	p2 =	seq.s32 @!p0 s5, $0x0  }
0x1f: {  	s9 =	smul.u32 $0xF7A, s1;
	s8 =	simm.s32 @!p0 $0x1BF5;
	p2 =	por !p2, p0  }
0x20: {  	[sflag:s8] =	ssyncset.s32 @!p0 $0xFFFFF086;
	s6 =	sadd.s32 @!p0 s3, s7;
	s7 =	simm.s32 @!p0 $0x108  }
0x21: {  	s3 =	sadd.s32 s3, s9;
	s6 =	sadd.s32 @!p0 $0x88, s6;
	s7 =	simm.s32 @p2 $0x1082  }
0x22: {  	[simem:s7], [sflag:s8] =	dma.local @!p0 [hbm:s6], $0xF7A  }
0x23: {  	s9 =	sor.u32 $0xD0000000, s2;
	s6 =	simm.s32 $0x108;
	_ =	swait.ge @!p0 [sflag:s8], $0x0  }
0x24: {  	s3 =	sadd.s32 $0x88, s3;
	s6 =	simm.s32 @!p1 $0x1082;
	[sflag:s4] =	ssyncset.s32 $0xFFFFF086  }
0x25: {  	[simem:s6], [sflag:s4] =	dma.local [hbm:s3], $0xF7A  }
0x26: {  	[smem:$0x3F9F] =	sst s1;
	(tag) =	ssettag s2;
	_ =	strace s9  }
0x27: {  	s1 =	sld [smem:$0x3FAF]  }
0x28: {  	s2 =	sld [smem:$0x3FB0]  }
0x29: {  	s4 =	sld [smem:$0x3FB2]  }
0x2a: {  	p0 =	seq.s32 s5, $0x0;
	s5 =	sld [smem:$0x3FB3]  }
0x2b: {  	s6 =	sld [smem:$0x3FB4]  }
0x2c: {  	s7 =	sld [smem:$0x3FB5]  }
0x2d: {  	s3 =	simm.s32 $0x108;
	s8 =	sld [smem:$0x3FB6]  }
0x2e: {  	s3 =	simm.s32 @!p0 $0x1082;
	s9 =	sld [smem:$0x3FB7]  }
0x2f: {  	lr =	sadd.s32 s0, s3;
	s0 =	sld [smem:$0x3FAE]  }
0x30: {  	s3 =	sld [smem:$0x3FB1]  }
0x31: {  	[smem:$0x3FBA] =	sst s10  }
0x32: {  	s10 =	sld [smem:$0x3FB8];
	_ =	sdelay $0x3  }
0x33: {  	p0 =	seq.s32 s10, $0x1;
	s10 =	sld [smem:$0x3FBA];
	_ =	sdelay $0x3  }
0x34: {  	[smem:$0x3FBA] =	sst s10  }
0x35: {  	s10 =	sld [smem:$0x3FB9];
	_ =	sdelay $0x3  }
0x36: {  	p1 =	seq.s32 s10, $0x1;
	s10 =	sld [smem:$0x3FBA];
	_ =	sdelay $0x3  }
0x37: {  	[smem:$0x3FBA] =	sst s10  }
0x38: {  	s10 =	sld [smem:$0x3FBB]  }
0x39: {  	_ = 	snop;
	(pc) =	sbr.ind lr, $3  }
0x3a: {  	_ = 	snop  }
0x3b: {  	_ = 	snop  }
0x3c: {  	p2 =	seq.s32 s10, $0x1;
	s10 =	sld [smem:$0x3FBA]  }
0x3d: {  	_ =	shalt  }
0x3e: {  	_ =	shalt  }
0x3f: {  	_ =	shalt  }
0x40: {  	_ =	shalt  }
0x41: {  	_ =	shalt  }
0x42: {  	_ =	shalt  }
0x43: {  	_ =	shalt  }
0x44: {  	_ =	shalt  }
0x45: {  	_ =	shalt  }
0x46: {  	_ =	shalt  }
0x47: {  	_ =	shalt  }
0x48: {  	_ =	shalt  }
0x49: {  	_ =	shalt  }
0x4a: {  	_ =	shalt  }
0x4b: {  	_ =	shalt  }
0x4c: {  	_ =	shalt  }
0x4d: {  	_ =	shalt  }
0x4e: {  	_ =	shalt  }
0x4f: {  	_ =	shalt  }
0x50: {  	_ =	shalt  }
0x51: {  	_ =	shalt  }
0x52: {  	_ =	shalt  }
0x53: {  	_ =	shalt  }
0x54: {  	_ =	shalt  }
0x55: {  	_ =	shalt  }
0x56: {  	_ =	shalt  }
0x57: {  	_ =	shalt  }
0x58: {  	_ =	shalt  }
0x59: {  	_ =	shalt  }
0x5a: {  	_ =	shalt  }
0x5b: {  	_ =	shalt  }
0x5c: {  	_ =	shalt  }
0x5d: {  	_ =	shalt  }
0x5e: {  	_ =	shalt  }
0x5f: {  	_ =	shalt  }
0x60: {  	_ =	shalt  }
0x61: {  	_ =	shalt  }
0x62: {  	_ =	shalt  }
0x63: {  	_ =	shalt  }
0x64: {  	_ =	shalt  }
0x65: {  	_ =	shalt  }
0x66: {  	_ =	shalt  }
0x67: {  	_ =	shalt  }
0x68: {  	_ =	shalt  }
0x69: {  	_ =	shalt  }
0x6a: {  	_ =	shalt  }
0x6b: {  	_ =	shalt  }
0x6c: {  	_ =	shalt  }
0x6d: {  	_ =	shalt  }
0x6e: {  	_ =	shalt  }
0x6f: {  	_ =	shalt  }
0x70: {  	_ =	shalt  }
0x71: {  	_ =	shalt  }
0x72: {  	_ =	shalt  }
0x73: {  	_ =	shalt  }
0x74: {  	_ =	shalt  }
0x75: {  	_ =	shalt  }
0x76: {  	_ =	shalt  }
0x77: {  	_ =	shalt  }
0x78: {  	_ =	shalt  }
0x79: {  	_ =	shalt  }
0x7a: {  	_ =	shalt  }
0x7b: {  	_ =	shalt  }
0x7c: {  	_ =	shalt  }
0x7d: {  	_ =	shalt  }
0x7e: {  	_ =	shalt  }
0x7f: {  	_ =	shalt  }
0x80: {  	_ =	shalt  }
0x81: {  	_ =	shalt  }
0x82: {  	_ =	shalt  }
0x83: {  	_ =	shalt  }
0x84: {  	_ =	shalt  }
0x85: {  	_ =	shalt  }
0x86: {  	_ =	shalt  }
0x87: {  	_ =	shalt  }
.Lfunc_end0:
.L_simem_size_0:
called_computation_lowered:
.L_overlay_start_0:
0x88: {  	s2 =	sld [smem:$0x3FD9]  }
0x89: {  	s3 =	sld [smem:$0x3FFE];
	_ =	sdelay $0x1  }
0x8a: {  	s1 =	srdreg.scid  }
0x8b: {  	s0 =	sand.u32 $0x1, s1  }
0x8c: {  	s16 =	sshll.u32 s0, $0xA;
	s2 =	sadd.s32 s3, s2  }
0x8d: {  	s2 =	sadd.s32 s2, s16  }
0x8e: {  	[smem:$0x3FC6] =	sst s2  }
0x8f: {  	_ = 	snop  }
0x90: {  	(tm) =	ssettm $0x1  }
0x91: {  	s17 =	sld [smem:$0x3FFB];
	_ =	sdelay $0x3  }
0x92: {  	_ =	strace s17  }
0x93: {  	s2 =	sld [smem:$0x3FFC];
	_ =	sdelay $0x3  }
0x94: {  	_ =	strace s2  }
0x95: {  	s2 =	sld [smem:$0x3FFD];
	_ =	sdelay $0x3  }
0x96: {  	_ =	strace s2  }
0x97: {  	_ =	strace $0x8FFFFFFF  }
0x98: {  	s18 =	sld [smem:$0x3FDB];
	_ =	sdelay $0x1  }
0x99: {  	s19 =	simm.s32 $_scs_section_size  }
0x9a: {  	s4 =	simm.s32 $_size__tile_overlayer_lowered;
	s5 =	simm.s32 $_tile_overlayer_lowered  }
0x9b: {  	s22 =	simm.s32 $0x1BFF;
	s21 =	sshll.u32 s5, $0x1;
	s2 =	sadd.s32 s19, s18  }
0x9c: {  	s6 =	simm.s32 $0x0;
	s20 =	sshll.u32 s4, $0x1;
	s4 =	sadd.s32 s21, s2  }
0x9d: {  	[timem:s6], [sflag:s22] =	dma.local [hbm:s4], s20  }
0x9e: {  	_ =	swait.ge [sflag:s22], s20  }
0x9f: {  	s3 =	ssub.s32 $0x0, s20;
	[sflag:s22] =	ssyncset.done $0x0  }
0xa0: {  	[sflag:s22] =	ssyncadd.s32 s3;
	_ =	sdelay $0x1  }
0xa1: {  	s23 =	simm.s32 $0x1B8B  }
0xa2: {  	_ =	swait.ge [sflag:s23], $0x1  }
0xa3: {  	[sflag:s23] =	ssyncset.done $0x0  }
0xa4: {  	s25 =	simm.s32 $0x1B8E;
	s24 =	sld [smem:$0x3FFE];
	[sflag:s23] =	ssyncadd.s32 $0xFFFFFFFF  }
0xa5: {  	s26 =	simm.s32 $execute0_lowered;
	[smem:$0x3FD2] =	sst s25  }
0xa6: {  	s4 =	sshll.u32 s26, $0x1;
	_ =	strace $0x80000046;
	[dreg:$0x1] =	wrdreg $0xFFFFFFFF  }
0xa7: {  	s28 =	simm.s32 $_size_execute0_lowered;
	s2 =	sadd.s32 s2, s4;
	[dreg:$0x0] =	wrdreg $0x0  }
0xa8: {  	s4 =	sshll.u32 s28, $0x1;
	[dreg:$0x2] =	wrdreg s2  }
0xa9: {  	[dreg:$0x3] =	wrdreg s4  }
0xaa: {  	[dreg:$0x4] =	wrdreg $0xC0  }
0xab: {  	_ =	task [dreg:s6], $0x5FFFF  }
0xac: {  	[dreg:$0x1] =	wrdreg $0xFFFFFFFF  }
0xad: {  	[dreg:$0x0] =	wrdreg $0x60  }
0xae: {  	[dreg:$0x2] =	wrdreg s24  }
0xaf: {  	[dreg:$0x3] =	wrdreg $0x9  }
0xb0: {  	_ =	task.clear_ibuf [dreg:s6], $0x4FFFF;
	_ =	strace $0x90000046  }
0xb1: {  	s29 =	simm.s32 $0x9;
	_ =	strace $0x80000048  }
0xb2: {  	_ =	swait.ge [sflag:s29], $0x1  }
0xb3: {  	[sflag:s29] =	ssyncadd.s32 $0xFFFFFFFF  }
0xb4: {  	_ =	strace $0x90000048  }
0xb5: {  	_ =	sfence  }
0xb6: {  	s30 =	sld [smem:$0x0];
	_ =	sdelay $0x2  }
0xb7: {  	s31 =	sshll.u32 s1, $0xD;
	s1 =	sshrl.u32 s1, $0x2  }
0xb8: {  	s3 =	sand.u32 $0x4000, s31;
	s1 =	sadd.s32 s1, s30  }
0xb9: {  	s0 =	sor.u32 s3, s0;
	s1 =	sshll.u32 s1, $0x11  }
0xba: {  	s0 =	sor.u32 s1, s0  }
0xbb: {  	s0 =	sadd.s32 $0x8F2B, s0  }
0xbc: {  	[sflag:s0] =	ssyncadd.remote.s32 $0x1  }
0xbd: {  	_ =	sfence.sel $0xFFFF  }
0xbe: {  	[dreg:$0x0] =	wrdreg $0xFFFFFFFF;
	(pc) =	sbr.abs _section_cstart, $3  }
0xbf: {  	[dreg:$0x1] =	wrdreg $0xFFFFFFFF  }
0xc0: {  	_ =	task.clear_ibuf [dreg:s6], $0x2FFFF;
	_ =	strace $0x9FFFFFFF  }
0xc1: {  	(tm) =	ssettm $0x7FFFFFFF  }
tec
execute0_lowered:
.L_overlay_start_1:
0x0: {  	(tag) =	ssettag $0x1  }
0x1: {  	s1 =	srdreg.scid  }
0x2: {  	s0 =	stileid.u32;
	s3 =	rddreg [dreg:$0x0];
	s2 =	simm.s32 $0x0  }
0x3: {  	s9 =	simm.s32 $0x8000;
	s10 =	simm.s32 $0x10000;
	s11 =	simm.s32 $0x80  }
0x4: {  	s12 =	simm.s32 $0x400;
	s13 =	simm.s32 $0x18000;
	s14 =	simm.s32 $0x3  }
0x5: {  	s15 =	simm.s32 $0x18800;
	s4 =	sand.u32 $0x1, s1;
	s1 =	rddreg [dreg:$0x1]  }
0x6: {  	s16 =	simm.s32 $0x0;
	s5 =	sshll.u32 s0, $0x1;
	[smem:$0x7FF] =	sst s2  }
0x7: {  	s6 =	sshll.u32 s0, $0x9;
	s5 =	sor.u32 s4, s5;
	_ =	strace $0x80000047  }
0x8: {  	s4 =	ssub.s32 $0x2, s4;
	s7 =	sshll.u32 s5, $0x4;
	s5 =	sshll.u32 s5, $0xD  }
0x9: {  	s31 =	sshrl.u32 s4, $0x1;
	s6 =	sor.u32 s6, s7;
	s5 =	sadd.s32 s5, s3  }
0xa: {  	s8 =	ssub.s32 s4, s31;
	s6 =	sand.u32 $0x1870, s6;
	s4 =	sadd.s32 $0x2E00, s5  }
0xb: {  	v0 =	vimm.s32 $0x0;
	v1 =	vlaneseq.u32;
	s8 =	smax.u32 s8, $0x1;
	s30 =	sadd.s32 s6, s3;
	s3 =	sadd.s32 $0x2600, s5  }
0xc: {  	v2 =	vimm.f32 $0.0e+00;
	v3 =	vimm.s32 $0x1;
	v4 =	vmul.u32 $0x10, v1;
	s5 =	sadd.s32 $0x3600, s5;
	s6 =	sadd.s32 $0x42600, s30;
	s7 =	sadd.s32 $0x44600, s30  }
.LBB2_1:
0xd: {  	s17 =	simm.s32 $0x0;
	s18 =	simm.s32 $0x200  }
.LBB2_2:
0xe: {  	p0 =	sne.s32 s18, $0x1FE00;
	[tilespmem:s17+$0x10070] =	vst v2  }
0xf: {  	[tilespmem:s17+$0x8000] =	vst v0  }
0x10: {  	[tilespmem:s17+$0x10000] =	vst v2  }
0x11: {  	[tilespmem:s17+$0x8010] =	vst v0  }
0x12: {  	[tilespmem:s17+$0x10010] =	vst v2  }
0x13: {  	[tilespmem:s17+$0x8020] =	vst v0  }
0x14: {  	[tilespmem:s17+$0x10020] =	vst v2  }
0x15: {  	[tilespmem:s17+$0x8030] =	vst v0  }
0x16: {  	[tilespmem:s17+$0x10030] =	vst v2  }
0x17: {  	[tilespmem:s17+$0x8040] =	vst v0  }
0x18: {  	[tilespmem:s17+$0x10040] =	vst v2  }
.Ltmp0:
0x19: {  	[tilespmem:s17+$0x8050] =	vst v0;
	(pc) =	sbr.rel @p0 .LBB2_2-.Ltmp0, $4  }
0x1a: {  	[tilespmem:s17+$0x10050] =	vst v2  }
0x1b: {  	[tilespmem:s17+$0x8060] =	vst v0  }
0x1c: {  	[tilespmem:s17+$0x10060] =	vst v2  }
0x1d: {  	[tilespmem:s17+$0x8070] =	vst v0;
	s17 =	sshra.s32 s18, $0x2;
	s18 =	sadd.s32 $0x200, s18  }
0x1e: {  	[tilespmem:s17+$0x10070] =	vst v2  }
0x1f: {  	[tilespmem:s17+$0x8000] =	vst v0  }
0x20: {  	[tilespmem:s17+$0x10000] =	vst v2  }
0x21: {  	[tilespmem:s17+$0x8010] =	vst v0  }
0x22: {  	[tilespmem:s17+$0x10010] =	vst v2  }
0x23: {  	[tilespmem:s17+$0x8020] =	vst v0  }
0x24: {  	[tilespmem:s17+$0x10020] =	vst v2  }
0x25: {  	[tilespmem:s17+$0x8030] =	vst v0  }
0x26: {  	[tilespmem:s17+$0x10030] =	vst v2  }
0x27: {  	[tilespmem:s17+$0x8040] =	vst v0  }
0x28: {  	[tilespmem:s17+$0x10040] =	vst v2  }
0x29: {  	[tilespmem:s17+$0x8050] =	vst v0  }
0x2a: {  	[tilespmem:s17+$0x10050] =	vst v2  }
0x2b: {  	[tilespmem:s17+$0x8060] =	vst v0  }
0x2c: {  	[tilespmem:s17+$0x10060] =	vst v2;
	s18 =	simm.s32 $0x0  }
0x2d: {  	[tilespmem:s17+$0x8070] =	vst v0;
	s17 =	simm.s32 $0x10;
	s20 =	sadd.s32 $0x0, s3;
	s19 =	simm.s32 $0x100  }
.LBB2_4:
0x2e: {  	[tilespmem:s18], [sflag:$0x1] =	stream.linear.gather [hbm4b:s20+s2], $0x80, $0x38;
	[tilespmem:$0x19000] =	vst v63  }
0x2f: {  	s20 =	smov.u32 s17;
	s18 =	smov.u32 s19;
	p0 =	sne.s32 s17, $0x7F0  }
.Ltmp1:
0x30: {  	s17 =	sadd.s32 $0x10, s17;
	(pc) =	sbr.rel @p0 .LBB2_4-.Ltmp1, $2  }
0x31: {  	_ =	sdelay $0x2  }
0x32: {  	s19 =	sadd.s32 $0x100, s19;
	s20 =	sadd.s32 s20, s3  }
0x33: {  	[tilespmem:s18], [sflag:$0x1] =	stream.linear.gather [hbm4b:s20+s2], $0x80, $0x38;
	[tilespmem:$0x19000] =	vst v63  }
0x34: {  	s17 =	simm.s32 $0x0;
	s18 =	simm.s32 $0x80;
	s19 =	simm.s32 $0x0  }
.LBB2_6:
0x35: {  	p0 =	sne.s32 s19, $0x7F0  }
.Ltmp2:
0x36: {  	_ = 	snop;
	(pc) =	sbr.rel @p0 .LBB2_6-.Ltmp2, $4  }
0x37: {  	_ = 	snop  }
0x38: {  	s20 =	sadd.s32 s19, s4  }
0x39: {  	[tilespmem:s18], [sflag:$0x2] =	stream.linear.gather [hbm4b:s20+s17], $0x80, $0x38;
	[tilespmem:$0x19000] =	vst v63  }
0x3a: {  	s19 =	sadd.s32 $0x10, s19;
	s18 =	sadd.s32 $0x100, s18  }
.Ltmp3:
0x3b: {  	(pc) =	sbr.rel .LBB2_8-.Ltmp3, $2  }
0x3c: {  	_ =	sdelay $0x2  }
0x3d: {  	p0 =	por $0x0, $0x0  }
.LBB2_14:
0x3e: {  	s17 =	sadd.s32 $0x1, s17  }
0x3f: {  	p1 =	sne.s32 s17, $0x4  }
.Ltmp4:
0x40: {  	_ = 	snop;
	(pc) =	sbr.rel @!p1 .LBB2_15-.Ltmp4, $2  }
0x41: {  	_ =	sdelay $0x2  }
0x42: {  	p0 =	por !p0, !p0  }
.LBB2_8:
0x43: {  	s18 =	simm.s32 $0x1  }
0x44: {  	s18 =	simm.s32 @!p0 $0x0  }
0x45: {  	s18 =	sshll.u32 s18, $0x7  }
0x46: {  	s19 =	sor.u32 $0x40, s18  }
0x47: {  	s20 =	sand.u32 $0x1, s17;
	v5 =	vmov s19  }
0x48: {  	s19 =	sadd.s32 $0x1, s20  }
0x49: {  	_ =	swait.ge [sflag:s19], $0x4000  }
0x4a: {  	[sflag:s19] =	ssyncset.done $0x0  }
0x4b: {  	s31 =	simm.s32 $0x0;
	[sflag:s19] =	ssyncadd.s32 $0xFFFFC000  }
0x4c: {  	v7 =	vld.idx.msk [tilespmem:v5+s31+$0xFFFFFFC0 ss:$0x1], $0xffff;
	_ =	sdelay $0x1  }
0x4d: {  	v8 =	vld.idx.msk [tilespmem:v5+s31+$0xFFFFFFD0 ss:$0x1], $0xffff;
	_ =	sdelay $0x1  }
0x4e: {  	v9 =	vld.idx.msk [tilespmem:v5+s31+$0xFFFFFFE0 ss:$0x1], $0xffff  }
0x4f: {  	v6 =	vshrl.u32 v7, $0x11  }
0x50: {  	v10 =	vld.idx.msk [tilespmem:v5+s31+$0xFFFFFFF0 ss:$0x1], $0xffff;
	v6 =	vand.u32 $0x7FF0, v6  }
0x51: {  	v11 =	vshrl.u32 v8, $0x11;
	v12 =	vor.u32 v1, v6  }
0x52: {  	v13 =	vld.idx.msk [tilespmem:v5+s31+$0x0 ss:$0x1], $0xffff;
	v6 =	vand.u32 $0x7FF0, v11  }
0x53: {  	v55 =	vld.idx.msk [tilespmem:v5+s31+$0x10 ss:$0x1], $0xffff;
	v14 =	vshrl.u32 v9, $0x11;
	v15 =	vor.u32 v1, v6  }
0x54: {  	v16 =	vld.idx.msk [tilespmem:v5+s31+$0x20 ss:$0x1], $0xffff;
	v14 =	vand.u32 $0x7FF0, v14  }
0x55: {  	v17 =	vshrl.u32 v10, $0x11;
	v14 =	vor.u32 v1, v14;
	v6 =	vld.idx.msk [tilespmem:v5+s31+$0x30 ss:$0x1], $0xffff  }
0x56: {  	v17 =	vand.u32 $0x7FF0, v17;
	[tilespmem:v12+s9+$0x0] =	vst.idx.add.s32.msk $0xffff, v3  }
0x57: {  	v18 =	vshrl.u32 v13, $0x11;
	[tilespmem:v12+s10+$0x0] =	vst.idx.add.f32.msk $0xffff, v7;
	v7 =	vor.u32 v1, v17  }
0x58: {  	v56 =	vand.u32 $0x7FF0, v18;
	[tilespmem:v15+s9+$0x0] =	vst.idx.add.s32.msk $0xffff, v3  }
0x59: {  	v57 =	vshrl.u32 v55, $0x11;
	[tilespmem:v15+s10+$0x0] =	vst.idx.add.f32.msk $0xffff, v8;
	v8 =	vor.u32 v1, v56  }
0x5a: {  	v58 =	vand.u32 $0x7FF0, v57;
	[tilespmem:v14+s9+$0x0] =	vst.idx.add.s32.msk $0xffff, v3  }
0x5b: {  	v59 =	vshrl.u32 v16, $0x11;
	v60 =	vor.u32 v1, v58;
	[tilespmem:v14+s10+$0x0] =	vst.idx.add.f32.msk $0xffff, v9  }
0x5c: {  	v61 =	vand.u32 $0x7FF0, v59;
	[tilespmem:v7+s9+$0x0] =	vst.idx.add.s32.msk $0xffff, v3  }
0x5d: {  	v63 =	vor.u32 v1, v61;
	v62 =	vshrl.u32 v6, $0x11;
	[tilespmem:v7+s10+$0x0] =	vst.idx.add.f32.msk $0xffff, v10  }
0x5e: {  	v7 =	vand.u32 $0x7FF0, v62;
	[tilespmem:v8+s9+$0x0] =	vst.idx.add.s32.msk $0xffff, v3  }
0x5f: {  	v7 =	vor.u32 v1, v7;
	[tilespmem:v8+s10+$0x0] =	vst.idx.add.f32.msk $0xffff, v13  }
0x60: {  	[tilespmem:v60+s9+$0x0] =	vst.idx.add.s32.msk $0xffff, v3  }
0x61: {  	[tilespmem:v60+s10+$0x0] =	vst.idx.add.f32.msk $0xffff, v55  }
0x62: {  	[tilespmem:v63+s9+$0x0] =	vst.idx.add.s32.msk $0xffff, v3  }
0x63: {  	[tilespmem:v63+s10+$0x0] =	vst.idx.add.f32.msk $0xffff, v16  }
0x64: {  	s21 =	simm.s32 $0x800;
	s20 =	simm.s32 $0x400;
	[tilespmem:v7+s9+$0x0] =	vst.idx.add.s32.msk $0xffff, v3  }
.LBB2_9:
0x65: {  	p1 =	sne.s32 s21, $0x1FC00  }
0x66: {  	s22 =	sshra.s32 s20, $0x2;
	[tilespmem:v7+s10+$0x0] =	vst.idx.add.f32.msk $0xffff, v6;
	s20 =	smov.u32 s21;
	s21 =	sadd.s32 $0x400, s21  }
0x67: {  	v7 =	vld.idx.msk [tilespmem:v5+s22+$0xFFFFFFC0 ss:$0x1], $0xffff;
	_ =	sdelay $0x1  }
0x68: {  	v8 =	vld.idx.msk [tilespmem:v5+s22+$0xFFFFFFD0 ss:$0x1], $0xffff;
	_ =	sdelay $0x1  }
0x69: {  	v9 =	vld.idx.msk [tilespmem:v5+s22+$0xFFFFFFE0 ss:$0x1], $0xffff;
	_ =	sdelay $0x1  }
0x6a: {  	v6 =	vshrl.u32 v7, $0x11;
	v10 =	vld.idx.msk [tilespmem:v5+s22+$0xFFFFFFF0 ss:$0x1], $0xffff  }
0x6b: {  	v6 =	vand.u32 $0x7FF0, v6  }
0x6c: {  	v12 =	vshrl.u32 v8, $0x11;
	v13 =	vor.u32 v1, v6;
	v11 =	vld.idx.msk [tilespmem:v5+s22+$0x0 ss:$0x1], $0xffff  }
0x6d: {  	v6 =	vand.u32 $0x7FF0, v12  }
0x6e: {  	v14 =	vshrl.u32 v9, $0x11;
	v15 =	vor.u32 v1, v6;
	v12 =	vld.idx.msk [tilespmem:v5+s22+$0x10 ss:$0x1], $0xffff  }
0x6f: {  	v14 =	vand.u32 $0x7FF0, v14;
	v6 =	vld.idx.msk [tilespmem:v5+s22+$0x30 ss:$0x1], $0xffff  }
0x70: {  	v17 =	vshrl.u32 v10, $0x11;
	v14 =	vor.u32 v1, v14;
	v16 =	vld.idx.msk [tilespmem:v5+s22+$0x20 ss:$0x1], $0xffff  }
0x71: {  	v17 =	vand.u32 $0x7FF0, v17;
	[tilespmem:v13+s9+$0x0] =	vst.idx.add.s32.msk $0xffff, v3  }
0x72: {  	v18 =	vshrl.u32 v11, $0x11;
	[tilespmem:v13+s10+$0x0] =	vst.idx.add.f32.msk $0xffff, v7;
	v7 =	vor.u32 v1, v17  }
0x73: {  	v13 =	vand.u32 $0x7FF0, v18;
	[tilespmem:v15+s9+$0x0] =	vst.idx.add.s32.msk $0xffff, v3  }
0x74: {  	v17 =	vshrl.u32 v12, $0x11;
	[tilespmem:v15+s10+$0x0] =	vst.idx.add.f32.msk $0xffff, v8;
	v8 =	vor.u32 v1, v13  }
0x75: {  	v13 =	vshrl.u32 v6, $0x11;
	v15 =	vand.u32 $0x7FF0, v17;
	[tilespmem:v14+s9+$0x0] =	vst.idx.add.s32.msk $0xffff, v3  }
0x76: {  	v17 =	vshrl.u32 v16, $0x11;
	v13 =	vand.u32 $0x7FF0, v13;
	[tilespmem:v14+s10+$0x0] =	vst.idx.add.f32.msk $0xffff, v9;
	v9 =	vor.u32 v1, v15  }
0x77: {  	v14 =	vand.u32 $0x7FF0, v17;
	[tilespmem:v7+s9+$0x0] =	vst.idx.add.s32.msk $0xffff, v3  }
0x78: {  	[tilespmem:v7+s10+$0x0] =	vst.idx.add.f32.msk $0xffff, v10;
	v10 =	vor.u32 v1, v14  }
0x79: {  	[tilespmem:v8+s9+$0x0] =	vst.idx.add.s32.msk $0xffff, v3  }
0x7a: {  	v7 =	vor.u32 v1, v13;
	[tilespmem:v8+s10+$0x0] =	vst.idx.add.f32.msk $0xffff, v11  }
.Ltmp5:
0x7b: {  	[tilespmem:v9+s9+$0x0] =	vst.idx.add.s32.msk $0xffff, v3;
	(pc) =	sbr.rel @p1 .LBB2_9-.Ltmp5, $4  }
0x7c: {  	[tilespmem:v9+s10+$0x0] =	vst.idx.add.f32.msk $0xffff, v12  }
0x7d: {  	[tilespmem:v10+s9+$0x0] =	vst.idx.add.s32.msk $0xffff, v3  }
0x7e: {  	[tilespmem:v10+s10+$0x0] =	vst.idx.add.f32.msk $0xffff, v16  }
0x7f: {  	[tilespmem:v7+s9+$0x0] =	vst.idx.add.s32.msk $0xffff, v3  }
0x80: {  	_ =	sdelay $0x3  }
0x81: {  	s20 =	sshra.s32 s20, $0x2;
	[tilespmem:v7+s10+$0x0] =	vst.idx.add.f32.msk $0xffff, v6  }
0x82: {  	v6 =	vld.idx.msk [tilespmem:v5+s20+$0xFFFFFFC0 ss:$0x1], $0xffff;
	_ =	sdelay $0x1  }
0x83: {  	v7 =	vld.idx.msk [tilespmem:v5+s20+$0xFFFFFFD0 ss:$0x1], $0xffff;
	_ =	sdelay $0x1  }
0x84: {  	v8 =	vld.idx.msk [tilespmem:v5+s20+$0xFFFFFFE0 ss:$0x1], $0xffff  }
0x85: {  	v9 =	vshrl.u32 v6, $0x11  }
0x86: {  	v10 =	vld.idx.msk [tilespmem:v5+s20+$0xFFFFFFF0 ss:$0x1], $0xffff;
	v9 =	vand.u32 $0x7FF0, v9  }
0x87: {  	v11 =	vshrl.u32 v7, $0x11;
	v9 =	vor.u32 v1, v9  }
0x88: {  	v12 =	vld.idx.msk [tilespmem:v5+s20+$0x0 ss:$0x1], $0xffff;
	v11 =	vand.u32 $0x7FF0, v11  }
0x89: {  	v13 =	vld.idx.msk [tilespmem:v5+s20+$0x10 ss:$0x1], $0xffff;
	v14 =	vshrl.u32 v8, $0x11;
	v11 =	vor.u32 v1, v11  }
0x8a: {  	v15 =	vld.idx.msk [tilespmem:v5+s20+$0x30 ss:$0x1], $0xffff;
	v14 =	vand.u32 $0x7FF0, v14  }
0x8b: {  	v5 =	vld.idx.msk [tilespmem:v5+s20+$0x20 ss:$0x1], $0xffff;
	v16 =	vshrl.u32 v10, $0x11;
	v14 =	vor.u32 v1, v14  }
0x8c: {  	v16 =	vand.u32 $0x7FF0, v16;
	[tilespmem:v9+s9+$0x0] =	vst.idx.add.s32.msk $0xffff, v3  }
0x8d: {  	v17 =	vshrl.u32 v12, $0x11;
	[tilespmem:v9+s10+$0x0] =	vst.idx.add.f32.msk $0xffff, v6;
	v6 =	vor.u32 v1, v16  }
0x8e: {  	v56 =	vand.u32 $0x7FF0, v17;
	[tilespmem:v11+s9+$0x0] =	vst.idx.add.s32.msk $0xffff, v3  }
0x8f: {  	v57 =	vshrl.u32 v13, $0x11;
	[tilespmem:v11+s10+$0x0] =	vst.idx.add.f32.msk $0xffff, v7;
	v7 =	vor.u32 v1, v56  }
0x90: {  	v58 =	vand.u32 $0x7FF0, v57;
	[tilespmem:v14+s9+$0x0] =	vst.idx.add.s32.msk $0xffff, v3  }
0x91: {  	v59 =	vshrl.u32 v5, $0x11;
	v60 =	vor.u32 v1, v58;
	[tilespmem:v14+s10+$0x0] =	vst.idx.add.f32.msk $0xffff, v8  }
0x92: {  	v61 =	vand.u32 $0x7FF0, v59;
	[tilespmem:v6+s9+$0x0] =	vst.idx.add.s32.msk $0xffff, v3  }
0x93: {  	v62 =	vshrl.u32 v15, $0x11;
	[tilespmem:v6+s10+$0x0] =	vst.idx.add.f32.msk $0xffff, v10;
	v6 =	vor.u32 v1, v61  }
0x94: {  	v63 =	vand.u32 $0x7FF0, v62;
	[tilespmem:v7+s9+$0x0] =	vst.idx.add.s32.msk $0xffff, v3  }
0x95: {  	[tilespmem:v7+s10+$0x0] =	vst.idx.add.f32.msk $0xffff, v12;
	v7 =	vor.u32 v1, v63  }
0x96: {  	p1 =	sgt.u32 s17, $0x1;
	[tilespmem:v60+s9+$0x0] =	vst.idx.add.s32.msk $0xffff, v3  }
.Ltmp6:
0x97: {  	[tilespmem:v60+s10+$0x0] =	vst.idx.add.f32.msk $0xffff, v13;
	(pc) =	sbr.rel @p1 .LBB2_14-.Ltmp6, $4  }
0x98: {  	[tilespmem:v6+s9+$0x0] =	vst.idx.add.s32.msk $0xffff, v3  }
0x99: {  	[tilespmem:v6+s10+$0x0] =	vst.idx.add.f32.msk $0xffff, v5  }
0x9a: {  	[tilespmem:v7+s9+$0x0] =	vst.idx.add.s32.msk $0xffff, v3  }
0x9b: {  	[tilespmem:v7+s10+$0x0] =	vst.idx.add.f32.msk $0xffff, v15  }
0x9c: {  	s20 =	sshll.u32 s17, $0xB  }
0x9d: {  	s20 =	sadd.s32 s20, s5  }
0x9e: {  	s21 =	simm.s32 $0x10;
	s22 =	sadd.s32 $0x100, s18;
	s23 =	sadd.s32 $0x0, s20  }
.LBB2_12:
0x9f: {  	[tilespmem:s18], [sflag:s19] =	stream.linear.gather [hbm4b:s23+s2], $0x80, $0x38;
	[tilespmem:$0x19000] =	vst v63  }
0xa0: {  	s23 =	smov.u32 s21;
	s18 =	smov.u32 s22;
	p1 =	sne.s32 s21, $0x7F0  }
.Ltmp7:
0xa1: {  	s21 =	sadd.s32 $0x10, s21;
	(pc) =	sbr.rel @p1 .LBB2_12-.Ltmp7, $2  }
0xa2: {  	_ =	sdelay $0x2  }
0xa3: {  	s22 =	sadd.s32 $0x100, s22;
	s23 =	sadd.s32 s23, s20  }
.Ltmp8:
0xa4: {  	(pc) =	sbr.rel .LBB2_14-.Ltmp8, $2  }
0xa5: {  	_ =	sdelay $0x2  }
0xa6: {  	[tilespmem:s18], [sflag:s19] =	stream.linear.gather [hbm4b:s23+s2], $0x80, $0x38;
	[tilespmem:$0x19000] =	vst v63  }
.LBB2_15:
0xa7: {  	s17 =	simm.s32 $0x0  }
0xa8: {  	v5 =	vmov s17  }
0xa9: {  	v5 =	vshll.u32 v5, $0x4  }
0xaa: {  	v5 =	vor.u32 v4, v5;
	_ =	sdelay $0x1  }
0xab: {  	v6 =	vor.u32 $0xF, v5;
	v7 =	vor.u32 $0xE, v5;
	v8 =	vor.u32 $0x1, v5  }
0xac: {  	v9 =	vor.u32 $0xD, v5;
	v10 =	vor.u32 $0x2, v5;
	v12 =	vor.u32 $0xC, v5  }
0xad: {  	v15 =	vor.u32 $0x3, v5;
	v17 =	vor.u32 $0xB, v5;
	v18 =	vor.u32 $0x4, v5  }
0xae: {  	v21 =	vor.u32 $0xA, v5;
	v22 =	vor.u32 $0x5, v5;
	v25 =	vor.u32 $0x9, v5;
	v16 =	vld.idx.msk [tilespmem:v5+s10+$0x0], $0xffff  }
0xaf: {  	v26 =	vor.u32 $0x6, v5;
	v28 =	vor.u32 $0x8, v5;
	v29 =	vor.u32 $0x7, v5;
	v5 =	vld.idx.msk [tilespmem:v5+s9+$0x0], $0xffff  }
0xb0: {  	v11 =	vld.idx.msk [tilespmem:v6+s10+$0x0], $0xffff  }
0xb1: {  	v14 =	vld.idx.msk [tilespmem:v8+s10+$0x0], $0xffff  }
0xb2: {  	v13 =	vld.idx.msk [tilespmem:v7+s10+$0x0], $0xffff  }
0xb3: {  	v20 =	vld.idx.msk [tilespmem:v10+s10+$0x0], $0xffff  }
0xb4: {  	v19 =	vld.idx.msk [tilespmem:v9+s10+$0x0], $0xffff  }
0xb5: {  	v24 =	vld.idx.msk [tilespmem:v15+s10+$0x0], $0xffff  }
0xb6: {  	v23 =	vld.idx.msk [tilespmem:v12+s10+$0x0], $0xffff;
	v14 =	vadd.f32 v14, v16  }
0xb7: {  	v53 =	vld.idx.msk [tilespmem:v18+s10+$0x0], $0xffff  }
0xb8: {  	v27 =	vld.idx.msk [tilespmem:v17+s10+$0x0], $0xffff;
	v14 =	vadd.f32 v20, v14  }
0xb9: {  	v54 =	vld.idx.msk [tilespmem:v22+s10+$0x0], $0xffff  }
0xba: {  	v30 =	vld.idx.msk [tilespmem:v21+s10+$0x0], $0xffff;
	v14 =	vadd.f32 v24, v14  }
0xbb: {  	v55 =	vld.idx.msk [tilespmem:v26+s10+$0x0], $0xffff  }
0xbc: {  	v31 =	vld.idx.msk [tilespmem:v25+s10+$0x0], $0xffff;
	v14 =	vadd.f32 v53, v14  }
0xbd: {  	v56 =	vld.idx.msk [tilespmem:v29+s10+$0x0], $0xffff  }
0xbe: {  	v32 =	vld.idx.msk [tilespmem:v28+s10+$0x0], $0xffff;
	v14 =	vadd.f32 v54, v14  }
0xbf: {  	v8 =	vld.idx.msk [tilespmem:v8+s9+$0x0], $0xffff  }
0xc0: {  	v10 =	vld.idx.msk [tilespmem:v10+s9+$0x0], $0xffff;
	v14 =	vadd.f32 v55, v14  }
0xc1: {  	v15 =	vld.idx.msk [tilespmem:v15+s9+$0x0], $0xffff  }
0xc2: {  	v18 =	vld.idx.msk [tilespmem:v18+s9+$0x0], $0xffff;
	v14 =	vadd.f32 v56, v14  }
0xc3: {  	v57 =	vld.idx.msk [tilespmem:v22+s9+$0x0], $0xffff  }
0xc4: {  	v58 =	vld.idx.msk [tilespmem:v26+s9+$0x0], $0xffff;
	v5 =	vadd.s32 v5, v8;
	v8 =	vadd.f32 v32, v14  }
0xc5: {  	v59 =	vld.idx.msk [tilespmem:v29+s9+$0x0], $0xffff;
	v5 =	vadd.s32 v10, v5  }
0xc6: {  	v10 =	vld.idx.msk [tilespmem:v28+s9+$0x0], $0xffff;
	v5 =	vadd.s32 v15, v5;
	v8 =	vadd.f32 v31, v8  }
0xc7: {  	v60 =	vld.idx.msk [tilespmem:v25+s9+$0x0], $0xffff;
	v5 =	vadd.s32 v18, v5  }
0xc8: {  	v61 =	vld.idx.msk [tilespmem:v21+s9+$0x0], $0xffff;
	v5 =	vadd.s32 v57, v5;
	v8 =	vadd.f32 v30, v8  }
0xc9: {  	v62 =	vld.idx.msk [tilespmem:v17+s9+$0x0], $0xffff;
	v5 =	vadd.s32 v58, v5  }
0xca: {  	v12 =	vld.idx.msk [tilespmem:v12+s9+$0x0], $0xffff;
	v5 =	vadd.s32 v59, v5;
	v8 =	vadd.f32 v27, v8  }
0xcb: {  	v9 =	vld.idx.msk [tilespmem:v9+s9+$0x0], $0xffff;
	v5 =	vadd.s32 v10, v5  }
0xcc: {  	s31 =	simm.s32 $0x10;
	v7 =	vld.idx.msk [tilespmem:v7+s9+$0x0], $0xffff;
	v5 =	vadd.s32 v60, v5;
	v8 =	vadd.f32 v23, v8  }
0xcd: {  	v6 =	vld.idx.msk [tilespmem:v6+s9+$0x0], $0xffff;
	v10 =	vmov s31;
	v5 =	vadd.s32 v61, v5  }
0xce: {  	v10 =	vshll.u32 v10, $0x4;
	v5 =	vadd.s32 v62, v5;
	v8 =	vadd.f32 v19, v8  }
0xcf: {  	v10 =	vor.u32 v4, v10;
	v5 =	vadd.s32 v12, v5  }
0xd0: {  	v5 =	vadd.s32 v9, v5;
	v9 =	vor.u32 $0xE, v10;
	v8 =	vadd.f32 v13, v8  }
0xd1: {  	v5 =	vadd.s32 v7, v5;
	v7 =	vor.u32 $0x1, v10  }
0xd2: {  	s17 =	simm.s32 $0x18000;
	v5 =	vadd.s32 v6, v5;
	v6 =	vadd.f32 v11, v8  }
0xd3: {  	s18 =	simm.s32 $0x18800;
	[tilespmem:s17+$0x0] =	vst v5;
	v5 =	vor.u32 $0xD, v10  }
0xd4: {  	[tilespmem:s18+$0x0] =	vst v6;
	v6 =	vor.u32 $0x2, v10  }
0xd5: {  	v63 =	vor.u32 $0x3, v10;
	v12 =	vld.idx.msk [tilespmem:v9+s10+$0x0], $0xffff  }
0xd6: {  	v33 =	vor.u32 $0xB, v10;
	v11 =	vld.idx.msk [tilespmem:v7+s10+$0x0], $0xffff  }
0xd7: {  	v34 =	vor.u32 $0x4, v10;
	v32 =	vld.idx.msk [tilespmem:v10+s10+$0x0], $0xffff  }
0xd8: {  	v37 =	vor.u32 $0xA, v10;
	v35 =	vld.idx.msk [tilespmem:v5+s10+$0x0], $0xffff  }
0xd9: {  	v38 =	vor.u32 $0x5, v10;
	v36 =	vld.idx.msk [tilespmem:v6+s10+$0x0], $0xffff  }
0xda: {  	v41 =	vor.u32 $0x9, v10;
	v40 =	vld.idx.msk [tilespmem:v63+s10+$0x0], $0xffff  }
0xdb: {  	v42 =	vor.u32 $0x6, v10;
	v43 =	vld.idx.msk [tilespmem:v33+s10+$0x0], $0xffff  }
0xdc: {  	v45 =	vor.u32 $0x8, v10;
	v44 =	vld.idx.msk [tilespmem:v34+s10+$0x0], $0xffff;
	v11 =	vadd.f32 v11, v32  }
0xdd: {  	v46 =	vor.u32 $0x7, v10;
	v47 =	vld.idx.msk [tilespmem:v37+s10+$0x0], $0xffff  }
0xde: {  	v48 =	vld.idx.msk [tilespmem:v38+s10+$0x0], $0xffff;
	v11 =	vadd.f32 v36, v11  }
0xdf: {  	v49 =	vld.idx.msk [tilespmem:v41+s10+$0x0], $0xffff  }
0xe0: {  	v50 =	vld.idx.msk [tilespmem:v42+s10+$0x0], $0xffff;
	v11 =	vadd.f32 v40, v11  }
0xe1: {  	v51 =	vld.idx.msk [tilespmem:v45+s10+$0x0], $0xffff  }
0xe2: {  	v52 =	vld.idx.msk [tilespmem:v46+s10+$0x0], $0xffff;
	v11 =	vadd.f32 v44, v11  }
0xe3: {  	v7 =	vld.idx.msk [tilespmem:v7+s9+$0x0], $0xffff  }
0xe4: {  	v53 =	vld.idx.msk [tilespmem:v10+s9+$0x0], $0xffff;
	v11 =	vadd.f32 v48, v11  }
0xe5: {  	v13 =	vld.idx.msk [tilespmem:v63+s9+$0x0], $0xffff  }
0xe6: {  	v16 =	vld.idx.msk [tilespmem:v34+s9+$0x0], $0xffff;
	v11 =	vadd.f32 v50, v11  }
0xe7: {  	v8 =	vor.u32 $0xC, v10;
	v6 =	vld.idx.msk [tilespmem:v6+s9+$0x0], $0xffff  }
0xe8: {  	v54 =	vld.idx.msk [tilespmem:v38+s9+$0x0], $0xffff;
	v11 =	vadd.f32 v52, v11  }
0xe9: {  	v55 =	vld.idx.msk [tilespmem:v42+s9+$0x0], $0xffff  }
0xea: {  	v56 =	vld.idx.msk [tilespmem:v46+s9+$0x0], $0xffff;
	v11 =	vadd.f32 v51, v11  }
0xeb: {  	v57 =	vld.idx.msk [tilespmem:v41+s9+$0x0], $0xffff;
	v7 =	vadd.s32 v53, v7  }
0xec: {  	v39 =	vld.idx.msk [tilespmem:v8+s10+$0x0], $0xffff;
	v6 =	vadd.s32 v6, v7;
	v11 =	vadd.f32 v49, v11  }
0xed: {  	v10 =	vor.u32 $0xF, v10;
	v7 =	vld.idx.msk [tilespmem:v45+s9+$0x0], $0xffff;
	v6 =	vadd.s32 v13, v6  }
0xee: {  	v58 =	vld.idx.msk [tilespmem:v37+s9+$0x0], $0xffff;
	v6 =	vadd.s32 v16, v6;
	v11 =	vadd.f32 v47, v11  }
0xef: {  	v59 =	vld.idx.msk [tilespmem:v33+s9+$0x0], $0xffff;
	v6 =	vadd.s32 v54, v6  }
0xf0: {  	v60 =	vld.idx.msk [tilespmem:v8+s9+$0x0], $0xffff;
	v6 =	vadd.s32 v55, v6;
	v8 =	vadd.f32 v43, v11  }
0xf1: {  	s19 =	simm.s32 $0x20;
	v6 =	vadd.s32 v56, v6;
	v11 =	vld.idx.msk [tilespmem:v5+s9+$0x0], $0xffff  }
0xf2: {  	v5 =	vadd.s32 v7, v6;
	v6 =	vld.idx.msk [tilespmem:v10+s10+$0x0], $0xffff;
	v7 =	vadd.f32 v39, v8;
	v8 =	vmov s19  }
0xf3: {  	v5 =	vadd.s32 v57, v5;
	v61 =	vshll.u32 v8, $0x4;
	v8 =	vld.idx.msk [tilespmem:v9+s9+$0x0], $0xffff  }
0xf4: {  	v5 =	vadd.s32 v58, v5;
	v9 =	vld.idx.msk [tilespmem:v10+s9+$0x0], $0xffff  }
0xf5: {  	v5 =	vadd.s32 v59, v5;
	v62 =	vadd.f32 v35, v7  }
0xf6: {  	v7 =	vor.u32 v4, v61;
	v63 =	vadd.s32 v60, v5  }
0xf7: {  	s19 =	simm.s32 $0x30;
	v5 =	vor.u32 $0xF, v7;
	v11 =	vadd.s32 v11, v63;
	v10 =	vadd.f32 v12, v62  }
.LBB2_16:
0xf8: {  	p0 =	sne.s32 s19, $0x7F0;
	v12 =	vor.u32 $0xE, v7;
	v8 =	vadd.s32 v8, v11  }
0xf9: {  	v11 =	vor.u32 $0x1, v7;
	s17 =	sadd.s32 $0x10, s17;
	v8 =	vadd.s32 v9, v8;
	v6 =	vadd.f32 v6, v10  }
0xfa: {  	s18 =	sadd.s32 $0x10, s18;
	[tilespmem:s17+$0x0] =	vst v8  }
0xfb: {  	v8 =	vor.u32 $0xD, v7;
	[tilespmem:s18+$0x0] =	vst v6  }
0xfc: {  	v9 =	vor.u32 $0x2, v7;
	v6 =	vld.idx.msk [tilespmem:v5+s10+$0x0], $0xffff  }
0xfd: {  	v10 =	vor.u32 $0xC, v7;
	v13 =	vld.idx.msk [tilespmem:v12+s10+$0x0], $0xffff  }
0xfe: {  	v15 =	vor.u32 $0x3, v7;
	v14 =	vld.idx.msk [tilespmem:v11+s10+$0x0], $0xffff  }
0xff: {  	v17 =	vor.u32 $0xB, v7;
	v16 =	vld.idx.msk [tilespmem:v7+s10+$0x0], $0xffff  }
0x100: {  	v18 =	vor.u32 $0x4, v7;
	v19 =	vld.idx.msk [tilespmem:v8+s10+$0x0], $0xffff  }
0x101: {  	v21 =	vor.u32 $0xA, v7;
	v20 =	vld.idx.msk [tilespmem:v9+s10+$0x0], $0xffff  }
0x102: {  	v22 =	vor.u32 $0x5, v7;
	v23 =	vld.idx.msk [tilespmem:v10+s10+$0x0], $0xffff  }
0x103: {  	v25 =	vor.u32 $0x9, v7;
	v24 =	vld.idx.msk [tilespmem:v15+s10+$0x0], $0xffff  }
0x104: {  	v26 =	vor.u32 $0x6, v7;
	v27 =	vld.idx.msk [tilespmem:v17+s10+$0x0], $0xffff  }
0x105: {  	v28 =	vor.u32 $0x8, v7;
	v14 =	vadd.f32 v14, v16;
	v16 =	vld.idx.msk [tilespmem:v18+s10+$0x0], $0xffff  }
0x106: {  	v29 =	vor.u32 $0x7, v7;
	v30 =	vld.idx.msk [tilespmem:v21+s10+$0x0], $0xffff  }
0x107: {  	v14 =	vadd.f32 v20, v14;
	v20 =	vld.idx.msk [tilespmem:v22+s10+$0x0], $0xffff  }
0x108: {  	v31 =	vld.idx.msk [tilespmem:v25+s10+$0x0], $0xffff  }
0x109: {  	v14 =	vadd.f32 v24, v14;
	v24 =	vld.idx.msk [tilespmem:v26+s10+$0x0], $0xffff  }
0x10a: {  	v32 =	vld.idx.msk [tilespmem:v28+s10+$0x0], $0xffff  }
0x10b: {  	v14 =	vadd.f32 v16, v14;
	v16 =	vld.idx.msk [tilespmem:v29+s10+$0x0], $0xffff  }
0x10c: {  	v11 =	vld.idx.msk [tilespmem:v11+s9+$0x0], $0xffff  }
0x10d: {  	v14 =	vadd.f32 v20, v14;
	v7 =	vld.idx.msk [tilespmem:v7+s9+$0x0], $0xffff  }
0x10e: {  	v9 =	vld.idx.msk [tilespmem:v9+s9+$0x0], $0xffff  }
0x10f: {  	v14 =	vadd.f32 v24, v14;
	v15 =	vld.idx.msk [tilespmem:v15+s9+$0x0], $0xffff  }
0x110: {  	v18 =	vld.idx.msk [tilespmem:v18+s9+$0x0], $0xffff  }
0x111: {  	v14 =	vadd.f32 v16, v14;
	v20 =	vld.idx.msk [tilespmem:v22+s9+$0x0], $0xffff  }
0x112: {  	v16 =	vld.idx.msk [tilespmem:v26+s9+$0x0], $0xffff  }
0x113: {  	v7 =	vadd.s32 v7, v11;
	v14 =	vadd.f32 v32, v14;
	v11 =	vld.idx.msk [tilespmem:v29+s9+$0x0], $0xffff  }
0x114: {  	v7 =	vadd.s32 v9, v7;
	v9 =	vld.idx.msk [tilespmem:v28+s9+$0x0], $0xffff  }
0x115: {  	v7 =	vadd.s32 v15, v7;
	v14 =	vadd.f32 v31, v14;
	v15 =	vld.idx.msk [tilespmem:v25+s9+$0x0], $0xffff  }
0x116: {  	v7 =	vadd.s32 v18, v7;
	v18 =	vld.idx.msk [tilespmem:v21+s9+$0x0], $0xffff  }
0x117: {  	v7 =	vadd.s32 v20, v7;
	v14 =	vadd.f32 v30, v14;
	v17 =	vld.idx.msk [tilespmem:v17+s9+$0x0], $0xffff  }
0x118: {  	v7 =	vadd.s32 v16, v7;
	v10 =	vld.idx.msk [tilespmem:v10+s9+$0x0], $0xffff  }
0x119: {  	v7 =	vadd.s32 v11, v7;
	v11 =	vadd.f32 v27, v14;
	v14 =	vld.idx.msk [tilespmem:v8+s9+$0x0], $0xffff  }
0x11a: {  	v7 =	vadd.s32 v9, v7;
	v8 =	vld.idx.msk [tilespmem:v12+s9+$0x0], $0xffff  }
.Ltmp9:
0x11b: {  	v7 =	vadd.s32 v15, v7;
	v11 =	vadd.f32 v23, v11;
	v9 =	vld.idx.msk [tilespmem:v5+s9+$0x0], $0xffff;
	(pc) =	sbr.rel @p0 .LBB2_16-.Ltmp9, $4  }
0x11c: {  	v5 =	vmov s19;
	v7 =	vadd.s32 v18, v7  }
0x11d: {  	v5 =	vshll.u32 v5, $0x4;
	v12 =	vadd.s32 v17, v7;
	v15 =	vadd.f32 v19, v11  }
0x11e: {  	v7 =	vor.u32 v4, v5;
	v10 =	vadd.s32 v10, v12  }
0x11f: {  	s19 =	sadd.s32 $0x10, s19;
	v5 =	vor.u32 $0xF, v7;
	v11 =	vadd.s32 v14, v10;
	v10 =	vadd.f32 v13, v15  }
0x120: {  	v8 =	vadd.s32 v8, v11  }
0x121: {  	s17 =	sadd.s32 $0x10, s17;
	v8 =	vadd.s32 v9, v8;
	v6 =	vadd.f32 v6, v10  }
0x122: {  	v12 =	vor.u32 $0xE, v7;
	v48 =	vor.u32 $0x1, v7;
	s18 =	sadd.s32 $0x10, s18;
	[tilespmem:s17+$0x0] =	vst v8  }
0x123: {  	v49 =	vor.u32 $0xD, v7;
	v51 =	vor.u32 $0xC, v7;
	v15 =	vor.u32 $0x3, v7;
	[tilespmem:s18+$0x0] =	vst v6  }
0x124: {  	v17 =	vor.u32 $0xB, v7;
	v18 =	vor.u32 $0x4, v7;
	v6 =	vor.u32 $0x2, v7;
	v50 =	vld.idx.msk [tilespmem:v5+s10+$0x0], $0xffff  }
0x125: {  	v21 =	vor.u32 $0xA, v7;
	v22 =	vor.u32 $0x5, v7;
	v25 =	vor.u32 $0x9, v7;
	v16 =	vld.idx.msk [tilespmem:v7+s10+$0x0], $0xffff  }
0x126: {  	v26 =	vor.u32 $0x6, v7;
	v28 =	vor.u32 $0x8, v7;
	v29 =	vor.u32 $0x7, v7;
	v7 =	vld.idx.msk [tilespmem:v7+s9+$0x0], $0xffff  }
0x127: {  	v14 =	vld.idx.msk [tilespmem:v48+s10+$0x0], $0xffff  }
0x128: {  	v13 =	vld.idx.msk [tilespmem:v12+s10+$0x0], $0xffff  }
0x129: {  	v20 =	vld.idx.msk [tilespmem:v6+s10+$0x0], $0xffff  }
0x12a: {  	v19 =	vld.idx.msk [tilespmem:v49+s10+$0x0], $0xffff  }
0x12b: {  	v24 =	vld.idx.msk [tilespmem:v15+s10+$0x0], $0xffff  }
0x12c: {  	v23 =	vld.idx.msk [tilespmem:v51+s10+$0x0], $0xffff;
	v14 =	vadd.f32 v14, v16  }
0x12d: {  	v52 =	vld.idx.msk [tilespmem:v18+s10+$0x0], $0xffff  }
0x12e: {  	v27 =	vld.idx.msk [tilespmem:v17+s10+$0x0], $0xffff;
	v14 =	vadd.f32 v20, v14  }
0x12f: {  	v53 =	vld.idx.msk [tilespmem:v22+s10+$0x0], $0xffff  }
0x130: {  	v30 =	vld.idx.msk [tilespmem:v21+s10+$0x0], $0xffff;
	v14 =	vadd.f32 v24, v14  }
0x131: {  	v54 =	vld.idx.msk [tilespmem:v26+s10+$0x0], $0xffff  }
0x132: {  	v31 =	vld.idx.msk [tilespmem:v25+s10+$0x0], $0xffff;
	v14 =	vadd.f32 v52, v14  }
0x133: {  	v55 =	vld.idx.msk [tilespmem:v29+s10+$0x0], $0xffff  }
0x134: {  	v32 =	vld.idx.msk [tilespmem:v28+s10+$0x0], $0xffff;
	v14 =	vadd.f32 v53, v14  }
0x135: {  	v11 =	vld.idx.msk [tilespmem:v48+s9+$0x0], $0xffff  }
0x136: {  	v6 =	vld.idx.msk [tilespmem:v6+s9+$0x0], $0xffff;
	v14 =	vadd.f32 v54, v14  }
0x137: {  	v15 =	vld.idx.msk [tilespmem:v15+s9+$0x0], $0xffff  }
0x138: {  	v18 =	vld.idx.msk [tilespmem:v18+s9+$0x0], $0xffff;
	v14 =	vadd.f32 v55, v14  }
0x139: {  	v56 =	vld.idx.msk [tilespmem:v22+s9+$0x0], $0xffff  }
0x13a: {  	v57 =	vld.idx.msk [tilespmem:v26+s9+$0x0], $0xffff;
	v7 =	vadd.s32 v7, v11;
	v58 =	vadd.f32 v32, v14  }
0x13b: {  	v59 =	vld.idx.msk [tilespmem:v29+s9+$0x0], $0xffff;
	v6 =	vadd.s32 v6, v7  }
0x13c: {  	v7 =	vld.idx.msk [tilespmem:v28+s9+$0x0], $0xffff;
	v6 =	vadd.s32 v15, v6;
	v11 =	vadd.f32 v31, v58  }
0x13d: {  	v60 =	vld.idx.msk [tilespmem:v25+s9+$0x0], $0xffff;
	v6 =	vadd.s32 v18, v6  }
0x13e: {  	v61 =	vld.idx.msk [tilespmem:v21+s9+$0x0], $0xffff;
	v6 =	vadd.s32 v56, v6;
	v11 =	vadd.f32 v30, v11  }
0x13f: {  	v62 =	vld.idx.msk [tilespmem:v17+s9+$0x0], $0xffff;
	v6 =	vadd.s32 v57, v6  }
0x140: {  	v10 =	vld.idx.msk [tilespmem:v51+s9+$0x0], $0xffff;
	v6 =	vadd.s32 v59, v6;
	v11 =	vadd.f32 v27, v11  }
0x141: {  	v8 =	vld.idx.msk [tilespmem:v49+s9+$0x0], $0xffff;
	v6 =	vadd.s32 v7, v6  }
0x142: {  	v7 =	vld.idx.msk [tilespmem:v12+s9+$0x0], $0xffff;
	v6 =	vadd.s32 v60, v6;
	v11 =	vadd.f32 v23, v11  }
0x143: {  	v5 =	vld.idx.msk [tilespmem:v5+s9+$0x0], $0xffff;
	v6 =	vadd.s32 v61, v6  }
0x144: {  	v6 =	vadd.s32 v62, v6;
	v11 =	vadd.f32 v19, v11  }
0x145: {  	v6 =	vadd.s32 v10, v6  }
0x146: {  	v6 =	vadd.s32 v8, v6;
	v63 =	vadd.f32 v13, v11  }
0x147: {  	v6 =	vadd.s32 v7, v6  }
0x148: {  	s17 =	sadd.s32 $0x10, s17;
	v5 =	vadd.s32 v5, v6;
	v6 =	vadd.f32 v50, v63  }
0x149: {  	s31 =	sadd.s32 $0x10, s18;
	[tilespmem:s17+$0x0] =	vst v5  }
0x14a: {  	[tilespmem:s31+$0x0] =	vst v6  }
0x14b: {  	[hbm4b:s6+s11] =	stream.strided.scatter [tilespmem:s13], [sflag:$0x3], $0x800, s12, s11, $0x38;
	[tilespmem:$0x19000] =	vst v63  }
0x14c: {  	s16 =	sadd.s32 $0x1, s16;
	_ =	swait.ge [sflag:s14], $0x800  }
0x14d: {  	p0 =	sne.s32 s16, s8;
	[sflag:s14] =	ssyncset.done $0x0  }
.Ltmp10:
0x14e: {  	[sflag:s14] =	ssyncadd.s32 $0xFFFFF800;
	(pc) =	sbr.rel @p0 .LBB2_1-.Ltmp10, $4  }
0x14f: {  	[hbm4b:s7+s11] =	stream.strided.scatter [tilespmem:s15], [sflag:$0x3], $0x800, s12, s11, $0x38;
	[tilespmem:$0x19000] =	vst v63  }
0x150: {  	_ =	swait.ge [sflag:s14], $0x800  }
0x151: {  	[sflag:s14] =	ssyncset.done $0x0  }
0x152: {  	[sflag:s14] =	ssyncadd.s32 $0xFFFFF800  }
0x153: {  	_ =	sfence.sel $0x180000  }
0x154: {  	[bflag:$0x0] =	sbarrier.arrive $0xFFFF  }
0x155: {  	p0 =	sne.s32 s0, $0x0;
	_ =	strace $0x90000047  }
0x156: {  	s0 =	sadd.s32 @!p0 $0x100000, s1;
	[bflag:$0x2] =	sbarrier.arrive $0xFFFF  }
0x157: {  	[sflag:s0] =	ssyncadd.tile.s32 @!p0 $0x1;
	_ =	shalt  }
.Lfunc_end2:
_tile_overlayer_lowered:
.L_overlay_start_2:
0x158: {  	(tag) =	ssettag $0x2  }
0x159: {  	s0 =	rddreg [dreg:$0x0];
	s2 =	stileid.u32  }
0x15a: {  	s1 =	rddreg [dreg:$0x1];
	p0 =	sne.s32 s2, $0x0  }
0x15b: {  	s3 =	rddreg [dreg:$0x2];
	[bflag:$0x3] =	sbarrier.arrive $0xFFFF;
	s2 =	simm.s32 @!p0 $0x1C03  }
0x15c: {  	[timem:s3], [sflag:s2] =	dma.local @!p0 [hbm:s0], s1  }
0x15d: {  	s0 =	simm.s32 @!p0 $0x3  }
0x15e: {  	_ =	swait.ge @!p0 [sflag:s0], s1  }
0x15f: {  	s1 =	ssub.s32 @!p0 $0x0, s1;
	[sflag:s0] =	ssyncset.done @!p0 $0x0  }
0x160: {  	[sflag:s0] =	ssyncadd.s32 @!p0 s1  }
0x161: {  	[bflag:$0x3] =	sbarrier.arrive $0xFFFF  }
0x162: {  	_ =	shalt  }

</sc_bundles>
